<compile_context>
chip_gen: v7x
topology: tpu7x:2x2x1
jax: 0.10.2.dev20260603
libtpu: 0.0.44.dev20260713+nightly
codegen_flags: <defaults>
</compile_context>

<pallas_src>
import jax
import jax.numpy as jnp
from jax.experimental import pallas as pl
from jax.experimental.pallas import tpu as pltpu
from jax.experimental.pallas import tpu_sc as plsc

_K = 8192
_D = 256
_MB = 256
_COMMIT = 0.25


def _tc_argmin_body(x_ref, w_hbm_ref, w2_ref, idx_ref, wv_ref, sem):
    i = pl.program_id(0)

    @pl.when(i == 0)
    def _():
        for a in range(128):
            pltpu.make_async_copy(
                w_hbm_ref.at[127 - a], wv_ref.at[:, a, :], sem).start()
        for a in range(128):
            pltpu.make_async_copy(
                w_hbm_ref.at[127 - a], wv_ref.at[:, a, :], sem).wait()

    x = x_ref[...]
    x2 = jnp.sum(x * x, axis=1, keepdims=True)
    m2 = jax.lax.dot_general(
        x + x, wv_ref[...].reshape(_K, _D), (((1,), (1,)), ((), ())),
        preferred_element_type=jnp.float32)
    d = (x2 + w2_ref[...]) - m2
    r = jnp.argmin(d, axis=1).astype(jnp.int32)[:, None]
    idx_ref[...] = (127 - (r & 127)) * 64 + (r >> 7)


def _loss_body(x_ref, q_ref, o_ref):
    diff = x_ref[...] - q_ref[...]
    o_ref[...] = jnp.sum(diff * diff)[None, None]


def _sc_gather(w, idx):
    n = idx.shape[0]
    idx2 = idx.reshape(1, n)
    window = 128
    mesh = plsc.VectorSubcoreMesh(core_axis_name="core",
                                  subcore_axis_name="subcore")

    @pl.kernel(out_type=jax.ShapeDtypeStruct((n, _D), w.dtype), mesh=mesh)
    def gather_kernel(w_hbm, i_hbm, o_hbm):
        def body(i_vmem, o_vmem):
            pltpu.sync_copy(w_hbm.at[i_vmem.at[0]], o_vmem)

        pltpu.emit_pipeline(
            body,
            grid=(n // window,),
            in_specs=[pl.BlockSpec((1, window), index_map=lambda i: (0, i))],
            out_specs=[pl.BlockSpec((window, _D), index_map=lambda i: (i, 0))],
            core_axis_name=("core", "subcore"),
            dimension_semantics=(pltpu.PARALLEL,),
        )(i_hbm, o_hbm)

    return gather_kernel(w, idx2)


def kernel(inputs, W):
    shape = inputs.shape
    x = inputs.reshape(-1, _D)
    n = x.shape[0]
    w4 = W.reshape(128, 64, _D)
    w2_rev = jnp.sum(W * W, axis=1).reshape(128, 64)[::-1].T.reshape(1, _K)
    idx2 = pl.pallas_call(
        _tc_argmin_body,
        grid=(n // _MB,),
        in_specs=[
            pl.BlockSpec((_MB, _D), lambda i: (i, 0)),
            pl.BlockSpec(memory_space=pl.ANY),
            pl.BlockSpec((1, _K), lambda i: (0, 0)),
        ],
        out_specs=pl.BlockSpec((_MB, 1), lambda i: (i, 0)),
        out_shape=jax.ShapeDtypeStruct((n, 1), jnp.int32),
        scratch_shapes=[pltpu.VMEM((64, 128, _D), jnp.float32),
                        pltpu.SemaphoreType.DMA],
        compiler_params=pltpu.CompilerParams(
            dimension_semantics=("arbitrary",)),
    )(x, w4, w2_rev)
    idx = idx2.reshape(n)
    q = _sc_gather(W, idx)
    sumsq = pl.pallas_call(
        _loss_body,
        out_shape=jax.ShapeDtypeStruct((1, 1), jnp.float32),
    )(x, q)
    loss = (1.0 + _COMMIT) * sumsq[0, 0] / inputs.size
    return q.reshape(shape), idx, loss

# --- scband reference (transcript-rebuilt; emitter-appended) ---
"""Pipeline reference for scband-quantizer-22935125360904 (READ-ONLY COPY).

The authoritative reference and input builder live on the scoring server;
editing this copy changes nothing except your own understanding.
"""

import jax, jax.numpy as jnp
import numpy as np

NUM_EMBEDDINGS = 8192
EMBEDDING_DIM = 256
COMMITMENT_COST = 0.25


def setup_inputs(seed: int = 0) -> dict:
    key = jax.random.key(seed)
    k1, k2 = jax.random.split(key)
    inputs = jax.random.normal(k1, (16, 576, EMBEDDING_DIM), dtype=jnp.float32)
    # nn.Embedding weight with uniform init in [-1/K, 1/K]
    W = jax.random.uniform(k2, (NUM_EMBEDDINGS, EMBEDDING_DIM), minval=-1.0 / NUM_EMBEDDINGS, maxval=1.0 / NUM_EMBEDDINGS, dtype=jnp.float32)
    return {"inputs": inputs, "W": W}


def reference(inputs, W):
    input_shape = inputs.shape
    flat_input = inputs.reshape(-1, EMBEDDING_DIM)
    distances = (
        jnp.sum(flat_input ** 2, axis=1, keepdims=True)
        + jnp.sum(W ** 2, axis=1)
        - 2.0 * jnp.matmul(flat_input, W.T)
    )
    encoding_indices = jnp.argmin(distances, axis=1)
    quantized = jnp.take(W, encoding_indices, axis=0).reshape(input_shape)
    e_latent_loss = jnp.mean((jax.lax.stop_gradient(quantized) - inputs) ** 2)
    q_latent_loss = jnp.mean((quantized - jax.lax.stop_gradient(inputs)) ** 2)
    loss = q_latent_loss + COMMITMENT_COST * e_latent_loss
    quantized_st = inputs + jax.lax.stop_gradient(quantized - inputs)
    return (quantized_st, encoding_indices, loss)

if __name__ == "__main__":
    import jax
    _d = setup_inputs()
    print(jax.jit(kernel)(*tuple(_d.values())))

</pallas_src>

<mosaic_0001>
#map = affine_map<(d0, d1) -> (0, 0)>
module attributes {stable_mosaic.version = 14 : i64} {
  func.func @gather_kernel(%arg0: i32, %arg1: i32, %arg2: memref<8192x256xf32, #tpu.memory_space<hbm>>, %arg3: memref<1x9216xi32, #tpu.memory_space<hbm>>, %arg4: memref<9216x256xf32, #tpu.memory_space<hbm>>) attributes {dimension_semantics = [#tpu.dimension_semantics<core_parallel>, #tpu.dimension_semantics<subcore_parallel>], iteration_bounds = array<i64: 2, 16>, scalar_prefetch = 0 : i64, scratch_operands = 0 : i64, tpu.core_type = #tpu.core_type<sc_vector_subcore>, window_params = [{transform_indices = #map}, {transform_indices = #map}, {transform_indices = #map}]} {
    %mul3A = arith.constant 1 : i32
    %mul3A_0 = arith.muli %arg1, %mul3A : i32
    %add3A = arith.constant 0 : i32
    %add3A_1 = arith.addi %add3A, %mul3A_0 : i32
    %mul3A_2 = arith.constant 16 : i32
    %mul3A_3 = arith.muli %arg0, %mul3A_2 : i32
    %add3A_4 = arith.addi %add3A_1, %mul3A_3 : i32
    %lt3A = arith.constant 8 : i32
    %lt3A_5 = arith.cmpi slt, %add3A_4, %lt3A : i32
    %jit3A = arith.constant 3 : i32
    %jit3A_6 = arith.constant 2 : i32
    %select_n3A = arith.select %lt3A_5, %jit3A, %jit3A_6 : i32
    %lt3A_7 = arith.constant 8 : i32
    %lt3A_8 = arith.cmpi slt, %add3A_4, %lt3A_7 : i32
    %mul3A_9 = arith.muli %add3A_4, %select_n3A : i32
    %mul3A_10 = arith.constant 2 : i32
    %mul3A_11 = arith.muli %add3A_4, %mul3A_10 : i32
    %add3A_12 = arith.constant 8 : i32
    %add3A_13 = arith.addi %mul3A_11, %add3A_12 : i32
    %select_n3A_14 = arith.select %lt3A_8, %mul3A_9, %add3A_13 : i32
    %mul3A_15 = arith.constant 1 : i32
    %mul3A_16 = arith.muli %mul3A_15, %select_n3A : i32
    "tpu.region"() ({
      %run_scoped3A = memref.alloca() : memref<2x1x128xi32, #tpu.memory_space<vmem>>
      %run_scoped3A_17 = tpu.sem_alloc : memref<2x!tpu.dma_semaphore, #tpu.memory_space<semaphore_mem>>
      %run_scoped3A_18 = memref.alloca() : memref<2x128x256xf32, #tpu.memory_space<vmem>>
      %run_scoped3A_19 = tpu.sem_alloc : memref<2x!tpu.dma_semaphore, #tpu.memory_space<semaphore_mem>>
      %gt3A = arith.constant 0 : i32
      %gt3A_20 = arith.cmpi sgt, %mul3A_16, %gt3A : i32
      %convert_element_type3A = arith.extui %gt3A_20 : i1 to i32
      %cond3A = arith.constant 0 : i32
      %cond3A_21 = arith.cmpi ne, %convert_element_type3A, %cond3A : i32
      scf.if %cond3A_21 {
        %mul3A_22 = arith.constant 1 : i32
        %mul3A_23 = arith.muli %mul3A_22, %select_n3A : i32
        %sub3A = arith.constant 1 : i32
        %sub3A_24 = arith.subi %mul3A_23, %sub3A : i32
        %eq3A = arith.constant 0 : i32
        %eq3A_25 = arith.cmpi eq, %sub3A_24, %eq3A : i32
        %add3A_26 = arith.constant 0 : i32
        %add3A_27 = arith.addi %add3A_26, %select_n3A_14 : i32
        %select_n3A_28 = arith.constant true
        %select_n3A_29 = arith.constant 0 : i32
        %select_n3A_30 = arith.constant -1 : i32
        %select_n3A_31 = arith.select %select_n3A_28, %select_n3A_30, %select_n3A_29 : i32
        %eq3A_32 = arith.constant -1 : i32
        %eq3A_33 = arith.cmpi eq, %select_n3A_31, %eq3A_32 : i32
        %sub3A_34 = arith.constant 1 : i32
        %sub3A_35 = arith.subi %select_n3A, %sub3A_34 : i32
        %select_n3A_36 = arith.select %eq3A_33, %sub3A_35, %select_n3A_31 : i32
        %add3A_37 = arith.addi %select_n3A_36, %select_n3A_14 : i32
        %select_n3A_38 = arith.constant true
        %select_n3A_39 = arith.constant 0 : i32
        %select_n3A_40 = arith.constant 1 : i32
        %select_n3A_41 = arith.select %select_n3A_38, %select_n3A_40, %select_n3A_39 : i32
        %eq3A_42 = arith.cmpi eq, %select_n3A_41, %select_n3A : i32
        %select_n3A_43 = arith.constant 0 : i32
        %select_n3A_44 = arith.select %eq3A_42, %select_n3A_43, %select_n3A_41 : i32
        %add3A_45 = arith.addi %select_n3A_44, %select_n3A_14 : i32
        %add3A_46 = arith.constant 1 : i32
        %add3A_47 = arith.addi %select_n3A_44, %add3A_46 : i32
        %select_n3A_48 = arith.constant true
        %select_n3A_49 = arith.select %select_n3A_48, %add3A_47, %select_n3A_44 : i32
        %eq3A_50 = arith.cmpi eq, %select_n3A_49, %select_n3A : i32
        %select_n3A_51 = arith.constant 0 : i32
        %select_n3A_52 = arith.select %eq3A_50, %select_n3A_51, %select_n3A_49 : i32
        %add3A_53 = arith.addi %select_n3A_52, %select_n3A_14 : i32
        "tpu.trace_start"() <{level = 10 : i32, message = "ep_initialize_0"}> : () -> ()
        %rem3A = arith.constant 0 : i32
        %rem3A_54 = arith.constant 2 : i32
        %rem3A_55 = arith.remui %rem3A, %rem3A_54 : i32
        %mul3A_56 = arith.constant 128 : i32
        %mul3A_57 = arith.muli %mul3A_56, %add3A_27 : i32
        %dma_start3A = arith.constant 0 : i32
        %dma_start3A_58 = arith.constant 0 : i32
        %dma_start3A_59 = tpu.memref_slice %run_scoped3A[%rem3A_55, %dma_start3A, %dma_start3A_58] : memref<2x1x128xi32, #tpu.memory_space<vmem>> -> memref<1x1x128xi32, #tpu.memory_space<vmem>>
        %dma_start3A_60 = tpu.memref_squeeze %dma_start3A_59 : memref<1x1x128xi32, #tpu.memory_space<vmem>> -> memref<1x128xi32, #tpu.memory_space<vmem>>
        %dma_start3A_61 = arith.constant 0 : i32
        %dma_start3A_62 = tpu.memref_slice %arg3[%dma_start3A_61, %mul3A_57] : memref<1x9216xi32, #tpu.memory_space<hbm>> -> memref<1x128xi32, #tpu.memory_space<hbm>>
        %dma_start3A_63 = tpu.memref_slice %run_scoped3A_17[%rem3A_55] : memref<2x!tpu.dma_semaphore, #tpu.memory_space<semaphore_mem>> -> memref<1x!tpu.dma_semaphore, #tpu.memory_space<semaphore_mem>>
        %dma_start3A_64 = tpu.memref_squeeze %dma_start3A_63 : memref<1x!tpu.dma_semaphore, #tpu.memory_space<semaphore_mem>> -> memref<!tpu.dma_semaphore, #tpu.memory_space<semaphore_mem>>
        %dma_start3A_65 = arith.constant 0 : i32
        %dma_start3A_66 = arith.constant 0 : i32
        %dma_start3A_67 = tpu.memref_slice %run_scoped3A[%rem3A_55, %dma_start3A_65, %dma_start3A_66] : memref<2x1x128xi32, #tpu.memory_space<vmem>> -> memref<1x1x128xi32, #tpu.memory_space<vmem>>
        %dma_start3A_68 = tpu.memref_squeeze %dma_start3A_67 : memref<1x1x128xi32, #tpu.memory_space<vmem>> -> memref<1x128xi32, #tpu.memory_space<vmem>>
        %dma_start3A_69 = arith.constant 0 : i32
        %dma_start3A_70 = tpu.memref_slice %arg3[%dma_start3A_69, %mul3A_57] : memref<1x9216xi32, #tpu.memory_space<hbm>> -> memref<1x128xi32, #tpu.memory_space<hbm>>
        tpu.enqueue_dma source(%dma_start3A_70 : memref<1x128xi32, #tpu.memory_space<hbm>>) target(%dma_start3A_68 : memref<1x128xi32, #tpu.memory_space<vmem>>) target_semaphore(%dma_start3A_64 : memref<!tpu.dma_semaphore, #tpu.memory_space<semaphore_mem>>)
        %add3A_71 = arith.constant 0 : i32
        %add3A_72 = arith.constant 1 : i32
        %add3A_73 = arith.addi %add3A_71, %add3A_72 : i32
        %select_n3A_74 = arith.constant true
        %select_n3A_75 = arith.constant 0 : i32
        %select_n3A_76 = arith.select %select_n3A_74, %add3A_73, %select_n3A_75 : i32
        %while3A = arith.constant 0 : i32
        %while3A_77 = arith.constant 0 : i32
        %while3A_78 = arith.constant 0 : i32
        %while3A_79 = arith.constant 0 : i32
        %while3A_80 = arith.constant 0 : i32
        "tpu.trace_stop"() : () -> ()
        %while3A_81 = arith.subi %mul3A_16, %while3A : i32
        %while3A_82 = arith.addi %while3A, %while3A_81 : i32
        %while3A_83 = arith.constant 1 : i32
        %while3A_84 = arith.divsi %while3A_81, %while3A_83 : i32
        %while3A_85 = arith.muli %while3A_84, %while3A_83 : i32
        %while3A_86 = arith.addi %while3A, %while3A_85 : i32
        %while3A_87 = arith.constant 1 : i32
        %while3A_88:5 = scf.for %while3A_142 = %while3A to %while3A_86 step %while3A_87 iter_args(%while3A_143 = %select_n3A_76, %while3A_144 = %while3A_77, %while3A_145 = %while3A_78, %while3A_146 = %while3A_79, %while3A_147 = %while3A_80) -> (i32, i32, i32, i32, i32)  : i32 {
          %mul3A_148 = arith.constant 1 : i32
          %mul3A_149 = arith.muli %mul3A_148, %select_n3A : i32
          %eq3A_150 = arith.constant 0 : i32
          %eq3A_151 = arith.cmpi eq, %while3A_142, %eq3A_150 : i32
          %sub3A_152 = arith.constant 1 : i32
          %sub3A_153 = arith.subi %mul3A_149, %sub3A_152 : i32
          %eq3A_154 = arith.cmpi eq, %while3A_142, %sub3A_153 : i32
          %add3A_155 = arith.addi %while3A_147, %select_n3A_14 : i32
          %sub3A_156 = arith.constant 1 : i32
          %sub3A_157 = arith.subi %while3A_147, %sub3A_156 : i32
          %select_n3A_158 = arith.constant true
          %select_n3A_159 = arith.select %select_n3A_158, %sub3A_157, %while3A_147 : i32
          %eq3A_160 = arith.constant -1 : i32
          %eq3A_161 = arith.cmpi eq, %select_n3A_159, %eq3A_160 : i32
          %sub3A_162 = arith.constant 1 : i32
          %sub3A_163 = arith.subi %select_n3A, %sub3A_162 : i32
          %select_n3A_164 = arith.select %eq3A_161, %sub3A_163, %select_n3A_159 : i32
          %add3A_165 = arith.addi %select_n3A_164, %select_n3A_14 : i32
          %add3A_166 = arith.constant 1 : i32
          %add3A_167 = arith.addi %while3A_147, %add3A_166 : i32
          %select_n3A_168 = arith.constant true
          %select_n3A_169 = arith.select %select_n3A_168, %add3A_167, %while3A_147 : i32
          %eq3A_170 = arith.cmpi eq, %select_n3A_169, %select_n3A : i32
          %select_n3A_171 = arith.constant 0 : i32
          %select_n3A_172 = arith.select %eq3A_170, %select_n3A_171, %select_n3A_169 : i32
          %add3A_173 = arith.addi %select_n3A_172, %select_n3A_14 : i32
          %add3A_174 = arith.constant 1 : i32
          %add3A_175 = arith.addi %select_n3A_172, %add3A_174 : i32
          %select_n3A_176 = arith.constant true
          %select_n3A_177 = arith.select %select_n3A_176, %add3A_175, %select_n3A_172 : i32
          %eq3A_178 = arith.cmpi eq, %select_n3A_177, %select_n3A : i32
          %select_n3A_179 = arith.constant 0 : i32
          %select_n3A_180 = arith.select %eq3A_178, %select_n3A_179, %select_n3A_177 : i32
          %add3A_181 = arith.addi %select_n3A_180, %select_n3A_14 : i32
          %ne3A = arith.cmpi ne, %add3A_155, %add3A_173 : i32
          %or3A = arith.constant false
          %or3A_182 = arith.ori %or3A, %ne3A : i1
          %sub3A_183 = arith.constant 2 : i32
          %sub3A_184 = arith.subi %mul3A_149, %sub3A_183 : i32
          %add3A_185 = arith.constant 1 : i32
          %add3A_186 = arith.addi %sub3A_184, %add3A_185 : i32
          %ge3A = arith.cmpi sge, %while3A_142, %add3A_186 : i32
          %not3A = arith.constant true
          %not3A_187 = arith.xori %ge3A, %not3A : i1
          %and3A = arith.andi %or3A_182, %not3A_187 : i1
          %convert_element_type3A_188 = arith.extui %and3A : i1 to i32
          %cond3A_189 = arith.constant 0 : i32
          %cond3A_190 = arith.cmpi ne, %convert_element_type3A_188, %cond3A_189 : i32
          scf.if %cond3A_190 {
            "tpu.trace_start"() <{level = 10 : i32, message = "ep_copy_in"}> : () -> ()
            %rem3A_294 = arith.constant 2 : i32
            %rem3A_295 = arith.remui %while3A_143, %rem3A_294 : i32
            %mul3A_296 = arith.constant 128 : i32
            %mul3A_297 = arith.muli %mul3A_296, %add3A_173 : i32
            %dma_start3A_298 = arith.constant 0 : i32
            %dma_start3A_299 = arith.constant 0 : i32
            %dma_start3A_300 = tpu.memref_slice %run_scoped3A[%rem3A_295, %dma_start3A_298, %dma_start3A_299] : memref<2x1x128xi32, #tpu.memory_space<vmem>> -> memref<1x1x128xi32, #tpu.memory_space<vmem>>
            %dma_start3A_301 = tpu.memref_squeeze %dma_start3A_300 : memref<1x1x128xi32, #tpu.memory_space<vmem>> -> memref<1x128xi32, #tpu.memory_space<vmem>>
            %dma_start3A_302 = arith.constant 0 : i32
            %dma_start3A_303 = tpu.memref_slice %arg3[%dma_start3A_302, %mul3A_297] : memref<1x9216xi32, #tpu.memory_space<hbm>> -> memref<1x128xi32, #tpu.memory_space<hbm>>
            %dma_start3A_304 = tpu.memref_slice %run_scoped3A_17[%rem3A_295] : memref<2x!tpu.dma_semaphore, #tpu.memory_space<semaphore_mem>> -> memref<1x!tpu.dma_semaphore, #tpu.memory_space<semaphore_mem>>
            %dma_start3A_305 = tpu.memref_squeeze %dma_start3A_304 : memref<1x!tpu.dma_semaphore, #tpu.memory_space<semaphore_mem>> -> memref<!tpu.dma_semaphore, #tpu.memory_space<semaphore_mem>>
            %dma_start3A_306 = arith.constant 0 : i32
            %dma_start3A_307 = arith.constant 0 : i32
            %dma_start3A_308 = tpu.memref_slice %run_scoped3A[%rem3A_295, %dma_start3A_306, %dma_start3A_307] : memref<2x1x128xi32, #tpu.memory_space<vmem>> -> memref<1x1x128xi32, #tpu.memory_space<vmem>>
            %dma_start3A_309 = tpu.memref_squeeze %dma_start3A_308 : memref<1x1x128xi32, #tpu.memory_space<vmem>> -> memref<1x128xi32, #tpu.memory_space<vmem>>
            %dma_start3A_310 = arith.constant 0 : i32
            %dma_start3A_311 = tpu.memref_slice %arg3[%dma_start3A_310, %mul3A_297] : memref<1x9216xi32, #tpu.memory_space<hbm>> -> memref<1x128xi32, #tpu.memory_space<hbm>>
            tpu.enqueue_dma source(%dma_start3A_311 : memref<1x128xi32, #tpu.memory_space<hbm>>) target(%dma_start3A_309 : memref<1x128xi32, #tpu.memory_space<vmem>>) target_semaphore(%dma_start3A_305 : memref<!tpu.dma_semaphore, #tpu.memory_space<semaphore_mem>>)
            "tpu.trace_stop"() : () -> ()
          } else {
          }
          %and3A_191 = arith.constant true
          %and3A_192 = arith.andi %and3A, %and3A_191 : i1
          %add3A_193 = arith.constant 1 : i32
          %add3A_194 = arith.addi %while3A_143, %add3A_193 : i32
          %select_n3A_195 = arith.select %and3A_192, %add3A_194, %while3A_143 : i32
          %ne3A_196 = arith.cmpi ne, %add3A_155, %add3A_173 : i32
          %or3A_197 = arith.constant false
          %or3A_198 = arith.ori %or3A_197, %ne3A_196 : i1
          %or3A_199 = arith.constant false
          %or3A_200 = arith.ori %or3A_198, %or3A_199 : i1
          %sub3A_201 = arith.constant 2 : i32
          %sub3A_202 = arith.subi %mul3A_149, %sub3A_201 : i32
          %add3A_203 = arith.constant 1 : i32
          %add3A_204 = arith.addi %sub3A_202, %add3A_203 : i32
          %ge3A_205 = arith.cmpi sge, %while3A_142, %add3A_204 : i32
          %not3A_206 = arith.constant true
          %not3A_207 = arith.xori %ge3A_205, %not3A_206 : i1
          %and3A_208 = arith.andi %or3A_200, %not3A_207 : i1
          %ne3A_209 = arith.cmpi ne, %add3A_155, %add3A_165 : i32
          %or3A_210 = arith.constant false
          %or3A_211 = arith.ori %or3A_210, %ne3A_209 : i1
          %or3A_212 = arith.ori %or3A_211, %eq3A_151 : i1
          %convert_element_type3A_213 = arith.extui %or3A_212 : i1 to i32
          %cond3A_214 = arith.constant 0 : i32
          %cond3A_215 = arith.cmpi ne, %convert_element_type3A_213, %cond3A_214 : i32
          scf.if %cond3A_215 {
            "tpu.trace_start"() <{level = 10 : i32, message = "ep_wait_in"}> : () -> ()
            %mul3A_294 = arith.constant 128 : i32
            %mul3A_295 = arith.muli %mul3A_294, %add3A_155 : i32
            %rem3A_296 = arith.constant 2 : i32
            %rem3A_297 = arith.remui %while3A_144, %rem3A_296 : i32
            %dma_wait3A = arith.constant 0 : i32
            %dma_wait3A_298 = arith.constant 0 : i32
            %dma_wait3A_299 = tpu.memref_slice %run_scoped3A[%rem3A_297, %dma_wait3A, %dma_wait3A_298] : memref<2x1x128xi32, #tpu.memory_space<vmem>> -> memref<1x1x128xi32, #tpu.memory_space<vmem>>
            %dma_wait3A_300 = tpu.memref_squeeze %dma_wait3A_299 : memref<1x1x128xi32, #tpu.memory_space<vmem>> -> memref<1x128xi32, #tpu.memory_space<vmem>>
            %dma_wait3A_301 = arith.constant 0 : i32
            %dma_wait3A_302 = tpu.memref_slice %arg3[%dma_wait3A_301, %mul3A_295] : memref<1x9216xi32, #tpu.memory_space<hbm>> -> memref<1x128xi32, #tpu.memory_space<hbm>>
            %dma_wait3A_303 = tpu.memref_slice %run_scoped3A_17[%rem3A_297] : memref<2x!tpu.dma_semaphore, #tpu.memory_space<semaphore_mem>> -> memref<1x!tpu.dma_semaphore, #tpu.memory_space<semaphore_mem>>
            %dma_wait3A_304 = tpu.memref_squeeze %dma_wait3A_303 : memref<1x!tpu.dma_semaphore, #tpu.memory_space<semaphore_mem>> -> memref<!tpu.dma_semaphore, #tpu.memory_space<semaphore_mem>>
            %dma_wait3A_305 = arith.constant 0 : i32
            %dma_wait3A_306 = arith.constant 0 : i32
            %dma_wait3A_307 = tpu.memref_slice %run_scoped3A[%rem3A_297, %dma_wait3A_305, %dma_wait3A_306] : memref<2x1x128xi32, #tpu.memory_space<vmem>> -> memref<1x1x128xi32, #tpu.memory_space<vmem>>
            %dma_wait3A_308 = tpu.memref_squeeze %dma_wait3A_307 : memref<1x1x128xi32, #tpu.memory_space<vmem>> -> memref<1x128xi32, #tpu.memory_space<vmem>>
            %dma_wait3A_309 = arith.constant 0 : i32
            %dma_wait3A_310 = tpu.memref_slice %arg3[%dma_wait3A_309, %mul3A_295] : memref<1x9216xi32, #tpu.memory_space<hbm>> -> memref<1x128xi32, #tpu.memory_space<hbm>>
            tpu.wait_dma2 semaphore(%dma_wait3A_304 : memref<!tpu.dma_semaphore, #tpu.memory_space<semaphore_mem>>) src(%dma_wait3A_310 : memref<1x128xi32, #tpu.memory_space<hbm>>) dst(%dma_wait3A_308 : memref<1x128xi32, #tpu.memory_space<vmem>>)
            "tpu.trace_stop"() : () -> ()
          } else {
          }
          %ne3A_216 = arith.cmpi ne, %add3A_155, %add3A_165 : i32
          %or3A_217 = arith.constant false
          %or3A_218 = arith.ori %or3A_217, %ne3A_216 : i1
          %or3A_219 = arith.constant false
          %or3A_220 = arith.ori %or3A_218, %or3A_219 : i1
          %or3A_221 = arith.ori %or3A_220, %eq3A_151 : i1
          %convert_element_type3A_222 = arith.extui %or3A_221 : i1 to i32
          %cond3A_223 = arith.constant 0 : i32
          %cond3A_224 = arith.cmpi ne, %convert_element_type3A_222, %cond3A_223 : i32
          scf.if %cond3A_224 {
          } else {
          }
          %rem3A_225 = arith.constant 2 : i32
          %rem3A_226 = arith.remui %while3A_144, %rem3A_225 : i32
          %rem3A_227 = arith.constant 2 : i32
          %rem3A_228 = arith.remui %while3A_145, %rem3A_227 : i32
          %run_scoped3A_229 = arith.constant 0 : i32
          "tpu.trace_start"() <{level = 10 : i32, message = "ep_run_kernel"}> : () -> ()
          "tpu.region"() ({
            %run_scoped3A_294 = tpu.sem_alloc : memref<!tpu.dma_semaphore, #tpu.memory_space<semaphore_mem>>
            %dma_start3A_295 = arith.constant 0 : i32
            %dma_start3A_296 = arith.constant 0 : i32
            %dma_start3A_297 = tpu.memref_slice %run_scoped3A_18[%rem3A_228, %dma_start3A_295, %dma_start3A_296] : memref<2x128x256xf32, #tpu.memory_space<vmem>> -> memref<1x128x256xf32, #tpu.memory_space<vmem>>
            %dma_start3A_298 = tpu.memref_squeeze %dma_start3A_297 : memref<1x128x256xf32, #tpu.memory_space<vmem>> -> memref<128x256xf32, #tpu.memory_space<vmem>>
            %dma_start3A_299 = arith.constant 0 : i32
            %dma_start3A_300 = arith.constant 0 : i32
            %dma_start3A_301 = tpu.memref_slice %run_scoped3A[%rem3A_226, %dma_start3A_299, %dma_start3A_300] : memref<2x1x128xi32, #tpu.memory_space<vmem>> -> memref<1x1x128xi32, #tpu.memory_space<vmem>>
            %dma_start3A_302 = tpu.memref_squeeze %dma_start3A_301 : memref<1x1x128xi32, #tpu.memory_space<vmem>> -> memref<1x128xi32, #tpu.memory_space<vmem>>
            %dma_start3A_303 = arith.constant 0 : i32
            %dma_start3A_304 = tpu.memref_slice %dma_start3A_302[%run_scoped3A_229, %dma_start3A_303] : memref<1x128xi32, #tpu.memory_space<vmem>> -> memref<1x128xi32, #tpu.memory_space<vmem>>
            %dma_start3A_305 = tpu.memref_squeeze %dma_start3A_304 : memref<1x128xi32, #tpu.memory_space<vmem>> -> memref<128xi32, #tpu.memory_space<vmem>>
            %dma_start3A_306 = arith.constant 0 : i32
            %dma_start3A_307 = arith.constant 0 : i32
            %dma_start3A_308 = tpu.memref_slice %arg2[%dma_start3A_306, %dma_start3A_307] : memref<8192x256xf32, #tpu.memory_space<hbm>> -> memref<8192x256xf32, #tpu.memory_space<hbm>>
            tpu.enqueue_indirect_dma source(%dma_start3A_308 : memref<8192x256xf32, #tpu.memory_space<hbm>>) target(%dma_start3A_298 : memref<128x256xf32, #tpu.memory_space<vmem>>) offsets(%dma_start3A_305 : memref<128xi32, #tpu.memory_space<vmem>>) semaphore(%run_scoped3A_294 : memref<!tpu.dma_semaphore, #tpu.memory_space<semaphore_mem>>)
            %dma_wait3A = arith.constant 0 : i32
            %dma_wait3A_309 = arith.constant 0 : i32
            %dma_wait3A_310 = tpu.memref_slice %run_scoped3A_18[%rem3A_228, %dma_wait3A, %dma_wait3A_309] : memref<2x128x256xf32, #tpu.memory_space<vmem>> -> memref<1x128x256xf32, #tpu.memory_space<vmem>>
            %dma_wait3A_311 = tpu.memref_squeeze %dma_wait3A_310 : memref<1x128x256xf32, #tpu.memory_space<vmem>> -> memref<128x256xf32, #tpu.memory_space<vmem>>
            %dma_wait3A_312 = arith.constant 0 : i32
            %dma_wait3A_313 = arith.constant 0 : i32
            %dma_wait3A_314 = tpu.memref_slice %run_scoped3A[%rem3A_226, %dma_wait3A_312, %dma_wait3A_313] : memref<2x1x128xi32, #tpu.memory_space<vmem>> -> memref<1x1x128xi32, #tpu.memory_space<vmem>>
            %dma_wait3A_315 = tpu.memref_squeeze %dma_wait3A_314 : memref<1x1x128xi32, #tpu.memory_space<vmem>> -> memref<1x128xi32, #tpu.memory_space<vmem>>
            %dma_wait3A_316 = arith.constant 0 : i32
            %dma_wait3A_317 = tpu.memref_slice %dma_wait3A_315[%run_scoped3A_229, %dma_wait3A_316] : memref<1x128xi32, #tpu.memory_space<vmem>> -> memref<1x128xi32, #tpu.memory_space<vmem>>
            %dma_wait3A_318 = tpu.memref_squeeze %dma_wait3A_317 : memref<1x128xi32, #tpu.memory_space<vmem>> -> memref<128xi32, #tpu.memory_space<vmem>>
            %dma_wait3A_319 = arith.constant 0 : i32
            %dma_wait3A_320 = arith.constant 0 : i32
            %dma_wait3A_321 = tpu.memref_slice %arg2[%dma_wait3A_319, %dma_wait3A_320] : memref<8192x256xf32, #tpu.memory_space<hbm>> -> memref<8192x256xf32, #tpu.memory_space<hbm>>
            tpu.wait_indirect_dma semaphore(%run_scoped3A_294 : memref<!tpu.dma_semaphore, #tpu.memory_space<semaphore_mem>>) src(%dma_wait3A_321 : memref<8192x256xf32, #tpu.memory_space<hbm>>) dst(%dma_wait3A_311 : memref<128x256xf32, #tpu.memory_space<vmem>>)
            tpu.yield
          }) : () -> ()
          "tpu.trace_stop"() : () -> ()
          %ne3A_230 = arith.cmpi ne, %add3A_155, %add3A_173 : i32
          %or3A_231 = arith.constant false
          %or3A_232 = arith.ori %or3A_231, %ne3A_230 : i1
          %or3A_233 = arith.ori %or3A_232, %eq3A_154 : i1
          %convert_element_type3A_234 = arith.extui %or3A_233 : i1 to i32
          %cond3A_235 = arith.constant 0 : i32
          %cond3A_236 = arith.cmpi ne, %convert_element_type3A_234, %cond3A_235 : i32
          scf.if %cond3A_236 {
          } else {
          }
          %and3A_237 = arith.constant false
          %and3A_238 = arith.andi %or3A_233, %and3A_237 : i1
          %ne3A_239 = arith.cmpi ne, %add3A_155, %add3A_173 : i32
          %or3A_240 = arith.constant false
          %or3A_241 = arith.ori %or3A_240, %ne3A_239 : i1
          %or3A_242 = arith.constant false
          %or3A_243 = arith.ori %or3A_241, %or3A_242 : i1
          %or3A_244 = arith.ori %or3A_243, %eq3A_154 : i1
          %convert_element_type3A_245 = arith.extui %or3A_244 : i1 to i32
          %cond3A_246 = arith.constant 0 : i32
          %cond3A_247 = arith.cmpi ne, %convert_element_type3A_245, %cond3A_246 : i32
          scf.if %cond3A_247 {
            "tpu.trace_start"() <{level = 10 : i32, message = "ep_copy_out"}> : () -> ()
            %rem3A_294 = arith.constant 2 : i32
            %rem3A_295 = arith.remui %while3A_145, %rem3A_294 : i32
            %mul3A_296 = arith.constant 128 : i32
            %mul3A_297 = arith.muli %mul3A_296, %add3A_155 : i32
            %dma_start3A_298 = arith.constant 0 : i32
            %dma_start3A_299 = arith.constant 0 : i32
            %dma_start3A_300 = tpu.memref_slice %run_scoped3A_18[%rem3A_295, %dma_start3A_298, %dma_start3A_299] : memref<2x128x256xf32, #tpu.memory_space<vmem>> -> memref<1x128x256xf32, #tpu.memory_space<vmem>>
            %dma_start3A_301 = tpu.memref_squeeze %dma_start3A_300 : memref<1x128x256xf32, #tpu.memory_space<vmem>> -> memref<128x256xf32, #tpu.memory_space<vmem>>
            %dma_start3A_302 = arith.constant 0 : i32
            %dma_start3A_303 = tpu.memref_slice %arg4[%mul3A_297, %dma_start3A_302] : memref<9216x256xf32, #tpu.memory_space<hbm>> -> memref<128x256xf32, #tpu.memory_space<hbm>>
            %dma_start3A_304 = tpu.memref_slice %run_scoped3A_19[%rem3A_295] : memref<2x!tpu.dma_semaphore, #tpu.memory_space<semaphore_mem>> -> memref<1x!tpu.dma_semaphore, #tpu.memory_space<semaphore_mem>>
            %dma_start3A_305 = tpu.memref_squeeze %dma_start3A_304 : memref<1x!tpu.dma_semaphore, #tpu.memory_space<semaphore_mem>> -> memref<!tpu.dma_semaphore, #tpu.memory_space<semaphore_mem>>
            %dma_start3A_306 = arith.constant 0 : i32
            %dma_start3A_307 = tpu.memref_slice %arg4[%mul3A_297, %dma_start3A_306] : memref<9216x256xf32, #tpu.memory_space<hbm>> -> memref<128x256xf32, #tpu.memory_space<hbm>>
            %dma_start3A_308 = arith.constant 0 : i32
            %dma_start3A_309 = arith.constant 0 : i32
            %dma_start3A_310 = tpu.memref_slice %run_scoped3A_18[%rem3A_295, %dma_start3A_308, %dma_start3A_309] : memref<2x128x256xf32, #tpu.memory_space<vmem>> -> memref<1x128x256xf32, #tpu.memory_space<vmem>>
            %dma_start3A_311 = tpu.memref_squeeze %dma_start3A_310 : memref<1x128x256xf32, #tpu.memory_space<vmem>> -> memref<128x256xf32, #tpu.memory_space<vmem>>
            tpu.enqueue_dma source(%dma_start3A_311 : memref<128x256xf32, #tpu.memory_space<vmem>>) target(%dma_start3A_307 : memref<128x256xf32, #tpu.memory_space<hbm>>) target_semaphore(%dma_start3A_305 : memref<!tpu.dma_semaphore, #tpu.memory_space<semaphore_mem>>)
            "tpu.trace_stop"() : () -> ()
          } else {
          }
          %and3A_248 = arith.constant true
          %and3A_249 = arith.andi %or3A_244, %and3A_248 : i1
          %add3A_250 = arith.constant 1 : i32
          %add3A_251 = arith.addi %while3A_145, %add3A_250 : i32
          %select_n3A_252 = arith.select %and3A_249, %add3A_251, %while3A_145 : i32
          %ne3A_253 = arith.cmpi ne, %add3A_155, %add3A_165 : i32
          %or3A_254 = arith.constant false
          %or3A_255 = arith.ori %or3A_254, %ne3A_253 : i1
          %not3A_256 = arith.constant true
          %not3A_257 = arith.xori %eq3A_151, %not3A_256 : i1
          %and3A_258 = arith.andi %or3A_255, %not3A_257 : i1
          %convert_element_type3A_259 = arith.extui %and3A_258 : i1 to i32
          %cond3A_260 = arith.constant 0 : i32
          %cond3A_261 = arith.cmpi ne, %convert_element_type3A_259, %cond3A_260 : i32
          scf.if %cond3A_261 {
          } else {
          }
          %and3A_262 = arith.constant false
          %and3A_263 = arith.andi %and3A_258, %and3A_262 : i1
          %ne3A_264 = arith.cmpi ne, %add3A_155, %add3A_165 : i32
          %or3A_265 = arith.constant false
          %or3A_266 = arith.ori %or3A_265, %ne3A_264 : i1
          %or3A_267 = arith.constant false
          %or3A_268 = arith.ori %or3A_266, %or3A_267 : i1
          %not3A_269 = arith.constant true
          %not3A_270 = arith.xori %eq3A_151, %not3A_269 : i1
          %and3A_271 = arith.andi %or3A_268, %not3A_270 : i1
          %convert_element_type3A_272 = arith.extui %and3A_271 : i1 to i32
          %cond3A_273 = arith.constant 0 : i32
          %cond3A_274 = arith.cmpi ne, %convert_element_type3A_272, %cond3A_273 : i32
          scf.if %cond3A_274 {
            "tpu.trace_start"() <{level = 10 : i32, message = "ep_wait_out"}> : () -> ()
            %rem3A_294 = arith.constant 2 : i32
            %rem3A_295 = arith.remui %while3A_146, %rem3A_294 : i32
            %mul3A_296 = arith.constant 128 : i32
            %mul3A_297 = arith.muli %mul3A_296, %add3A_165 : i32
            %dma_wait3A = arith.constant 0 : i32
            %dma_wait3A_298 = arith.constant 0 : i32
            %dma_wait3A_299 = tpu.memref_slice %run_scoped3A_18[%rem3A_295, %dma_wait3A, %dma_wait3A_298] : memref<2x128x256xf32, #tpu.memory_space<vmem>> -> memref<1x128x256xf32, #tpu.memory_space<vmem>>
            %dma_wait3A_300 = tpu.memref_squeeze %dma_wait3A_299 : memref<1x128x256xf32, #tpu.memory_space<vmem>> -> memref<128x256xf32, #tpu.memory_space<vmem>>
            %dma_wait3A_301 = arith.constant 0 : i32
            %dma_wait3A_302 = tpu.memref_slice %arg4[%mul3A_297, %dma_wait3A_301] : memref<9216x256xf32, #tpu.memory_space<hbm>> -> memref<128x256xf32, #tpu.memory_space<hbm>>
            %dma_wait3A_303 = tpu.memref_slice %run_scoped3A_19[%rem3A_295] : memref<2x!tpu.dma_semaphore, #tpu.memory_space<semaphore_mem>> -> memref<1x!tpu.dma_semaphore, #tpu.memory_space<semaphore_mem>>
            %dma_wait3A_304 = tpu.memref_squeeze %dma_wait3A_303 : memref<1x!tpu.dma_semaphore, #tpu.memory_space<semaphore_mem>> -> memref<!tpu.dma_semaphore, #tpu.memory_space<semaphore_mem>>
            %dma_wait3A_305 = arith.constant 0 : i32
            %dma_wait3A_306 = tpu.memref_slice %arg4[%mul3A_297, %dma_wait3A_305] : memref<9216x256xf32, #tpu.memory_space<hbm>> -> memref<128x256xf32, #tpu.memory_space<hbm>>
            %dma_wait3A_307 = arith.constant 0 : i32
            %dma_wait3A_308 = arith.constant 0 : i32
            %dma_wait3A_309 = tpu.memref_slice %run_scoped3A_18[%rem3A_295, %dma_wait3A_307, %dma_wait3A_308] : memref<2x128x256xf32, #tpu.memory_space<vmem>> -> memref<1x128x256xf32, #tpu.memory_space<vmem>>
            %dma_wait3A_310 = tpu.memref_squeeze %dma_wait3A_309 : memref<1x128x256xf32, #tpu.memory_space<vmem>> -> memref<128x256xf32, #tpu.memory_space<vmem>>
            tpu.wait_dma2 semaphore(%dma_wait3A_304 : memref<!tpu.dma_semaphore, #tpu.memory_space<semaphore_mem>>) src(%dma_wait3A_310 : memref<128x256xf32, #tpu.memory_space<vmem>>) dst(%dma_wait3A_306 : memref<128x256xf32, #tpu.memory_space<hbm>>)
            "tpu.trace_stop"() : () -> ()
          } else {
          }
          %and3A_275 = arith.constant true
          %and3A_276 = arith.andi %and3A_271, %and3A_275 : i1
          %add3A_277 = arith.constant 1 : i32
          %add3A_278 = arith.addi %while3A_146, %add3A_277 : i32
          %select_n3A_279 = arith.select %and3A_276, %add3A_278, %while3A_146 : i32
          %ne3A_280 = arith.cmpi ne, %add3A_155, %add3A_173 : i32
          %or3A_281 = arith.constant false
          %or3A_282 = arith.ori %or3A_281, %ne3A_280 : i1
          %or3A_283 = arith.ori %or3A_282, %eq3A_154 : i1
          %add3A_284 = arith.constant 1 : i32
          %add3A_285 = arith.addi %while3A_144, %add3A_284 : i32
          %select_n3A_286 = arith.select %or3A_283, %add3A_285, %while3A_144 : i32
          %add3A_287 = arith.constant 1 : i32
          %add3A_288 = arith.addi %while3A_147, %add3A_287 : i32
          %select_n3A_289 = arith.constant true
          %select_n3A_290 = arith.select %select_n3A_289, %add3A_288, %while3A_147 : i32
          %eq3A_291 = arith.cmpi eq, %select_n3A_290, %select_n3A : i32
          %select_n3A_292 = arith.constant 0 : i32
          %select_n3A_293 = arith.select %eq3A_291, %select_n3A_292, %select_n3A_290 : i32
          scf.yield %select_n3A_195, %select_n3A_286, %select_n3A_252, %select_n3A_279, %select_n3A_293 : i32, i32, i32, i32, i32
        }
        %while3A_89 = arith.constant 1 : i32
        %while3A_90:5 = scf.for %while3A_142 = %while3A_86 to %while3A_82 step %while3A_89 iter_args(%while3A_143 = %while3A_88#0, %while3A_144 = %while3A_88#1, %while3A_145 = %while3A_88#2, %while3A_146 = %while3A_88#3, %while3A_147 = %while3A_88#4) -> (i32, i32, i32, i32, i32)  : i32 {
          %mul3A_148 = arith.constant 1 : i32
          %mul3A_149 = arith.muli %mul3A_148, %select_n3A : i32
          %eq3A_150 = arith.constant 0 : i32
          %eq3A_151 = arith.cmpi eq, %while3A_142, %eq3A_150 : i32
          %sub3A_152 = arith.constant 1 : i32
          %sub3A_153 = arith.subi %mul3A_149, %sub3A_152 : i32
          %eq3A_154 = arith.cmpi eq, %while3A_142, %sub3A_153 : i32
          %add3A_155 = arith.addi %while3A_147, %select_n3A_14 : i32
          %sub3A_156 = arith.constant 1 : i32
          %sub3A_157 = arith.subi %while3A_147, %sub3A_156 : i32
          %select_n3A_158 = arith.constant true
          %select_n3A_159 = arith.select %select_n3A_158, %sub3A_157, %while3A_147 : i32
          %eq3A_160 = arith.constant -1 : i32
          %eq3A_161 = arith.cmpi eq, %select_n3A_159, %eq3A_160 : i32
          %sub3A_162 = arith.constant 1 : i32
          %sub3A_163 = arith.subi %select_n3A, %sub3A_162 : i32
          %select_n3A_164 = arith.select %eq3A_161, %sub3A_163, %select_n3A_159 : i32
          %add3A_165 = arith.addi %select_n3A_164, %select_n3A_14 : i32
          %add3A_166 = arith.constant 1 : i32
          %add3A_167 = arith.addi %while3A_147, %add3A_166 : i32
          %select_n3A_168 = arith.constant true
          %select_n3A_169 = arith.select %select_n3A_168, %add3A_167, %while3A_147 : i32
          %eq3A_170 = arith.cmpi eq, %select_n3A_169, %select_n3A : i32
          %select_n3A_171 = arith.constant 0 : i32
          %select_n3A_172 = arith.select %eq3A_170, %select_n3A_171, %select_n3A_169 : i32
          %add3A_173 = arith.addi %select_n3A_172, %select_n3A_14 : i32
          %add3A_174 = arith.constant 1 : i32
          %add3A_175 = arith.addi %select_n3A_172, %add3A_174 : i32
          %select_n3A_176 = arith.constant true
          %select_n3A_177 = arith.select %select_n3A_176, %add3A_175, %select_n3A_172 : i32
          %eq3A_178 = arith.cmpi eq, %select_n3A_177, %select_n3A : i32
          %select_n3A_179 = arith.constant 0 : i32
          %select_n3A_180 = arith.select %eq3A_178, %select_n3A_179, %select_n3A_177 : i32
          %add3A_181 = arith.addi %select_n3A_180, %select_n3A_14 : i32
          %ne3A = arith.cmpi ne, %add3A_155, %add3A_173 : i32
          %or3A = arith.constant false
          %or3A_182 = arith.ori %or3A, %ne3A : i1
          %sub3A_183 = arith.constant 2 : i32
          %sub3A_184 = arith.subi %mul3A_149, %sub3A_183 : i32
          %add3A_185 = arith.constant 1 : i32
          %add3A_186 = arith.addi %sub3A_184, %add3A_185 : i32
          %ge3A = arith.cmpi sge, %while3A_142, %add3A_186 : i32
          %not3A = arith.constant true
          %not3A_187 = arith.xori %ge3A, %not3A : i1
          %and3A = arith.andi %or3A_182, %not3A_187 : i1
          %convert_element_type3A_188 = arith.extui %and3A : i1 to i32
          %cond3A_189 = arith.constant 0 : i32
          %cond3A_190 = arith.cmpi ne, %convert_element_type3A_188, %cond3A_189 : i32
          scf.if %cond3A_190 {
            "tpu.trace_start"() <{level = 10 : i32, message = "ep_copy_in"}> : () -> ()
            %rem3A_294 = arith.constant 2 : i32
            %rem3A_295 = arith.remui %while3A_143, %rem3A_294 : i32
            %mul3A_296 = arith.constant 128 : i32
            %mul3A_297 = arith.muli %mul3A_296, %add3A_173 : i32
            %dma_start3A_298 = arith.constant 0 : i32
            %dma_start3A_299 = arith.constant 0 : i32
            %dma_start3A_300 = tpu.memref_slice %run_scoped3A[%rem3A_295, %dma_start3A_298, %dma_start3A_299] : memref<2x1x128xi32, #tpu.memory_space<vmem>> -> memref<1x1x128xi32, #tpu.memory_space<vmem>>
            %dma_start3A_301 = tpu.memref_squeeze %dma_start3A_300 : memref<1x1x128xi32, #tpu.memory_space<vmem>> -> memref<1x128xi32, #tpu.memory_space<vmem>>
            %dma_start3A_302 = arith.constant 0 : i32
            %dma_start3A_303 = tpu.memref_slice %arg3[%dma_start3A_302, %mul3A_297] : memref<1x9216xi32, #tpu.memory_space<hbm>> -> memref<1x128xi32, #tpu.memory_space<hbm>>
            %dma_start3A_304 = tpu.memref_slice %run_scoped3A_17[%rem3A_295] : memref<2x!tpu.dma_semaphore, #tpu.memory_space<semaphore_mem>> -> memref<1x!tpu.dma_semaphore, #tpu.memory_space<semaphore_mem>>
            %dma_start3A_305 = tpu.memref_squeeze %dma_start3A_304 : memref<1x!tpu.dma_semaphore, #tpu.memory_space<semaphore_mem>> -> memref<!tpu.dma_semaphore, #tpu.memory_space<semaphore_mem>>
            %dma_start3A_306 = arith.constant 0 : i32
            %dma_start3A_307 = arith.constant 0 : i32
            %dma_start3A_308 = tpu.memref_slice %run_scoped3A[%rem3A_295, %dma_start3A_306, %dma_start3A_307] : memref<2x1x128xi32, #tpu.memory_space<vmem>> -> memref<1x1x128xi32, #tpu.memory_space<vmem>>
            %dma_start3A_309 = tpu.memref_squeeze %dma_start3A_308 : memref<1x1x128xi32, #tpu.memory_space<vmem>> -> memref<1x128xi32, #tpu.memory_space<vmem>>
            %dma_start3A_310 = arith.constant 0 : i32
            %dma_start3A_311 = tpu.memref_slice %arg3[%dma_start3A_310, %mul3A_297] : memref<1x9216xi32, #tpu.memory_space<hbm>> -> memref<1x128xi32, #tpu.memory_space<hbm>>
            tpu.enqueue_dma source(%dma_start3A_311 : memref<1x128xi32, #tpu.memory_space<hbm>>) target(%dma_start3A_309 : memref<1x128xi32, #tpu.memory_space<vmem>>) target_semaphore(%dma_start3A_305 : memref<!tpu.dma_semaphore, #tpu.memory_space<semaphore_mem>>)
            "tpu.trace_stop"() : () -> ()
          } else {
          }
          %and3A_191 = arith.constant true
          %and3A_192 = arith.andi %and3A, %and3A_191 : i1
          %add3A_193 = arith.constant 1 : i32
          %add3A_194 = arith.addi %while3A_143, %add3A_193 : i32
          %select_n3A_195 = arith.select %and3A_192, %add3A_194, %while3A_143 : i32
          %ne3A_196 = arith.cmpi ne, %add3A_155, %add3A_173 : i32
          %or3A_197 = arith.constant false
          %or3A_198 = arith.ori %or3A_197, %ne3A_196 : i1
          %or3A_199 = arith.constant false
          %or3A_200 = arith.ori %or3A_198, %or3A_199 : i1
          %sub3A_201 = arith.constant 2 : i32
          %sub3A_202 = arith.subi %mul3A_149, %sub3A_201 : i32
          %add3A_203 = arith.constant 1 : i32
          %add3A_204 = arith.addi %sub3A_202, %add3A_203 : i32
          %ge3A_205 = arith.cmpi sge, %while3A_142, %add3A_204 : i32
          %not3A_206 = arith.constant true
          %not3A_207 = arith.xori %ge3A_205, %not3A_206 : i1
          %and3A_208 = arith.andi %or3A_200, %not3A_207 : i1
          %ne3A_209 = arith.cmpi ne, %add3A_155, %add3A_165 : i32
          %or3A_210 = arith.constant false
          %or3A_211 = arith.ori %or3A_210, %ne3A_209 : i1
          %or3A_212 = arith.ori %or3A_211, %eq3A_151 : i1
          %convert_element_type3A_213 = arith.extui %or3A_212 : i1 to i32
          %cond3A_214 = arith.constant 0 : i32
          %cond3A_215 = arith.cmpi ne, %convert_element_type3A_213, %cond3A_214 : i32
          scf.if %cond3A_215 {
            "tpu.trace_start"() <{level = 10 : i32, message = "ep_wait_in"}> : () -> ()
            %mul3A_294 = arith.constant 128 : i32
            %mul3A_295 = arith.muli %mul3A_294, %add3A_155 : i32
            %rem3A_296 = arith.constant 2 : i32
            %rem3A_297 = arith.remui %while3A_144, %rem3A_296 : i32
            %dma_wait3A = arith.constant 0 : i32
            %dma_wait3A_298 = arith.constant 0 : i32
            %dma_wait3A_299 = tpu.memref_slice %run_scoped3A[%rem3A_297, %dma_wait3A, %dma_wait3A_298] : memref<2x1x128xi32, #tpu.memory_space<vmem>> -> memref<1x1x128xi32, #tpu.memory_space<vmem>>
            %dma_wait3A_300 = tpu.memref_squeeze %dma_wait3A_299 : memref<1x1x128xi32, #tpu.memory_space<vmem>> -> memref<1x128xi32, #tpu.memory_space<vmem>>
            %dma_wait3A_301 = arith.constant 0 : i32
            %dma_wait3A_302 = tpu.memref_slice %arg3[%dma_wait3A_301, %mul3A_295] : memref<1x9216xi32, #tpu.memory_space<hbm>> -> memref<1x128xi32, #tpu.memory_space<hbm>>
            %dma_wait3A_303 = tpu.memref_slice %run_scoped3A_17[%rem3A_297] : memref<2x!tpu.dma_semaphore, #tpu.memory_space<semaphore_mem>> -> memref<1x!tpu.dma_semaphore, #tpu.memory_space<semaphore_mem>>
            %dma_wait3A_304 = tpu.memref_squeeze %dma_wait3A_303 : memref<1x!tpu.dma_semaphore, #tpu.memory_space<semaphore_mem>> -> memref<!tpu.dma_semaphore, #tpu.memory_space<semaphore_mem>>
            %dma_wait3A_305 = arith.constant 0 : i32
            %dma_wait3A_306 = arith.constant 0 : i32
            %dma_wait3A_307 = tpu.memref_slice %run_scoped3A[%rem3A_297, %dma_wait3A_305, %dma_wait3A_306] : memref<2x1x128xi32, #tpu.memory_space<vmem>> -> memref<1x1x128xi32, #tpu.memory_space<vmem>>
            %dma_wait3A_308 = tpu.memref_squeeze %dma_wait3A_307 : memref<1x1x128xi32, #tpu.memory_space<vmem>> -> memref<1x128xi32, #tpu.memory_space<vmem>>
            %dma_wait3A_309 = arith.constant 0 : i32
            %dma_wait3A_310 = tpu.memref_slice %arg3[%dma_wait3A_309, %mul3A_295] : memref<1x9216xi32, #tpu.memory_space<hbm>> -> memref<1x128xi32, #tpu.memory_space<hbm>>
            tpu.wait_dma2 semaphore(%dma_wait3A_304 : memref<!tpu.dma_semaphore, #tpu.memory_space<semaphore_mem>>) src(%dma_wait3A_310 : memref<1x128xi32, #tpu.memory_space<hbm>>) dst(%dma_wait3A_308 : memref<1x128xi32, #tpu.memory_space<vmem>>)
            "tpu.trace_stop"() : () -> ()
          } else {
          }
          %ne3A_216 = arith.cmpi ne, %add3A_155, %add3A_165 : i32
          %or3A_217 = arith.constant false
          %or3A_218 = arith.ori %or3A_217, %ne3A_216 : i1
          %or3A_219 = arith.constant false
          %or3A_220 = arith.ori %or3A_218, %or3A_219 : i1
          %or3A_221 = arith.ori %or3A_220, %eq3A_151 : i1
          %convert_element_type3A_222 = arith.extui %or3A_221 : i1 to i32
          %cond3A_223 = arith.constant 0 : i32
          %cond3A_224 = arith.cmpi ne, %convert_element_type3A_222, %cond3A_223 : i32
          scf.if %cond3A_224 {
          } else {
          }
          %rem3A_225 = arith.constant 2 : i32
          %rem3A_226 = arith.remui %while3A_144, %rem3A_225 : i32
          %rem3A_227 = arith.constant 2 : i32
          %rem3A_228 = arith.remui %while3A_145, %rem3A_227 : i32
          %run_scoped3A_229 = arith.constant 0 : i32
          "tpu.trace_start"() <{level = 10 : i32, message = "ep_run_kernel"}> : () -> ()
          "tpu.region"() ({
            %run_scoped3A_294 = tpu.sem_alloc : memref<!tpu.dma_semaphore, #tpu.memory_space<semaphore_mem>>
            %dma_start3A_295 = arith.constant 0 : i32
            %dma_start3A_296 = arith.constant 0 : i32
            %dma_start3A_297 = tpu.memref_slice %run_scoped3A_18[%rem3A_228, %dma_start3A_295, %dma_start3A_296] : memref<2x128x256xf32, #tpu.memory_space<vmem>> -> memref<1x128x256xf32, #tpu.memory_space<vmem>>
            %dma_start3A_298 = tpu.memref_squeeze %dma_start3A_297 : memref<1x128x256xf32, #tpu.memory_space<vmem>> -> memref<128x256xf32, #tpu.memory_space<vmem>>
            %dma_start3A_299 = arith.constant 0 : i32
            %dma_start3A_300 = arith.constant 0 : i32
            %dma_start3A_301 = tpu.memref_slice %run_scoped3A[%rem3A_226, %dma_start3A_299, %dma_start3A_300] : memref<2x1x128xi32, #tpu.memory_space<vmem>> -> memref<1x1x128xi32, #tpu.memory_space<vmem>>
            %dma_start3A_302 = tpu.memref_squeeze %dma_start3A_301 : memref<1x1x128xi32, #tpu.memory_space<vmem>> -> memref<1x128xi32, #tpu.memory_space<vmem>>
            %dma_start3A_303 = arith.constant 0 : i32
            %dma_start3A_304 = tpu.memref_slice %dma_start3A_302[%run_scoped3A_229, %dma_start3A_303] : memref<1x128xi32, #tpu.memory_space<vmem>> -> memref<1x128xi32, #tpu.memory_space<vmem>>
            %dma_start3A_305 = tpu.memref_squeeze %dma_start3A_304 : memref<1x128xi32, #tpu.memory_space<vmem>> -> memref<128xi32, #tpu.memory_space<vmem>>
            %dma_start3A_306 = arith.constant 0 : i32
            %dma_start3A_307 = arith.constant 0 : i32
            %dma_start3A_308 = tpu.memref_slice %arg2[%dma_start3A_306, %dma_start3A_307] : memref<8192x256xf32, #tpu.memory_space<hbm>> -> memref<8192x256xf32, #tpu.memory_space<hbm>>
            tpu.enqueue_indirect_dma source(%dma_start3A_308 : memref<8192x256xf32, #tpu.memory_space<hbm>>) target(%dma_start3A_298 : memref<128x256xf32, #tpu.memory_space<vmem>>) offsets(%dma_start3A_305 : memref<128xi32, #tpu.memory_space<vmem>>) semaphore(%run_scoped3A_294 : memref<!tpu.dma_semaphore, #tpu.memory_space<semaphore_mem>>)
            %dma_wait3A = arith.constant 0 : i32
            %dma_wait3A_309 = arith.constant 0 : i32
            %dma_wait3A_310 = tpu.memref_slice %run_scoped3A_18[%rem3A_228, %dma_wait3A, %dma_wait3A_309] : memref<2x128x256xf32, #tpu.memory_space<vmem>> -> memref<1x128x256xf32, #tpu.memory_space<vmem>>
            %dma_wait3A_311 = tpu.memref_squeeze %dma_wait3A_310 : memref<1x128x256xf32, #tpu.memory_space<vmem>> -> memref<128x256xf32, #tpu.memory_space<vmem>>
            %dma_wait3A_312 = arith.constant 0 : i32
            %dma_wait3A_313 = arith.constant 0 : i32
            %dma_wait3A_314 = tpu.memref_slice %run_scoped3A[%rem3A_226, %dma_wait3A_312, %dma_wait3A_313] : memref<2x1x128xi32, #tpu.memory_space<vmem>> -> memref<1x1x128xi32, #tpu.memory_space<vmem>>
            %dma_wait3A_315 = tpu.memref_squeeze %dma_wait3A_314 : memref<1x1x128xi32, #tpu.memory_space<vmem>> -> memref<1x128xi32, #tpu.memory_space<vmem>>
            %dma_wait3A_316 = arith.constant 0 : i32
            %dma_wait3A_317 = tpu.memref_slice %dma_wait3A_315[%run_scoped3A_229, %dma_wait3A_316] : memref<1x128xi32, #tpu.memory_space<vmem>> -> memref<1x128xi32, #tpu.memory_space<vmem>>
            %dma_wait3A_318 = tpu.memref_squeeze %dma_wait3A_317 : memref<1x128xi32, #tpu.memory_space<vmem>> -> memref<128xi32, #tpu.memory_space<vmem>>
            %dma_wait3A_319 = arith.constant 0 : i32
            %dma_wait3A_320 = arith.constant 0 : i32
            %dma_wait3A_321 = tpu.memref_slice %arg2[%dma_wait3A_319, %dma_wait3A_320] : memref<8192x256xf32, #tpu.memory_space<hbm>> -> memref<8192x256xf32, #tpu.memory_space<hbm>>
            tpu.wait_indirect_dma semaphore(%run_scoped3A_294 : memref<!tpu.dma_semaphore, #tpu.memory_space<semaphore_mem>>) src(%dma_wait3A_321 : memref<8192x256xf32, #tpu.memory_space<hbm>>) dst(%dma_wait3A_311 : memref<128x256xf32, #tpu.memory_space<vmem>>)
            tpu.yield
          }) : () -> ()
          "tpu.trace_stop"() : () -> ()
          %ne3A_230 = arith.cmpi ne, %add3A_155, %add3A_173 : i32
          %or3A_231 = arith.constant false
          %or3A_232 = arith.ori %or3A_231, %ne3A_230 : i1
          %or3A_233 = arith.ori %or3A_232, %eq3A_154 : i1
          %convert_element_type3A_234 = arith.extui %or3A_233 : i1 to i32
          %cond3A_235 = arith.constant 0 : i32
          %cond3A_236 = arith.cmpi ne, %convert_element_type3A_234, %cond3A_235 : i32
          scf.if %cond3A_236 {
          } else {
          }
          %and3A_237 = arith.constant false
          %and3A_238 = arith.andi %or3A_233, %and3A_237 : i1
          %ne3A_239 = arith.cmpi ne, %add3A_155, %add3A_173 : i32
          %or3A_240 = arith.constant false
          %or3A_241 = arith.ori %or3A_240, %ne3A_239 : i1
          %or3A_242 = arith.constant false
          %or3A_243 = arith.ori %or3A_241, %or3A_242 : i1
          %or3A_244 = arith.ori %or3A_243, %eq3A_154 : i1
          %convert_element_type3A_245 = arith.extui %or3A_244 : i1 to i32
          %cond3A_246 = arith.constant 0 : i32
          %cond3A_247 = arith.cmpi ne, %convert_element_type3A_245, %cond3A_246 : i32
          scf.if %cond3A_247 {
            "tpu.trace_start"() <{level = 10 : i32, message = "ep_copy_out"}> : () -> ()
            %rem3A_294 = arith.constant 2 : i32
            %rem3A_295 = arith.remui %while3A_145, %rem3A_294 : i32
            %mul3A_296 = arith.constant 128 : i32
            %mul3A_297 = arith.muli %mul3A_296, %add3A_155 : i32
            %dma_start3A_298 = arith.constant 0 : i32
            %dma_start3A_299 = arith.constant 0 : i32
            %dma_start3A_300 = tpu.memref_slice %run_scoped3A_18[%rem3A_295, %dma_start3A_298, %dma_start3A_299] : memref<2x128x256xf32, #tpu.memory_space<vmem>> -> memref<1x128x256xf32, #tpu.memory_space<vmem>>
            %dma_start3A_301 = tpu.memref_squeeze %dma_start3A_300 : memref<1x128x256xf32, #tpu.memory_space<vmem>> -> memref<128x256xf32, #tpu.memory_space<vmem>>
            %dma_start3A_302 = arith.constant 0 : i32
            %dma_start3A_303 = tpu.memref_slice %arg4[%mul3A_297, %dma_start3A_302] : memref<9216x256xf32, #tpu.memory_space<hbm>> -> memref<128x256xf32, #tpu.memory_space<hbm>>
            %dma_start3A_304 = tpu.memref_slice %run_scoped3A_19[%rem3A_295] : memref<2x!tpu.dma_semaphore, #tpu.memory_space<semaphore_mem>> -> memref<1x!tpu.dma_semaphore, #tpu.memory_space<semaphore_mem>>
            %dma_start3A_305 = tpu.memref_squeeze %dma_start3A_304 : memref<1x!tpu.dma_semaphore, #tpu.memory_space<semaphore_mem>> -> memref<!tpu.dma_semaphore, #tpu.memory_space<semaphore_mem>>
            %dma_start3A_306 = arith.constant 0 : i32
            %dma_start3A_307 = tpu.memref_slice %arg4[%mul3A_297, %dma_start3A_306] : memref<9216x256xf32, #tpu.memory_space<hbm>> -> memref<128x256xf32, #tpu.memory_space<hbm>>
            %dma_start3A_308 = arith.constant 0 : i32
            %dma_start3A_309 = arith.constant 0 : i32
            %dma_start3A_310 = tpu.memref_slice %run_scoped3A_18[%rem3A_295, %dma_start3A_308, %dma_start3A_309] : memref<2x128x256xf32, #tpu.memory_space<vmem>> -> memref<1x128x256xf32, #tpu.memory_space<vmem>>
            %dma_start3A_311 = tpu.memref_squeeze %dma_start3A_310 : memref<1x128x256xf32, #tpu.memory_space<vmem>> -> memref<128x256xf32, #tpu.memory_space<vmem>>
            tpu.enqueue_dma source(%dma_start3A_311 : memref<128x256xf32, #tpu.memory_space<vmem>>) target(%dma_start3A_307 : memref<128x256xf32, #tpu.memory_space<hbm>>) target_semaphore(%dma_start3A_305 : memref<!tpu.dma_semaphore, #tpu.memory_space<semaphore_mem>>)
            "tpu.trace_stop"() : () -> ()
          } else {
          }
          %and3A_248 = arith.constant true
          %and3A_249 = arith.andi %or3A_244, %and3A_248 : i1
          %add3A_250 = arith.constant 1 : i32
          %add3A_251 = arith.addi %while3A_145, %add3A_250 : i32
          %select_n3A_252 = arith.select %and3A_249, %add3A_251, %while3A_145 : i32
          %ne3A_253 = arith.cmpi ne, %add3A_155, %add3A_165 : i32
          %or3A_254 = arith.constant false
          %or3A_255 = arith.ori %or3A_254, %ne3A_253 : i1
          %not3A_256 = arith.constant true
          %not3A_257 = arith.xori %eq3A_151, %not3A_256 : i1
          %and3A_258 = arith.andi %or3A_255, %not3A_257 : i1
          %convert_element_type3A_259 = arith.extui %and3A_258 : i1 to i32
          %cond3A_260 = arith.constant 0 : i32
          %cond3A_261 = arith.cmpi ne, %convert_element_type3A_259, %cond3A_260 : i32
          scf.if %cond3A_261 {
          } else {
          }
          %and3A_262 = arith.constant false
          %and3A_263 = arith.andi %and3A_258, %and3A_262 : i1
          %ne3A_264 = arith.cmpi ne, %add3A_155, %add3A_165 : i32
          %or3A_265 = arith.constant false
          %or3A_266 = arith.ori %or3A_265, %ne3A_264 : i1
          %or3A_267 = arith.constant false
          %or3A_268 = arith.ori %or3A_266, %or3A_267 : i1
          %not3A_269 = arith.constant true
          %not3A_270 = arith.xori %eq3A_151, %not3A_269 : i1
          %and3A_271 = arith.andi %or3A_268, %not3A_270 : i1
          %convert_element_type3A_272 = arith.extui %and3A_271 : i1 to i32
          %cond3A_273 = arith.constant 0 : i32
          %cond3A_274 = arith.cmpi ne, %convert_element_type3A_272, %cond3A_273 : i32
          scf.if %cond3A_274 {
            "tpu.trace_start"() <{level = 10 : i32, message = "ep_wait_out"}> : () -> ()
            %rem3A_294 = arith.constant 2 : i32
            %rem3A_295 = arith.remui %while3A_146, %rem3A_294 : i32
            %mul3A_296 = arith.constant 128 : i32
            %mul3A_297 = arith.muli %mul3A_296, %add3A_165 : i32
            %dma_wait3A = arith.constant 0 : i32
            %dma_wait3A_298 = arith.constant 0 : i32
            %dma_wait3A_299 = tpu.memref_slice %run_scoped3A_18[%rem3A_295, %dma_wait3A, %dma_wait3A_298] : memref<2x128x256xf32, #tpu.memory_space<vmem>> -> memref<1x128x256xf32, #tpu.memory_space<vmem>>
            %dma_wait3A_300 = tpu.memref_squeeze %dma_wait3A_299 : memref<1x128x256xf32, #tpu.memory_space<vmem>> -> memref<128x256xf32, #tpu.memory_space<vmem>>
            %dma_wait3A_301 = arith.constant 0 : i32
            %dma_wait3A_302 = tpu.memref_slice %arg4[%mul3A_297, %dma_wait3A_301] : memref<9216x256xf32, #tpu.memory_space<hbm>> -> memref<128x256xf32, #tpu.memory_space<hbm>>
            %dma_wait3A_303 = tpu.memref_slice %run_scoped3A_19[%rem3A_295] : memref<2x!tpu.dma_semaphore, #tpu.memory_space<semaphore_mem>> -> memref<1x!tpu.dma_semaphore, #tpu.memory_space<semaphore_mem>>
            %dma_wait3A_304 = tpu.memref_squeeze %dma_wait3A_303 : memref<1x!tpu.dma_semaphore, #tpu.memory_space<semaphore_mem>> -> memref<!tpu.dma_semaphore, #tpu.memory_space<semaphore_mem>>
            %dma_wait3A_305 = arith.constant 0 : i32
            %dma_wait3A_306 = tpu.memref_slice %arg4[%mul3A_297, %dma_wait3A_305] : memref<9216x256xf32, #tpu.memory_space<hbm>> -> memref<128x256xf32, #tpu.memory_space<hbm>>
            %dma_wait3A_307 = arith.constant 0 : i32
            %dma_wait3A_308 = arith.constant 0 : i32
            %dma_wait3A_309 = tpu.memref_slice %run_scoped3A_18[%rem3A_295, %dma_wait3A_307, %dma_wait3A_308] : memref<2x128x256xf32, #tpu.memory_space<vmem>> -> memref<1x128x256xf32, #tpu.memory_space<vmem>>
            %dma_wait3A_310 = tpu.memref_squeeze %dma_wait3A_309 : memref<1x128x256xf32, #tpu.memory_space<vmem>> -> memref<128x256xf32, #tpu.memory_space<vmem>>
            tpu.wait_dma2 semaphore(%dma_wait3A_304 : memref<!tpu.dma_semaphore, #tpu.memory_space<semaphore_mem>>) src(%dma_wait3A_310 : memref<128x256xf32, #tpu.memory_space<vmem>>) dst(%dma_wait3A_306 : memref<128x256xf32, #tpu.memory_space<hbm>>)
            "tpu.trace_stop"() : () -> ()
          } else {
          }
          %and3A_275 = arith.constant true
          %and3A_276 = arith.andi %and3A_271, %and3A_275 : i1
          %add3A_277 = arith.constant 1 : i32
          %add3A_278 = arith.addi %while3A_146, %add3A_277 : i32
          %select_n3A_279 = arith.select %and3A_276, %add3A_278, %while3A_146 : i32
          %ne3A_280 = arith.cmpi ne, %add3A_155, %add3A_173 : i32
          %or3A_281 = arith.constant false
          %or3A_282 = arith.ori %or3A_281, %ne3A_280 : i1
          %or3A_283 = arith.ori %or3A_282, %eq3A_154 : i1
          %add3A_284 = arith.constant 1 : i32
          %add3A_285 = arith.addi %while3A_144, %add3A_284 : i32
          %select_n3A_286 = arith.select %or3A_283, %add3A_285, %while3A_144 : i32
          %add3A_287 = arith.constant 1 : i32
          %add3A_288 = arith.addi %while3A_147, %add3A_287 : i32
          %select_n3A_289 = arith.constant true
          %select_n3A_290 = arith.select %select_n3A_289, %add3A_288, %while3A_147 : i32
          %eq3A_291 = arith.cmpi eq, %select_n3A_290, %select_n3A : i32
          %select_n3A_292 = arith.constant 0 : i32
          %select_n3A_293 = arith.select %eq3A_291, %select_n3A_292, %select_n3A_290 : i32
          scf.yield %select_n3A_195, %select_n3A_286, %select_n3A_252, %select_n3A_279, %select_n3A_293 : i32, i32, i32, i32, i32
        }
        %sub3A_91 = arith.constant 1 : i32
        %sub3A_92 = arith.subi %while3A_90#4, %sub3A_91 : i32
        %select_n3A_93 = arith.constant true
        %select_n3A_94 = arith.select %select_n3A_93, %sub3A_92, %while3A_90#4 : i32
        %eq3A_95 = arith.constant -1 : i32
        %eq3A_96 = arith.cmpi eq, %select_n3A_94, %eq3A_95 : i32
        %sub3A_97 = arith.constant 1 : i32
        %sub3A_98 = arith.subi %select_n3A, %sub3A_97 : i32
        %select_n3A_99 = arith.select %eq3A_96, %sub3A_98, %select_n3A_94 : i32
        %sub3A_100 = arith.constant 1 : i32
        %sub3A_101 = arith.subi %mul3A_16, %sub3A_100 : i32
        %mul3A_102 = arith.constant 1 : i32
        %mul3A_103 = arith.muli %mul3A_102, %select_n3A : i32
        %eq3A_104 = arith.constant 0 : i32
        %eq3A_105 = arith.cmpi eq, %sub3A_101, %eq3A_104 : i32
        %sub3A_106 = arith.constant 1 : i32
        %sub3A_107 = arith.subi %mul3A_103, %sub3A_106 : i32
        %eq3A_108 = arith.cmpi eq, %sub3A_101, %sub3A_107 : i32
        %add3A_109 = arith.addi %select_n3A_99, %select_n3A_14 : i32
        %sub3A_110 = arith.constant 1 : i32
        %sub3A_111 = arith.subi %select_n3A_99, %sub3A_110 : i32
        %select_n3A_112 = arith.constant true
        %select_n3A_113 = arith.select %select_n3A_112, %sub3A_111, %select_n3A_99 : i32
        %eq3A_114 = arith.constant -1 : i32
        %eq3A_115 = arith.cmpi eq, %select_n3A_113, %eq3A_114 : i32
        %sub3A_116 = arith.constant 1 : i32
        %sub3A_117 = arith.subi %select_n3A, %sub3A_116 : i32
        %select_n3A_118 = arith.select %eq3A_115, %sub3A_117, %select_n3A_113 : i32
        %add3A_119 = arith.addi %select_n3A_118, %select_n3A_14 : i32
        %add3A_120 = arith.constant 1 : i32
        %add3A_121 = arith.addi %select_n3A_99, %add3A_120 : i32
        %select_n3A_122 = arith.constant true
        %select_n3A_123 = arith.select %select_n3A_122, %add3A_121, %select_n3A_99 : i32
        %eq3A_124 = arith.cmpi eq, %select_n3A_123, %select_n3A : i32
        %select_n3A_125 = arith.constant 0 : i32
        %select_n3A_126 = arith.select %eq3A_124, %select_n3A_125, %select_n3A_123 : i32
        %add3A_127 = arith.addi %select_n3A_126, %select_n3A_14 : i32
        %add3A_128 = arith.constant 1 : i32
        %add3A_129 = arith.addi %select_n3A_126, %add3A_128 : i32
        %select_n3A_130 = arith.constant true
        %select_n3A_131 = arith.select %select_n3A_130, %add3A_129, %select_n3A_126 : i32
        %eq3A_132 = arith.cmpi eq, %select_n3A_131, %select_n3A : i32
        %select_n3A_133 = arith.constant 0 : i32
        %select_n3A_134 = arith.select %eq3A_132, %select_n3A_133, %select_n3A_131 : i32
        %add3A_135 = arith.addi %select_n3A_134, %select_n3A_14 : i32
        %convert_element_type3A_136 = arith.extui %eq3A_108 : i1 to i32
        %cond3A_137 = arith.constant 0 : i32
        %cond3A_138 = arith.cmpi ne, %convert_element_type3A_136, %cond3A_137 : i32
        scf.if %cond3A_138 {
        } else {
        }
        %convert_element_type3A_139 = arith.extui %eq3A_108 : i1 to i32
        %cond3A_140 = arith.constant 0 : i32
        %cond3A_141 = arith.cmpi ne, %convert_element_type3A_139, %cond3A_140 : i32
        scf.if %cond3A_141 {
          "tpu.trace_start"() <{level = 10 : i32, message = "ep_finalize"}> : () -> ()
          %rem3A_142 = arith.constant 2 : i32
          %rem3A_143 = arith.remui %while3A_90#3, %rem3A_142 : i32
          %mul3A_144 = arith.constant 128 : i32
          %mul3A_145 = arith.muli %mul3A_144, %add3A_109 : i32
          %dma_wait3A = arith.constant 0 : i32
          %dma_wait3A_146 = arith.constant 0 : i32
          %dma_wait3A_147 = tpu.memref_slice %run_scoped3A_18[%rem3A_143, %dma_wait3A, %dma_wait3A_146] : memref<2x128x256xf32, #tpu.memory_space<vmem>> -> memref<1x128x256xf32, #tpu.memory_space<vmem>>
          %dma_wait3A_148 = tpu.memref_squeeze %dma_wait3A_147 : memref<1x128x256xf32, #tpu.memory_space<vmem>> -> memref<128x256xf32, #tpu.memory_space<vmem>>
          %dma_wait3A_149 = arith.constant 0 : i32
          %dma_wait3A_150 = tpu.memref_slice %arg4[%mul3A_145, %dma_wait3A_149] : memref<9216x256xf32, #tpu.memory_space<hbm>> -> memref<128x256xf32, #tpu.memory_space<hbm>>
          %dma_wait3A_151 = tpu.memref_slice %run_scoped3A_19[%rem3A_143] : memref<2x!tpu.dma_semaphore, #tpu.memory_space<semaphore_mem>> -> memref<1x!tpu.dma_semaphore, #tpu.memory_space<semaphore_mem>>
          %dma_wait3A_152 = tpu.memref_squeeze %dma_wait3A_151 : memref<1x!tpu.dma_semaphore, #tpu.memory_space<semaphore_mem>> -> memref<!tpu.dma_semaphore, #tpu.memory_space<semaphore_mem>>
          %dma_wait3A_153 = arith.constant 0 : i32
          %dma_wait3A_154 = tpu.memref_slice %arg4[%mul3A_145, %dma_wait3A_153] : memref<9216x256xf32, #tpu.memory_space<hbm>> -> memref<128x256xf32, #tpu.memory_space<hbm>>
          %dma_wait3A_155 = arith.constant 0 : i32
          %dma_wait3A_156 = arith.constant 0 : i32
          %dma_wait3A_157 = tpu.memref_slice %run_scoped3A_18[%rem3A_143, %dma_wait3A_155, %dma_wait3A_156] : memref<2x128x256xf32, #tpu.memory_space<vmem>> -> memref<1x128x256xf32, #tpu.memory_space<vmem>>
          %dma_wait3A_158 = tpu.memref_squeeze %dma_wait3A_157 : memref<1x128x256xf32, #tpu.memory_space<vmem>> -> memref<128x256xf32, #tpu.memory_space<vmem>>
          tpu.wait_dma2 semaphore(%dma_wait3A_152 : memref<!tpu.dma_semaphore, #tpu.memory_space<semaphore_mem>>) src(%dma_wait3A_158 : memref<128x256xf32, #tpu.memory_space<vmem>>) dst(%dma_wait3A_154 : memref<128x256xf32, #tpu.memory_space<hbm>>)
          "tpu.trace_stop"() : () -> ()
        } else {
        }
      } else {
      }
      tpu.yield
    }) : () -> ()
    return
  }
}

module attributes {stable_mosaic.version = 14 : i64} {
  func.func @_loss_body(%arg0: memref<9216x256xf32, #tpu.memory_space<vmem>>, %arg1: memref<9216x256xf32, #tpu.memory_space<vmem>>, %arg2: memref<1x1xf32, #tpu.memory_space<vmem>>) attributes {dimension_semantics = [], scalar_prefetch = 0 : i64, scratch_operands = 0 : i64, tpu.core_type = #tpu.core_type<tc>} {
    %get3A = arith.constant 0 : index
    %get3A_0 = arith.constant 0 : index
    %get3A_1 = vector.load %arg0[%get3A, %get3A_0] : memref<9216x256xf32, #tpu.memory_space<vmem>>, vector<9216x256xf32>
    %get3A_2 = arith.constant 0 : index
    %get3A_3 = arith.constant 0 : index
    %get3A_4 = vector.load %arg1[%get3A_2, %get3A_3] : memref<9216x256xf32, #tpu.memory_space<vmem>>, vector<9216x256xf32>
    %sub3A = arith.subf %get3A_1, %get3A_4 : vector<9216x256xf32>
    %mul3A = arith.mulf %sub3A, %sub3A : vector<9216x256xf32>
    %reduce_sum3A = vector.shape_cast %mul3A : vector<9216x256xf32> to vector<1x9216x256xf32>
    %reduce_sum3A_5 = arith.constant dense<0.000000e+00> : vector<1xf32>
    %reduce_sum3A_6 = vector.multi_reduction <add>, %reduce_sum3A, %reduce_sum3A_5 [1, 2] : vector<1x9216x256xf32> to vector<1xf32>
    %reduce_sum3A_7 = vector.shape_cast %reduce_sum3A_6 : vector<1xf32> to vector<1x1x1xf32>
    %reduce_sum3A_8 = vector.extract %reduce_sum3A_7[0, 0, 0] : f32 from vector<1x1x1xf32>
    %broadcast_in_dim3A = vector.broadcast %reduce_sum3A_8 : f32 to vector<1x1xf32>
    %swap3A = arith.constant 0 : index
    %swap3A_9 = arith.constant 0 : index
    %swap3A_10 = vector.load %arg2[%swap3A, %swap3A_9] : memref<1x1xf32, #tpu.memory_space<vmem>>, vector<1x1xf32>
    tpu.vector_store %arg2[%swap3A, %swap3A_9], %broadcast_in_dim3A {strides = array<i32>} : memref<1x1xf32, #tpu.memory_space<vmem>>, vector<1x1xf32>,
    return
  }
}

module attributes {stable_mosaic.version = 14 : i64} {
  func.func @_tc_argmin_body(%arg0: i32, %arg1: memref<256x256xf32, #tpu.memory_space<vmem>>, %arg2: memref<128x64x256xf32, #tpu.memory_space<any>>, %arg3: memref<1x8192xf32, #tpu.memory_space<vmem>>, %arg4: memref<256x1xi32, #tpu.memory_space<vmem>>, %arg5: memref<64x128x256xf32, #tpu.memory_space<vmem>>, %arg6: memref<!tpu.dma_semaphore, #tpu.memory_space<semaphore_mem>>) attributes {dimension_semantics = [#tpu.dimension_semantics<arbitrary>], iteration_bounds = array<i64: 36>, scalar_prefetch = 0 : i64, scratch_operands = 2 : i64, tpu.core_type = #tpu.core_type<tc>, window_params = [{transform_indices = @transform_0, window_bounds = array<i64: 256, 256>}, {}, {pipeline_mode = #tpu.pipeline_mode<synchronous>, transform_indices = @transform_2, window_bounds = array<i64: 1, 8192>}, {transform_indices = @transform_3, window_bounds = array<i64: 256, 1>}]} {
    %eq3A = arith.constant 0 : i32
    %eq3A_0 = arith.cmpi eq, %arg0, %eq3A : i32
    %convert_element_type3A = arith.extui %eq3A_0 : i1 to i32
    %cond3A = arith.constant 0 : i32
    %cond3A_1 = arith.cmpi ne, %convert_element_type3A, %cond3A : i32
    scf.if %cond3A_1 {
      %dma_start3A = arith.constant 127 : i32
      %dma_start3A_30 = arith.constant 0 : i32
      %dma_start3A_31 = arith.constant 0 : i32
      %dma_start3A_32 = arith.constant 0 : i32
      %dma_start3A_33 = tpu.memref_slice %arg5[%dma_start3A_31, %dma_start3A_30, %dma_start3A_32] : memref<64x128x256xf32, #tpu.memory_space<vmem>> -> memref<64x1x256xf32, #tpu.memory_space<vmem>>
      %dma_start3A_34 = tpu.memref_squeeze %dma_start3A_33 : memref<64x1x256xf32, #tpu.memory_space<vmem>> -> memref<64x256xf32, #tpu.memory_space<vmem>>
      %dma_start3A_35 = arith.constant 0 : i32
      %dma_start3A_36 = arith.constant 0 : i32
      %dma_start3A_37 = tpu.memref_slice %arg2[%dma_start3A, %dma_start3A_35, %dma_start3A_36] : memref<128x64x256xf32, #tpu.memory_space<any>> -> memref<1x64x256xf32, #tpu.memory_space<any>>
      %dma_start3A_38 = tpu.memref_squeeze %dma_start3A_37 : memref<1x64x256xf32, #tpu.memory_space<any>> -> memref<64x256xf32, #tpu.memory_space<any>>
      tpu.enqueue_dma source(%dma_start3A_38 : memref<64x256xf32, #tpu.memory_space<any>>) target(%dma_start3A_34 : memref<64x256xf32, #tpu.memory_space<vmem>>) target_semaphore(%arg6 : memref<!tpu.dma_semaphore, #tpu.memory_space<semaphore_mem>>)
      %dma_start3A_39 = arith.constant 126 : i32
      %dma_start3A_40 = arith.constant 1 : i32
      %dma_start3A_41 = arith.constant 0 : i32
      %dma_start3A_42 = arith.constant 0 : i32
      %dma_start3A_43 = tpu.memref_slice %arg5[%dma_start3A_41, %dma_start3A_40, %dma_start3A_42] : memref<64x128x256xf32, #tpu.memory_space<vmem>> -> memref<64x1x256xf32, #tpu.memory_space<vmem>>
      %dma_start3A_44 = tpu.memref_squeeze %dma_start3A_43 : memref<64x1x256xf32, #tpu.memory_space<vmem>> -> memref<64x256xf32, #tpu.memory_space<vmem>>
      %dma_start3A_45 = arith.constant 0 : i32
      %dma_start3A_46 = arith.constant 0 : i32
      %dma_start3A_47 = tpu.memref_slice %arg2[%dma_start3A_39, %dma_start3A_45, %dma_start3A_46] : memref<128x64x256xf32, #tpu.memory_space<any>> -> memref<1x64x256xf32, #tpu.memory_space<any>>
      %dma_start3A_48 = tpu.memref_squeeze %dma_start3A_47 : memref<1x64x256xf32, #tpu.memory_space<any>> -> memref<64x256xf32, #tpu.memory_space<any>>
      tpu.enqueue_dma source(%dma_start3A_48 : memref<64x256xf32, #tpu.memory_space<any>>) target(%dma_start3A_44 : memref<64x256xf32, #tpu.memory_space<vmem>>) target_semaphore(%arg6 : memref<!tpu.dma_semaphore, #tpu.memory_space<semaphore_mem>>)
      %dma_start3A_49 = arith.constant 125 : i32
      %dma_start3A_50 = arith.constant 2 : i32
      %dma_start3A_51 = arith.constant 0 : i32
      %dma_start3A_52 = arith.constant 0 : i32
      %dma_start3A_53 = tpu.memref_slice %arg5[%dma_start3A_51, %dma_start3A_50, %dma_start3A_52] : memref<64x128x256xf32, #tpu.memory_space<vmem>> -> memref<64x1x256xf32, #tpu.memory_space<vmem>>
      %dma_start3A_54 = tpu.memref_squeeze %dma_start3A_53 : memref<64x1x256xf32, #tpu.memory_space<vmem>> -> memref<64x256xf32, #tpu.memory_space<vmem>>
      %dma_start3A_55 = arith.constant 0 : i32
      %dma_start3A_56 = arith.constant 0 : i32
      %dma_start3A_57 = tpu.memref_slice %arg2[%dma_start3A_49, %dma_start3A_55, %dma_start3A_56] : memref<128x64x256xf32, #tpu.memory_space<any>> -> memref<1x64x256xf32, #tpu.memory_space<any>>
      %dma_start3A_58 = tpu.memref_squeeze %dma_start3A_57 : memref<1x64x256xf32, #tpu.memory_space<any>> -> memref<64x256xf32, #tpu.memory_space<any>>
      tpu.enqueue_dma source(%dma_start3A_58 : memref<64x256xf32, #tpu.memory_space<any>>) target(%dma_start3A_54 : memref<64x256xf32, #tpu.memory_space<vmem>>) target_semaphore(%arg6 : memref<!tpu.dma_semaphore, #tpu.memory_space<semaphore_mem>>)
      %dma_start3A_59 = arith.constant 124 : i32
      %dma_start3A_60 = arith.constant 3 : i32
      %dma_start3A_61 = arith.constant 0 : i32
      %dma_start3A_62 = arith.constant 0 : i32
      %dma_start3A_63 = tpu.memref_slice %arg5[%dma_start3A_61, %dma_start3A_60, %dma_start3A_62] : memref<64x128x256xf32, #tpu.memory_space<vmem>> -> memref<64x1x256xf32, #tpu.memory_space<vmem>>
      %dma_start3A_64 = tpu.memref_squeeze %dma_start3A_63 : memref<64x1x256xf32, #tpu.memory_space<vmem>> -> memref<64x256xf32, #tpu.memory_space<vmem>>
      %dma_start3A_65 = arith.constant 0 : i32
      %dma_start3A_66 = arith.constant 0 : i32
      %dma_start3A_67 = tpu.memref_slice %arg2[%dma_start3A_59, %dma_start3A_65, %dma_start3A_66] : memref<128x64x256xf32, #tpu.memory_space<any>> -> memref<1x64x256xf32, #tpu.memory_space<any>>
      %dma_start3A_68 = tpu.memref_squeeze %dma_start3A_67 : memref<1x64x256xf32, #tpu.memory_space<any>> -> memref<64x256xf32, #tpu.memory_space<any>>
      tpu.enqueue_dma source(%dma_start3A_68 : memref<64x256xf32, #tpu.memory_space<any>>) target(%dma_start3A_64 : memref<64x256xf32, #tpu.memory_space<vmem>>) target_semaphore(%arg6 : memref<!tpu.dma_semaphore, #tpu.memory_space<semaphore_mem>>)
      %dma_start3A_69 = arith.constant 123 : i32
      %dma_start3A_70 = arith.constant 4 : i32
      %dma_start3A_71 = arith.constant 0 : i32
      %dma_start3A_72 = arith.constant 0 : i32
      %dma_start3A_73 = tpu.memref_slice %arg5[%dma_start3A_71, %dma_start3A_70, %dma_start3A_72] : memref<64x128x256xf32, #tpu.memory_space<vmem>> -> memref<64x1x256xf32, #tpu.memory_space<vmem>>
      %dma_start3A_74 = tpu.memref_squeeze %dma_start3A_73 : memref<64x1x256xf32, #tpu.memory_space<vmem>> -> memref<64x256xf32, #tpu.memory_space<vmem>>
      %dma_start3A_75 = arith.constant 0 : i32
      %dma_start3A_76 = arith.constant 0 : i32
      %dma_start3A_77 = tpu.memref_slice %arg2[%dma_start3A_69, %dma_start3A_75, %dma_start3A_76] : memref<128x64x256xf32, #tpu.memory_space<any>> -> memref<1x64x256xf32, #tpu.memory_space<any>>
      %dma_start3A_78 = tpu.memref_squeeze %dma_start3A_77 : memref<1x64x256xf32, #tpu.memory_space<any>> -> memref<64x256xf32, #tpu.memory_space<any>>
      tpu.enqueue_dma source(%dma_start3A_78 : memref<64x256xf32, #tpu.memory_space<any>>) target(%dma_start3A_74 : memref<64x256xf32, #tpu.memory_space<vmem>>) target_semaphore(%arg6 : memref<!tpu.dma_semaphore, #tpu.memory_space<semaphore_mem>>)
      %dma_start3A_79 = arith.constant 122 : i32
      %dma_start3A_80 = arith.constant 5 : i32
      %dma_start3A_81 = arith.constant 0 : i32
      %dma_start3A_82 = arith.constant 0 : i32
      %dma_start3A_83 = tpu.memref_slice %arg5[%dma_start3A_81, %dma_start3A_80, %dma_start3A_82] : memref<64x128x256xf32, #tpu.memory_space<vmem>> -> memref<64x1x256xf32, #tpu.memory_space<vmem>>
      %dma_start3A_84 = tpu.memref_squeeze %dma_start3A_83 : memref<64x1x256xf32, #tpu.memory_space<vmem>> -> memref<64x256xf32, #tpu.memory_space<vmem>>
      %dma_start3A_85 = arith.constant 0 : i32
      %dma_start3A_86 = arith.constant 0 : i32
      %dma_start3A_87 = tpu.memref_slice %arg2[%dma_start3A_79, %dma_start3A_85, %dma_start3A_86] : memref<128x64x256xf32, #tpu.memory_space<any>> -> memref<1x64x256xf32, #tpu.memory_space<any>>
      %dma_start3A_88 = tpu.memref_squeeze %dma_start3A_87 : memref<1x64x256xf32, #tpu.memory_space<any>> -> memref<64x256xf32, #tpu.memory_space<any>>
      tpu.enqueue_dma source(%dma_start3A_88 : memref<64x256xf32, #tpu.memory_space<any>>) target(%dma_start3A_84 : memref<64x256xf32, #tpu.memory_space<vmem>>) target_semaphore(%arg6 : memref<!tpu.dma_semaphore, #tpu.memory_space<semaphore_mem>>)
      %dma_start3A_89 = arith.constant 121 : i32
      %dma_start3A_90 = arith.constant 6 : i32
      %dma_start3A_91 = arith.constant 0 : i32
      %dma_start3A_92 = arith.constant 0 : i32
      %dma_start3A_93 = tpu.memref_slice %arg5[%dma_start3A_91, %dma_start3A_90, %dma_start3A_92] : memref<64x128x256xf32, #tpu.memory_space<vmem>> -> memref<64x1x256xf32, #tpu.memory_space<vmem>>
      %dma_start3A_94 = tpu.memref_squeeze %dma_start3A_93 : memref<64x1x256xf32, #tpu.memory_space<vmem>> -> memref<64x256xf32, #tpu.memory_space<vmem>>
      %dma_start3A_95 = arith.constant 0 : i32
      %dma_start3A_96 = arith.constant 0 : i32
      %dma_start3A_97 = tpu.memref_slice %arg2[%dma_start3A_89, %dma_start3A_95, %dma_start3A_96] : memref<128x64x256xf32, #tpu.memory_space<any>> -> memref<1x64x256xf32, #tpu.memory_space<any>>
      %dma_start3A_98 = tpu.memref_squeeze %dma_start3A_97 : memref<1x64x256xf32, #tpu.memory_space<any>> -> memref<64x256xf32, #tpu.memory_space<any>>
      tpu.enqueue_dma source(%dma_start3A_98 : memref<64x256xf32, #tpu.memory_space<any>>) target(%dma_start3A_94 : memref<64x256xf32, #tpu.memory_space<vmem>>) target_semaphore(%arg6 : memref<!tpu.dma_semaphore, #tpu.memory_space<semaphore_mem>>)
      %dma_start3A_99 = arith.constant 120 : i32
      %dma_start3A_100 = arith.constant 7 : i32
      %dma_start3A_101 = arith.constant 0 : i32
      %dma_start3A_102 = arith.constant 0 : i32
      %dma_start3A_103 = tpu.memref_slice %arg5[%dma_start3A_101, %dma_start3A_100, %dma_start3A_102] : memref<64x128x256xf32, #tpu.memory_space<vmem>> -> memref<64x1x256xf32, #tpu.memory_space<vmem>>
      %dma_start3A_104 = tpu.memref_squeeze %dma_start3A_103 : memref<64x1x256xf32, #tpu.memory_space<vmem>> -> memref<64x256xf32, #tpu.memory_space<vmem>>
      %dma_start3A_105 = arith.constant 0 : i32
      %dma_start3A_106 = arith.constant 0 : i32
      %dma_start3A_107 = tpu.memref_slice %arg2[%dma_start3A_99, %dma_start3A_105, %dma_start3A_106] : memref<128x64x256xf32, #tpu.memory_space<any>> -> memref<1x64x256xf32, #tpu.memory_space<any>>
      %dma_start3A_108 = tpu.memref_squeeze %dma_start3A_107 : memref<1x64x256xf32, #tpu.memory_space<any>> -> memref<64x256xf32, #tpu.memory_space<any>>
      tpu.enqueue_dma source(%dma_start3A_108 : memref<64x256xf32, #tpu.memory_space<any>>) target(%dma_start3A_104 : memref<64x256xf32, #tpu.memory_space<vmem>>) target_semaphore(%arg6 : memref<!tpu.dma_semaphore, #tpu.memory_space<semaphore_mem>>)
      %dma_start3A_109 = arith.constant 119 : i32
      %dma_start3A_110 = arith.constant 8 : i32
      %dma_start3A_111 = arith.constant 0 : i32
      %dma_start3A_112 = arith.constant 0 : i32
      %dma_start3A_113 = tpu.memref_slice %arg5[%dma_start3A_111, %dma_start3A_110, %dma_start3A_112] : memref<64x128x256xf32, #tpu.memory_space<vmem>> -> memref<64x1x256xf32, #tpu.memory_space<vmem>>
      %dma_start3A_114 = tpu.memref_squeeze %dma_start3A_113 : memref<64x1x256xf32, #tpu.memory_space<vmem>> -> memref<64x256xf32, #tpu.memory_space<vmem>>
      %dma_start3A_115 = arith.constant 0 : i32
      %dma_start3A_116 = arith.constant 0 : i32
      %dma_start3A_117 = tpu.memref_slice %arg2[%dma_start3A_109, %dma_start3A_115, %dma_start3A_116] : memref<128x64x256xf32, #tpu.memory_space<any>> -> memref<1x64x256xf32, #tpu.memory_space<any>>
      %dma_start3A_118 = tpu.memref_squeeze %dma_start3A_117 : memref<1x64x256xf32, #tpu.memory_space<any>> -> memref<64x256xf32, #tpu.memory_space<any>>
      tpu.enqueue_dma source(%dma_start3A_118 : memref<64x256xf32, #tpu.memory_space<any>>) target(%dma_start3A_114 : memref<64x256xf32, #tpu.memory_space<vmem>>) target_semaphore(%arg6 : memref<!tpu.dma_semaphore, #tpu.memory_space<semaphore_mem>>)
      %dma_start3A_119 = arith.constant 118 : i32
      %dma_start3A_120 = arith.constant 9 : i32
      %dma_start3A_121 = arith.constant 0 : i32
      %dma_start3A_122 = arith.constant 0 : i32
      %dma_start3A_123 = tpu.memref_slice %arg5[%dma_start3A_121, %dma_start3A_120, %dma_start3A_122] : memref<64x128x256xf32, #tpu.memory_space<vmem>> -> memref<64x1x256xf32, #tpu.memory_space<vmem>>
      %dma_start3A_124 = tpu.memref_squeeze %dma_start3A_123 : memref<64x1x256xf32, #tpu.memory_space<vmem>> -> memref<64x256xf32, #tpu.memory_space<vmem>>
      %dma_start3A_125 = arith.constant 0 : i32
      %dma_start3A_126 = arith.constant 0 : i32
      %dma_start3A_127 = tpu.memref_slice %arg2[%dma_start3A_119, %dma_start3A_125, %dma_start3A_126] : memref<128x64x256xf32, #tpu.memory_space<any>> -> memref<1x64x256xf32, #tpu.memory_space<any>>
      %dma_start3A_128 = tpu.memref_squeeze %dma_start3A_127 : memref<1x64x256xf32, #tpu.memory_space<any>> -> memref<64x256xf32, #tpu.memory_space<any>>
      tpu.enqueue_dma source(%dma_start3A_128 : memref<64x256xf32, #tpu.memory_space<any>>) target(%dma_start3A_124 : memref<64x256xf32, #tpu.memory_space<vmem>>) target_semaphore(%arg6 : memref<!tpu.dma_semaphore, #tpu.memory_space<semaphore_mem>>)
      %dma_start3A_129 = arith.constant 117 : i32
      %dma_start3A_130 = arith.constant 10 : i32
      %dma_start3A_131 = arith.constant 0 : i32
      %dma_start3A_132 = arith.constant 0 : i32
      %dma_start3A_133 = tpu.memref_slice %arg5[%dma_start3A_131, %dma_start3A_130, %dma_start3A_132] : memref<64x128x256xf32, #tpu.memory_space<vmem>> -> memref<64x1x256xf32, #tpu.memory_space<vmem>>
      %dma_start3A_134 = tpu.memref_squeeze %dma_start3A_133 : memref<64x1x256xf32, #tpu.memory_space<vmem>> -> memref<64x256xf32, #tpu.memory_space<vmem>>
      %dma_start3A_135 = arith.constant 0 : i32
      %dma_start3A_136 = arith.constant 0 : i32
      %dma_start3A_137 = tpu.memref_slice %arg2[%dma_start3A_129, %dma_start3A_135, %dma_start3A_136] : memref<128x64x256xf32, #tpu.memory_space<any>> -> memref<1x64x256xf32, #tpu.memory_space<any>>
      %dma_start3A_138 = tpu.memref_squeeze %dma_start3A_137 : memref<1x64x256xf32, #tpu.memory_space<any>> -> memref<64x256xf32, #tpu.memory_space<any>>
      tpu.enqueue_dma source(%dma_start3A_138 : memref<64x256xf32, #tpu.memory_space<any>>) target(%dma_start3A_134 : memref<64x256xf32, #tpu.memory_space<vmem>>) target_semaphore(%arg6 : memref<!tpu.dma_semaphore, #tpu.memory_space<semaphore_mem>>)
      %dma_start3A_139 = arith.constant 116 : i32
      %dma_start3A_140 = arith.constant 11 : i32
      %dma_start3A_141 = arith.constant 0 : i32
      %dma_start3A_142 = arith.constant 0 : i32
      %dma_start3A_143 = tpu.memref_slice %arg5[%dma_start3A_141, %dma_start3A_140, %dma_start3A_142] : memref<64x128x256xf32, #tpu.memory_space<vmem>> -> memref<64x1x256xf32, #tpu.memory_space<vmem>>
      %dma_start3A_144 = tpu.memref_squeeze %dma_start3A_143 : memref<64x1x256xf32, #tpu.memory_space<vmem>> -> memref<64x256xf32, #tpu.memory_space<vmem>>
      %dma_start3A_145 = arith.constant 0 : i32
      %dma_start3A_146 = arith.constant 0 : i32
      %dma_start3A_147 = tpu.memref_slice %arg2[%dma_start3A_139, %dma_start3A_145, %dma_start3A_146] : memref<128x64x256xf32, #tpu.memory_space<any>> -> memref<1x64x256xf32, #tpu.memory_space<any>>
      %dma_start3A_148 = tpu.memref_squeeze %dma_start3A_147 : memref<1x64x256xf32, #tpu.memory_space<any>> -> memref<64x256xf32, #tpu.memory_space<any>>
      tpu.enqueue_dma source(%dma_start3A_148 : memref<64x256xf32, #tpu.memory_space<any>>) target(%dma_start3A_144 : memref<64x256xf32, #tpu.memory_space<vmem>>) target_semaphore(%arg6 : memref<!tpu.dma_semaphore, #tpu.memory_space<semaphore_mem>>)
      %dma_start3A_149 = arith.constant 115 : i32
      %dma_start3A_150 = arith.constant 12 : i32
      %dma_start3A_151 = arith.constant 0 : i32
      %dma_start3A_152 = arith.constant 0 : i32
      %dma_start3A_153 = tpu.memref_slice %arg5[%dma_start3A_151, %dma_start3A_150, %dma_start3A_152] : memref<64x128x256xf32, #tpu.memory_space<vmem>> -> memref<64x1x256xf32, #tpu.memory_space<vmem>>
      %dma_start3A_154 = tpu.memref_squeeze %dma_start3A_153 : memref<64x1x256xf32, #tpu.memory_space<vmem>> -> memref<64x256xf32, #tpu.memory_space<vmem>>
      %dma_start3A_155 = arith.constant 0 : i32
      %dma_start3A_156 = arith.constant 0 : i32
      %dma_start3A_157 = tpu.memref_slice %arg2[%dma_start3A_149, %dma_start3A_155, %dma_start3A_156] : memref<128x64x256xf32, #tpu.memory_space<any>> -> memref<1x64x256xf32, #tpu.memory_space<any>>
      %dma_start3A_158 = tpu.memref_squeeze %dma_start3A_157 : memref<1x64x256xf32, #tpu.memory_space<any>> -> memref<64x256xf32, #tpu.memory_space<any>>
      tpu.enqueue_dma source(%dma_start3A_158 : memref<64x256xf32, #tpu.memory_space<any>>) target(%dma_start3A_154 : memref<64x256xf32, #tpu.memory_space<vmem>>) target_semaphore(%arg6 : memref<!tpu.dma_semaphore, #tpu.memory_space<semaphore_mem>>)
      %dma_start3A_159 = arith.constant 114 : i32
      %dma_start3A_160 = arith.constant 13 : i32
      %dma_start3A_161 = arith.constant 0 : i32
      %dma_start3A_162 = arith.constant 0 : i32
      %dma_start3A_163 = tpu.memref_slice %arg5[%dma_start3A_161, %dma_start3A_160, %dma_start3A_162] : memref<64x128x256xf32, #tpu.memory_space<vmem>> -> memref<64x1x256xf32, #tpu.memory_space<vmem>>
      %dma_start3A_164 = tpu.memref_squeeze %dma_start3A_163 : memref<64x1x256xf32, #tpu.memory_space<vmem>> -> memref<64x256xf32, #tpu.memory_space<vmem>>
      %dma_start3A_165 = arith.constant 0 : i32
      %dma_start3A_166 = arith.constant 0 : i32
      %dma_start3A_167 = tpu.memref_slice %arg2[%dma_start3A_159, %dma_start3A_165, %dma_start3A_166] : memref<128x64x256xf32, #tpu.memory_space<any>> -> memref<1x64x256xf32, #tpu.memory_space<any>>
      %dma_start3A_168 = tpu.memref_squeeze %dma_start3A_167 : memref<1x64x256xf32, #tpu.memory_space<any>> -> memref<64x256xf32, #tpu.memory_space<any>>
      tpu.enqueue_dma source(%dma_start3A_168 : memref<64x256xf32, #tpu.memory_space<any>>) target(%dma_start3A_164 : memref<64x256xf32, #tpu.memory_space<vmem>>) target_semaphore(%arg6 : memref<!tpu.dma_semaphore, #tpu.memory_space<semaphore_mem>>)
      %dma_start3A_169 = arith.constant 113 : i32
      %dma_start3A_170 = arith.constant 14 : i32
      %dma_start3A_171 = arith.constant 0 : i32
      %dma_start3A_172 = arith.constant 0 : i32
      %dma_start3A_173 = tpu.memref_slice %arg5[%dma_start3A_171, %dma_start3A_170, %dma_start3A_172] : memref<64x128x256xf32, #tpu.memory_space<vmem>> -> memref<64x1x256xf32, #tpu.memory_space<vmem>>
      %dma_start3A_174 = tpu.memref_squeeze %dma_start3A_173 : memref<64x1x256xf32, #tpu.memory_space<vmem>> -> memref<64x256xf32, #tpu.memory_space<vmem>>
      %dma_start3A_175 = arith.constant 0 : i32
      %dma_start3A_176 = arith.constant 0 : i32
      %dma_start3A_177 = tpu.memref_slice %arg2[%dma_start3A_169, %dma_start3A_175, %dma_start3A_176] : memref<128x64x256xf32, #tpu.memory_space<any>> -> memref<1x64x256xf32, #tpu.memory_space<any>>
      %dma_start3A_178 = tpu.memref_squeeze %dma_start3A_177 : memref<1x64x256xf32, #tpu.memory_space<any>> -> memref<64x256xf32, #tpu.memory_space<any>>
      tpu.enqueue_dma source(%dma_start3A_178 : memref<64x256xf32, #tpu.memory_space<any>>) target(%dma_start3A_174 : memref<64x256xf32, #tpu.memory_space<vmem>>) target_semaphore(%arg6 : memref<!tpu.dma_semaphore, #tpu.memory_space<semaphore_mem>>)
      %dma_start3A_179 = arith.constant 112 : i32
      %dma_start3A_180 = arith.constant 15 : i32
      %dma_start3A_181 = arith.constant 0 : i32
      %dma_start3A_182 = arith.constant 0 : i32
      %dma_start3A_183 = tpu.memref_slice %arg5[%dma_start3A_181, %dma_start3A_180, %dma_start3A_182] : memref<64x128x256xf32, #tpu.memory_space<vmem>> -> memref<64x1x256xf32, #tpu.memory_space<vmem>>
      %dma_start3A_184 = tpu.memref_squeeze %dma_start3A_183 : memref<64x1x256xf32, #tpu.memory_space<vmem>> -> memref<64x256xf32, #tpu.memory_space<vmem>>
      %dma_start3A_185 = arith.constant 0 : i32
      %dma_start3A_186 = arith.constant 0 : i32
      %dma_start3A_187 = tpu.memref_slice %arg2[%dma_start3A_179, %dma_start3A_185, %dma_start3A_186] : memref<128x64x256xf32, #tpu.memory_space<any>> -> memref<1x64x256xf32, #tpu.memory_space<any>>
      %dma_start3A_188 = tpu.memref_squeeze %dma_start3A_187 : memref<1x64x256xf32, #tpu.memory_space<any>> -> memref<64x256xf32, #tpu.memory_space<any>>
      tpu.enqueue_dma source(%dma_start3A_188 : memref<64x256xf32, #tpu.memory_space<any>>) target(%dma_start3A_184 : memref<64x256xf32, #tpu.memory_space<vmem>>) target_semaphore(%arg6 : memref<!tpu.dma_semaphore, #tpu.memory_space<semaphore_mem>>)
      %dma_start3A_189 = arith.constant 111 : i32
      %dma_start3A_190 = arith.constant 16 : i32
      %dma_start3A_191 = arith.constant 0 : i32
      %dma_start3A_192 = arith.constant 0 : i32
      %dma_start3A_193 = tpu.memref_slice %arg5[%dma_start3A_191, %dma_start3A_190, %dma_start3A_192] : memref<64x128x256xf32, #tpu.memory_space<vmem>> -> memref<64x1x256xf32, #tpu.memory_space<vmem>>
      %dma_start3A_194 = tpu.memref_squeeze %dma_start3A_193 : memref<64x1x256xf32, #tpu.memory_space<vmem>> -> memref<64x256xf32, #tpu.memory_space<vmem>>
      %dma_start3A_195 = arith.constant 0 : i32
      %dma_start3A_196 = arith.constant 0 : i32
      %dma_start3A_197 = tpu.memref_slice %arg2[%dma_start3A_189, %dma_start3A_195, %dma_start3A_196] : memref<128x64x256xf32, #tpu.memory_space<any>> -> memref<1x64x256xf32, #tpu.memory_space<any>>
      %dma_start3A_198 = tpu.memref_squeeze %dma_start3A_197 : memref<1x64x256xf32, #tpu.memory_space<any>> -> memref<64x256xf32, #tpu.memory_space<any>>
      tpu.enqueue_dma source(%dma_start3A_198 : memref<64x256xf32, #tpu.memory_space<any>>) target(%dma_start3A_194 : memref<64x256xf32, #tpu.memory_space<vmem>>) target_semaphore(%arg6 : memref<!tpu.dma_semaphore, #tpu.memory_space<semaphore_mem>>)
      %dma_start3A_199 = arith.constant 110 : i32
      %dma_start3A_200 = arith.constant 17 : i32
      %dma_start3A_201 = arith.constant 0 : i32
      %dma_start3A_202 = arith.constant 0 : i32
      %dma_start3A_203 = tpu.memref_slice %arg5[%dma_start3A_201, %dma_start3A_200, %dma_start3A_202] : memref<64x128x256xf32, #tpu.memory_space<vmem>> -> memref<64x1x256xf32, #tpu.memory_space<vmem>>
      %dma_start3A_204 = tpu.memref_squeeze %dma_start3A_203 : memref<64x1x256xf32, #tpu.memory_space<vmem>> -> memref<64x256xf32, #tpu.memory_space<vmem>>
      %dma_start3A_205 = arith.constant 0 : i32
      %dma_start3A_206 = arith.constant 0 : i32
      %dma_start3A_207 = tpu.memref_slice %arg2[%dma_start3A_199, %dma_start3A_205, %dma_start3A_206] : memref<128x64x256xf32, #tpu.memory_space<any>> -> memref<1x64x256xf32, #tpu.memory_space<any>>
      %dma_start3A_208 = tpu.memref_squeeze %dma_start3A_207 : memref<1x64x256xf32, #tpu.memory_space<any>> -> memref<64x256xf32, #tpu.memory_space<any>>
      tpu.enqueue_dma source(%dma_start3A_208 : memref<64x256xf32, #tpu.memory_space<any>>) target(%dma_start3A_204 : memref<64x256xf32, #tpu.memory_space<vmem>>) target_semaphore(%arg6 : memref<!tpu.dma_semaphore, #tpu.memory_space<semaphore_mem>>)
      %dma_start3A_209 = arith.constant 109 : i32
      %dma_start3A_210 = arith.constant 18 : i32
      %dma_start3A_211 = arith.constant 0 : i32
      %dma_start3A_212 = arith.constant 0 : i32
      %dma_start3A_213 = tpu.memref_slice %arg5[%dma_start3A_211, %dma_start3A_210, %dma_start3A_212] : memref<64x128x256xf32, #tpu.memory_space<vmem>> -> memref<64x1x256xf32, #tpu.memory_space<vmem>>
      %dma_start3A_214 = tpu.memref_squeeze %dma_start3A_213 : memref<64x1x256xf32, #tpu.memory_space<vmem>> -> memref<64x256xf32, #tpu.memory_space<vmem>>
      %dma_start3A_215 = arith.constant 0 : i32
      %dma_start3A_216 = arith.constant 0 : i32
      %dma_start3A_217 = tpu.memref_slice %arg2[%dma_start3A_209, %dma_start3A_215, %dma_start3A_216] : memref<128x64x256xf32, #tpu.memory_space<any>> -> memref<1x64x256xf32, #tpu.memory_space<any>>
      %dma_start3A_218 = tpu.memref_squeeze %dma_start3A_217 : memref<1x64x256xf32, #tpu.memory_space<any>> -> memref<64x256xf32, #tpu.memory_space<any>>
      tpu.enqueue_dma source(%dma_start3A_218 : memref<64x256xf32, #tpu.memory_space<any>>) target(%dma_start3A_214 : memref<64x256xf32, #tpu.memory_space<vmem>>) target_semaphore(%arg6 : memref<!tpu.dma_semaphore, #tpu.memory_space<semaphore_mem>>)
      %dma_start3A_219 = arith.constant 108 : i32
      %dma_start3A_220 = arith.constant 19 : i32
      %dma_start3A_221 = arith.constant 0 : i32
      %dma_start3A_222 = arith.constant 0 : i32
      %dma_start3A_223 = tpu.memref_slice %arg5[%dma_start3A_221, %dma_start3A_220, %dma_start3A_222] : memref<64x128x256xf32, #tpu.memory_space<vmem>> -> memref<64x1x256xf32, #tpu.memory_space<vmem>>
      %dma_start3A_224 = tpu.memref_squeeze %dma_start3A_223 : memref<64x1x256xf32, #tpu.memory_space<vmem>> -> memref<64x256xf32, #tpu.memory_space<vmem>>
      %dma_start3A_225 = arith.constant 0 : i32
      %dma_start3A_226 = arith.constant 0 : i32
      %dma_start3A_227 = tpu.memref_slice %arg2[%dma_start3A_219, %dma_start3A_225, %dma_start3A_226] : memref<128x64x256xf32, #tpu.memory_space<any>> -> memref<1x64x256xf32, #tpu.memory_space<any>>
      %dma_start3A_228 = tpu.memref_squeeze %dma_start3A_227 : memref<1x64x256xf32, #tpu.memory_space<any>> -> memref<64x256xf32, #tpu.memory_space<any>>
      tpu.enqueue_dma source(%dma_start3A_228 : memref<64x256xf32, #tpu.memory_space<any>>) target(%dma_start3A_224 : memref<64x256xf32, #tpu.memory_space<vmem>>) target_semaphore(%arg6 : memref<!tpu.dma_semaphore, #tpu.memory_space<semaphore_mem>>)
      %dma_start3A_229 = arith.constant 107 : i32
      %dma_start3A_230 = arith.constant 20 : i32
      %dma_start3A_231 = arith.constant 0 : i32
      %dma_start3A_232 = arith.constant 0 : i32
      %dma_start3A_233 = tpu.memref_slice %arg5[%dma_start3A_231, %dma_start3A_230, %dma_start3A_232] : memref<64x128x256xf32, #tpu.memory_space<vmem>> -> memref<64x1x256xf32, #tpu.memory_space<vmem>>
      %dma_start3A_234 = tpu.memref_squeeze %dma_start3A_233 : memref<64x1x256xf32, #tpu.memory_space<vmem>> -> memref<64x256xf32, #tpu.memory_space<vmem>>
      %dma_start3A_235 = arith.constant 0 : i32
      %dma_start3A_236 = arith.constant 0 : i32
      %dma_start3A_237 = tpu.memref_slice %arg2[%dma_start3A_229, %dma_start3A_235, %dma_start3A_236] : memref<128x64x256xf32, #tpu.memory_space<any>> -> memref<1x64x256xf32, #tpu.memory_space<any>>
      %dma_start3A_238 = tpu.memref_squeeze %dma_start3A_237 : memref<1x64x256xf32, #tpu.memory_space<any>> -> memref<64x256xf32, #tpu.memory_space<any>>
      tpu.enqueue_dma source(%dma_start3A_238 : memref<64x256xf32, #tpu.memory_space<any>>) target(%dma_start3A_234 : memref<64x256xf32, #tpu.memory_space<vmem>>) target_semaphore(%arg6 : memref<!tpu.dma_semaphore, #tpu.memory_space<semaphore_mem>>)
      %dma_start3A_239 = arith.constant 106 : i32
      %dma_start3A_240 = arith.constant 21 : i32
      %dma_start3A_241 = arith.constant 0 : i32
      %dma_start3A_242 = arith.constant 0 : i32
      %dma_start3A_243 = tpu.memref_slice %arg5[%dma_start3A_241, %dma_start3A_240, %dma_start3A_242] : memref<64x128x256xf32, #tpu.memory_space<vmem>> -> memref<64x1x256xf32, #tpu.memory_space<vmem>>
      %dma_start3A_244 = tpu.memref_squeeze %dma_start3A_243 : memref<64x1x256xf32, #tpu.memory_space<vmem>> -> memref<64x256xf32, #tpu.memory_space<vmem>>
      %dma_start3A_245 = arith.constant 0 : i32
      %dma_start3A_246 = arith.constant 0 : i32
      %dma_start3A_247 = tpu.memref_slice %arg2[%dma_start3A_239, %dma_start3A_245, %dma_start3A_246] : memref<128x64x256xf32, #tpu.memory_space<any>> -> memref<1x64x256xf32, #tpu.memory_space<any>>
      %dma_start3A_248 = tpu.memref_squeeze %dma_start3A_247 : memref<1x64x256xf32, #tpu.memory_space<any>> -> memref<64x256xf32, #tpu.memory_space<any>>
      tpu.enqueue_dma source(%dma_start3A_248 : memref<64x256xf32, #tpu.memory_space<any>>) target(%dma_start3A_244 : memref<64x256xf32, #tpu.memory_space<vmem>>) target_semaphore(%arg6 : memref<!tpu.dma_semaphore, #tpu.memory_space<semaphore_mem>>)
      %dma_start3A_249 = arith.constant 105 : i32
      %dma_start3A_250 = arith.constant 22 : i32
      %dma_start3A_251 = arith.constant 0 : i32
      %dma_start3A_252 = arith.constant 0 : i32
      %dma_start3A_253 = tpu.memref_slice %arg5[%dma_start3A_251, %dma_start3A_250, %dma_start3A_252] : memref<64x128x256xf32, #tpu.memory_space<vmem>> -> memref<64x1x256xf32, #tpu.memory_space<vmem>>
      %dma_start3A_254 = tpu.memref_squeeze %dma_start3A_253 : memref<64x1x256xf32, #tpu.memory_space<vmem>> -> memref<64x256xf32, #tpu.memory_space<vmem>>
      %dma_start3A_255 = arith.constant 0 : i32
      %dma_start3A_256 = arith.constant 0 : i32
      %dma_start3A_257 = tpu.memref_slice %arg2[%dma_start3A_249, %dma_start3A_255, %dma_start3A_256] : memref<128x64x256xf32, #tpu.memory_space<any>> -> memref<1x64x256xf32, #tpu.memory_space<any>>
      %dma_start3A_258 = tpu.memref_squeeze %dma_start3A_257 : memref<1x64x256xf32, #tpu.memory_space<any>> -> memref<64x256xf32, #tpu.memory_space<any>>
      tpu.enqueue_dma source(%dma_start3A_258 : memref<64x256xf32, #tpu.memory_space<any>>) target(%dma_start3A_254 : memref<64x256xf32, #tpu.memory_space<vmem>>) target_semaphore(%arg6 : memref<!tpu.dma_semaphore, #tpu.memory_space<semaphore_mem>>)
      %dma_start3A_259 = arith.constant 104 : i32
      %dma_start3A_260 = arith.constant 23 : i32
      %dma_start3A_261 = arith.constant 0 : i32
      %dma_start3A_262 = arith.constant 0 : i32
      %dma_start3A_263 = tpu.memref_slice %arg5[%dma_start3A_261, %dma_start3A_260, %dma_start3A_262] : memref<64x128x256xf32, #tpu.memory_space<vmem>> -> memref<64x1x256xf32, #tpu.memory_space<vmem>>
      %dma_start3A_264 = tpu.memref_squeeze %dma_start3A_263 : memref<64x1x256xf32, #tpu.memory_space<vmem>> -> memref<64x256xf32, #tpu.memory_space<vmem>>
      %dma_start3A_265 = arith.constant 0 : i32
      %dma_start3A_266 = arith.constant 0 : i32
      %dma_start3A_267 = tpu.memref_slice %arg2[%dma_start3A_259, %dma_start3A_265, %dma_start3A_266] : memref<128x64x256xf32, #tpu.memory_space<any>> -> memref<1x64x256xf32, #tpu.memory_space<any>>
      %dma_start3A_268 = tpu.memref_squeeze %dma_start3A_267 : memref<1x64x256xf32, #tpu.memory_space<any>> -> memref<64x256xf32, #tpu.memory_space<any>>
      tpu.enqueue_dma source(%dma_start3A_268 : memref<64x256xf32, #tpu.memory_space<any>>) target(%dma_start3A_264 : memref<64x256xf32, #tpu.memory_space<vmem>>) target_semaphore(%arg6 : memref<!tpu.dma_semaphore, #tpu.memory_space<semaphore_mem>>)
      %dma_start3A_269 = arith.constant 103 : i32
      %dma_start3A_270 = arith.constant 24 : i32
      %dma_start3A_271 = arith.constant 0 : i32
      %dma_start3A_272 = arith.constant 0 : i32
      %dma_start3A_273 = tpu.memref_slice %arg5[%dma_start3A_271, %dma_start3A_270, %dma_start3A_272] : memref<64x128x256xf32, #tpu.memory_space<vmem>> -> memref<64x1x256xf32, #tpu.memory_space<vmem>>
      %dma_start3A_274 = tpu.memref_squeeze %dma_start3A_273 : memref<64x1x256xf32, #tpu.memory_space<vmem>> -> memref<64x256xf32, #tpu.memory_space<vmem>>
      %dma_start3A_275 = arith.constant 0 : i32
      %dma_start3A_276 = arith.constant 0 : i32
      %dma_start3A_277 = tpu.memref_slice %arg2[%dma_start3A_269, %dma_start3A_275, %dma_start3A_276] : memref<128x64x256xf32, #tpu.memory_space<any>> -> memref<1x64x256xf32, #tpu.memory_space<any>>
      %dma_start3A_278 = tpu.memref_squeeze %dma_start3A_277 : memref<1x64x256xf32, #tpu.memory_space<any>> -> memref<64x256xf32, #tpu.memory_space<any>>
      tpu.enqueue_dma source(%dma_start3A_278 : memref<64x256xf32, #tpu.memory_space<any>>) target(%dma_start3A_274 : memref<64x256xf32, #tpu.memory_space<vmem>>) target_semaphore(%arg6 : memref<!tpu.dma_semaphore, #tpu.memory_space<semaphore_mem>>)
      %dma_start3A_279 = arith.constant 102 : i32
      %dma_start3A_280 = arith.constant 25 : i32
      %dma_start3A_281 = arith.constant 0 : i32
      %dma_start3A_282 = arith.constant 0 : i32
      %dma_start3A_283 = tpu.memref_slice %arg5[%dma_start3A_281, %dma_start3A_280, %dma_start3A_282] : memref<64x128x256xf32, #tpu.memory_space<vmem>> -> memref<64x1x256xf32, #tpu.memory_space<vmem>>
      %dma_start3A_284 = tpu.memref_squeeze %dma_start3A_283 : memref<64x1x256xf32, #tpu.memory_space<vmem>> -> memref<64x256xf32, #tpu.memory_space<vmem>>
      %dma_start3A_285 = arith.constant 0 : i32
      %dma_start3A_286 = arith.constant 0 : i32
      %dma_start3A_287 = tpu.memref_slice %arg2[%dma_start3A_279, %dma_start3A_285, %dma_start3A_286] : memref<128x64x256xf32, #tpu.memory_space<any>> -> memref<1x64x256xf32, #tpu.memory_space<any>>
      %dma_start3A_288 = tpu.memref_squeeze %dma_start3A_287 : memref<1x64x256xf32, #tpu.memory_space<any>> -> memref<64x256xf32, #tpu.memory_space<any>>
      tpu.enqueue_dma source(%dma_start3A_288 : memref<64x256xf32, #tpu.memory_space<any>>) target(%dma_start3A_284 : memref<64x256xf32, #tpu.memory_space<vmem>>) target_semaphore(%arg6 : memref<!tpu.dma_semaphore, #tpu.memory_space<semaphore_mem>>)
      %dma_start3A_289 = arith.constant 101 : i32
      %dma_start3A_290 = arith.constant 26 : i32
      %dma_start3A_291 = arith.constant 0 : i32
      %dma_start3A_292 = arith.constant 0 : i32
      %dma_start3A_293 = tpu.memref_slice %arg5[%dma_start3A_291, %dma_start3A_290, %dma_start3A_292] : memref<64x128x256xf32, #tpu.memory_space<vmem>> -> memref<64x1x256xf32, #tpu.memory_space<vmem>>
      %dma_start3A_294 = tpu.memref_squeeze %dma_start3A_293 : memref<64x1x256xf32, #tpu.memory_space<vmem>> -> memref<64x256xf32, #tpu.memory_space<vmem>>
      %dma_start3A_295 = arith.constant 0 : i32
      %dma_start3A_296 = arith.constant 0 : i32
      %dma_start3A_297 = tpu.memref_slice %arg2[%dma_start3A_289, %dma_start3A_295, %dma_start3A_296] : memref<128x64x256xf32, #tpu.memory_space<any>> -> memref<1x64x256xf32, #tpu.memory_space<any>>
      %dma_start3A_298 = tpu.memref_squeeze %dma_start3A_297 : memref<1x64x256xf32, #tpu.memory_space<any>> -> memref<64x256xf32, #tpu.memory_space<any>>
      tpu.enqueue_dma source(%dma_start3A_298 : memref<64x256xf32, #tpu.memory_space<any>>) target(%dma_start3A_294 : memref<64x256xf32, #tpu.memory_space<vmem>>) target_semaphore(%arg6 : memref<!tpu.dma_semaphore, #tpu.memory_space<semaphore_mem>>)
      %dma_start3A_299 = arith.constant 100 : i32
      %dma_start3A_300 = arith.constant 27 : i32
      %dma_start3A_301 = arith.constant 0 : i32
      %dma_start3A_302 = arith.constant 0 : i32
      %dma_start3A_303 = tpu.memref_slice %arg5[%dma_start3A_301, %dma_start3A_300, %dma_start3A_302] : memref<64x128x256xf32, #tpu.memory_space<vmem>> -> memref<64x1x256xf32, #tpu.memory_space<vmem>>
      %dma_start3A_304 = tpu.memref_squeeze %dma_start3A_303 : memref<64x1x256xf32, #tpu.memory_space<vmem>> -> memref<64x256xf32, #tpu.memory_space<vmem>>
      %dma_start3A_305 = arith.constant 0 : i32
      %dma_start3A_306 = arith.constant 0 : i32
      %dma_start3A_307 = tpu.memref_slice %arg2[%dma_start3A_299, %dma_start3A_305, %dma_start3A_306] : memref<128x64x256xf32, #tpu.memory_space<any>> -> memref<1x64x256xf32, #tpu.memory_space<any>>
      %dma_start3A_308 = tpu.memref_squeeze %dma_start3A_307 : memref<1x64x256xf32, #tpu.memory_space<any>> -> memref<64x256xf32, #tpu.memory_space<any>>
      tpu.enqueue_dma source(%dma_start3A_308 : memref<64x256xf32, #tpu.memory_space<any>>) target(%dma_start3A_304 : memref<64x256xf32, #tpu.memory_space<vmem>>) target_semaphore(%arg6 : memref<!tpu.dma_semaphore, #tpu.memory_space<semaphore_mem>>)
      %dma_start3A_309 = arith.constant 99 : i32
      %dma_start3A_310 = arith.constant 28 : i32
      %dma_start3A_311 = arith.constant 0 : i32
      %dma_start3A_312 = arith.constant 0 : i32
      %dma_start3A_313 = tpu.memref_slice %arg5[%dma_start3A_311, %dma_start3A_310, %dma_start3A_312] : memref<64x128x256xf32, #tpu.memory_space<vmem>> -> memref<64x1x256xf32, #tpu.memory_space<vmem>>
      %dma_start3A_314 = tpu.memref_squeeze %dma_start3A_313 : memref<64x1x256xf32, #tpu.memory_space<vmem>> -> memref<64x256xf32, #tpu.memory_space<vmem>>
      %dma_start3A_315 = arith.constant 0 : i32
      %dma_start3A_316 = arith.constant 0 : i32
      %dma_start3A_317 = tpu.memref_slice %arg2[%dma_start3A_309, %dma_start3A_315, %dma_start3A_316] : memref<128x64x256xf32, #tpu.memory_space<any>> -> memref<1x64x256xf32, #tpu.memory_space<any>>
      %dma_start3A_318 = tpu.memref_squeeze %dma_start3A_317 : memref<1x64x256xf32, #tpu.memory_space<any>> -> memref<64x256xf32, #tpu.memory_space<any>>
      tpu.enqueue_dma source(%dma_start3A_318 : memref<64x256xf32, #tpu.memory_space<any>>) target(%dma_start3A_314 : memref<64x256xf32, #tpu.memory_space<vmem>>) target_semaphore(%arg6 : memref<!tpu.dma_semaphore, #tpu.memory_space<semaphore_mem>>)
      %dma_start3A_319 = arith.constant 98 : i32
      %dma_start3A_320 = arith.constant 29 : i32
      %dma_start3A_321 = arith.constant 0 : i32
      %dma_start3A_322 = arith.constant 0 : i32
      %dma_start3A_323 = tpu.memref_slice %arg5[%dma_start3A_321, %dma_start3A_320, %dma_start3A_322] : memref<64x128x256xf32, #tpu.memory_space<vmem>> -> memref<64x1x256xf32, #tpu.memory_space<vmem>>
      %dma_start3A_324 = tpu.memref_squeeze %dma_start3A_323 : memref<64x1x256xf32, #tpu.memory_space<vmem>> -> memref<64x256xf32, #tpu.memory_space<vmem>>
      %dma_start3A_325 = arith.constant 0 : i32
      %dma_start3A_326 = arith.constant 0 : i32
      %dma_start3A_327 = tpu.memref_slice %arg2[%dma_start3A_319, %dma_start3A_325, %dma_start3A_326] : memref<128x64x256xf32, #tpu.memory_space<any>> -> memref<1x64x256xf32, #tpu.memory_space<any>>
      %dma_start3A_328 = tpu.memref_squeeze %dma_start3A_327 : memref<1x64x256xf32, #tpu.memory_space<any>> -> memref<64x256xf32, #tpu.memory_space<any>>
      tpu.enqueue_dma source(%dma_start3A_328 : memref<64x256xf32, #tpu.memory_space<any>>) target(%dma_start3A_324 : memref<64x256xf32, #tpu.memory_space<vmem>>) target_semaphore(%arg6 : memref<!tpu.dma_semaphore, #tpu.memory_space<semaphore_mem>>)
      %dma_start3A_329 = arith.constant 97 : i32
      %dma_start3A_330 = arith.constant 30 : i32
      %dma_start3A_331 = arith.constant 0 : i32
      %dma_start3A_332 = arith.constant 0 : i32
      %dma_start3A_333 = tpu.memref_slice %arg5[%dma_start3A_331, %dma_start3A_330, %dma_start3A_332] : memref<64x128x256xf32, #tpu.memory_space<vmem>> -> memref<64x1x256xf32, #tpu.memory_space<vmem>>
      %dma_start3A_334 = tpu.memref_squeeze %dma_start3A_333 : memref<64x1x256xf32, #tpu.memory_space<vmem>> -> memref<64x256xf32, #tpu.memory_space<vmem>>
      %dma_start3A_335 = arith.constant 0 : i32
      %dma_start3A_336 = arith.constant 0 : i32
      %dma_start3A_337 = tpu.memref_slice %arg2[%dma_start3A_329, %dma_start3A_335, %dma_start3A_336] : memref<128x64x256xf32, #tpu.memory_space<any>> -> memref<1x64x256xf32, #tpu.memory_space<any>>
      %dma_start3A_338 = tpu.memref_squeeze %dma_start3A_337 : memref<1x64x256xf32, #tpu.memory_space<any>> -> memref<64x256xf32, #tpu.memory_space<any>>
      tpu.enqueue_dma source(%dma_start3A_338 : memref<64x256xf32, #tpu.memory_space<any>>) target(%dma_start3A_334 : memref<64x256xf32, #tpu.memory_space<vmem>>) target_semaphore(%arg6 : memref<!tpu.dma_semaphore, #tpu.memory_space<semaphore_mem>>)
      %dma_start3A_339 = arith.constant 96 : i32
      %dma_start3A_340 = arith.constant 31 : i32
      %dma_start3A_341 = arith.constant 0 : i32
      %dma_start3A_342 = arith.constant 0 : i32
      %dma_start3A_343 = tpu.memref_slice %arg5[%dma_start3A_341, %dma_start3A_340, %dma_start3A_342] : memref<64x128x256xf32, #tpu.memory_space<vmem>> -> memref<64x1x256xf32, #tpu.memory_space<vmem>>
      %dma_start3A_344 = tpu.memref_squeeze %dma_start3A_343 : memref<64x1x256xf32, #tpu.memory_space<vmem>> -> memref<64x256xf32, #tpu.memory_space<vmem>>
      %dma_start3A_345 = arith.constant 0 : i32
      %dma_start3A_346 = arith.constant 0 : i32
      %dma_start3A_347 = tpu.memref_slice %arg2[%dma_start3A_339, %dma_start3A_345, %dma_start3A_346] : memref<128x64x256xf32, #tpu.memory_space<any>> -> memref<1x64x256xf32, #tpu.memory_space<any>>
      %dma_start3A_348 = tpu.memref_squeeze %dma_start3A_347 : memref<1x64x256xf32, #tpu.memory_space<any>> -> memref<64x256xf32, #tpu.memory_space<any>>
      tpu.enqueue_dma source(%dma_start3A_348 : memref<64x256xf32, #tpu.memory_space<any>>) target(%dma_start3A_344 : memref<64x256xf32, #tpu.memory_space<vmem>>) target_semaphore(%arg6 : memref<!tpu.dma_semaphore, #tpu.memory_space<semaphore_mem>>)
      %dma_start3A_349 = arith.constant 95 : i32
      %dma_start3A_350 = arith.constant 32 : i32
      %dma_start3A_351 = arith.constant 0 : i32
      %dma_start3A_352 = arith.constant 0 : i32
      %dma_start3A_353 = tpu.memref_slice %arg5[%dma_start3A_351, %dma_start3A_350, %dma_start3A_352] : memref<64x128x256xf32, #tpu.memory_space<vmem>> -> memref<64x1x256xf32, #tpu.memory_space<vmem>>
      %dma_start3A_354 = tpu.memref_squeeze %dma_start3A_353 : memref<64x1x256xf32, #tpu.memory_space<vmem>> -> memref<64x256xf32, #tpu.memory_space<vmem>>
      %dma_start3A_355 = arith.constant 0 : i32
      %dma_start3A_356 = arith.constant 0 : i32
      %dma_start3A_357 = tpu.memref_slice %arg2[%dma_start3A_349, %dma_start3A_355, %dma_start3A_356] : memref<128x64x256xf32, #tpu.memory_space<any>> -> memref<1x64x256xf32, #tpu.memory_space<any>>
      %dma_start3A_358 = tpu.memref_squeeze %dma_start3A_357 : memref<1x64x256xf32, #tpu.memory_space<any>> -> memref<64x256xf32, #tpu.memory_space<any>>
      tpu.enqueue_dma source(%dma_start3A_358 : memref<64x256xf32, #tpu.memory_space<any>>) target(%dma_start3A_354 : memref<64x256xf32, #tpu.memory_space<vmem>>) target_semaphore(%arg6 : memref<!tpu.dma_semaphore, #tpu.memory_space<semaphore_mem>>)
      %dma_start3A_359 = arith.constant 94 : i32
      %dma_start3A_360 = arith.constant 33 : i32
      %dma_start3A_361 = arith.constant 0 : i32
      %dma_start3A_362 = arith.constant 0 : i32
      %dma_start3A_363 = tpu.memref_slice %arg5[%dma_start3A_361, %dma_start3A_360, %dma_start3A_362] : memref<64x128x256xf32, #tpu.memory_space<vmem>> -> memref<64x1x256xf32, #tpu.memory_space<vmem>>
      %dma_start3A_364 = tpu.memref_squeeze %dma_start3A_363 : memref<64x1x256xf32, #tpu.memory_space<vmem>> -> memref<64x256xf32, #tpu.memory_space<vmem>>
      %dma_start3A_365 = arith.constant 0 : i32
      %dma_start3A_366 = arith.constant 0 : i32
      %dma_start3A_367 = tpu.memref_slice %arg2[%dma_start3A_359, %dma_start3A_365, %dma_start3A_366] : memref<128x64x256xf32, #tpu.memory_space<any>> -> memref<1x64x256xf32, #tpu.memory_space<any>>
      %dma_start3A_368 = tpu.memref_squeeze %dma_start3A_367 : memref<1x64x256xf32, #tpu.memory_space<any>> -> memref<64x256xf32, #tpu.memory_space<any>>
      tpu.enqueue_dma source(%dma_start3A_368 : memref<64x256xf32, #tpu.memory_space<any>>) target(%dma_start3A_364 : memref<64x256xf32, #tpu.memory_space<vmem>>) target_semaphore(%arg6 : memref<!tpu.dma_semaphore, #tpu.memory_space<semaphore_mem>>)
      %dma_start3A_369 = arith.constant 93 : i32
      %dma_start3A_370 = arith.constant 34 : i32
      %dma_start3A_371 = arith.constant 0 : i32
      %dma_start3A_372 = arith.constant 0 : i32
      %dma_start3A_373 = tpu.memref_slice %arg5[%dma_start3A_371, %dma_start3A_370, %dma_start3A_372] : memref<64x128x256xf32, #tpu.memory_space<vmem>> -> memref<64x1x256xf32, #tpu.memory_space<vmem>>
      %dma_start3A_374 = tpu.memref_squeeze %dma_start3A_373 : memref<64x1x256xf32, #tpu.memory_space<vmem>> -> memref<64x256xf32, #tpu.memory_space<vmem>>
      %dma_start3A_375 = arith.constant 0 : i32
      %dma_start3A_376 = arith.constant 0 : i32
      %dma_start3A_377 = tpu.memref_slice %arg2[%dma_start3A_369, %dma_start3A_375, %dma_start3A_376] : memref<128x64x256xf32, #tpu.memory_space<any>> -> memref<1x64x256xf32, #tpu.memory_space<any>>
      %dma_start3A_378 = tpu.memref_squeeze %dma_start3A_377 : memref<1x64x256xf32, #tpu.memory_space<any>> -> memref<64x256xf32, #tpu.memory_space<any>>
      tpu.enqueue_dma source(%dma_start3A_378 : memref<64x256xf32, #tpu.memory_space<any>>) target(%dma_start3A_374 : memref<64x256xf32, #tpu.memory_space<vmem>>) target_semaphore(%arg6 : memref<!tpu.dma_semaphore, #tpu.memory_space<semaphore_mem>>)
      %dma_start3A_379 = arith.constant 92 : i32
      %dma_start3A_380 = arith.constant 35 : i32
      %dma_start3A_381 = arith.constant 0 : i32
      %dma_start3A_382 = arith.constant 0 : i32
      %dma_start3A_383 = tpu.memref_slice %arg5[%dma_start3A_381, %dma_start3A_380, %dma_start3A_382] : memref<64x128x256xf32, #tpu.memory_space<vmem>> -> memref<64x1x256xf32, #tpu.memory_space<vmem>>
      %dma_start3A_384 = tpu.memref_squeeze %dma_start3A_383 : memref<64x1x256xf32, #tpu.memory_space<vmem>> -> memref<64x256xf32, #tpu.memory_space<vmem>>
      %dma_start3A_385 = arith.constant 0 : i32
      %dma_start3A_386 = arith.constant 0 : i32
      %dma_start3A_387 = tpu.memref_slice %arg2[%dma_start3A_379, %dma_start3A_385, %dma_start3A_386] : memref<128x64x256xf32, #tpu.memory_space<any>> -> memref<1x64x256xf32, #tpu.memory_space<any>>
      %dma_start3A_388 = tpu.memref_squeeze %dma_start3A_387 : memref<1x64x256xf32, #tpu.memory_space<any>> -> memref<64x256xf32, #tpu.memory_space<any>>
      tpu.enqueue_dma source(%dma_start3A_388 : memref<64x256xf32, #tpu.memory_space<any>>) target(%dma_start3A_384 : memref<64x256xf32, #tpu.memory_space<vmem>>) target_semaphore(%arg6 : memref<!tpu.dma_semaphore, #tpu.memory_space<semaphore_mem>>)
      %dma_start3A_389 = arith.constant 91 : i32
      %dma_start3A_390 = arith.constant 36 : i32
      %dma_start3A_391 = arith.constant 0 : i32
      %dma_start3A_392 = arith.constant 0 : i32
      %dma_start3A_393 = tpu.memref_slice %arg5[%dma_start3A_391, %dma_start3A_390, %dma_start3A_392] : memref<64x128x256xf32, #tpu.memory_space<vmem>> -> memref<64x1x256xf32, #tpu.memory_space<vmem>>
      %dma_start3A_394 = tpu.memref_squeeze %dma_start3A_393 : memref<64x1x256xf32, #tpu.memory_space<vmem>> -> memref<64x256xf32, #tpu.memory_space<vmem>>
      %dma_start3A_395 = arith.constant 0 : i32
      %dma_start3A_396 = arith.constant 0 : i32
      %dma_start3A_397 = tpu.memref_slice %arg2[%dma_start3A_389, %dma_start3A_395, %dma_start3A_396] : memref<128x64x256xf32, #tpu.memory_space<any>> -> memref<1x64x256xf32, #tpu.memory_space<any>>
      %dma_start3A_398 = tpu.memref_squeeze %dma_start3A_397 : memref<1x64x256xf32, #tpu.memory_space<any>> -> memref<64x256xf32, #tpu.memory_space<any>>
      tpu.enqueue_dma source(%dma_start3A_398 : memref<64x256xf32, #tpu.memory_space<any>>) target(%dma_start3A_394 : memref<64x256xf32, #tpu.memory_space<vmem>>) target_semaphore(%arg6 : memref<!tpu.dma_semaphore, #tpu.memory_space<semaphore_mem>>)
      %dma_start3A_399 = arith.constant 90 : i32
      %dma_start3A_400 = arith.constant 37 : i32
      %dma_start3A_401 = arith.constant 0 : i32
      %dma_start3A_402 = arith.constant 0 : i32
      %dma_start3A_403 = tpu.memref_slice %arg5[%dma_start3A_401, %dma_start3A_400, %dma_start3A_402] : memref<64x128x256xf32, #tpu.memory_space<vmem>> -> memref<64x1x256xf32, #tpu.memory_space<vmem>>
      %dma_start3A_404 = tpu.memref_squeeze %dma_start3A_403 : memref<64x1x256xf32, #tpu.memory_space<vmem>> -> memref<64x256xf32, #tpu.memory_space<vmem>>
      %dma_start3A_405 = arith.constant 0 : i32
      %dma_start3A_406 = arith.constant 0 : i32
      %dma_start3A_407 = tpu.memref_slice %arg2[%dma_start3A_399, %dma_start3A_405, %dma_start3A_406] : memref<128x64x256xf32, #tpu.memory_space<any>> -> memref<1x64x256xf32, #tpu.memory_space<any>>
      %dma_start3A_408 = tpu.memref_squeeze %dma_start3A_407 : memref<1x64x256xf32, #tpu.memory_space<any>> -> memref<64x256xf32, #tpu.memory_space<any>>
      tpu.enqueue_dma source(%dma_start3A_408 : memref<64x256xf32, #tpu.memory_space<any>>) target(%dma_start3A_404 : memref<64x256xf32, #tpu.memory_space<vmem>>) target_semaphore(%arg6 : memref<!tpu.dma_semaphore, #tpu.memory_space<semaphore_mem>>)
      %dma_start3A_409 = arith.constant 89 : i32
      %dma_start3A_410 = arith.constant 38 : i32
      %dma_start3A_411 = arith.constant 0 : i32
      %dma_start3A_412 = arith.constant 0 : i32
      %dma_start3A_413 = tpu.memref_slice %arg5[%dma_start3A_411, %dma_start3A_410, %dma_start3A_412] : memref<64x128x256xf32, #tpu.memory_space<vmem>> -> memref<64x1x256xf32, #tpu.memory_space<vmem>>
      %dma_start3A_414 = tpu.memref_squeeze %dma_start3A_413 : memref<64x1x256xf32, #tpu.memory_space<vmem>> -> memref<64x256xf32, #tpu.memory_space<vmem>>
      %dma_start3A_415 = arith.constant 0 : i32
      %dma_start3A_416 = arith.constant 0 : i32
      %dma_start3A_417 = tpu.memref_slice %arg2[%dma_start3A_409, %dma_start3A_415, %dma_start3A_416] : memref<128x64x256xf32, #tpu.memory_space<any>> -> memref<1x64x256xf32, #tpu.memory_space<any>>
      %dma_start3A_418 = tpu.memref_squeeze %dma_start3A_417 : memref<1x64x256xf32, #tpu.memory_space<any>> -> memref<64x256xf32, #tpu.memory_space<any>>
      tpu.enqueue_dma source(%dma_start3A_418 : memref<64x256xf32, #tpu.memory_space<any>>) target(%dma_start3A_414 : memref<64x256xf32, #tpu.memory_space<vmem>>) target_semaphore(%arg6 : memref<!tpu.dma_semaphore, #tpu.memory_space<semaphore_mem>>)
      %dma_start3A_419 = arith.constant 88 : i32
      %dma_start3A_420 = arith.constant 39 : i32
      %dma_start3A_421 = arith.constant 0 : i32
      %dma_start3A_422 = arith.constant 0 : i32
      %dma_start3A_423 = tpu.memref_slice %arg5[%dma_start3A_421, %dma_start3A_420, %dma_start3A_422] : memref<64x128x256xf32, #tpu.memory_space<vmem>> -> memref<64x1x256xf32, #tpu.memory_space<vmem>>
      %dma_start3A_424 = tpu.memref_squeeze %dma_start3A_423 : memref<64x1x256xf32, #tpu.memory_space<vmem>> -> memref<64x256xf32, #tpu.memory_space<vmem>>
      %dma_start3A_425 = arith.constant 0 : i32
      %dma_start3A_426 = arith.constant 0 : i32
      %dma_start3A_427 = tpu.memref_slice %arg2[%dma_start3A_419, %dma_start3A_425, %dma_start3A_426] : memref<128x64x256xf32, #tpu.memory_space<any>> -> memref<1x64x256xf32, #tpu.memory_space<any>>
      %dma_start3A_428 = tpu.memref_squeeze %dma_start3A_427 : memref<1x64x256xf32, #tpu.memory_space<any>> -> memref<64x256xf32, #tpu.memory_space<any>>
      tpu.enqueue_dma source(%dma_start3A_428 : memref<64x256xf32, #tpu.memory_space<any>>) target(%dma_start3A_424 : memref<64x256xf32, #tpu.memory_space<vmem>>) target_semaphore(%arg6 : memref<!tpu.dma_semaphore, #tpu.memory_space<semaphore_mem>>)
      %dma_start3A_429 = arith.constant 87 : i32
      %dma_start3A_430 = arith.constant 40 : i32
      %dma_start3A_431 = arith.constant 0 : i32
      %dma_start3A_432 = arith.constant 0 : i32
      %dma_start3A_433 = tpu.memref_slice %arg5[%dma_start3A_431, %dma_start3A_430, %dma_start3A_432] : memref<64x128x256xf32, #tpu.memory_space<vmem>> -> memref<64x1x256xf32, #tpu.memory_space<vmem>>
      %dma_start3A_434 = tpu.memref_squeeze %dma_start3A_433 : memref<64x1x256xf32, #tpu.memory_space<vmem>> -> memref<64x256xf32, #tpu.memory_space<vmem>>
      %dma_start3A_435 = arith.constant 0 : i32
      %dma_start3A_436 = arith.constant 0 : i32
      %dma_start3A_437 = tpu.memref_slice %arg2[%dma_start3A_429, %dma_start3A_435, %dma_start3A_436] : memref<128x64x256xf32, #tpu.memory_space<any>> -> memref<1x64x256xf32, #tpu.memory_space<any>>
      %dma_start3A_438 = tpu.memref_squeeze %dma_start3A_437 : memref<1x64x256xf32, #tpu.memory_space<any>> -> memref<64x256xf32, #tpu.memory_space<any>>
      tpu.enqueue_dma source(%dma_start3A_438 : memref<64x256xf32, #tpu.memory_space<any>>) target(%dma_start3A_434 : memref<64x256xf32, #tpu.memory_space<vmem>>) target_semaphore(%arg6 : memref<!tpu.dma_semaphore, #tpu.memory_space<semaphore_mem>>)
      %dma_start3A_439 = arith.constant 86 : i32
      %dma_start3A_440 = arith.constant 41 : i32
      %dma_start3A_441 = arith.constant 0 : i32
      %dma_start3A_442 = arith.constant 0 : i32
      %dma_start3A_443 = tpu.memref_slice %arg5[%dma_start3A_441, %dma_start3A_440, %dma_start3A_442] : memref<64x128x256xf32, #tpu.memory_space<vmem>> -> memref<64x1x256xf32, #tpu.memory_space<vmem>>
      %dma_start3A_444 = tpu.memref_squeeze %dma_start3A_443 : memref<64x1x256xf32, #tpu.memory_space<vmem>> -> memref<64x256xf32, #tpu.memory_space<vmem>>
      %dma_start3A_445 = arith.constant 0 : i32
      %dma_start3A_446 = arith.constant 0 : i32
      %dma_start3A_447 = tpu.memref_slice %arg2[%dma_start3A_439, %dma_start3A_445, %dma_start3A_446] : memref<128x64x256xf32, #tpu.memory_space<any>> -> memref<1x64x256xf32, #tpu.memory_space<any>>
      %dma_start3A_448 = tpu.memref_squeeze %dma_start3A_447 : memref<1x64x256xf32, #tpu.memory_space<any>> -> memref<64x256xf32, #tpu.memory_space<any>>
      tpu.enqueue_dma source(%dma_start3A_448 : memref<64x256xf32, #tpu.memory_space<any>>) target(%dma_start3A_444 : memref<64x256xf32, #tpu.memory_space<vmem>>) target_semaphore(%arg6 : memref<!tpu.dma_semaphore, #tpu.memory_space<semaphore_mem>>)
      %dma_start3A_449 = arith.constant 85 : i32
      %dma_start3A_450 = arith.constant 42 : i32
      %dma_start3A_451 = arith.constant 0 : i32
      %dma_start3A_452 = arith.constant 0 : i32
      %dma_start3A_453 = tpu.memref_slice %arg5[%dma_start3A_451, %dma_start3A_450, %dma_start3A_452] : memref<64x128x256xf32, #tpu.memory_space<vmem>> -> memref<64x1x256xf32, #tpu.memory_space<vmem>>
      %dma_start3A_454 = tpu.memref_squeeze %dma_start3A_453 : memref<64x1x256xf32, #tpu.memory_space<vmem>> -> memref<64x256xf32, #tpu.memory_space<vmem>>
      %dma_start3A_455 = arith.constant 0 : i32
      %dma_start3A_456 = arith.constant 0 : i32
      %dma_start3A_457 = tpu.memref_slice %arg2[%dma_start3A_449, %dma_start3A_455, %dma_start3A_456] : memref<128x64x256xf32, #tpu.memory_space<any>> -> memref<1x64x256xf32, #tpu.memory_space<any>>
      %dma_start3A_458 = tpu.memref_squeeze %dma_start3A_457 : memref<1x64x256xf32, #tpu.memory_space<any>> -> memref<64x256xf32, #tpu.memory_space<any>>
      tpu.enqueue_dma source(%dma_start3A_458 : memref<64x256xf32, #tpu.memory_space<any>>) target(%dma_start3A_454 : memref<64x256xf32, #tpu.memory_space<vmem>>) target_semaphore(%arg6 : memref<!tpu.dma_semaphore, #tpu.memory_space<semaphore_mem>>)
      %dma_start3A_459 = arith.constant 84 : i32
      %dma_start3A_460 = arith.constant 43 : i32
      %dma_start3A_461 = arith.constant 0 : i32
      %dma_start3A_462 = arith.constant 0 : i32
      %dma_start3A_463 = tpu.memref_slice %arg5[%dma_start3A_461, %dma_start3A_460, %dma_start3A_462] : memref<64x128x256xf32, #tpu.memory_space<vmem>> -> memref<64x1x256xf32, #tpu.memory_space<vmem>>
      %dma_start3A_464 = tpu.memref_squeeze %dma_start3A_463 : memref<64x1x256xf32, #tpu.memory_space<vmem>> -> memref<64x256xf32, #tpu.memory_space<vmem>>
      %dma_start3A_465 = arith.constant 0 : i32
      %dma_start3A_466 = arith.constant 0 : i32
      %dma_start3A_467 = tpu.memref_slice %arg2[%dma_start3A_459, %dma_start3A_465, %dma_start3A_466] : memref<128x64x256xf32, #tpu.memory_space<any>> -> memref<1x64x256xf32, #tpu.memory_space<any>>
      %dma_start3A_468 = tpu.memref_squeeze %dma_start3A_467 : memref<1x64x256xf32, #tpu.memory_space<any>> -> memref<64x256xf32, #tpu.memory_space<any>>
      tpu.enqueue_dma source(%dma_start3A_468 : memref<64x256xf32, #tpu.memory_space<any>>) target(%dma_start3A_464 : memref<64x256xf32, #tpu.memory_space<vmem>>) target_semaphore(%arg6 : memref<!tpu.dma_semaphore, #tpu.memory_space<semaphore_mem>>)
      %dma_start3A_469 = arith.constant 83 : i32
      %dma_start3A_470 = arith.constant 44 : i32
      %dma_start3A_471 = arith.constant 0 : i32
      %dma_start3A_472 = arith.constant 0 : i32
      %dma_start3A_473 = tpu.memref_slice %arg5[%dma_start3A_471, %dma_start3A_470, %dma_start3A_472] : memref<64x128x256xf32, #tpu.memory_space<vmem>> -> memref<64x1x256xf32, #tpu.memory_space<vmem>>
      %dma_start3A_474 = tpu.memref_squeeze %dma_start3A_473 : memref<64x1x256xf32, #tpu.memory_space<vmem>> -> memref<64x256xf32, #tpu.memory_space<vmem>>
      %dma_start3A_475 = arith.constant 0 : i32
      %dma_start3A_476 = arith.constant 0 : i32
      %dma_start3A_477 = tpu.memref_slice %arg2[%dma_start3A_469, %dma_start3A_475, %dma_start3A_476] : memref<128x64x256xf32, #tpu.memory_space<any>> -> memref<1x64x256xf32, #tpu.memory_space<any>>
      %dma_start3A_478 = tpu.memref_squeeze %dma_start3A_477 : memref<1x64x256xf32, #tpu.memory_space<any>> -> memref<64x256xf32, #tpu.memory_space<any>>
      tpu.enqueue_dma source(%dma_start3A_478 : memref<64x256xf32, #tpu.memory_space<any>>) target(%dma_start3A_474 : memref<64x256xf32, #tpu.memory_space<vmem>>) target_semaphore(%arg6 : memref<!tpu.dma_semaphore, #tpu.memory_space<semaphore_mem>>)
      %dma_start3A_479 = arith.constant 82 : i32
      %dma_start3A_480 = arith.constant 45 : i32
      %dma_start3A_481 = arith.constant 0 : i32
      %dma_start3A_482 = arith.constant 0 : i32
      %dma_start3A_483 = tpu.memref_slice %arg5[%dma_start3A_481, %dma_start3A_480, %dma_start3A_482] : memref<64x128x256xf32, #tpu.memory_space<vmem>> -> memref<64x1x256xf32, #tpu.memory_space<vmem>>
      %dma_start3A_484 = tpu.memref_squeeze %dma_start3A_483 : memref<64x1x256xf32, #tpu.memory_space<vmem>> -> memref<64x256xf32, #tpu.memory_space<vmem>>
      %dma_start3A_485 = arith.constant 0 : i32
      %dma_start3A_486 = arith.constant 0 : i32
      %dma_start3A_487 = tpu.memref_slice %arg2[%dma_start3A_479, %dma_start3A_485, %dma_start3A_486] : memref<128x64x256xf32, #tpu.memory_space<any>> -> memref<1x64x256xf32, #tpu.memory_space<any>>
      %dma_start3A_488 = tpu.memref_squeeze %dma_start3A_487 : memref<1x64x256xf32, #tpu.memory_space<any>> -> memref<64x256xf32, #tpu.memory_space<any>>
      tpu.enqueue_dma source(%dma_start3A_488 : memref<64x256xf32, #tpu.memory_space<any>>) target(%dma_start3A_484 : memref<64x256xf32, #tpu.memory_space<vmem>>) target_semaphore(%arg6 : memref<!tpu.dma_semaphore, #tpu.memory_space<semaphore_mem>>)
      %dma_start3A_489 = arith.constant 81 : i32
      %dma_start3A_490 = arith.constant 46 : i32
      %dma_start3A_491 = arith.constant 0 : i32
      %dma_start3A_492 = arith.constant 0 : i32
      %dma_start3A_493 = tpu.memref_slice %arg5[%dma_start3A_491, %dma_start3A_490, %dma_start3A_492] : memref<64x128x256xf32, #tpu.memory_space<vmem>> -> memref<64x1x256xf32, #tpu.memory_space<vmem>>
      %dma_start3A_494 = tpu.memref_squeeze %dma_start3A_493 : memref<64x1x256xf32, #tpu.memory_space<vmem>> -> memref<64x256xf32, #tpu.memory_space<vmem>>
      %dma_start3A_495 = arith.constant 0 : i32
      %dma_start3A_496 = arith.constant 0 : i32
      %dma_start3A_497 = tpu.memref_slice %arg2[%dma_start3A_489, %dma_start3A_495, %dma_start3A_496] : memref<128x64x256xf32, #tpu.memory_space<any>> -> memref<1x64x256xf32, #tpu.memory_space<any>>
      %dma_start3A_498 = tpu.memref_squeeze %dma_start3A_497 : memref<1x64x256xf32, #tpu.memory_space<any>> -> memref<64x256xf32, #tpu.memory_space<any>>
      tpu.enqueue_dma source(%dma_start3A_498 : memref<64x256xf32, #tpu.memory_space<any>>) target(%dma_start3A_494 : memref<64x256xf32, #tpu.memory_space<vmem>>) target_semaphore(%arg6 : memref<!tpu.dma_semaphore, #tpu.memory_space<semaphore_mem>>)
      %dma_start3A_499 = arith.constant 80 : i32
      %dma_start3A_500 = arith.constant 47 : i32
      %dma_start3A_501 = arith.constant 0 : i32
      %dma_start3A_502 = arith.constant 0 : i32
      %dma_start3A_503 = tpu.memref_slice %arg5[%dma_start3A_501, %dma_start3A_500, %dma_start3A_502] : memref<64x128x256xf32, #tpu.memory_space<vmem>> -> memref<64x1x256xf32, #tpu.memory_space<vmem>>
      %dma_start3A_504 = tpu.memref_squeeze %dma_start3A_503 : memref<64x1x256xf32, #tpu.memory_space<vmem>> -> memref<64x256xf32, #tpu.memory_space<vmem>>
      %dma_start3A_505 = arith.constant 0 : i32
      %dma_start3A_506 = arith.constant 0 : i32
      %dma_start3A_507 = tpu.memref_slice %arg2[%dma_start3A_499, %dma_start3A_505, %dma_start3A_506] : memref<128x64x256xf32, #tpu.memory_space<any>> -> memref<1x64x256xf32, #tpu.memory_space<any>>
      %dma_start3A_508 = tpu.memref_squeeze %dma_start3A_507 : memref<1x64x256xf32, #tpu.memory_space<any>> -> memref<64x256xf32, #tpu.memory_space<any>>
      tpu.enqueue_dma source(%dma_start3A_508 : memref<64x256xf32, #tpu.memory_space<any>>) target(%dma_start3A_504 : memref<64x256xf32, #tpu.memory_space<vmem>>) target_semaphore(%arg6 : memref<!tpu.dma_semaphore, #tpu.memory_space<semaphore_mem>>)
      %dma_start3A_509 = arith.constant 79 : i32
      %dma_start3A_510 = arith.constant 48 : i32
      %dma_start3A_511 = arith.constant 0 : i32
      %dma_start3A_512 = arith.constant 0 : i32
      %dma_start3A_513 = tpu.memref_slice %arg5[%dma_start3A_511, %dma_start3A_510, %dma_start3A_512] : memref<64x128x256xf32, #tpu.memory_space<vmem>> -> memref<64x1x256xf32, #tpu.memory_space<vmem>>
      %dma_start3A_514 = tpu.memref_squeeze %dma_start3A_513 : memref<64x1x256xf32, #tpu.memory_space<vmem>> -> memref<64x256xf32, #tpu.memory_space<vmem>>
      %dma_start3A_515 = arith.constant 0 : i32
      %dma_start3A_516 = arith.constant 0 : i32
      %dma_start3A_517 = tpu.memref_slice %arg2[%dma_start3A_509, %dma_start3A_515, %dma_start3A_516] : memref<128x64x256xf32, #tpu.memory_space<any>> -> memref<1x64x256xf32, #tpu.memory_space<any>>
      %dma_start3A_518 = tpu.memref_squeeze %dma_start3A_517 : memref<1x64x256xf32, #tpu.memory_space<any>> -> memref<64x256xf32, #tpu.memory_space<any>>
      tpu.enqueue_dma source(%dma_start3A_518 : memref<64x256xf32, #tpu.memory_space<any>>) target(%dma_start3A_514 : memref<64x256xf32, #tpu.memory_space<vmem>>) target_semaphore(%arg6 : memref<!tpu.dma_semaphore, #tpu.memory_space<semaphore_mem>>)
      %dma_start3A_519 = arith.constant 78 : i32
      %dma_start3A_520 = arith.constant 49 : i32
      %dma_start3A_521 = arith.constant 0 : i32
      %dma_start3A_522 = arith.constant 0 : i32
      %dma_start3A_523 = tpu.memref_slice %arg5[%dma_start3A_521, %dma_start3A_520, %dma_start3A_522] : memref<64x128x256xf32, #tpu.memory_space<vmem>> -> memref<64x1x256xf32, #tpu.memory_space<vmem>>
      %dma_start3A_524 = tpu.memref_squeeze %dma_start3A_523 : memref<64x1x256xf32, #tpu.memory_space<vmem>> -> memref<64x256xf32, #tpu.memory_space<vmem>>
      %dma_start3A_525 = arith.constant 0 : i32
      %dma_start3A_526 = arith.constant 0 : i32
      %dma_start3A_527 = tpu.memref_slice %arg2[%dma_start3A_519, %dma_start3A_525, %dma_start3A_526] : memref<128x64x256xf32, #tpu.memory_space<any>> -> memref<1x64x256xf32, #tpu.memory_space<any>>
      %dma_start3A_528 = tpu.memref_squeeze %dma_start3A_527 : memref<1x64x256xf32, #tpu.memory_space<any>> -> memref<64x256xf32, #tpu.memory_space<any>>
      tpu.enqueue_dma source(%dma_start3A_528 : memref<64x256xf32, #tpu.memory_space<any>>) target(%dma_start3A_524 : memref<64x256xf32, #tpu.memory_space<vmem>>) target_semaphore(%arg6 : memref<!tpu.dma_semaphore, #tpu.memory_space<semaphore_mem>>)
      %dma_start3A_529 = arith.constant 77 : i32
      %dma_start3A_530 = arith.constant 50 : i32
      %dma_start3A_531 = arith.constant 0 : i32
      %dma_start3A_532 = arith.constant 0 : i32
      %dma_start3A_533 = tpu.memref_slice %arg5[%dma_start3A_531, %dma_start3A_530, %dma_start3A_532] : memref<64x128x256xf32, #tpu.memory_space<vmem>> -> memref<64x1x256xf32, #tpu.memory_space<vmem>>
      %dma_start3A_534 = tpu.memref_squeeze %dma_start3A_533 : memref<64x1x256xf32, #tpu.memory_space<vmem>> -> memref<64x256xf32, #tpu.memory_space<vmem>>
      %dma_start3A_535 = arith.constant 0 : i32
      %dma_start3A_536 = arith.constant 0 : i32
      %dma_start3A_537 = tpu.memref_slice %arg2[%dma_start3A_529, %dma_start3A_535, %dma_start3A_536] : memref<128x64x256xf32, #tpu.memory_space<any>> -> memref<1x64x256xf32, #tpu.memory_space<any>>
      %dma_start3A_538 = tpu.memref_squeeze %dma_start3A_537 : memref<1x64x256xf32, #tpu.memory_space<any>> -> memref<64x256xf32, #tpu.memory_space<any>>
      tpu.enqueue_dma source(%dma_start3A_538 : memref<64x256xf32, #tpu.memory_space<any>>) target(%dma_start3A_534 : memref<64x256xf32, #tpu.memory_space<vmem>>) target_semaphore(%arg6 : memref<!tpu.dma_semaphore, #tpu.memory_space<semaphore_mem>>)
      %dma_start3A_539 = arith.constant 76 : i32
      %dma_start3A_540 = arith.constant 51 : i32
      %dma_start3A_541 = arith.constant 0 : i32
      %dma_start3A_542 = arith.constant 0 : i32
      %dma_start3A_543 = tpu.memref_slice %arg5[%dma_start3A_541, %dma_start3A_540, %dma_start3A_542] : memref<64x128x256xf32, #tpu.memory_space<vmem>> -> memref<64x1x256xf32, #tpu.memory_space<vmem>>
      %dma_start3A_544 = tpu.memref_squeeze %dma_start3A_543 : memref<64x1x256xf32, #tpu.memory_space<vmem>> -> memref<64x256xf32, #tpu.memory_space<vmem>>
      %dma_start3A_545 = arith.constant 0 : i32
      %dma_start3A_546 = arith.constant 0 : i32
      %dma_start3A_547 = tpu.memref_slice %arg2[%dma_start3A_539, %dma_start3A_545, %dma_start3A_546] : memref<128x64x256xf32, #tpu.memory_space<any>> -> memref<1x64x256xf32, #tpu.memory_space<any>>
      %dma_start3A_548 = tpu.memref_squeeze %dma_start3A_547 : memref<1x64x256xf32, #tpu.memory_space<any>> -> memref<64x256xf32, #tpu.memory_space<any>>
      tpu.enqueue_dma source(%dma_start3A_548 : memref<64x256xf32, #tpu.memory_space<any>>) target(%dma_start3A_544 : memref<64x256xf32, #tpu.memory_space<vmem>>) target_semaphore(%arg6 : memref<!tpu.dma_semaphore, #tpu.memory_space<semaphore_mem>>)
      %dma_start3A_549 = arith.constant 75 : i32
      %dma_start3A_550 = arith.constant 52 : i32
      %dma_start3A_551 = arith.constant 0 : i32
      %dma_start3A_552 = arith.constant 0 : i32
      %dma_start3A_553 = tpu.memref_slice %arg5[%dma_start3A_551, %dma_start3A_550, %dma_start3A_552] : memref<64x128x256xf32, #tpu.memory_space<vmem>> -> memref<64x1x256xf32, #tpu.memory_space<vmem>>
      %dma_start3A_554 = tpu.memref_squeeze %dma_start3A_553 : memref<64x1x256xf32, #tpu.memory_space<vmem>> -> memref<64x256xf32, #tpu.memory_space<vmem>>
      %dma_start3A_555 = arith.constant 0 : i32
      %dma_start3A_556 = arith.constant 0 : i32
      %dma_start3A_557 = tpu.memref_slice %arg2[%dma_start3A_549, %dma_start3A_555, %dma_start3A_556] : memref<128x64x256xf32, #tpu.memory_space<any>> -> memref<1x64x256xf32, #tpu.memory_space<any>>
      %dma_start3A_558 = tpu.memref_squeeze %dma_start3A_557 : memref<1x64x256xf32, #tpu.memory_space<any>> -> memref<64x256xf32, #tpu.memory_space<any>>
      tpu.enqueue_dma source(%dma_start3A_558 : memref<64x256xf32, #tpu.memory_space<any>>) target(%dma_start3A_554 : memref<64x256xf32, #tpu.memory_space<vmem>>) target_semaphore(%arg6 : memref<!tpu.dma_semaphore, #tpu.memory_space<semaphore_mem>>)
      %dma_start3A_559 = arith.constant 74 : i32
      %dma_start3A_560 = arith.constant 53 : i32
      %dma_start3A_561 = arith.constant 0 : i32
      %dma_start3A_562 = arith.constant 0 : i32
      %dma_start3A_563 = tpu.memref_slice %arg5[%dma_start3A_561, %dma_start3A_560, %dma_start3A_562] : memref<64x128x256xf32, #tpu.memory_space<vmem>> -> memref<64x1x256xf32, #tpu.memory_space<vmem>>
      %dma_start3A_564 = tpu.memref_squeeze %dma_start3A_563 : memref<64x1x256xf32, #tpu.memory_space<vmem>> -> memref<64x256xf32, #tpu.memory_space<vmem>>
      %dma_start3A_565 = arith.constant 0 : i32
      %dma_start3A_566 = arith.constant 0 : i32
      %dma_start3A_567 = tpu.memref_slice %arg2[%dma_start3A_559, %dma_start3A_565, %dma_start3A_566] : memref<128x64x256xf32, #tpu.memory_space<any>> -> memref<1x64x256xf32, #tpu.memory_space<any>>
      %dma_start3A_568 = tpu.memref_squeeze %dma_start3A_567 : memref<1x64x256xf32, #tpu.memory_space<any>> -> memref<64x256xf32, #tpu.memory_space<any>>
      tpu.enqueue_dma source(%dma_start3A_568 : memref<64x256xf32, #tpu.memory_space<any>>) target(%dma_start3A_564 : memref<64x256xf32, #tpu.memory_space<vmem>>) target_semaphore(%arg6 : memref<!tpu.dma_semaphore, #tpu.memory_space<semaphore_mem>>)
      %dma_start3A_569 = arith.constant 73 : i32
      %dma_start3A_570 = arith.constant 54 : i32
      %dma_start3A_571 = arith.constant 0 : i32
      %dma_start3A_572 = arith.constant 0 : i32
      %dma_start3A_573 = tpu.memref_slice %arg5[%dma_start3A_571, %dma_start3A_570, %dma_start3A_572] : memref<64x128x256xf32, #tpu.memory_space<vmem>> -> memref<64x1x256xf32, #tpu.memory_space<vmem>>
      %dma_start3A_574 = tpu.memref_squeeze %dma_start3A_573 : memref<64x1x256xf32, #tpu.memory_space<vmem>> -> memref<64x256xf32, #tpu.memory_space<vmem>>
      %dma_start3A_575 = arith.constant 0 : i32
      %dma_start3A_576 = arith.constant 0 : i32
      %dma_start3A_577 = tpu.memref_slice %arg2[%dma_start3A_569, %dma_start3A_575, %dma_start3A_576] : memref<128x64x256xf32, #tpu.memory_space<any>> -> memref<1x64x256xf32, #tpu.memory_space<any>>
      %dma_start3A_578 = tpu.memref_squeeze %dma_start3A_577 : memref<1x64x256xf32, #tpu.memory_space<any>> -> memref<64x256xf32, #tpu.memory_space<any>>
      tpu.enqueue_dma source(%dma_start3A_578 : memref<64x256xf32, #tpu.memory_space<any>>) target(%dma_start3A_574 : memref<64x256xf32, #tpu.memory_space<vmem>>) target_semaphore(%arg6 : memref<!tpu.dma_semaphore, #tpu.memory_space<semaphore_mem>>)
      %dma_start3A_579 = arith.constant 72 : i32
      %dma_start3A_580 = arith.constant 55 : i32
      %dma_start3A_581 = arith.constant 0 : i32
      %dma_start3A_582 = arith.constant 0 : i32
      %dma_start3A_583 = tpu.memref_slice %arg5[%dma_start3A_581, %dma_start3A_580, %dma_start3A_582] : memref<64x128x256xf32, #tpu.memory_space<vmem>> -> memref<64x1x256xf32, #tpu.memory_space<vmem>>
      %dma_start3A_584 = tpu.memref_squeeze %dma_start3A_583 : memref<64x1x256xf32, #tpu.memory_space<vmem>> -> memref<64x256xf32, #tpu.memory_space<vmem>>
      %dma_start3A_585 = arith.constant 0 : i32
      %dma_start3A_586 = arith.constant 0 : i32
      %dma_start3A_587 = tpu.memref_slice %arg2[%dma_start3A_579, %dma_start3A_585, %dma_start3A_586] : memref<128x64x256xf32, #tpu.memory_space<any>> -> memref<1x64x256xf32, #tpu.memory_space<any>>
      %dma_start3A_588 = tpu.memref_squeeze %dma_start3A_587 : memref<1x64x256xf32, #tpu.memory_space<any>> -> memref<64x256xf32, #tpu.memory_space<any>>
      tpu.enqueue_dma source(%dma_start3A_588 : memref<64x256xf32, #tpu.memory_space<any>>) target(%dma_start3A_584 : memref<64x256xf32, #tpu.memory_space<vmem>>) target_semaphore(%arg6 : memref<!tpu.dma_semaphore, #tpu.memory_space<semaphore_mem>>)
      %dma_start3A_589 = arith.constant 71 : i32
      %dma_start3A_590 = arith.constant 56 : i32
      %dma_start3A_591 = arith.constant 0 : i32
      %dma_start3A_592 = arith.constant 0 : i32
      %dma_start3A_593 = tpu.memref_slice %arg5[%dma_start3A_591, %dma_start3A_590, %dma_start3A_592] : memref<64x128x256xf32, #tpu.memory_space<vmem>> -> memref<64x1x256xf32, #tpu.memory_space<vmem>>
      %dma_start3A_594 = tpu.memref_squeeze %dma_start3A_593 : memref<64x1x256xf32, #tpu.memory_space<vmem>> -> memref<64x256xf32, #tpu.memory_space<vmem>>
      %dma_start3A_595 = arith.constant 0 : i32
      %dma_start3A_596 = arith.constant 0 : i32
      %dma_start3A_597 = tpu.memref_slice %arg2[%dma_start3A_589, %dma_start3A_595, %dma_start3A_596] : memref<128x64x256xf32, #tpu.memory_space<any>> -> memref<1x64x256xf32, #tpu.memory_space<any>>
      %dma_start3A_598 = tpu.memref_squeeze %dma_start3A_597 : memref<1x64x256xf32, #tpu.memory_space<any>> -> memref<64x256xf32, #tpu.memory_space<any>>
      tpu.enqueue_dma source(%dma_start3A_598 : memref<64x256xf32, #tpu.memory_space<any>>) target(%dma_start3A_594 : memref<64x256xf32, #tpu.memory_space<vmem>>) target_semaphore(%arg6 : memref<!tpu.dma_semaphore, #tpu.memory_space<semaphore_mem>>)
      %dma_start3A_599 = arith.constant 70 : i32
      %dma_start3A_600 = arith.constant 57 : i32
      %dma_start3A_601 = arith.constant 0 : i32
      %dma_start3A_602 = arith.constant 0 : i32
      %dma_start3A_603 = tpu.memref_slice %arg5[%dma_start3A_601, %dma_start3A_600, %dma_start3A_602] : memref<64x128x256xf32, #tpu.memory_space<vmem>> -> memref<64x1x256xf32, #tpu.memory_space<vmem>>
      %dma_start3A_604 = tpu.memref_squeeze %dma_start3A_603 : memref<64x1x256xf32, #tpu.memory_space<vmem>> -> memref<64x256xf32, #tpu.memory_space<vmem>>
      %dma_start3A_605 = arith.constant 0 : i32
      %dma_start3A_606 = arith.constant 0 : i32
      %dma_start3A_607 = tpu.memref_slice %arg2[%dma_start3A_599, %dma_start3A_605, %dma_start3A_606] : memref<128x64x256xf32, #tpu.memory_space<any>> -> memref<1x64x256xf32, #tpu.memory_space<any>>
      %dma_start3A_608 = tpu.memref_squeeze %dma_start3A_607 : memref<1x64x256xf32, #tpu.memory_space<any>> -> memref<64x256xf32, #tpu.memory_space<any>>
      tpu.enqueue_dma source(%dma_start3A_608 : memref<64x256xf32, #tpu.memory_space<any>>) target(%dma_start3A_604 : memref<64x256xf32, #tpu.memory_space<vmem>>) target_semaphore(%arg6 : memref<!tpu.dma_semaphore, #tpu.memory_space<semaphore_mem>>)
      %dma_start3A_609 = arith.constant 69 : i32
      %dma_start3A_610 = arith.constant 58 : i32
      %dma_start3A_611 = arith.constant 0 : i32
      %dma_start3A_612 = arith.constant 0 : i32
      %dma_start3A_613 = tpu.memref_slice %arg5[%dma_start3A_611, %dma_start3A_610, %dma_start3A_612] : memref<64x128x256xf32, #tpu.memory_space<vmem>> -> memref<64x1x256xf32, #tpu.memory_space<vmem>>
      %dma_start3A_614 = tpu.memref_squeeze %dma_start3A_613 : memref<64x1x256xf32, #tpu.memory_space<vmem>> -> memref<64x256xf32, #tpu.memory_space<vmem>>
      %dma_start3A_615 = arith.constant 0 : i32
      %dma_start3A_616 = arith.constant 0 : i32
      %dma_start3A_617 = tpu.memref_slice %arg2[%dma_start3A_609, %dma_start3A_615, %dma_start3A_616] : memref<128x64x256xf32, #tpu.memory_space<any>> -> memref<1x64x256xf32, #tpu.memory_space<any>>
      %dma_start3A_618 = tpu.memref_squeeze %dma_start3A_617 : memref<1x64x256xf32, #tpu.memory_space<any>> -> memref<64x256xf32, #tpu.memory_space<any>>
      tpu.enqueue_dma source(%dma_start3A_618 : memref<64x256xf32, #tpu.memory_space<any>>) target(%dma_start3A_614 : memref<64x256xf32, #tpu.memory_space<vmem>>) target_semaphore(%arg6 : memref<!tpu.dma_semaphore, #tpu.memory_space<semaphore_mem>>)
      %dma_start3A_619 = arith.constant 68 : i32
      %dma_start3A_620 = arith.constant 59 : i32
      %dma_start3A_621 = arith.constant 0 : i32
      %dma_start3A_622 = arith.constant 0 : i32
      %dma_start3A_623 = tpu.memref_slice %arg5[%dma_start3A_621, %dma_start3A_620, %dma_start3A_622] : memref<64x128x256xf32, #tpu.memory_space<vmem>> -> memref<64x1x256xf32, #tpu.memory_space<vmem>>
      %dma_start3A_624 = tpu.memref_squeeze %dma_start3A_623 : memref<64x1x256xf32, #tpu.memory_space<vmem>> -> memref<64x256xf32, #tpu.memory_space<vmem>>
      %dma_start3A_625 = arith.constant 0 : i32
      %dma_start3A_626 = arith.constant 0 : i32
      %dma_start3A_627 = tpu.memref_slice %arg2[%dma_start3A_619, %dma_start3A_625, %dma_start3A_626] : memref<128x64x256xf32, #tpu.memory_space<any>> -> memref<1x64x256xf32, #tpu.memory_space<any>>
      %dma_start3A_628 = tpu.memref_squeeze %dma_start3A_627 : memref<1x64x256xf32, #tpu.memory_space<any>> -> memref<64x256xf32, #tpu.memory_space<any>>
      tpu.enqueue_dma source(%dma_start3A_628 : memref<64x256xf32, #tpu.memory_space<any>>) target(%dma_start3A_624 : memref<64x256xf32, #tpu.memory_space<vmem>>) target_semaphore(%arg6 : memref<!tpu.dma_semaphore, #tpu.memory_space<semaphore_mem>>)
      %dma_start3A_629 = arith.constant 67 : i32
      %dma_start3A_630 = arith.constant 60 : i32
      %dma_start3A_631 = arith.constant 0 : i32
      %dma_start3A_632 = arith.constant 0 : i32
      %dma_start3A_633 = tpu.memref_slice %arg5[%dma_start3A_631, %dma_start3A_630, %dma_start3A_632] : memref<64x128x256xf32, #tpu.memory_space<vmem>> -> memref<64x1x256xf32, #tpu.memory_space<vmem>>
      %dma_start3A_634 = tpu.memref_squeeze %dma_start3A_633 : memref<64x1x256xf32, #tpu.memory_space<vmem>> -> memref<64x256xf32, #tpu.memory_space<vmem>>
      %dma_start3A_635 = arith.constant 0 : i32
      %dma_start3A_636 = arith.constant 0 : i32
      %dma_start3A_637 = tpu.memref_slice %arg2[%dma_start3A_629, %dma_start3A_635, %dma_start3A_636] : memref<128x64x256xf32, #tpu.memory_space<any>> -> memref<1x64x256xf32, #tpu.memory_space<any>>
      %dma_start3A_638 = tpu.memref_squeeze %dma_start3A_637 : memref<1x64x256xf32, #tpu.memory_space<any>> -> memref<64x256xf32, #tpu.memory_space<any>>
      tpu.enqueue_dma source(%dma_start3A_638 : memref<64x256xf32, #tpu.memory_space<any>>) target(%dma_start3A_634 : memref<64x256xf32, #tpu.memory_space<vmem>>) target_semaphore(%arg6 : memref<!tpu.dma_semaphore, #tpu.memory_space<semaphore_mem>>)
      %dma_start3A_639 = arith.constant 66 : i32
      %dma_start3A_640 = arith.constant 61 : i32
      %dma_start3A_641 = arith.constant 0 : i32
      %dma_start3A_642 = arith.constant 0 : i32
      %dma_start3A_643 = tpu.memref_slice %arg5[%dma_start3A_641, %dma_start3A_640, %dma_start3A_642] : memref<64x128x256xf32, #tpu.memory_space<vmem>> -> memref<64x1x256xf32, #tpu.memory_space<vmem>>
      %dma_start3A_644 = tpu.memref_squeeze %dma_start3A_643 : memref<64x1x256xf32, #tpu.memory_space<vmem>> -> memref<64x256xf32, #tpu.memory_space<vmem>>
      %dma_start3A_645 = arith.constant 0 : i32
      %dma_start3A_646 = arith.constant 0 : i32
      %dma_start3A_647 = tpu.memref_slice %arg2[%dma_start3A_639, %dma_start3A_645, %dma_start3A_646] : memref<128x64x256xf32, #tpu.memory_space<any>> -> memref<1x64x256xf32, #tpu.memory_space<any>>
      %dma_start3A_648 = tpu.memref_squeeze %dma_start3A_647 : memref<1x64x256xf32, #tpu.memory_space<any>> -> memref<64x256xf32, #tpu.memory_space<any>>
      tpu.enqueue_dma source(%dma_start3A_648 : memref<64x256xf32, #tpu.memory_space<any>>) target(%dma_start3A_644 : memref<64x256xf32, #tpu.memory_space<vmem>>) target_semaphore(%arg6 : memref<!tpu.dma_semaphore, #tpu.memory_space<semaphore_mem>>)
      %dma_start3A_649 = arith.constant 65 : i32
      %dma_start3A_650 = arith.constant 62 : i32
      %dma_start3A_651 = arith.constant 0 : i32
      %dma_start3A_652 = arith.constant 0 : i32
      %dma_start3A_653 = tpu.memref_slice %arg5[%dma_start3A_651, %dma_start3A_650, %dma_start3A_652] : memref<64x128x256xf32, #tpu.memory_space<vmem>> -> memref<64x1x256xf32, #tpu.memory_space<vmem>>
      %dma_start3A_654 = tpu.memref_squeeze %dma_start3A_653 : memref<64x1x256xf32, #tpu.memory_space<vmem>> -> memref<64x256xf32, #tpu.memory_space<vmem>>
      %dma_start3A_655 = arith.constant 0 : i32
      %dma_start3A_656 = arith.constant 0 : i32
      %dma_start3A_657 = tpu.memref_slice %arg2[%dma_start3A_649, %dma_start3A_655, %dma_start3A_656] : memref<128x64x256xf32, #tpu.memory_space<any>> -> memref<1x64x256xf32, #tpu.memory_space<any>>
      %dma_start3A_658 = tpu.memref_squeeze %dma_start3A_657 : memref<1x64x256xf32, #tpu.memory_space<any>> -> memref<64x256xf32, #tpu.memory_space<any>>
      tpu.enqueue_dma source(%dma_start3A_658 : memref<64x256xf32, #tpu.memory_space<any>>) target(%dma_start3A_654 : memref<64x256xf32, #tpu.memory_space<vmem>>) target_semaphore(%arg6 : memref<!tpu.dma_semaphore, #tpu.memory_space<semaphore_mem>>)
      %dma_start3A_659 = arith.constant 64 : i32
      %dma_start3A_660 = arith.constant 63 : i32
      %dma_start3A_661 = arith.constant 0 : i32
      %dma_start3A_662 = arith.constant 0 : i32
      %dma_start3A_663 = tpu.memref_slice %arg5[%dma_start3A_661, %dma_start3A_660, %dma_start3A_662] : memref<64x128x256xf32, #tpu.memory_space<vmem>> -> memref<64x1x256xf32, #tpu.memory_space<vmem>>
      %dma_start3A_664 = tpu.memref_squeeze %dma_start3A_663 : memref<64x1x256xf32, #tpu.memory_space<vmem>> -> memref<64x256xf32, #tpu.memory_space<vmem>>
      %dma_start3A_665 = arith.constant 0 : i32
      %dma_start3A_666 = arith.constant 0 : i32
      %dma_start3A_667 = tpu.memref_slice %arg2[%dma_start3A_659, %dma_start3A_665, %dma_start3A_666] : memref<128x64x256xf32, #tpu.memory_space<any>> -> memref<1x64x256xf32, #tpu.memory_space<any>>
      %dma_start3A_668 = tpu.memref_squeeze %dma_start3A_667 : memref<1x64x256xf32, #tpu.memory_space<any>> -> memref<64x256xf32, #tpu.memory_space<any>>
      tpu.enqueue_dma source(%dma_start3A_668 : memref<64x256xf32, #tpu.memory_space<any>>) target(%dma_start3A_664 : memref<64x256xf32, #tpu.memory_space<vmem>>) target_semaphore(%arg6 : memref<!tpu.dma_semaphore, #tpu.memory_space<semaphore_mem>>)
      %dma_start3A_669 = arith.constant 63 : i32
      %dma_start3A_670 = arith.constant 64 : i32
      %dma_start3A_671 = arith.constant 0 : i32
      %dma_start3A_672 = arith.constant 0 : i32
      %dma_start3A_673 = tpu.memref_slice %arg5[%dma_start3A_671, %dma_start3A_670, %dma_start3A_672] : memref<64x128x256xf32, #tpu.memory_space<vmem>> -> memref<64x1x256xf32, #tpu.memory_space<vmem>>
      %dma_start3A_674 = tpu.memref_squeeze %dma_start3A_673 : memref<64x1x256xf32, #tpu.memory_space<vmem>> -> memref<64x256xf32, #tpu.memory_space<vmem>>
      %dma_start3A_675 = arith.constant 0 : i32
      %dma_start3A_676 = arith.constant 0 : i32
      %dma_start3A_677 = tpu.memref_slice %arg2[%dma_start3A_669, %dma_start3A_675, %dma_start3A_676] : memref<128x64x256xf32, #tpu.memory_space<any>> -> memref<1x64x256xf32, #tpu.memory_space<any>>
      %dma_start3A_678 = tpu.memref_squeeze %dma_start3A_677 : memref<1x64x256xf32, #tpu.memory_space<any>> -> memref<64x256xf32, #tpu.memory_space<any>>
      tpu.enqueue_dma source(%dma_start3A_678 : memref<64x256xf32, #tpu.memory_space<any>>) target(%dma_start3A_674 : memref<64x256xf32, #tpu.memory_space<vmem>>) target_semaphore(%arg6 : memref<!tpu.dma_semaphore, #tpu.memory_space<semaphore_mem>>)
      %dma_start3A_679 = arith.constant 62 : i32
      %dma_start3A_680 = arith.constant 65 : i32
      %dma_start3A_681 = arith.constant 0 : i32
      %dma_start3A_682 = arith.constant 0 : i32
      %dma_start3A_683 = tpu.memref_slice %arg5[%dma_start3A_681, %dma_start3A_680, %dma_start3A_682] : memref<64x128x256xf32, #tpu.memory_space<vmem>> -> memref<64x1x256xf32, #tpu.memory_space<vmem>>
      %dma_start3A_684 = tpu.memref_squeeze %dma_start3A_683 : memref<64x1x256xf32, #tpu.memory_space<vmem>> -> memref<64x256xf32, #tpu.memory_space<vmem>>
      %dma_start3A_685 = arith.constant 0 : i32
      %dma_start3A_686 = arith.constant 0 : i32
      %dma_start3A_687 = tpu.memref_slice %arg2[%dma_start3A_679, %dma_start3A_685, %dma_start3A_686] : memref<128x64x256xf32, #tpu.memory_space<any>> -> memref<1x64x256xf32, #tpu.memory_space<any>>
      %dma_start3A_688 = tpu.memref_squeeze %dma_start3A_687 : memref<1x64x256xf32, #tpu.memory_space<any>> -> memref<64x256xf32, #tpu.memory_space<any>>
      tpu.enqueue_dma source(%dma_start3A_688 : memref<64x256xf32, #tpu.memory_space<any>>) target(%dma_start3A_684 : memref<64x256xf32, #tpu.memory_space<vmem>>) target_semaphore(%arg6 : memref<!tpu.dma_semaphore, #tpu.memory_space<semaphore_mem>>)
      %dma_start3A_689 = arith.constant 61 : i32
      %dma_start3A_690 = arith.constant 66 : i32
      %dma_start3A_691 = arith.constant 0 : i32
      %dma_start3A_692 = arith.constant 0 : i32
      %dma_start3A_693 = tpu.memref_slice %arg5[%dma_start3A_691, %dma_start3A_690, %dma_start3A_692] : memref<64x128x256xf32, #tpu.memory_space<vmem>> -> memref<64x1x256xf32, #tpu.memory_space<vmem>>
      %dma_start3A_694 = tpu.memref_squeeze %dma_start3A_693 : memref<64x1x256xf32, #tpu.memory_space<vmem>> -> memref<64x256xf32, #tpu.memory_space<vmem>>
      %dma_start3A_695 = arith.constant 0 : i32
      %dma_start3A_696 = arith.constant 0 : i32
      %dma_start3A_697 = tpu.memref_slice %arg2[%dma_start3A_689, %dma_start3A_695, %dma_start3A_696] : memref<128x64x256xf32, #tpu.memory_space<any>> -> memref<1x64x256xf32, #tpu.memory_space<any>>
      %dma_start3A_698 = tpu.memref_squeeze %dma_start3A_697 : memref<1x64x256xf32, #tpu.memory_space<any>> -> memref<64x256xf32, #tpu.memory_space<any>>
      tpu.enqueue_dma source(%dma_start3A_698 : memref<64x256xf32, #tpu.memory_space<any>>) target(%dma_start3A_694 : memref<64x256xf32, #tpu.memory_space<vmem>>) target_semaphore(%arg6 : memref<!tpu.dma_semaphore, #tpu.memory_space<semaphore_mem>>)
      %dma_start3A_699 = arith.constant 60 : i32
      %dma_start3A_700 = arith.constant 67 : i32
      %dma_start3A_701 = arith.constant 0 : i32
      %dma_start3A_702 = arith.constant 0 : i32
      %dma_start3A_703 = tpu.memref_slice %arg5[%dma_start3A_701, %dma_start3A_700, %dma_start3A_702] : memref<64x128x256xf32, #tpu.memory_space<vmem>> -> memref<64x1x256xf32, #tpu.memory_space<vmem>>
      %dma_start3A_704 = tpu.memref_squeeze %dma_start3A_703 : memref<64x1x256xf32, #tpu.memory_space<vmem>> -> memref<64x256xf32, #tpu.memory_space<vmem>>
      %dma_start3A_705 = arith.constant 0 : i32
      %dma_start3A_706 = arith.constant 0 : i32
      %dma_start3A_707 = tpu.memref_slice %arg2[%dma_start3A_699, %dma_start3A_705, %dma_start3A_706] : memref<128x64x256xf32, #tpu.memory_space<any>> -> memref<1x64x256xf32, #tpu.memory_space<any>>
      %dma_start3A_708 = tpu.memref_squeeze %dma_start3A_707 : memref<1x64x256xf32, #tpu.memory_space<any>> -> memref<64x256xf32, #tpu.memory_space<any>>
      tpu.enqueue_dma source(%dma_start3A_708 : memref<64x256xf32, #tpu.memory_space<any>>) target(%dma_start3A_704 : memref<64x256xf32, #tpu.memory_space<vmem>>) target_semaphore(%arg6 : memref<!tpu.dma_semaphore, #tpu.memory_space<semaphore_mem>>)
      %dma_start3A_709 = arith.constant 59 : i32
      %dma_start3A_710 = arith.constant 68 : i32
      %dma_start3A_711 = arith.constant 0 : i32
      %dma_start3A_712 = arith.constant 0 : i32
      %dma_start3A_713 = tpu.memref_slice %arg5[%dma_start3A_711, %dma_start3A_710, %dma_start3A_712] : memref<64x128x256xf32, #tpu.memory_space<vmem>> -> memref<64x1x256xf32, #tpu.memory_space<vmem>>
      %dma_start3A_714 = tpu.memref_squeeze %dma_start3A_713 : memref<64x1x256xf32, #tpu.memory_space<vmem>> -> memref<64x256xf32, #tpu.memory_space<vmem>>
      %dma_start3A_715 = arith.constant 0 : i32
      %dma_start3A_716 = arith.constant 0 : i32
      %dma_start3A_717 = tpu.memref_slice %arg2[%dma_start3A_709, %dma_start3A_715, %dma_start3A_716] : memref<128x64x256xf32, #tpu.memory_space<any>> -> memref<1x64x256xf32, #tpu.memory_space<any>>
      %dma_start3A_718 = tpu.memref_squeeze %dma_start3A_717 : memref<1x64x256xf32, #tpu.memory_space<any>> -> memref<64x256xf32, #tpu.memory_space<any>>
      tpu.enqueue_dma source(%dma_start3A_718 : memref<64x256xf32, #tpu.memory_space<any>>) target(%dma_start3A_714 : memref<64x256xf32, #tpu.memory_space<vmem>>) target_semaphore(%arg6 : memref<!tpu.dma_semaphore, #tpu.memory_space<semaphore_mem>>)
      %dma_start3A_719 = arith.constant 58 : i32
      %dma_start3A_720 = arith.constant 69 : i32
      %dma_start3A_721 = arith.constant 0 : i32
      %dma_start3A_722 = arith.constant 0 : i32
      %dma_start3A_723 = tpu.memref_slice %arg5[%dma_start3A_721, %dma_start3A_720, %dma_start3A_722] : memref<64x128x256xf32, #tpu.memory_space<vmem>> -> memref<64x1x256xf32, #tpu.memory_space<vmem>>
      %dma_start3A_724 = tpu.memref_squeeze %dma_start3A_723 : memref<64x1x256xf32, #tpu.memory_space<vmem>> -> memref<64x256xf32, #tpu.memory_space<vmem>>
      %dma_start3A_725 = arith.constant 0 : i32
      %dma_start3A_726 = arith.constant 0 : i32
      %dma_start3A_727 = tpu.memref_slice %arg2[%dma_start3A_719, %dma_start3A_725, %dma_start3A_726] : memref<128x64x256xf32, #tpu.memory_space<any>> -> memref<1x64x256xf32, #tpu.memory_space<any>>
      %dma_start3A_728 = tpu.memref_squeeze %dma_start3A_727 : memref<1x64x256xf32, #tpu.memory_space<any>> -> memref<64x256xf32, #tpu.memory_space<any>>
      tpu.enqueue_dma source(%dma_start3A_728 : memref<64x256xf32, #tpu.memory_space<any>>) target(%dma_start3A_724 : memref<64x256xf32, #tpu.memory_space<vmem>>) target_semaphore(%arg6 : memref<!tpu.dma_semaphore, #tpu.memory_space<semaphore_mem>>)
      %dma_start3A_729 = arith.constant 57 : i32
      %dma_start3A_730 = arith.constant 70 : i32
      %dma_start3A_731 = arith.constant 0 : i32
      %dma_start3A_732 = arith.constant 0 : i32
      %dma_start3A_733 = tpu.memref_slice %arg5[%dma_start3A_731, %dma_start3A_730, %dma_start3A_732] : memref<64x128x256xf32, #tpu.memory_space<vmem>> -> memref<64x1x256xf32, #tpu.memory_space<vmem>>
      %dma_start3A_734 = tpu.memref_squeeze %dma_start3A_733 : memref<64x1x256xf32, #tpu.memory_space<vmem>> -> memref<64x256xf32, #tpu.memory_space<vmem>>
      %dma_start3A_735 = arith.constant 0 : i32
      %dma_start3A_736 = arith.constant 0 : i32
      %dma_start3A_737 = tpu.memref_slice %arg2[%dma_start3A_729, %dma_start3A_735, %dma_start3A_736] : memref<128x64x256xf32, #tpu.memory_space<any>> -> memref<1x64x256xf32, #tpu.memory_space<any>>
      %dma_start3A_738 = tpu.memref_squeeze %dma_start3A_737 : memref<1x64x256xf32, #tpu.memory_space<any>> -> memref<64x256xf32, #tpu.memory_space<any>>
      tpu.enqueue_dma source(%dma_start3A_738 : memref<64x256xf32, #tpu.memory_space<any>>) target(%dma_start3A_734 : memref<64x256xf32, #tpu.memory_space<vmem>>) target_semaphore(%arg6 : memref<!tpu.dma_semaphore, #tpu.memory_space<semaphore_mem>>)
      %dma_start3A_739 = arith.constant 56 : i32
      %dma_start3A_740 = arith.constant 71 : i32
      %dma_start3A_741 = arith.constant 0 : i32
      %dma_start3A_742 = arith.constant 0 : i32
      %dma_start3A_743 = tpu.memref_slice %arg5[%dma_start3A_741, %dma_start3A_740, %dma_start3A_742] : memref<64x128x256xf32, #tpu.memory_space<vmem>> -> memref<64x1x256xf32, #tpu.memory_space<vmem>>
      %dma_start3A_744 = tpu.memref_squeeze %dma_start3A_743 : memref<64x1x256xf32, #tpu.memory_space<vmem>> -> memref<64x256xf32, #tpu.memory_space<vmem>>
      %dma_start3A_745 = arith.constant 0 : i32
      %dma_start3A_746 = arith.constant 0 : i32
      %dma_start3A_747 = tpu.memref_slice %arg2[%dma_start3A_739, %dma_start3A_745, %dma_start3A_746] : memref<128x64x256xf32, #tpu.memory_space<any>> -> memref<1x64x256xf32, #tpu.memory_space<any>>
      %dma_start3A_748 = tpu.memref_squeeze %dma_start3A_747 : memref<1x64x256xf32, #tpu.memory_space<any>> -> memref<64x256xf32, #tpu.memory_space<any>>
      tpu.enqueue_dma source(%dma_start3A_748 : memref<64x256xf32, #tpu.memory_space<any>>) target(%dma_start3A_744 : memref<64x256xf32, #tpu.memory_space<vmem>>) target_semaphore(%arg6 : memref<!tpu.dma_semaphore, #tpu.memory_space<semaphore_mem>>)
      %dma_start3A_749 = arith.constant 55 : i32
      %dma_start3A_750 = arith.constant 72 : i32
      %dma_start3A_751 = arith.constant 0 : i32
      %dma_start3A_752 = arith.constant 0 : i32
      %dma_start3A_753 = tpu.memref_slice %arg5[%dma_start3A_751, %dma_start3A_750, %dma_start3A_752] : memref<64x128x256xf32, #tpu.memory_space<vmem>> -> memref<64x1x256xf32, #tpu.memory_space<vmem>>
      %dma_start3A_754 = tpu.memref_squeeze %dma_start3A_753 : memref<64x1x256xf32, #tpu.memory_space<vmem>> -> memref<64x256xf32, #tpu.memory_space<vmem>>
      %dma_start3A_755 = arith.constant 0 : i32
      %dma_start3A_756 = arith.constant 0 : i32
      %dma_start3A_757 = tpu.memref_slice %arg2[%dma_start3A_749, %dma_start3A_755, %dma_start3A_756] : memref<128x64x256xf32, #tpu.memory_space<any>> -> memref<1x64x256xf32, #tpu.memory_space<any>>
      %dma_start3A_758 = tpu.memref_squeeze %dma_start3A_757 : memref<1x64x256xf32, #tpu.memory_space<any>> -> memref<64x256xf32, #tpu.memory_space<any>>
      tpu.enqueue_dma source(%dma_start3A_758 : memref<64x256xf32, #tpu.memory_space<any>>) target(%dma_start3A_754 : memref<64x256xf32, #tpu.memory_space<vmem>>) target_semaphore(%arg6 : memref<!tpu.dma_semaphore, #tpu.memory_space<semaphore_mem>>)
      %dma_start3A_759 = arith.constant 54 : i32
      %dma_start3A_760 = arith.constant 73 : i32
      %dma_start3A_761 = arith.constant 0 : i32
      %dma_start3A_762 = arith.constant 0 : i32
      %dma_start3A_763 = tpu.memref_slice %arg5[%dma_start3A_761, %dma_start3A_760, %dma_start3A_762] : memref<64x128x256xf32, #tpu.memory_space<vmem>> -> memref<64x1x256xf32, #tpu.memory_space<vmem>>
      %dma_start3A_764 = tpu.memref_squeeze %dma_start3A_763 : memref<64x1x256xf32, #tpu.memory_space<vmem>> -> memref<64x256xf32, #tpu.memory_space<vmem>>
      %dma_start3A_765 = arith.constant 0 : i32
      %dma_start3A_766 = arith.constant 0 : i32
      %dma_start3A_767 = tpu.memref_slice %arg2[%dma_start3A_759, %dma_start3A_765, %dma_start3A_766] : memref<128x64x256xf32, #tpu.memory_space<any>> -> memref<1x64x256xf32, #tpu.memory_space<any>>
      %dma_start3A_768 = tpu.memref_squeeze %dma_start3A_767 : memref<1x64x256xf32, #tpu.memory_space<any>> -> memref<64x256xf32, #tpu.memory_space<any>>
      tpu.enqueue_dma source(%dma_start3A_768 : memref<64x256xf32, #tpu.memory_space<any>>) target(%dma_start3A_764 : memref<64x256xf32, #tpu.memory_space<vmem>>) target_semaphore(%arg6 : memref<!tpu.dma_semaphore, #tpu.memory_space<semaphore_mem>>)
      %dma_start3A_769 = arith.constant 53 : i32
      %dma_start3A_770 = arith.constant 74 : i32
      %dma_start3A_771 = arith.constant 0 : i32
      %dma_start3A_772 = arith.constant 0 : i32
      %dma_start3A_773 = tpu.memref_slice %arg5[%dma_start3A_771, %dma_start3A_770, %dma_start3A_772] : memref<64x128x256xf32, #tpu.memory_space<vmem>> -> memref<64x1x256xf32, #tpu.memory_space<vmem>>
      %dma_start3A_774 = tpu.memref_squeeze %dma_start3A_773 : memref<64x1x256xf32, #tpu.memory_space<vmem>> -> memref<64x256xf32, #tpu.memory_space<vmem>>
      %dma_start3A_775 = arith.constant 0 : i32
      %dma_start3A_776 = arith.constant 0 : i32
      %dma_start3A_777 = tpu.memref_slice %arg2[%dma_start3A_769, %dma_start3A_775, %dma_start3A_776] : memref<128x64x256xf32, #tpu.memory_space<any>> -> memref<1x64x256xf32, #tpu.memory_space<any>>
      %dma_start3A_778 = tpu.memref_squeeze %dma_start3A_777 : memref<1x64x256xf32, #tpu.memory_space<any>> -> memref<64x256xf32, #tpu.memory_space<any>>
      tpu.enqueue_dma source(%dma_start3A_778 : memref<64x256xf32, #tpu.memory_space<any>>) target(%dma_start3A_774 : memref<64x256xf32, #tpu.memory_space<vmem>>) target_semaphore(%arg6 : memref<!tpu.dma_semaphore, #tpu.memory_space<semaphore_mem>>)
      %dma_start3A_779 = arith.constant 52 : i32
      %dma_start3A_780 = arith.constant 75 : i32
      %dma_start3A_781 = arith.constant 0 : i32
      %dma_start3A_782 = arith.constant 0 : i32
      %dma_start3A_783 = tpu.memref_slice %arg5[%dma_start3A_781, %dma_start3A_780, %dma_start3A_782] : memref<64x128x256xf32, #tpu.memory_space<vmem>> -> memref<64x1x256xf32, #tpu.memory_space<vmem>>
      %dma_start3A_784 = tpu.memref_squeeze %dma_start3A_783 : memref<64x1x256xf32, #tpu.memory_space<vmem>> -> memref<64x256xf32, #tpu.memory_space<vmem>>
      %dma_start3A_785 = arith.constant 0 : i32
      %dma_start3A_786 = arith.constant 0 : i32
      %dma_start3A_787 = tpu.memref_slice %arg2[%dma_start3A_779, %dma_start3A_785, %dma_start3A_786] : memref<128x64x256xf32, #tpu.memory_space<any>> -> memref<1x64x256xf32, #tpu.memory_space<any>>
      %dma_start3A_788 = tpu.memref_squeeze %dma_start3A_787 : memref<1x64x256xf32, #tpu.memory_space<any>> -> memref<64x256xf32, #tpu.memory_space<any>>
      tpu.enqueue_dma source(%dma_start3A_788 : memref<64x256xf32, #tpu.memory_space<any>>) target(%dma_start3A_784 : memref<64x256xf32, #tpu.memory_space<vmem>>) target_semaphore(%arg6 : memref<!tpu.dma_semaphore, #tpu.memory_space<semaphore_mem>>)
      %dma_start3A_789 = arith.constant 51 : i32
      %dma_start3A_790 = arith.constant 76 : i32
      %dma_start3A_791 = arith.constant 0 : i32
      %dma_start3A_792 = arith.constant 0 : i32
      %dma_start3A_793 = tpu.memref_slice %arg5[%dma_start3A_791, %dma_start3A_790, %dma_start3A_792] : memref<64x128x256xf32, #tpu.memory_space<vmem>> -> memref<64x1x256xf32, #tpu.memory_space<vmem>>
      %dma_start3A_794 = tpu.memref_squeeze %dma_start3A_793 : memref<64x1x256xf32, #tpu.memory_space<vmem>> -> memref<64x256xf32, #tpu.memory_space<vmem>>
      %dma_start3A_795 = arith.constant 0 : i32
      %dma_start3A_796 = arith.constant 0 : i32
      %dma_start3A_797 = tpu.memref_slice %arg2[%dma_start3A_789, %dma_start3A_795, %dma_start3A_796] : memref<128x64x256xf32, #tpu.memory_space<any>> -> memref<1x64x256xf32, #tpu.memory_space<any>>
      %dma_start3A_798 = tpu.memref_squeeze %dma_start3A_797 : memref<1x64x256xf32, #tpu.memory_space<any>> -> memref<64x256xf32, #tpu.memory_space<any>>
      tpu.enqueue_dma source(%dma_start3A_798 : memref<64x256xf32, #tpu.memory_space<any>>) target(%dma_start3A_794 : memref<64x256xf32, #tpu.memory_space<vmem>>) target_semaphore(%arg6 : memref<!tpu.dma_semaphore, #tpu.memory_space<semaphore_mem>>)
      %dma_start3A_799 = arith.constant 50 : i32
      %dma_start3A_800 = arith.constant 77 : i32
      %dma_start3A_801 = arith.constant 0 : i32
      %dma_start3A_802 = arith.constant 0 : i32
      %dma_start3A_803 = tpu.memref_slice %arg5[%dma_start3A_801, %dma_start3A_800, %dma_start3A_802] : memref<64x128x256xf32, #tpu.memory_space<vmem>> -> memref<64x1x256xf32, #tpu.memory_space<vmem>>
      %dma_start3A_804 = tpu.memref_squeeze %dma_start3A_803 : memref<64x1x256xf32, #tpu.memory_space<vmem>> -> memref<64x256xf32, #tpu.memory_space<vmem>>
      %dma_start3A_805 = arith.constant 0 : i32
      %dma_start3A_806 = arith.constant 0 : i32
      %dma_start3A_807 = tpu.memref_slice %arg2[%dma_start3A_799, %dma_start3A_805, %dma_start3A_806] : memref<128x64x256xf32, #tpu.memory_space<any>> -> memref<1x64x256xf32, #tpu.memory_space<any>>
      %dma_start3A_808 = tpu.memref_squeeze %dma_start3A_807 : memref<1x64x256xf32, #tpu.memory_space<any>> -> memref<64x256xf32, #tpu.memory_space<any>>
      tpu.enqueue_dma source(%dma_start3A_808 : memref<64x256xf32, #tpu.memory_space<any>>) target(%dma_start3A_804 : memref<64x256xf32, #tpu.memory_space<vmem>>) target_semaphore(%arg6 : memref<!tpu.dma_semaphore, #tpu.memory_space<semaphore_mem>>)
      %dma_start3A_809 = arith.constant 49 : i32
      %dma_start3A_810 = arith.constant 78 : i32
      %dma_start3A_811 = arith.constant 0 : i32
      %dma_start3A_812 = arith.constant 0 : i32
      %dma_start3A_813 = tpu.memref_slice %arg5[%dma_start3A_811, %dma_start3A_810, %dma_start3A_812] : memref<64x128x256xf32, #tpu.memory_space<vmem>> -> memref<64x1x256xf32, #tpu.memory_space<vmem>>
      %dma_start3A_814 = tpu.memref_squeeze %dma_start3A_813 : memref<64x1x256xf32, #tpu.memory_space<vmem>> -> memref<64x256xf32, #tpu.memory_space<vmem>>
      %dma_start3A_815 = arith.constant 0 : i32
      %dma_start3A_816 = arith.constant 0 : i32
      %dma_start3A_817 = tpu.memref_slice %arg2[%dma_start3A_809, %dma_start3A_815, %dma_start3A_816] : memref<128x64x256xf32, #tpu.memory_space<any>> -> memref<1x64x256xf32, #tpu.memory_space<any>>
      %dma_start3A_818 = tpu.memref_squeeze %dma_start3A_817 : memref<1x64x256xf32, #tpu.memory_space<any>> -> memref<64x256xf32, #tpu.memory_space<any>>
      tpu.enqueue_dma source(%dma_start3A_818 : memref<64x256xf32, #tpu.memory_space<any>>) target(%dma_start3A_814 : memref<64x256xf32, #tpu.memory_space<vmem>>) target_semaphore(%arg6 : memref<!tpu.dma_semaphore, #tpu.memory_space<semaphore_mem>>)
      %dma_start3A_819 = arith.constant 48 : i32
      %dma_start3A_820 = arith.constant 79 : i32
      %dma_start3A_821 = arith.constant 0 : i32
      %dma_start3A_822 = arith.constant 0 : i32
      %dma_start3A_823 = tpu.memref_slice %arg5[%dma_start3A_821, %dma_start3A_820, %dma_start3A_822] : memref<64x128x256xf32, #tpu.memory_space<vmem>> -> memref<64x1x256xf32, #tpu.memory_space<vmem>>
      %dma_start3A_824 = tpu.memref_squeeze %dma_start3A_823 : memref<64x1x256xf32, #tpu.memory_space<vmem>> -> memref<64x256xf32, #tpu.memory_space<vmem>>
      %dma_start3A_825 = arith.constant 0 : i32
      %dma_start3A_826 = arith.constant 0 : i32
      %dma_start3A_827 = tpu.memref_slice %arg2[%dma_start3A_819, %dma_start3A_825, %dma_start3A_826] : memref<128x64x256xf32, #tpu.memory_space<any>> -> memref<1x64x256xf32, #tpu.memory_space<any>>
      %dma_start3A_828 = tpu.memref_squeeze %dma_start3A_827 : memref<1x64x256xf32, #tpu.memory_space<any>> -> memref<64x256xf32, #tpu.memory_space<any>>
      tpu.enqueue_dma source(%dma_start3A_828 : memref<64x256xf32, #tpu.memory_space<any>>) target(%dma_start3A_824 : memref<64x256xf32, #tpu.memory_space<vmem>>) target_semaphore(%arg6 : memref<!tpu.dma_semaphore, #tpu.memory_space<semaphore_mem>>)
      %dma_start3A_829 = arith.constant 47 : i32
      %dma_start3A_830 = arith.constant 80 : i32
      %dma_start3A_831 = arith.constant 0 : i32
      %dma_start3A_832 = arith.constant 0 : i32
      %dma_start3A_833 = tpu.memref_slice %arg5[%dma_start3A_831, %dma_start3A_830, %dma_start3A_832] : memref<64x128x256xf32, #tpu.memory_space<vmem>> -> memref<64x1x256xf32, #tpu.memory_space<vmem>>
      %dma_start3A_834 = tpu.memref_squeeze %dma_start3A_833 : memref<64x1x256xf32, #tpu.memory_space<vmem>> -> memref<64x256xf32, #tpu.memory_space<vmem>>
      %dma_start3A_835 = arith.constant 0 : i32
      %dma_start3A_836 = arith.constant 0 : i32
      %dma_start3A_837 = tpu.memref_slice %arg2[%dma_start3A_829, %dma_start3A_835, %dma_start3A_836] : memref<128x64x256xf32, #tpu.memory_space<any>> -> memref<1x64x256xf32, #tpu.memory_space<any>>
      %dma_start3A_838 = tpu.memref_squeeze %dma_start3A_837 : memref<1x64x256xf32, #tpu.memory_space<any>> -> memref<64x256xf32, #tpu.memory_space<any>>
      tpu.enqueue_dma source(%dma_start3A_838 : memref<64x256xf32, #tpu.memory_space<any>>) target(%dma_start3A_834 : memref<64x256xf32, #tpu.memory_space<vmem>>) target_semaphore(%arg6 : memref<!tpu.dma_semaphore, #tpu.memory_space<semaphore_mem>>)
      %dma_start3A_839 = arith.constant 46 : i32
      %dma_start3A_840 = arith.constant 81 : i32
      %dma_start3A_841 = arith.constant 0 : i32
      %dma_start3A_842 = arith.constant 0 : i32
      %dma_start3A_843 = tpu.memref_slice %arg5[%dma_start3A_841, %dma_start3A_840, %dma_start3A_842] : memref<64x128x256xf32, #tpu.memory_space<vmem>> -> memref<64x1x256xf32, #tpu.memory_space<vmem>>
      %dma_start3A_844 = tpu.memref_squeeze %dma_start3A_843 : memref<64x1x256xf32, #tpu.memory_space<vmem>> -> memref<64x256xf32, #tpu.memory_space<vmem>>
      %dma_start3A_845 = arith.constant 0 : i32
      %dma_start3A_846 = arith.constant 0 : i32
      %dma_start3A_847 = tpu.memref_slice %arg2[%dma_start3A_839, %dma_start3A_845, %dma_start3A_846] : memref<128x64x256xf32, #tpu.memory_space<any>> -> memref<1x64x256xf32, #tpu.memory_space<any>>
      %dma_start3A_848 = tpu.memref_squeeze %dma_start3A_847 : memref<1x64x256xf32, #tpu.memory_space<any>> -> memref<64x256xf32, #tpu.memory_space<any>>
      tpu.enqueue_dma source(%dma_start3A_848 : memref<64x256xf32, #tpu.memory_space<any>>) target(%dma_start3A_844 : memref<64x256xf32, #tpu.memory_space<vmem>>) target_semaphore(%arg6 : memref<!tpu.dma_semaphore, #tpu.memory_space<semaphore_mem>>)
      %dma_start3A_849 = arith.constant 45 : i32
      %dma_start3A_850 = arith.constant 82 : i32
      %dma_start3A_851 = arith.constant 0 : i32
      %dma_start3A_852 = arith.constant 0 : i32
      %dma_start3A_853 = tpu.memref_slice %arg5[%dma_start3A_851, %dma_start3A_850, %dma_start3A_852] : memref<64x128x256xf32, #tpu.memory_space<vmem>> -> memref<64x1x256xf32, #tpu.memory_space<vmem>>
      %dma_start3A_854 = tpu.memref_squeeze %dma_start3A_853 : memref<64x1x256xf32, #tpu.memory_space<vmem>> -> memref<64x256xf32, #tpu.memory_space<vmem>>
      %dma_start3A_855 = arith.constant 0 : i32
      %dma_start3A_856 = arith.constant 0 : i32
      %dma_start3A_857 = tpu.memref_slice %arg2[%dma_start3A_849, %dma_start3A_855, %dma_start3A_856] : memref<128x64x256xf32, #tpu.memory_space<any>> -> memref<1x64x256xf32, #tpu.memory_space<any>>
      %dma_start3A_858 = tpu.memref_squeeze %dma_start3A_857 : memref<1x64x256xf32, #tpu.memory_space<any>> -> memref<64x256xf32, #tpu.memory_space<any>>
      tpu.enqueue_dma source(%dma_start3A_858 : memref<64x256xf32, #tpu.memory_space<any>>) target(%dma_start3A_854 : memref<64x256xf32, #tpu.memory_space<vmem>>) target_semaphore(%arg6 : memref<!tpu.dma_semaphore, #tpu.memory_space<semaphore_mem>>)
      %dma_start3A_859 = arith.constant 44 : i32
      %dma_start3A_860 = arith.constant 83 : i32
      %dma_start3A_861 = arith.constant 0 : i32
      %dma_start3A_862 = arith.constant 0 : i32
      %dma_start3A_863 = tpu.memref_slice %arg5[%dma_start3A_861, %dma_start3A_860, %dma_start3A_862] : memref<64x128x256xf32, #tpu.memory_space<vmem>> -> memref<64x1x256xf32, #tpu.memory_space<vmem>>
      %dma_start3A_864 = tpu.memref_squeeze %dma_start3A_863 : memref<64x1x256xf32, #tpu.memory_space<vmem>> -> memref<64x256xf32, #tpu.memory_space<vmem>>
      %dma_start3A_865 = arith.constant 0 : i32
      %dma_start3A_866 = arith.constant 0 : i32
      %dma_start3A_867 = tpu.memref_slice %arg2[%dma_start3A_859, %dma_start3A_865, %dma_start3A_866] : memref<128x64x256xf32, #tpu.memory_space<any>> -> memref<1x64x256xf32, #tpu.memory_space<any>>
      %dma_start3A_868 = tpu.memref_squeeze %dma_start3A_867 : memref<1x64x256xf32, #tpu.memory_space<any>> -> memref<64x256xf32, #tpu.memory_space<any>>
      tpu.enqueue_dma source(%dma_start3A_868 : memref<64x256xf32, #tpu.memory_space<any>>) target(%dma_start3A_864 : memref<64x256xf32, #tpu.memory_space<vmem>>) target_semaphore(%arg6 : memref<!tpu.dma_semaphore, #tpu.memory_space<semaphore_mem>>)
      %dma_start3A_869 = arith.constant 43 : i32
      %dma_start3A_870 = arith.constant 84 : i32
      %dma_start3A_871 = arith.constant 0 : i32
      %dma_start3A_872 = arith.constant 0 : i32
      %dma_start3A_873 = tpu.memref_slice %arg5[%dma_start3A_871, %dma_start3A_870, %dma_start3A_872] : memref<64x128x256xf32, #tpu.memory_space<vmem>> -> memref<64x1x256xf32, #tpu.memory_space<vmem>>
      %dma_start3A_874 = tpu.memref_squeeze %dma_start3A_873 : memref<64x1x256xf32, #tpu.memory_space<vmem>> -> memref<64x256xf32, #tpu.memory_space<vmem>>
      %dma_start3A_875 = arith.constant 0 : i32
      %dma_start3A_876 = arith.constant 0 : i32
      %dma_start3A_877 = tpu.memref_slice %arg2[%dma_start3A_869, %dma_start3A_875, %dma_start3A_876] : memref<128x64x256xf32, #tpu.memory_space<any>> -> memref<1x64x256xf32, #tpu.memory_space<any>>
      %dma_start3A_878 = tpu.memref_squeeze %dma_start3A_877 : memref<1x64x256xf32, #tpu.memory_space<any>> -> memref<64x256xf32, #tpu.memory_space<any>>
      tpu.enqueue_dma source(%dma_start3A_878 : memref<64x256xf32, #tpu.memory_space<any>>) target(%dma_start3A_874 : memref<64x256xf32, #tpu.memory_space<vmem>>) target_semaphore(%arg6 : memref<!tpu.dma_semaphore, #tpu.memory_space<semaphore_mem>>)
      %dma_start3A_879 = arith.constant 42 : i32
      %dma_start3A_880 = arith.constant 85 : i32
      %dma_start3A_881 = arith.constant 0 : i32
      %dma_start3A_882 = arith.constant 0 : i32
      %dma_start3A_883 = tpu.memref_slice %arg5[%dma_start3A_881, %dma_start3A_880, %dma_start3A_882] : memref<64x128x256xf32, #tpu.memory_space<vmem>> -> memref<64x1x256xf32, #tpu.memory_space<vmem>>
      %dma_start3A_884 = tpu.memref_squeeze %dma_start3A_883 : memref<64x1x256xf32, #tpu.memory_space<vmem>> -> memref<64x256xf32, #tpu.memory_space<vmem>>
      %dma_start3A_885 = arith.constant 0 : i32
      %dma_start3A_886 = arith.constant 0 : i32
      %dma_start3A_887 = tpu.memref_slice %arg2[%dma_start3A_879, %dma_start3A_885, %dma_start3A_886] : memref<128x64x256xf32, #tpu.memory_space<any>> -> memref<1x64x256xf32, #tpu.memory_space<any>>
      %dma_start3A_888 = tpu.memref_squeeze %dma_start3A_887 : memref<1x64x256xf32, #tpu.memory_space<any>> -> memref<64x256xf32, #tpu.memory_space<any>>
      tpu.enqueue_dma source(%dma_start3A_888 : memref<64x256xf32, #tpu.memory_space<any>>) target(%dma_start3A_884 : memref<64x256xf32, #tpu.memory_space<vmem>>) target_semaphore(%arg6 : memref<!tpu.dma_semaphore, #tpu.memory_space<semaphore_mem>>)
      %dma_start3A_889 = arith.constant 41 : i32
      %dma_start3A_890 = arith.constant 86 : i32
      %dma_start3A_891 = arith.constant 0 : i32
      %dma_start3A_892 = arith.constant 0 : i32
      %dma_start3A_893 = tpu.memref_slice %arg5[%dma_start3A_891, %dma_start3A_890, %dma_start3A_892] : memref<64x128x256xf32, #tpu.memory_space<vmem>> -> memref<64x1x256xf32, #tpu.memory_space<vmem>>
      %dma_start3A_894 = tpu.memref_squeeze %dma_start3A_893 : memref<64x1x256xf32, #tpu.memory_space<vmem>> -> memref<64x256xf32, #tpu.memory_space<vmem>>
      %dma_start3A_895 = arith.constant 0 : i32
      %dma_start3A_896 = arith.constant 0 : i32
      %dma_start3A_897 = tpu.memref_slice %arg2[%dma_start3A_889, %dma_start3A_895, %dma_start3A_896] : memref<128x64x256xf32, #tpu.memory_space<any>> -> memref<1x64x256xf32, #tpu.memory_space<any>>
      %dma_start3A_898 = tpu.memref_squeeze %dma_start3A_897 : memref<1x64x256xf32, #tpu.memory_space<any>> -> memref<64x256xf32, #tpu.memory_space<any>>
      tpu.enqueue_dma source(%dma_start3A_898 : memref<64x256xf32, #tpu.memory_space<any>>) target(%dma_start3A_894 : memref<64x256xf32, #tpu.memory_space<vmem>>) target_semaphore(%arg6 : memref<!tpu.dma_semaphore, #tpu.memory_space<semaphore_mem>>)
      %dma_start3A_899 = arith.constant 40 : i32
      %dma_start3A_900 = arith.constant 87 : i32
      %dma_start3A_901 = arith.constant 0 : i32
      %dma_start3A_902 = arith.constant 0 : i32
      %dma_start3A_903 = tpu.memref_slice %arg5[%dma_start3A_901, %dma_start3A_900, %dma_start3A_902] : memref<64x128x256xf32, #tpu.memory_space<vmem>> -> memref<64x1x256xf32, #tpu.memory_space<vmem>>
      %dma_start3A_904 = tpu.memref_squeeze %dma_start3A_903 : memref<64x1x256xf32, #tpu.memory_space<vmem>> -> memref<64x256xf32, #tpu.memory_space<vmem>>
      %dma_start3A_905 = arith.constant 0 : i32
      %dma_start3A_906 = arith.constant 0 : i32
      %dma_start3A_907 = tpu.memref_slice %arg2[%dma_start3A_899, %dma_start3A_905, %dma_start3A_906] : memref<128x64x256xf32, #tpu.memory_space<any>> -> memref<1x64x256xf32, #tpu.memory_space<any>>
      %dma_start3A_908 = tpu.memref_squeeze %dma_start3A_907 : memref<1x64x256xf32, #tpu.memory_space<any>> -> memref<64x256xf32, #tpu.memory_space<any>>
      tpu.enqueue_dma source(%dma_start3A_908 : memref<64x256xf32, #tpu.memory_space<any>>) target(%dma_start3A_904 : memref<64x256xf32, #tpu.memory_space<vmem>>) target_semaphore(%arg6 : memref<!tpu.dma_semaphore, #tpu.memory_space<semaphore_mem>>)
      %dma_start3A_909 = arith.constant 39 : i32
      %dma_start3A_910 = arith.constant 88 : i32
      %dma_start3A_911 = arith.constant 0 : i32
      %dma_start3A_912 = arith.constant 0 : i32
      %dma_start3A_913 = tpu.memref_slice %arg5[%dma_start3A_911, %dma_start3A_910, %dma_start3A_912] : memref<64x128x256xf32, #tpu.memory_space<vmem>> -> memref<64x1x256xf32, #tpu.memory_space<vmem>>
      %dma_start3A_914 = tpu.memref_squeeze %dma_start3A_913 : memref<64x1x256xf32, #tpu.memory_space<vmem>> -> memref<64x256xf32, #tpu.memory_space<vmem>>
      %dma_start3A_915 = arith.constant 0 : i32
      %dma_start3A_916 = arith.constant 0 : i32
      %dma_start3A_917 = tpu.memref_slice %arg2[%dma_start3A_909, %dma_start3A_915, %dma_start3A_916] : memref<128x64x256xf32, #tpu.memory_space<any>> -> memref<1x64x256xf32, #tpu.memory_space<any>>
      %dma_start3A_918 = tpu.memref_squeeze %dma_start3A_917 : memref<1x64x256xf32, #tpu.memory_space<any>> -> memref<64x256xf32, #tpu.memory_space<any>>
      tpu.enqueue_dma source(%dma_start3A_918 : memref<64x256xf32, #tpu.memory_space<any>>) target(%dma_start3A_914 : memref<64x256xf32, #tpu.memory_space<vmem>>) target_semaphore(%arg6 : memref<!tpu.dma_semaphore, #tpu.memory_space<semaphore_mem>>)
      %dma_start3A_919 = arith.constant 38 : i32
      %dma_start3A_920 = arith.constant 89 : i32
      %dma_start3A_921 = arith.constant 0 : i32
      %dma_start3A_922 = arith.constant 0 : i32
      %dma_start3A_923 = tpu.memref_slice %arg5[%dma_start3A_921, %dma_start3A_920, %dma_start3A_922] : memref<64x128x256xf32, #tpu.memory_space<vmem>> -> memref<64x1x256xf32, #tpu.memory_space<vmem>>
      %dma_start3A_924 = tpu.memref_squeeze %dma_start3A_923 : memref<64x1x256xf32, #tpu.memory_space<vmem>> -> memref<64x256xf32, #tpu.memory_space<vmem>>
      %dma_start3A_925 = arith.constant 0 : i32
      %dma_start3A_926 = arith.constant 0 : i32
      %dma_start3A_927 = tpu.memref_slice %arg2[%dma_start3A_919, %dma_start3A_925, %dma_start3A_926] : memref<128x64x256xf32, #tpu.memory_space<any>> -> memref<1x64x256xf32, #tpu.memory_space<any>>
      %dma_start3A_928 = tpu.memref_squeeze %dma_start3A_927 : memref<1x64x256xf32, #tpu.memory_space<any>> -> memref<64x256xf32, #tpu.memory_space<any>>
      tpu.enqueue_dma source(%dma_start3A_928 : memref<64x256xf32, #tpu.memory_space<any>>) target(%dma_start3A_924 : memref<64x256xf32, #tpu.memory_space<vmem>>) target_semaphore(%arg6 : memref<!tpu.dma_semaphore, #tpu.memory_space<semaphore_mem>>)
      %dma_start3A_929 = arith.constant 37 : i32
      %dma_start3A_930 = arith.constant 90 : i32
      %dma_start3A_931 = arith.constant 0 : i32
      %dma_start3A_932 = arith.constant 0 : i32
      %dma_start3A_933 = tpu.memref_slice %arg5[%dma_start3A_931, %dma_start3A_930, %dma_start3A_932] : memref<64x128x256xf32, #tpu.memory_space<vmem>> -> memref<64x1x256xf32, #tpu.memory_space<vmem>>
      %dma_start3A_934 = tpu.memref_squeeze %dma_start3A_933 : memref<64x1x256xf32, #tpu.memory_space<vmem>> -> memref<64x256xf32, #tpu.memory_space<vmem>>
      %dma_start3A_935 = arith.constant 0 : i32
      %dma_start3A_936 = arith.constant 0 : i32
      %dma_start3A_937 = tpu.memref_slice %arg2[%dma_start3A_929, %dma_start3A_935, %dma_start3A_936] : memref<128x64x256xf32, #tpu.memory_space<any>> -> memref<1x64x256xf32, #tpu.memory_space<any>>
      %dma_start3A_938 = tpu.memref_squeeze %dma_start3A_937 : memref<1x64x256xf32, #tpu.memory_space<any>> -> memref<64x256xf32, #tpu.memory_space<any>>
      tpu.enqueue_dma source(%dma_start3A_938 : memref<64x256xf32, #tpu.memory_space<any>>) target(%dma_start3A_934 : memref<64x256xf32, #tpu.memory_space<vmem>>) target_semaphore(%arg6 : memref<!tpu.dma_semaphore, #tpu.memory_space<semaphore_mem>>)
      %dma_start3A_939 = arith.constant 36 : i32
      %dma_start3A_940 = arith.constant 91 : i32
      %dma_start3A_941 = arith.constant 0 : i32
      %dma_start3A_942 = arith.constant 0 : i32
      %dma_start3A_943 = tpu.memref_slice %arg5[%dma_start3A_941, %dma_start3A_940, %dma_start3A_942] : memref<64x128x256xf32, #tpu.memory_space<vmem>> -> memref<64x1x256xf32, #tpu.memory_space<vmem>>
      %dma_start3A_944 = tpu.memref_squeeze %dma_start3A_943 : memref<64x1x256xf32, #tpu.memory_space<vmem>> -> memref<64x256xf32, #tpu.memory_space<vmem>>
      %dma_start3A_945 = arith.constant 0 : i32
      %dma_start3A_946 = arith.constant 0 : i32
      %dma_start3A_947 = tpu.memref_slice %arg2[%dma_start3A_939, %dma_start3A_945, %dma_start3A_946] : memref<128x64x256xf32, #tpu.memory_space<any>> -> memref<1x64x256xf32, #tpu.memory_space<any>>
      %dma_start3A_948 = tpu.memref_squeeze %dma_start3A_947 : memref<1x64x256xf32, #tpu.memory_space<any>> -> memref<64x256xf32, #tpu.memory_space<any>>
      tpu.enqueue_dma source(%dma_start3A_948 : memref<64x256xf32, #tpu.memory_space<any>>) target(%dma_start3A_944 : memref<64x256xf32, #tpu.memory_space<vmem>>) target_semaphore(%arg6 : memref<!tpu.dma_semaphore, #tpu.memory_space<semaphore_mem>>)
      %dma_start3A_949 = arith.constant 35 : i32
      %dma_start3A_950 = arith.constant 92 : i32
      %dma_start3A_951 = arith.constant 0 : i32
      %dma_start3A_952 = arith.constant 0 : i32
      %dma_start3A_953 = tpu.memref_slice %arg5[%dma_start3A_951, %dma_start3A_950, %dma_start3A_952] : memref<64x128x256xf32, #tpu.memory_space<vmem>> -> memref<64x1x256xf32, #tpu.memory_space<vmem>>
      %dma_start3A_954 = tpu.memref_squeeze %dma_start3A_953 : memref<64x1x256xf32, #tpu.memory_space<vmem>> -> memref<64x256xf32, #tpu.memory_space<vmem>>
      %dma_start3A_955 = arith.constant 0 : i32
      %dma_start3A_956 = arith.constant 0 : i32
      %dma_start3A_957 = tpu.memref_slice %arg2[%dma_start3A_949, %dma_start3A_955, %dma_start3A_956] : memref<128x64x256xf32, #tpu.memory_space<any>> -> memref<1x64x256xf32, #tpu.memory_space<any>>
      %dma_start3A_958 = tpu.memref_squeeze %dma_start3A_957 : memref<1x64x256xf32, #tpu.memory_space<any>> -> memref<64x256xf32, #tpu.memory_space<any>>
      tpu.enqueue_dma source(%dma_start3A_958 : memref<64x256xf32, #tpu.memory_space<any>>) target(%dma_start3A_954 : memref<64x256xf32, #tpu.memory_space<vmem>>) target_semaphore(%arg6 : memref<!tpu.dma_semaphore, #tpu.memory_space<semaphore_mem>>)
      %dma_start3A_959 = arith.constant 34 : i32
      %dma_start3A_960 = arith.constant 93 : i32
      %dma_start3A_961 = arith.constant 0 : i32
      %dma_start3A_962 = arith.constant 0 : i32
      %dma_start3A_963 = tpu.memref_slice %arg5[%dma_start3A_961, %dma_start3A_960, %dma_start3A_962] : memref<64x128x256xf32, #tpu.memory_space<vmem>> -> memref<64x1x256xf32, #tpu.memory_space<vmem>>
      %dma_start3A_964 = tpu.memref_squeeze %dma_start3A_963 : memref<64x1x256xf32, #tpu.memory_space<vmem>> -> memref<64x256xf32, #tpu.memory_space<vmem>>
      %dma_start3A_965 = arith.constant 0 : i32
      %dma_start3A_966 = arith.constant 0 : i32
      %dma_start3A_967 = tpu.memref_slice %arg2[%dma_start3A_959, %dma_start3A_965, %dma_start3A_966] : memref<128x64x256xf32, #tpu.memory_space<any>> -> memref<1x64x256xf32, #tpu.memory_space<any>>
      %dma_start3A_968 = tpu.memref_squeeze %dma_start3A_967 : memref<1x64x256xf32, #tpu.memory_space<any>> -> memref<64x256xf32, #tpu.memory_space<any>>
      tpu.enqueue_dma source(%dma_start3A_968 : memref<64x256xf32, #tpu.memory_space<any>>) target(%dma_start3A_964 : memref<64x256xf32, #tpu.memory_space<vmem>>) target_semaphore(%arg6 : memref<!tpu.dma_semaphore, #tpu.memory_space<semaphore_mem>>)
      %dma_start3A_969 = arith.constant 33 : i32
      %dma_start3A_970 = arith.constant 94 : i32
      %dma_start3A_971 = arith.constant 0 : i32
      %dma_start3A_972 = arith.constant 0 : i32
      %dma_start3A_973 = tpu.memref_slice %arg5[%dma_start3A_971, %dma_start3A_970, %dma_start3A_972] : memref<64x128x256xf32, #tpu.memory_space<vmem>> -> memref<64x1x256xf32, #tpu.memory_space<vmem>>
      %dma_start3A_974 = tpu.memref_squeeze %dma_start3A_973 : memref<64x1x256xf32, #tpu.memory_space<vmem>> -> memref<64x256xf32, #tpu.memory_space<vmem>>
      %dma_start3A_975 = arith.constant 0 : i32
      %dma_start3A_976 = arith.constant 0 : i32
      %dma_start3A_977 = tpu.memref_slice %arg2[%dma_start3A_969, %dma_start3A_975, %dma_start3A_976] : memref<128x64x256xf32, #tpu.memory_space<any>> -> memref<1x64x256xf32, #tpu.memory_space<any>>
      %dma_start3A_978 = tpu.memref_squeeze %dma_start3A_977 : memref<1x64x256xf32, #tpu.memory_space<any>> -> memref<64x256xf32, #tpu.memory_space<any>>
      tpu.enqueue_dma source(%dma_start3A_978 : memref<64x256xf32, #tpu.memory_space<any>>) target(%dma_start3A_974 : memref<64x256xf32, #tpu.memory_space<vmem>>) target_semaphore(%arg6 : memref<!tpu.dma_semaphore, #tpu.memory_space<semaphore_mem>>)
      %dma_start3A_979 = arith.constant 32 : i32
      %dma_start3A_980 = arith.constant 95 : i32
      %dma_start3A_981 = arith.constant 0 : i32
      %dma_start3A_982 = arith.constant 0 : i32
      %dma_start3A_983 = tpu.memref_slice %arg5[%dma_start3A_981, %dma_start3A_980, %dma_start3A_982] : memref<64x128x256xf32, #tpu.memory_space<vmem>> -> memref<64x1x256xf32, #tpu.memory_space<vmem>>
      %dma_start3A_984 = tpu.memref_squeeze %dma_start3A_983 : memref<64x1x256xf32, #tpu.memory_space<vmem>> -> memref<64x256xf32, #tpu.memory_space<vmem>>
      %dma_start3A_985 = arith.constant 0 : i32
      %dma_start3A_986 = arith.constant 0 : i32
      %dma_start3A_987 = tpu.memref_slice %arg2[%dma_start3A_979, %dma_start3A_985, %dma_start3A_986] : memref<128x64x256xf32, #tpu.memory_space<any>> -> memref<1x64x256xf32, #tpu.memory_space<any>>
      %dma_start3A_988 = tpu.memref_squeeze %dma_start3A_987 : memref<1x64x256xf32, #tpu.memory_space<any>> -> memref<64x256xf32, #tpu.memory_space<any>>
      tpu.enqueue_dma source(%dma_start3A_988 : memref<64x256xf32, #tpu.memory_space<any>>) target(%dma_start3A_984 : memref<64x256xf32, #tpu.memory_space<vmem>>) target_semaphore(%arg6 : memref<!tpu.dma_semaphore, #tpu.memory_space<semaphore_mem>>)
      %dma_start3A_989 = arith.constant 31 : i32
      %dma_start3A_990 = arith.constant 96 : i32
      %dma_start3A_991 = arith.constant 0 : i32
      %dma_start3A_992 = arith.constant 0 : i32
      %dma_start3A_993 = tpu.memref_slice %arg5[%dma_start3A_991, %dma_start3A_990, %dma_start3A_992] : memref<64x128x256xf32, #tpu.memory_space<vmem>> -> memref<64x1x256xf32, #tpu.memory_space<vmem>>
      %dma_start3A_994 = tpu.memref_squeeze %dma_start3A_993 : memref<64x1x256xf32, #tpu.memory_space<vmem>> -> memref<64x256xf32, #tpu.memory_space<vmem>>
      %dma_start3A_995 = arith.constant 0 : i32
      %dma_start3A_996 = arith.constant 0 : i32
      %dma_start3A_997 = tpu.memref_slice %arg2[%dma_start3A_989, %dma_start3A_995, %dma_start3A_996] : memref<128x64x256xf32, #tpu.memory_space<any>> -> memref<1x64x256xf32, #tpu.memory_space<any>>
      %dma_start3A_998 = tpu.memref_squeeze %dma_start3A_997 : memref<1x64x256xf32, #tpu.memory_space<any>> -> memref<64x256xf32, #tpu.memory_space<any>>
      tpu.enqueue_dma source(%dma_start3A_998 : memref<64x256xf32, #tpu.memory_space<any>>) target(%dma_start3A_994 : memref<64x256xf32, #tpu.memory_space<vmem>>) target_semaphore(%arg6 : memref<!tpu.dma_semaphore, #tpu.memory_space<semaphore_mem>>)
      %dma_start3A_999 = arith.constant 30 : i32
      %dma_start3A_1000 = arith.constant 97 : i32
      %dma_start3A_1001 = arith.constant 0 : i32
      %dma_start3A_1002 = arith.constant 0 : i32
      %dma_start3A_1003 = tpu.memref_slice %arg5[%dma_start3A_1001, %dma_start3A_1000, %dma_start3A_1002] : memref<64x128x256xf32, #tpu.memory_space<vmem>> -> memref<64x1x256xf32, #tpu.memory_space<vmem>>
      %dma_start3A_1004 = tpu.memref_squeeze %dma_start3A_1003 : memref<64x1x256xf32, #tpu.memory_space<vmem>> -> memref<64x256xf32, #tpu.memory_space<vmem>>
      %dma_start3A_1005 = arith.constant 0 : i32
      %dma_start3A_1006 = arith.constant 0 : i32
      %dma_start3A_1007 = tpu.memref_slice %arg2[%dma_start3A_999, %dma_start3A_1005, %dma_start3A_1006] : memref<128x64x256xf32, #tpu.memory_space<any>> -> memref<1x64x256xf32, #tpu.memory_space<any>>
      %dma_start3A_1008 = tpu.memref_squeeze %dma_start3A_1007 : memref<1x64x256xf32, #tpu.memory_space<any>> -> memref<64x256xf32, #tpu.memory_space<any>>
      tpu.enqueue_dma source(%dma_start3A_1008 : memref<64x256xf32, #tpu.memory_space<any>>) target(%dma_start3A_1004 : memref<64x256xf32, #tpu.memory_space<vmem>>) target_semaphore(%arg6 : memref<!tpu.dma_semaphore, #tpu.memory_space<semaphore_mem>>)
      %dma_start3A_1009 = arith.constant 29 : i32
      %dma_start3A_1010 = arith.constant 98 : i32
      %dma_start3A_1011 = arith.constant 0 : i32
      %dma_start3A_1012 = arith.constant 0 : i32
      %dma_start3A_1013 = tpu.memref_slice %arg5[%dma_start3A_1011, %dma_start3A_1010, %dma_start3A_1012] : memref<64x128x256xf32, #tpu.memory_space<vmem>> -> memref<64x1x256xf32, #tpu.memory_space<vmem>>
      %dma_start3A_1014 = tpu.memref_squeeze %dma_start3A_1013 : memref<64x1x256xf32, #tpu.memory_space<vmem>> -> memref<64x256xf32, #tpu.memory_space<vmem>>
      %dma_start3A_1015 = arith.constant 0 : i32
      %dma_start3A_1016 = arith.constant 0 : i32
      %dma_start3A_1017 = tpu.memref_slice %arg2[%dma_start3A_1009, %dma_start3A_1015, %dma_start3A_1016] : memref<128x64x256xf32, #tpu.memory_space<any>> -> memref<1x64x256xf32, #tpu.memory_space<any>>
      %dma_start3A_1018 = tpu.memref_squeeze %dma_start3A_1017 : memref<1x64x256xf32, #tpu.memory_space<any>> -> memref<64x256xf32, #tpu.memory_space<any>>
      tpu.enqueue_dma source(%dma_start3A_1018 : memref<64x256xf32, #tpu.memory_space<any>>) target(%dma_start3A_1014 : memref<64x256xf32, #tpu.memory_space<vmem>>) target_semaphore(%arg6 : memref<!tpu.dma_semaphore, #tpu.memory_space<semaphore_mem>>)
      %dma_start3A_1019 = arith.constant 28 : i32
      %dma_start3A_1020 = arith.constant 99 : i32
      %dma_start3A_1021 = arith.constant 0 : i32
      %dma_start3A_1022 = arith.constant 0 : i32
      %dma_start3A_1023 = tpu.memref_slice %arg5[%dma_start3A_1021, %dma_start3A_1020, %dma_start3A_1022] : memref<64x128x256xf32, #tpu.memory_space<vmem>> -> memref<64x1x256xf32, #tpu.memory_space<vmem>>
      %dma_start3A_1024 = tpu.memref_squeeze %dma_start3A_1023 : memref<64x1x256xf32, #tpu.memory_space<vmem>> -> memref<64x256xf32, #tpu.memory_space<vmem>>
      %dma_start3A_1025 = arith.constant 0 : i32
      %dma_start3A_1026 = arith.constant 0 : i32
      %dma_start3A_1027 = tpu.memref_slice %arg2[%dma_start3A_1019, %dma_start3A_1025, %dma_start3A_1026] : memref<128x64x256xf32, #tpu.memory_space<any>> -> memref<1x64x256xf32, #tpu.memory_space<any>>
      %dma_start3A_1028 = tpu.memref_squeeze %dma_start3A_1027 : memref<1x64x256xf32, #tpu.memory_space<any>> -> memref<64x256xf32, #tpu.memory_space<any>>
      tpu.enqueue_dma source(%dma_start3A_1028 : memref<64x256xf32, #tpu.memory_space<any>>) target(%dma_start3A_1024 : memref<64x256xf32, #tpu.memory_space<vmem>>) target_semaphore(%arg6 : memref<!tpu.dma_semaphore, #tpu.memory_space<semaphore_mem>>)
      %dma_start3A_1029 = arith.constant 27 : i32
      %dma_start3A_1030 = arith.constant 100 : i32
      %dma_start3A_1031 = arith.constant 0 : i32
      %dma_start3A_1032 = arith.constant 0 : i32
      %dma_start3A_1033 = tpu.memref_slice %arg5[%dma_start3A_1031, %dma_start3A_1030, %dma_start3A_1032] : memref<64x128x256xf32, #tpu.memory_space<vmem>> -> memref<64x1x256xf32, #tpu.memory_space<vmem>>
      %dma_start3A_1034 = tpu.memref_squeeze %dma_start3A_1033 : memref<64x1x256xf32, #tpu.memory_space<vmem>> -> memref<64x256xf32, #tpu.memory_space<vmem>>
      %dma_start3A_1035 = arith.constant 0 : i32
      %dma_start3A_1036 = arith.constant 0 : i32
      %dma_start3A_1037 = tpu.memref_slice %arg2[%dma_start3A_1029, %dma_start3A_1035, %dma_start3A_1036] : memref<128x64x256xf32, #tpu.memory_space<any>> -> memref<1x64x256xf32, #tpu.memory_space<any>>
      %dma_start3A_1038 = tpu.memref_squeeze %dma_start3A_1037 : memref<1x64x256xf32, #tpu.memory_space<any>> -> memref<64x256xf32, #tpu.memory_space<any>>
      tpu.enqueue_dma source(%dma_start3A_1038 : memref<64x256xf32, #tpu.memory_space<any>>) target(%dma_start3A_1034 : memref<64x256xf32, #tpu.memory_space<vmem>>) target_semaphore(%arg6 : memref<!tpu.dma_semaphore, #tpu.memory_space<semaphore_mem>>)
      %dma_start3A_1039 = arith.constant 26 : i32
      %dma_start3A_1040 = arith.constant 101 : i32
      %dma_start3A_1041 = arith.constant 0 : i32
      %dma_start3A_1042 = arith.constant 0 : i32
      %dma_start3A_1043 = tpu.memref_slice %arg5[%dma_start3A_1041, %dma_start3A_1040, %dma_start3A_1042] : memref<64x128x256xf32, #tpu.memory_space<vmem>> -> memref<64x1x256xf32, #tpu.memory_space<vmem>>
      %dma_start3A_1044 = tpu.memref_squeeze %dma_start3A_1043 : memref<64x1x256xf32, #tpu.memory_space<vmem>> -> memref<64x256xf32, #tpu.memory_space<vmem>>
      %dma_start3A_1045 = arith.constant 0 : i32
      %dma_start3A_1046 = arith.constant 0 : i32
      %dma_start3A_1047 = tpu.memref_slice %arg2[%dma_start3A_1039, %dma_start3A_1045, %dma_start3A_1046] : memref<128x64x256xf32, #tpu.memory_space<any>> -> memref<1x64x256xf32, #tpu.memory_space<any>>
      %dma_start3A_1048 = tpu.memref_squeeze %dma_start3A_1047 : memref<1x64x256xf32, #tpu.memory_space<any>> -> memref<64x256xf32, #tpu.memory_space<any>>
      tpu.enqueue_dma source(%dma_start3A_1048 : memref<64x256xf32, #tpu.memory_space<any>>) target(%dma_start3A_1044 : memref<64x256xf32, #tpu.memory_space<vmem>>) target_semaphore(%arg6 : memref<!tpu.dma_semaphore, #tpu.memory_space<semaphore_mem>>)
      %dma_start3A_1049 = arith.constant 25 : i32
      %dma_start3A_1050 = arith.constant 102 : i32
      %dma_start3A_1051 = arith.constant 0 : i32
      %dma_start3A_1052 = arith.constant 0 : i32
      %dma_start3A_1053 = tpu.memref_slice %arg5[%dma_start3A_1051, %dma_start3A_1050, %dma_start3A_1052] : memref<64x128x256xf32, #tpu.memory_space<vmem>> -> memref<64x1x256xf32, #tpu.memory_space<vmem>>
      %dma_start3A_1054 = tpu.memref_squeeze %dma_start3A_1053 : memref<64x1x256xf32, #tpu.memory_space<vmem>> -> memref<64x256xf32, #tpu.memory_space<vmem>>
      %dma_start3A_1055 = arith.constant 0 : i32
      %dma_start3A_1056 = arith.constant 0 : i32
      %dma_start3A_1057 = tpu.memref_slice %arg2[%dma_start3A_1049, %dma_start3A_1055, %dma_start3A_1056] : memref<128x64x256xf32, #tpu.memory_space<any>> -> memref<1x64x256xf32, #tpu.memory_space<any>>
      %dma_start3A_1058 = tpu.memref_squeeze %dma_start3A_1057 : memref<1x64x256xf32, #tpu.memory_space<any>> -> memref<64x256xf32, #tpu.memory_space<any>>
      tpu.enqueue_dma source(%dma_start3A_1058 : memref<64x256xf32, #tpu.memory_space<any>>) target(%dma_start3A_1054 : memref<64x256xf32, #tpu.memory_space<vmem>>) target_semaphore(%arg6 : memref<!tpu.dma_semaphore, #tpu.memory_space<semaphore_mem>>)
      %dma_start3A_1059 = arith.constant 24 : i32
      %dma_start3A_1060 = arith.constant 103 : i32
      %dma_start3A_1061 = arith.constant 0 : i32
      %dma_start3A_1062 = arith.constant 0 : i32
      %dma_start3A_1063 = tpu.memref_slice %arg5[%dma_start3A_1061, %dma_start3A_1060, %dma_start3A_1062] : memref<64x128x256xf32, #tpu.memory_space<vmem>> -> memref<64x1x256xf32, #tpu.memory_space<vmem>>
      %dma_start3A_1064 = tpu.memref_squeeze %dma_start3A_1063 : memref<64x1x256xf32, #tpu.memory_space<vmem>> -> memref<64x256xf32, #tpu.memory_space<vmem>>
      %dma_start3A_1065 = arith.constant 0 : i32
      %dma_start3A_1066 = arith.constant 0 : i32
      %dma_start3A_1067 = tpu.memref_slice %arg2[%dma_start3A_1059, %dma_start3A_1065, %dma_start3A_1066] : memref<128x64x256xf32, #tpu.memory_space<any>> -> memref<1x64x256xf32, #tpu.memory_space<any>>
      %dma_start3A_1068 = tpu.memref_squeeze %dma_start3A_1067 : memref<1x64x256xf32, #tpu.memory_space<any>> -> memref<64x256xf32, #tpu.memory_space<any>>
      tpu.enqueue_dma source(%dma_start3A_1068 : memref<64x256xf32, #tpu.memory_space<any>>) target(%dma_start3A_1064 : memref<64x256xf32, #tpu.memory_space<vmem>>) target_semaphore(%arg6 : memref<!tpu.dma_semaphore, #tpu.memory_space<semaphore_mem>>)
      %dma_start3A_1069 = arith.constant 23 : i32
      %dma_start3A_1070 = arith.constant 104 : i32
      %dma_start3A_1071 = arith.constant 0 : i32
      %dma_start3A_1072 = arith.constant 0 : i32
      %dma_start3A_1073 = tpu.memref_slice %arg5[%dma_start3A_1071, %dma_start3A_1070, %dma_start3A_1072] : memref<64x128x256xf32, #tpu.memory_space<vmem>> -> memref<64x1x256xf32, #tpu.memory_space<vmem>>
      %dma_start3A_1074 = tpu.memref_squeeze %dma_start3A_1073 : memref<64x1x256xf32, #tpu.memory_space<vmem>> -> memref<64x256xf32, #tpu.memory_space<vmem>>
      %dma_start3A_1075 = arith.constant 0 : i32
      %dma_start3A_1076 = arith.constant 0 : i32
      %dma_start3A_1077 = tpu.memref_slice %arg2[%dma_start3A_1069, %dma_start3A_1075, %dma_start3A_1076] : memref<128x64x256xf32, #tpu.memory_space<any>> -> memref<1x64x256xf32, #tpu.memory_space<any>>
      %dma_start3A_1078 = tpu.memref_squeeze %dma_start3A_1077 : memref<1x64x256xf32, #tpu.memory_space<any>> -> memref<64x256xf32, #tpu.memory_space<any>>
      tpu.enqueue_dma source(%dma_start3A_1078 : memref<64x256xf32, #tpu.memory_space<any>>) target(%dma_start3A_1074 : memref<64x256xf32, #tpu.memory_space<vmem>>) target_semaphore(%arg6 : memref<!tpu.dma_semaphore, #tpu.memory_space<semaphore_mem>>)
      %dma_start3A_1079 = arith.constant 22 : i32
      %dma_start3A_1080 = arith.constant 105 : i32
      %dma_start3A_1081 = arith.constant 0 : i32
      %dma_start3A_1082 = arith.constant 0 : i32
      %dma_start3A_1083 = tpu.memref_slice %arg5[%dma_start3A_1081, %dma_start3A_1080, %dma_start3A_1082] : memref<64x128x256xf32, #tpu.memory_space<vmem>> -> memref<64x1x256xf32, #tpu.memory_space<vmem>>
      %dma_start3A_1084 = tpu.memref_squeeze %dma_start3A_1083 : memref<64x1x256xf32, #tpu.memory_space<vmem>> -> memref<64x256xf32, #tpu.memory_space<vmem>>
      %dma_start3A_1085 = arith.constant 0 : i32
      %dma_start3A_1086 = arith.constant 0 : i32
      %dma_start3A_1087 = tpu.memref_slice %arg2[%dma_start3A_1079, %dma_start3A_1085, %dma_start3A_1086] : memref<128x64x256xf32, #tpu.memory_space<any>> -> memref<1x64x256xf32, #tpu.memory_space<any>>
      %dma_start3A_1088 = tpu.memref_squeeze %dma_start3A_1087 : memref<1x64x256xf32, #tpu.memory_space<any>> -> memref<64x256xf32, #tpu.memory_space<any>>
      tpu.enqueue_dma source(%dma_start3A_1088 : memref<64x256xf32, #tpu.memory_space<any>>) target(%dma_start3A_1084 : memref<64x256xf32, #tpu.memory_space<vmem>>) target_semaphore(%arg6 : memref<!tpu.dma_semaphore, #tpu.memory_space<semaphore_mem>>)
      %dma_start3A_1089 = arith.constant 21 : i32
      %dma_start3A_1090 = arith.constant 106 : i32
      %dma_start3A_1091 = arith.constant 0 : i32
      %dma_start3A_1092 = arith.constant 0 : i32
      %dma_start3A_1093 = tpu.memref_slice %arg5[%dma_start3A_1091, %dma_start3A_1090, %dma_start3A_1092] : memref<64x128x256xf32, #tpu.memory_space<vmem>> -> memref<64x1x256xf32, #tpu.memory_space<vmem>>
      %dma_start3A_1094 = tpu.memref_squeeze %dma_start3A_1093 : memref<64x1x256xf32, #tpu.memory_space<vmem>> -> memref<64x256xf32, #tpu.memory_space<vmem>>
      %dma_start3A_1095 = arith.constant 0 : i32
      %dma_start3A_1096 = arith.constant 0 : i32
      %dma_start3A_1097 = tpu.memref_slice %arg2[%dma_start3A_1089, %dma_start3A_1095, %dma_start3A_1096] : memref<128x64x256xf32, #tpu.memory_space<any>> -> memref<1x64x256xf32, #tpu.memory_space<any>>
      %dma_start3A_1098 = tpu.memref_squeeze %dma_start3A_1097 : memref<1x64x256xf32, #tpu.memory_space<any>> -> memref<64x256xf32, #tpu.memory_space<any>>
      tpu.enqueue_dma source(%dma_start3A_1098 : memref<64x256xf32, #tpu.memory_space<any>>) target(%dma_start3A_1094 : memref<64x256xf32, #tpu.memory_space<vmem>>) target_semaphore(%arg6 : memref<!tpu.dma_semaphore, #tpu.memory_space<semaphore_mem>>)
      %dma_start3A_1099 = arith.constant 20 : i32
      %dma_start3A_1100 = arith.constant 107 : i32
      %dma_start3A_1101 = arith.constant 0 : i32
      %dma_start3A_1102 = arith.constant 0 : i32
      %dma_start3A_1103 = tpu.memref_slice %arg5[%dma_start3A_1101, %dma_start3A_1100, %dma_start3A_1102] : memref<64x128x256xf32, #tpu.memory_space<vmem>> -> memref<64x1x256xf32, #tpu.memory_space<vmem>>
      %dma_start3A_1104 = tpu.memref_squeeze %dma_start3A_1103 : memref<64x1x256xf32, #tpu.memory_space<vmem>> -> memref<64x256xf32, #tpu.memory_space<vmem>>
      %dma_start3A_1105 = arith.constant 0 : i32
      %dma_start3A_1106 = arith.constant 0 : i32
      %dma_start3A_1107 = tpu.memref_slice %arg2[%dma_start3A_1099, %dma_start3A_1105, %dma_start3A_1106] : memref<128x64x256xf32, #tpu.memory_space<any>> -> memref<1x64x256xf32, #tpu.memory_space<any>>
      %dma_start3A_1108 = tpu.memref_squeeze %dma_start3A_1107 : memref<1x64x256xf32, #tpu.memory_space<any>> -> memref<64x256xf32, #tpu.memory_space<any>>
      tpu.enqueue_dma source(%dma_start3A_1108 : memref<64x256xf32, #tpu.memory_space<any>>) target(%dma_start3A_1104 : memref<64x256xf32, #tpu.memory_space<vmem>>) target_semaphore(%arg6 : memref<!tpu.dma_semaphore, #tpu.memory_space<semaphore_mem>>)
      %dma_start3A_1109 = arith.constant 19 : i32
      %dma_start3A_1110 = arith.constant 108 : i32
      %dma_start3A_1111 = arith.constant 0 : i32
      %dma_start3A_1112 = arith.constant 0 : i32
      %dma_start3A_1113 = tpu.memref_slice %arg5[%dma_start3A_1111, %dma_start3A_1110, %dma_start3A_1112] : memref<64x128x256xf32, #tpu.memory_space<vmem>> -> memref<64x1x256xf32, #tpu.memory_space<vmem>>
      %dma_start3A_1114 = tpu.memref_squeeze %dma_start3A_1113 : memref<64x1x256xf32, #tpu.memory_space<vmem>> -> memref<64x256xf32, #tpu.memory_space<vmem>>
      %dma_start3A_1115 = arith.constant 0 : i32
      %dma_start3A_1116 = arith.constant 0 : i32
      %dma_start3A_1117 = tpu.memref_slice %arg2[%dma_start3A_1109, %dma_start3A_1115, %dma_start3A_1116] : memref<128x64x256xf32, #tpu.memory_space<any>> -> memref<1x64x256xf32, #tpu.memory_space<any>>
      %dma_start3A_1118 = tpu.memref_squeeze %dma_start3A_1117 : memref<1x64x256xf32, #tpu.memory_space<any>> -> memref<64x256xf32, #tpu.memory_space<any>>
      tpu.enqueue_dma source(%dma_start3A_1118 : memref<64x256xf32, #tpu.memory_space<any>>) target(%dma_start3A_1114 : memref<64x256xf32, #tpu.memory_space<vmem>>) target_semaphore(%arg6 : memref<!tpu.dma_semaphore, #tpu.memory_space<semaphore_mem>>)
      %dma_start3A_1119 = arith.constant 18 : i32
      %dma_start3A_1120 = arith.constant 109 : i32
      %dma_start3A_1121 = arith.constant 0 : i32
      %dma_start3A_1122 = arith.constant 0 : i32
      %dma_start3A_1123 = tpu.memref_slice %arg5[%dma_start3A_1121, %dma_start3A_1120, %dma_start3A_1122] : memref<64x128x256xf32, #tpu.memory_space<vmem>> -> memref<64x1x256xf32, #tpu.memory_space<vmem>>
      %dma_start3A_1124 = tpu.memref_squeeze %dma_start3A_1123 : memref<64x1x256xf32, #tpu.memory_space<vmem>> -> memref<64x256xf32, #tpu.memory_space<vmem>>
      %dma_start3A_1125 = arith.constant 0 : i32
      %dma_start3A_1126 = arith.constant 0 : i32
      %dma_start3A_1127 = tpu.memref_slice %arg2[%dma_start3A_1119, %dma_start3A_1125, %dma_start3A_1126] : memref<128x64x256xf32, #tpu.memory_space<any>> -> memref<1x64x256xf32, #tpu.memory_space<any>>
      %dma_start3A_1128 = tpu.memref_squeeze %dma_start3A_1127 : memref<1x64x256xf32, #tpu.memory_space<any>> -> memref<64x256xf32, #tpu.memory_space<any>>
      tpu.enqueue_dma source(%dma_start3A_1128 : memref<64x256xf32, #tpu.memory_space<any>>) target(%dma_start3A_1124 : memref<64x256xf32, #tpu.memory_space<vmem>>) target_semaphore(%arg6 : memref<!tpu.dma_semaphore, #tpu.memory_space<semaphore_mem>>)
      %dma_start3A_1129 = arith.constant 17 : i32
      %dma_start3A_1130 = arith.constant 110 : i32
      %dma_start3A_1131 = arith.constant 0 : i32
      %dma_start3A_1132 = arith.constant 0 : i32
      %dma_start3A_1133 = tpu.memref_slice %arg5[%dma_start3A_1131, %dma_start3A_1130, %dma_start3A_1132] : memref<64x128x256xf32, #tpu.memory_space<vmem>> -> memref<64x1x256xf32, #tpu.memory_space<vmem>>
      %dma_start3A_1134 = tpu.memref_squeeze %dma_start3A_1133 : memref<64x1x256xf32, #tpu.memory_space<vmem>> -> memref<64x256xf32, #tpu.memory_space<vmem>>
      %dma_start3A_1135 = arith.constant 0 : i32
      %dma_start3A_1136 = arith.constant 0 : i32
      %dma_start3A_1137 = tpu.memref_slice %arg2[%dma_start3A_1129, %dma_start3A_1135, %dma_start3A_1136] : memref<128x64x256xf32, #tpu.memory_space<any>> -> memref<1x64x256xf32, #tpu.memory_space<any>>
      %dma_start3A_1138 = tpu.memref_squeeze %dma_start3A_1137 : memref<1x64x256xf32, #tpu.memory_space<any>> -> memref<64x256xf32, #tpu.memory_space<any>>
      tpu.enqueue_dma source(%dma_start3A_1138 : memref<64x256xf32, #tpu.memory_space<any>>) target(%dma_start3A_1134 : memref<64x256xf32, #tpu.memory_space<vmem>>) target_semaphore(%arg6 : memref<!tpu.dma_semaphore, #tpu.memory_space<semaphore_mem>>)
      %dma_start3A_1139 = arith.constant 16 : i32
      %dma_start3A_1140 = arith.constant 111 : i32
      %dma_start3A_1141 = arith.constant 0 : i32
      %dma_start3A_1142 = arith.constant 0 : i32
      %dma_start3A_1143 = tpu.memref_slice %arg5[%dma_start3A_1141, %dma_start3A_1140, %dma_start3A_1142] : memref<64x128x256xf32, #tpu.memory_space<vmem>> -> memref<64x1x256xf32, #tpu.memory_space<vmem>>
      %dma_start3A_1144 = tpu.memref_squeeze %dma_start3A_1143 : memref<64x1x256xf32, #tpu.memory_space<vmem>> -> memref<64x256xf32, #tpu.memory_space<vmem>>
      %dma_start3A_1145 = arith.constant 0 : i32
      %dma_start3A_1146 = arith.constant 0 : i32
      %dma_start3A_1147 = tpu.memref_slice %arg2[%dma_start3A_1139, %dma_start3A_1145, %dma_start3A_1146] : memref<128x64x256xf32, #tpu.memory_space<any>> -> memref<1x64x256xf32, #tpu.memory_space<any>>
      %dma_start3A_1148 = tpu.memref_squeeze %dma_start3A_1147 : memref<1x64x256xf32, #tpu.memory_space<any>> -> memref<64x256xf32, #tpu.memory_space<any>>
      tpu.enqueue_dma source(%dma_start3A_1148 : memref<64x256xf32, #tpu.memory_space<any>>) target(%dma_start3A_1144 : memref<64x256xf32, #tpu.memory_space<vmem>>) target_semaphore(%arg6 : memref<!tpu.dma_semaphore, #tpu.memory_space<semaphore_mem>>)
      %dma_start3A_1149 = arith.constant 15 : i32
      %dma_start3A_1150 = arith.constant 112 : i32
      %dma_start3A_1151 = arith.constant 0 : i32
      %dma_start3A_1152 = arith.constant 0 : i32
      %dma_start3A_1153 = tpu.memref_slice %arg5[%dma_start3A_1151, %dma_start3A_1150, %dma_start3A_1152] : memref<64x128x256xf32, #tpu.memory_space<vmem>> -> memref<64x1x256xf32, #tpu.memory_space<vmem>>
      %dma_start3A_1154 = tpu.memref_squeeze %dma_start3A_1153 : memref<64x1x256xf32, #tpu.memory_space<vmem>> -> memref<64x256xf32, #tpu.memory_space<vmem>>
      %dma_start3A_1155 = arith.constant 0 : i32
      %dma_start3A_1156 = arith.constant 0 : i32
      %dma_start3A_1157 = tpu.memref_slice %arg2[%dma_start3A_1149, %dma_start3A_1155, %dma_start3A_1156] : memref<128x64x256xf32, #tpu.memory_space<any>> -> memref<1x64x256xf32, #tpu.memory_space<any>>
      %dma_start3A_1158 = tpu.memref_squeeze %dma_start3A_1157 : memref<1x64x256xf32, #tpu.memory_space<any>> -> memref<64x256xf32, #tpu.memory_space<any>>
      tpu.enqueue_dma source(%dma_start3A_1158 : memref<64x256xf32, #tpu.memory_space<any>>) target(%dma_start3A_1154 : memref<64x256xf32, #tpu.memory_space<vmem>>) target_semaphore(%arg6 : memref<!tpu.dma_semaphore, #tpu.memory_space<semaphore_mem>>)
      %dma_start3A_1159 = arith.constant 14 : i32
      %dma_start3A_1160 = arith.constant 113 : i32
      %dma_start3A_1161 = arith.constant 0 : i32
      %dma_start3A_1162 = arith.constant 0 : i32
      %dma_start3A_1163 = tpu.memref_slice %arg5[%dma_start3A_1161, %dma_start3A_1160, %dma_start3A_1162] : memref<64x128x256xf32, #tpu.memory_space<vmem>> -> memref<64x1x256xf32, #tpu.memory_space<vmem>>
      %dma_start3A_1164 = tpu.memref_squeeze %dma_start3A_1163 : memref<64x1x256xf32, #tpu.memory_space<vmem>> -> memref<64x256xf32, #tpu.memory_space<vmem>>
      %dma_start3A_1165 = arith.constant 0 : i32
      %dma_start3A_1166 = arith.constant 0 : i32
      %dma_start3A_1167 = tpu.memref_slice %arg2[%dma_start3A_1159, %dma_start3A_1165, %dma_start3A_1166] : memref<128x64x256xf32, #tpu.memory_space<any>> -> memref<1x64x256xf32, #tpu.memory_space<any>>
      %dma_start3A_1168 = tpu.memref_squeeze %dma_start3A_1167 : memref<1x64x256xf32, #tpu.memory_space<any>> -> memref<64x256xf32, #tpu.memory_space<any>>
      tpu.enqueue_dma source(%dma_start3A_1168 : memref<64x256xf32, #tpu.memory_space<any>>) target(%dma_start3A_1164 : memref<64x256xf32, #tpu.memory_space<vmem>>) target_semaphore(%arg6 : memref<!tpu.dma_semaphore, #tpu.memory_space<semaphore_mem>>)
      %dma_start3A_1169 = arith.constant 13 : i32
      %dma_start3A_1170 = arith.constant 114 : i32
      %dma_start3A_1171 = arith.constant 0 : i32
      %dma_start3A_1172 = arith.constant 0 : i32
      %dma_start3A_1173 = tpu.memref_slice %arg5[%dma_start3A_1171, %dma_start3A_1170, %dma_start3A_1172] : memref<64x128x256xf32, #tpu.memory_space<vmem>> -> memref<64x1x256xf32, #tpu.memory_space<vmem>>
      %dma_start3A_1174 = tpu.memref_squeeze %dma_start3A_1173 : memref<64x1x256xf32, #tpu.memory_space<vmem>> -> memref<64x256xf32, #tpu.memory_space<vmem>>
      %dma_start3A_1175 = arith.constant 0 : i32
      %dma_start3A_1176 = arith.constant 0 : i32
      %dma_start3A_1177 = tpu.memref_slice %arg2[%dma_start3A_1169, %dma_start3A_1175, %dma_start3A_1176] : memref<128x64x256xf32, #tpu.memory_space<any>> -> memref<1x64x256xf32, #tpu.memory_space<any>>
      %dma_start3A_1178 = tpu.memref_squeeze %dma_start3A_1177 : memref<1x64x256xf32, #tpu.memory_space<any>> -> memref<64x256xf32, #tpu.memory_space<any>>
      tpu.enqueue_dma source(%dma_start3A_1178 : memref<64x256xf32, #tpu.memory_space<any>>) target(%dma_start3A_1174 : memref<64x256xf32, #tpu.memory_space<vmem>>) target_semaphore(%arg6 : memref<!tpu.dma_semaphore, #tpu.memory_space<semaphore_mem>>)
      %dma_start3A_1179 = arith.constant 12 : i32
      %dma_start3A_1180 = arith.constant 115 : i32
      %dma_start3A_1181 = arith.constant 0 : i32
      %dma_start3A_1182 = arith.constant 0 : i32
      %dma_start3A_1183 = tpu.memref_slice %arg5[%dma_start3A_1181, %dma_start3A_1180, %dma_start3A_1182] : memref<64x128x256xf32, #tpu.memory_space<vmem>> -> memref<64x1x256xf32, #tpu.memory_space<vmem>>
      %dma_start3A_1184 = tpu.memref_squeeze %dma_start3A_1183 : memref<64x1x256xf32, #tpu.memory_space<vmem>> -> memref<64x256xf32, #tpu.memory_space<vmem>>
      %dma_start3A_1185 = arith.constant 0 : i32
      %dma_start3A_1186 = arith.constant 0 : i32
      %dma_start3A_1187 = tpu.memref_slice %arg2[%dma_start3A_1179, %dma_start3A_1185, %dma_start3A_1186] : memref<128x64x256xf32, #tpu.memory_space<any>> -> memref<1x64x256xf32, #tpu.memory_space<any>>
      %dma_start3A_1188 = tpu.memref_squeeze %dma_start3A_1187 : memref<1x64x256xf32, #tpu.memory_space<any>> -> memref<64x256xf32, #tpu.memory_space<any>>
      tpu.enqueue_dma source(%dma_start3A_1188 : memref<64x256xf32, #tpu.memory_space<any>>) target(%dma_start3A_1184 : memref<64x256xf32, #tpu.memory_space<vmem>>) target_semaphore(%arg6 : memref<!tpu.dma_semaphore, #tpu.memory_space<semaphore_mem>>)
      %dma_start3A_1189 = arith.constant 11 : i32
      %dma_start3A_1190 = arith.constant 116 : i32
      %dma_start3A_1191 = arith.constant 0 : i32
      %dma_start3A_1192 = arith.constant 0 : i32
      %dma_start3A_1193 = tpu.memref_slice %arg5[%dma_start3A_1191, %dma_start3A_1190, %dma_start3A_1192] : memref<64x128x256xf32, #tpu.memory_space<vmem>> -> memref<64x1x256xf32, #tpu.memory_space<vmem>>
      %dma_start3A_1194 = tpu.memref_squeeze %dma_start3A_1193 : memref<64x1x256xf32, #tpu.memory_space<vmem>> -> memref<64x256xf32, #tpu.memory_space<vmem>>
      %dma_start3A_1195 = arith.constant 0 : i32
      %dma_start3A_1196 = arith.constant 0 : i32
      %dma_start3A_1197 = tpu.memref_slice %arg2[%dma_start3A_1189, %dma_start3A_1195, %dma_start3A_1196] : memref<128x64x256xf32, #tpu.memory_space<any>> -> memref<1x64x256xf32, #tpu.memory_space<any>>
      %dma_start3A_1198 = tpu.memref_squeeze %dma_start3A_1197 : memref<1x64x256xf32, #tpu.memory_space<any>> -> memref<64x256xf32, #tpu.memory_space<any>>
      tpu.enqueue_dma source(%dma_start3A_1198 : memref<64x256xf32, #tpu.memory_space<any>>) target(%dma_start3A_1194 : memref<64x256xf32, #tpu.memory_space<vmem>>) target_semaphore(%arg6 : memref<!tpu.dma_semaphore, #tpu.memory_space<semaphore_mem>>)
      %dma_start3A_1199 = arith.constant 10 : i32
      %dma_start3A_1200 = arith.constant 117 : i32
      %dma_start3A_1201 = arith.constant 0 : i32
      %dma_start3A_1202 = arith.constant 0 : i32
      %dma_start3A_1203 = tpu.memref_slice %arg5[%dma_start3A_1201, %dma_start3A_1200, %dma_start3A_1202] : memref<64x128x256xf32, #tpu.memory_space<vmem>> -> memref<64x1x256xf32, #tpu.memory_space<vmem>>
      %dma_start3A_1204 = tpu.memref_squeeze %dma_start3A_1203 : memref<64x1x256xf32, #tpu.memory_space<vmem>> -> memref<64x256xf32, #tpu.memory_space<vmem>>
      %dma_start3A_1205 = arith.constant 0 : i32
      %dma_start3A_1206 = arith.constant 0 : i32
      %dma_start3A_1207 = tpu.memref_slice %arg2[%dma_start3A_1199, %dma_start3A_1205, %dma_start3A_1206] : memref<128x64x256xf32, #tpu.memory_space<any>> -> memref<1x64x256xf32, #tpu.memory_space<any>>
      %dma_start3A_1208 = tpu.memref_squeeze %dma_start3A_1207 : memref<1x64x256xf32, #tpu.memory_space<any>> -> memref<64x256xf32, #tpu.memory_space<any>>
      tpu.enqueue_dma source(%dma_start3A_1208 : memref<64x256xf32, #tpu.memory_space<any>>) target(%dma_start3A_1204 : memref<64x256xf32, #tpu.memory_space<vmem>>) target_semaphore(%arg6 : memref<!tpu.dma_semaphore, #tpu.memory_space<semaphore_mem>>)
      %dma_start3A_1209 = arith.constant 9 : i32
      %dma_start3A_1210 = arith.constant 118 : i32
      %dma_start3A_1211 = arith.constant 0 : i32
      %dma_start3A_1212 = arith.constant 0 : i32
      %dma_start3A_1213 = tpu.memref_slice %arg5[%dma_start3A_1211, %dma_start3A_1210, %dma_start3A_1212] : memref<64x128x256xf32, #tpu.memory_space<vmem>> -> memref<64x1x256xf32, #tpu.memory_space<vmem>>
      %dma_start3A_1214 = tpu.memref_squeeze %dma_start3A_1213 : memref<64x1x256xf32, #tpu.memory_space<vmem>> -> memref<64x256xf32, #tpu.memory_space<vmem>>
      %dma_start3A_1215 = arith.constant 0 : i32
      %dma_start3A_1216 = arith.constant 0 : i32
      %dma_start3A_1217 = tpu.memref_slice %arg2[%dma_start3A_1209, %dma_start3A_1215, %dma_start3A_1216] : memref<128x64x256xf32, #tpu.memory_space<any>> -> memref<1x64x256xf32, #tpu.memory_space<any>>
      %dma_start3A_1218 = tpu.memref_squeeze %dma_start3A_1217 : memref<1x64x256xf32, #tpu.memory_space<any>> -> memref<64x256xf32, #tpu.memory_space<any>>
      tpu.enqueue_dma source(%dma_start3A_1218 : memref<64x256xf32, #tpu.memory_space<any>>) target(%dma_start3A_1214 : memref<64x256xf32, #tpu.memory_space<vmem>>) target_semaphore(%arg6 : memref<!tpu.dma_semaphore, #tpu.memory_space<semaphore_mem>>)
      %dma_start3A_1219 = arith.constant 8 : i32
      %dma_start3A_1220 = arith.constant 119 : i32
      %dma_start3A_1221 = arith.constant 0 : i32
      %dma_start3A_1222 = arith.constant 0 : i32
      %dma_start3A_1223 = tpu.memref_slice %arg5[%dma_start3A_1221, %dma_start3A_1220, %dma_start3A_1222] : memref<64x128x256xf32, #tpu.memory_space<vmem>> -> memref<64x1x256xf32, #tpu.memory_space<vmem>>
      %dma_start3A_1224 = tpu.memref_squeeze %dma_start3A_1223 : memref<64x1x256xf32, #tpu.memory_space<vmem>> -> memref<64x256xf32, #tpu.memory_space<vmem>>
      %dma_start3A_1225 = arith.constant 0 : i32
      %dma_start3A_1226 = arith.constant 0 : i32
      %dma_start3A_1227 = tpu.memref_slice %arg2[%dma_start3A_1219, %dma_start3A_1225, %dma_start3A_1226] : memref<128x64x256xf32, #tpu.memory_space<any>> -> memref<1x64x256xf32, #tpu.memory_space<any>>
      %dma_start3A_1228 = tpu.memref_squeeze %dma_start3A_1227 : memref<1x64x256xf32, #tpu.memory_space<any>> -> memref<64x256xf32, #tpu.memory_space<any>>
      tpu.enqueue_dma source(%dma_start3A_1228 : memref<64x256xf32, #tpu.memory_space<any>>) target(%dma_start3A_1224 : memref<64x256xf32, #tpu.memory_space<vmem>>) target_semaphore(%arg6 : memref<!tpu.dma_semaphore, #tpu.memory_space<semaphore_mem>>)
      %dma_start3A_1229 = arith.constant 7 : i32
      %dma_start3A_1230 = arith.constant 120 : i32
      %dma_start3A_1231 = arith.constant 0 : i32
      %dma_start3A_1232 = arith.constant 0 : i32
      %dma_start3A_1233 = tpu.memref_slice %arg5[%dma_start3A_1231, %dma_start3A_1230, %dma_start3A_1232] : memref<64x128x256xf32, #tpu.memory_space<vmem>> -> memref<64x1x256xf32, #tpu.memory_space<vmem>>
      %dma_start3A_1234 = tpu.memref_squeeze %dma_start3A_1233 : memref<64x1x256xf32, #tpu.memory_space<vmem>> -> memref<64x256xf32, #tpu.memory_space<vmem>>
      %dma_start3A_1235 = arith.constant 0 : i32
      %dma_start3A_1236 = arith.constant 0 : i32
      %dma_start3A_1237 = tpu.memref_slice %arg2[%dma_start3A_1229, %dma_start3A_1235, %dma_start3A_1236] : memref<128x64x256xf32, #tpu.memory_space<any>> -> memref<1x64x256xf32, #tpu.memory_space<any>>
      %dma_start3A_1238 = tpu.memref_squeeze %dma_start3A_1237 : memref<1x64x256xf32, #tpu.memory_space<any>> -> memref<64x256xf32, #tpu.memory_space<any>>
      tpu.enqueue_dma source(%dma_start3A_1238 : memref<64x256xf32, #tpu.memory_space<any>>) target(%dma_start3A_1234 : memref<64x256xf32, #tpu.memory_space<vmem>>) target_semaphore(%arg6 : memref<!tpu.dma_semaphore, #tpu.memory_space<semaphore_mem>>)
      %dma_start3A_1239 = arith.constant 6 : i32
      %dma_start3A_1240 = arith.constant 121 : i32
      %dma_start3A_1241 = arith.constant 0 : i32
      %dma_start3A_1242 = arith.constant 0 : i32
      %dma_start3A_1243 = tpu.memref_slice %arg5[%dma_start3A_1241, %dma_start3A_1240, %dma_start3A_1242] : memref<64x128x256xf32, #tpu.memory_space<vmem>> -> memref<64x1x256xf32, #tpu.memory_space<vmem>>
      %dma_start3A_1244 = tpu.memref_squeeze %dma_start3A_1243 : memref<64x1x256xf32, #tpu.memory_space<vmem>> -> memref<64x256xf32, #tpu.memory_space<vmem>>
      %dma_start3A_1245 = arith.constant 0 : i32
      %dma_start3A_1246 = arith.constant 0 : i32
      %dma_start3A_1247 = tpu.memref_slice %arg2[%dma_start3A_1239, %dma_start3A_1245, %dma_start3A_1246] : memref<128x64x256xf32, #tpu.memory_space<any>> -> memref<1x64x256xf32, #tpu.memory_space<any>>
      %dma_start3A_1248 = tpu.memref_squeeze %dma_start3A_1247 : memref<1x64x256xf32, #tpu.memory_space<any>> -> memref<64x256xf32, #tpu.memory_space<any>>
      tpu.enqueue_dma source(%dma_start3A_1248 : memref<64x256xf32, #tpu.memory_space<any>>) target(%dma_start3A_1244 : memref<64x256xf32, #tpu.memory_space<vmem>>) target_semaphore(%arg6 : memref<!tpu.dma_semaphore, #tpu.memory_space<semaphore_mem>>)
      %dma_start3A_1249 = arith.constant 5 : i32
      %dma_start3A_1250 = arith.constant 122 : i32
      %dma_start3A_1251 = arith.constant 0 : i32
      %dma_start3A_1252 = arith.constant 0 : i32
      %dma_start3A_1253 = tpu.memref_slice %arg5[%dma_start3A_1251, %dma_start3A_1250, %dma_start3A_1252] : memref<64x128x256xf32, #tpu.memory_space<vmem>> -> memref<64x1x256xf32, #tpu.memory_space<vmem>>
      %dma_start3A_1254 = tpu.memref_squeeze %dma_start3A_1253 : memref<64x1x256xf32, #tpu.memory_space<vmem>> -> memref<64x256xf32, #tpu.memory_space<vmem>>
      %dma_start3A_1255 = arith.constant 0 : i32
      %dma_start3A_1256 = arith.constant 0 : i32
      %dma_start3A_1257 = tpu.memref_slice %arg2[%dma_start3A_1249, %dma_start3A_1255, %dma_start3A_1256] : memref<128x64x256xf32, #tpu.memory_space<any>> -> memref<1x64x256xf32, #tpu.memory_space<any>>
      %dma_start3A_1258 = tpu.memref_squeeze %dma_start3A_1257 : memref<1x64x256xf32, #tpu.memory_space<any>> -> memref<64x256xf32, #tpu.memory_space<any>>
      tpu.enqueue_dma source(%dma_start3A_1258 : memref<64x256xf32, #tpu.memory_space<any>>) target(%dma_start3A_1254 : memref<64x256xf32, #tpu.memory_space<vmem>>) target_semaphore(%arg6 : memref<!tpu.dma_semaphore, #tpu.memory_space<semaphore_mem>>)
      %dma_start3A_1259 = arith.constant 4 : i32
      %dma_start3A_1260 = arith.constant 123 : i32
      %dma_start3A_1261 = arith.constant 0 : i32
      %dma_start3A_1262 = arith.constant 0 : i32
      %dma_start3A_1263 = tpu.memref_slice %arg5[%dma_start3A_1261, %dma_start3A_1260, %dma_start3A_1262] : memref<64x128x256xf32, #tpu.memory_space<vmem>> -> memref<64x1x256xf32, #tpu.memory_space<vmem>>
      %dma_start3A_1264 = tpu.memref_squeeze %dma_start3A_1263 : memref<64x1x256xf32, #tpu.memory_space<vmem>> -> memref<64x256xf32, #tpu.memory_space<vmem>>
      %dma_start3A_1265 = arith.constant 0 : i32
      %dma_start3A_1266 = arith.constant 0 : i32
      %dma_start3A_1267 = tpu.memref_slice %arg2[%dma_start3A_1259, %dma_start3A_1265, %dma_start3A_1266] : memref<128x64x256xf32, #tpu.memory_space<any>> -> memref<1x64x256xf32, #tpu.memory_space<any>>
      %dma_start3A_1268 = tpu.memref_squeeze %dma_start3A_1267 : memref<1x64x256xf32, #tpu.memory_space<any>> -> memref<64x256xf32, #tpu.memory_space<any>>
      tpu.enqueue_dma source(%dma_start3A_1268 : memref<64x256xf32, #tpu.memory_space<any>>) target(%dma_start3A_1264 : memref<64x256xf32, #tpu.memory_space<vmem>>) target_semaphore(%arg6 : memref<!tpu.dma_semaphore, #tpu.memory_space<semaphore_mem>>)
      %dma_start3A_1269 = arith.constant 3 : i32
      %dma_start3A_1270 = arith.constant 124 : i32
      %dma_start3A_1271 = arith.constant 0 : i32
      %dma_start3A_1272 = arith.constant 0 : i32
      %dma_start3A_1273 = tpu.memref_slice %arg5[%dma_start3A_1271, %dma_start3A_1270, %dma_start3A_1272] : memref<64x128x256xf32, #tpu.memory_space<vmem>> -> memref<64x1x256xf32, #tpu.memory_space<vmem>>
      %dma_start3A_1274 = tpu.memref_squeeze %dma_start3A_1273 : memref<64x1x256xf32, #tpu.memory_space<vmem>> -> memref<64x256xf32, #tpu.memory_space<vmem>>
      %dma_start3A_1275 = arith.constant 0 : i32
      %dma_start3A_1276 = arith.constant 0 : i32
      %dma_start3A_1277 = tpu.memref_slice %arg2[%dma_start3A_1269, %dma_start3A_1275, %dma_start3A_1276] : memref<128x64x256xf32, #tpu.memory_space<any>> -> memref<1x64x256xf32, #tpu.memory_space<any>>
      %dma_start3A_1278 = tpu.memref_squeeze %dma_start3A_1277 : memref<1x64x256xf32, #tpu.memory_space<any>> -> memref<64x256xf32, #tpu.memory_space<any>>
      tpu.enqueue_dma source(%dma_start3A_1278 : memref<64x256xf32, #tpu.memory_space<any>>) target(%dma_start3A_1274 : memref<64x256xf32, #tpu.memory_space<vmem>>) target_semaphore(%arg6 : memref<!tpu.dma_semaphore, #tpu.memory_space<semaphore_mem>>)
      %dma_start3A_1279 = arith.constant 2 : i32
      %dma_start3A_1280 = arith.constant 125 : i32
      %dma_start3A_1281 = arith.constant 0 : i32
      %dma_start3A_1282 = arith.constant 0 : i32
      %dma_start3A_1283 = tpu.memref_slice %arg5[%dma_start3A_1281, %dma_start3A_1280, %dma_start3A_1282] : memref<64x128x256xf32, #tpu.memory_space<vmem>> -> memref<64x1x256xf32, #tpu.memory_space<vmem>>
      %dma_start3A_1284 = tpu.memref_squeeze %dma_start3A_1283 : memref<64x1x256xf32, #tpu.memory_space<vmem>> -> memref<64x256xf32, #tpu.memory_space<vmem>>
      %dma_start3A_1285 = arith.constant 0 : i32
      %dma_start3A_1286 = arith.constant 0 : i32
      %dma_start3A_1287 = tpu.memref_slice %arg2[%dma_start3A_1279, %dma_start3A_1285, %dma_start3A_1286] : memref<128x64x256xf32, #tpu.memory_space<any>> -> memref<1x64x256xf32, #tpu.memory_space<any>>
      %dma_start3A_1288 = tpu.memref_squeeze %dma_start3A_1287 : memref<1x64x256xf32, #tpu.memory_space<any>> -> memref<64x256xf32, #tpu.memory_space<any>>
      tpu.enqueue_dma source(%dma_start3A_1288 : memref<64x256xf32, #tpu.memory_space<any>>) target(%dma_start3A_1284 : memref<64x256xf32, #tpu.memory_space<vmem>>) target_semaphore(%arg6 : memref<!tpu.dma_semaphore, #tpu.memory_space<semaphore_mem>>)
      %dma_start3A_1289 = arith.constant 1 : i32
      %dma_start3A_1290 = arith.constant 126 : i32
      %dma_start3A_1291 = arith.constant 0 : i32
      %dma_start3A_1292 = arith.constant 0 : i32
      %dma_start3A_1293 = tpu.memref_slice %arg5[%dma_start3A_1291, %dma_start3A_1290, %dma_start3A_1292] : memref<64x128x256xf32, #tpu.memory_space<vmem>> -> memref<64x1x256xf32, #tpu.memory_space<vmem>>
      %dma_start3A_1294 = tpu.memref_squeeze %dma_start3A_1293 : memref<64x1x256xf32, #tpu.memory_space<vmem>> -> memref<64x256xf32, #tpu.memory_space<vmem>>
      %dma_start3A_1295 = arith.constant 0 : i32
      %dma_start3A_1296 = arith.constant 0 : i32
      %dma_start3A_1297 = tpu.memref_slice %arg2[%dma_start3A_1289, %dma_start3A_1295, %dma_start3A_1296] : memref<128x64x256xf32, #tpu.memory_space<any>> -> memref<1x64x256xf32, #tpu.memory_space<any>>
      %dma_start3A_1298 = tpu.memref_squeeze %dma_start3A_1297 : memref<1x64x256xf32, #tpu.memory_space<any>> -> memref<64x256xf32, #tpu.memory_space<any>>
      tpu.enqueue_dma source(%dma_start3A_1298 : memref<64x256xf32, #tpu.memory_space<any>>) target(%dma_start3A_1294 : memref<64x256xf32, #tpu.memory_space<vmem>>) target_semaphore(%arg6 : memref<!tpu.dma_semaphore, #tpu.memory_space<semaphore_mem>>)
      %dma_start3A_1299 = arith.constant 0 : i32
      %dma_start3A_1300 = arith.constant 127 : i32
      %dma_start3A_1301 = arith.constant 0 : i32
      %dma_start3A_1302 = arith.constant 0 : i32
      %dma_start3A_1303 = tpu.memref_slice %arg5[%dma_start3A_1301, %dma_start3A_1300, %dma_start3A_1302] : memref<64x128x256xf32, #tpu.memory_space<vmem>> -> memref<64x1x256xf32, #tpu.memory_space<vmem>>
      %dma_start3A_1304 = tpu.memref_squeeze %dma_start3A_1303 : memref<64x1x256xf32, #tpu.memory_space<vmem>> -> memref<64x256xf32, #tpu.memory_space<vmem>>
      %dma_start3A_1305 = arith.constant 0 : i32
      %dma_start3A_1306 = arith.constant 0 : i32
      %dma_start3A_1307 = tpu.memref_slice %arg2[%dma_start3A_1299, %dma_start3A_1305, %dma_start3A_1306] : memref<128x64x256xf32, #tpu.memory_space<any>> -> memref<1x64x256xf32, #tpu.memory_space<any>>
      %dma_start3A_1308 = tpu.memref_squeeze %dma_start3A_1307 : memref<1x64x256xf32, #tpu.memory_space<any>> -> memref<64x256xf32, #tpu.memory_space<any>>
      tpu.enqueue_dma source(%dma_start3A_1308 : memref<64x256xf32, #tpu.memory_space<any>>) target(%dma_start3A_1304 : memref<64x256xf32, #tpu.memory_space<vmem>>) target_semaphore(%arg6 : memref<!tpu.dma_semaphore, #tpu.memory_space<semaphore_mem>>)
      %dma_wait3A = arith.constant 127 : i32
      %dma_wait3A_1309 = arith.constant 0 : i32
      %dma_wait3A_1310 = arith.constant 0 : i32
      %dma_wait3A_1311 = arith.constant 0 : i32
      %dma_wait3A_1312 = tpu.memref_slice %arg5[%dma_wait3A_1310, %dma_wait3A_1309, %dma_wait3A_1311] : memref<64x128x256xf32, #tpu.memory_space<vmem>> -> memref<64x1x256xf32, #tpu.memory_space<vmem>>
      %dma_wait3A_1313 = tpu.memref_squeeze %dma_wait3A_1312 : memref<64x1x256xf32, #tpu.memory_space<vmem>> -> memref<64x256xf32, #tpu.memory_space<vmem>>
      %dma_wait3A_1314 = arith.constant 0 : i32
      %dma_wait3A_1315 = arith.constant 0 : i32
      %dma_wait3A_1316 = tpu.memref_slice %arg2[%dma_wait3A, %dma_wait3A_1314, %dma_wait3A_1315] : memref<128x64x256xf32, #tpu.memory_space<any>> -> memref<1x64x256xf32, #tpu.memory_space<any>>
      %dma_wait3A_1317 = tpu.memref_squeeze %dma_wait3A_1316 : memref<1x64x256xf32, #tpu.memory_space<any>> -> memref<64x256xf32, #tpu.memory_space<any>>
      tpu.wait_dma2 semaphore(%arg6 : memref<!tpu.dma_semaphore, #tpu.memory_space<semaphore_mem>>) src(%dma_wait3A_1317 : memref<64x256xf32, #tpu.memory_space<any>>) dst(%dma_wait3A_1313 : memref<64x256xf32, #tpu.memory_space<vmem>>)
      %dma_wait3A_1318 = arith.constant 126 : i32
      %dma_wait3A_1319 = arith.constant 1 : i32
      %dma_wait3A_1320 = arith.constant 0 : i32
      %dma_wait3A_1321 = arith.constant 0 : i32
      %dma_wait3A_1322 = tpu.memref_slice %arg5[%dma_wait3A_1320, %dma_wait3A_1319, %dma_wait3A_1321] : memref<64x128x256xf32, #tpu.memory_space<vmem>> -> memref<64x1x256xf32, #tpu.memory_space<vmem>>
      %dma_wait3A_1323 = tpu.memref_squeeze %dma_wait3A_1322 : memref<64x1x256xf32, #tpu.memory_space<vmem>> -> memref<64x256xf32, #tpu.memory_space<vmem>>
      %dma_wait3A_1324 = arith.constant 0 : i32
      %dma_wait3A_1325 = arith.constant 0 : i32
      %dma_wait3A_1326 = tpu.memref_slice %arg2[%dma_wait3A_1318, %dma_wait3A_1324, %dma_wait3A_1325] : memref<128x64x256xf32, #tpu.memory_space<any>> -> memref<1x64x256xf32, #tpu.memory_space<any>>
      %dma_wait3A_1327 = tpu.memref_squeeze %dma_wait3A_1326 : memref<1x64x256xf32, #tpu.memory_space<any>> -> memref<64x256xf32, #tpu.memory_space<any>>
      tpu.wait_dma2 semaphore(%arg6 : memref<!tpu.dma_semaphore, #tpu.memory_space<semaphore_mem>>) src(%dma_wait3A_1327 : memref<64x256xf32, #tpu.memory_space<any>>) dst(%dma_wait3A_1323 : memref<64x256xf32, #tpu.memory_space<vmem>>)
      %dma_wait3A_1328 = arith.constant 125 : i32
      %dma_wait3A_1329 = arith.constant 2 : i32
      %dma_wait3A_1330 = arith.constant 0 : i32
      %dma_wait3A_1331 = arith.constant 0 : i32
      %dma_wait3A_1332 = tpu.memref_slice %arg5[%dma_wait3A_1330, %dma_wait3A_1329, %dma_wait3A_1331] : memref<64x128x256xf32, #tpu.memory_space<vmem>> -> memref<64x1x256xf32, #tpu.memory_space<vmem>>
      %dma_wait3A_1333 = tpu.memref_squeeze %dma_wait3A_1332 : memref<64x1x256xf32, #tpu.memory_space<vmem>> -> memref<64x256xf32, #tpu.memory_space<vmem>>
      %dma_wait3A_1334 = arith.constant 0 : i32
      %dma_wait3A_1335 = arith.constant 0 : i32
      %dma_wait3A_1336 = tpu.memref_slice %arg2[%dma_wait3A_1328, %dma_wait3A_1334, %dma_wait3A_1335] : memref<128x64x256xf32, #tpu.memory_space<any>> -> memref<1x64x256xf32, #tpu.memory_space<any>>
      %dma_wait3A_1337 = tpu.memref_squeeze %dma_wait3A_1336 : memref<1x64x256xf32, #tpu.memory_space<any>> -> memref<64x256xf32, #tpu.memory_space<any>>
      tpu.wait_dma2 semaphore(%arg6 : memref<!tpu.dma_semaphore, #tpu.memory_space<semaphore_mem>>) src(%dma_wait3A_1337 : memref<64x256xf32, #tpu.memory_space<any>>) dst(%dma_wait3A_1333 : memref<64x256xf32, #tpu.memory_space<vmem>>)
      %dma_wait3A_1338 = arith.constant 124 : i32
      %dma_wait3A_1339 = arith.constant 3 : i32
      %dma_wait3A_1340 = arith.constant 0 : i32
      %dma_wait3A_1341 = arith.constant 0 : i32
      %dma_wait3A_1342 = tpu.memref_slice %arg5[%dma_wait3A_1340, %dma_wait3A_1339, %dma_wait3A_1341] : memref<64x128x256xf32, #tpu.memory_space<vmem>> -> memref<64x1x256xf32, #tpu.memory_space<vmem>>
      %dma_wait3A_1343 = tpu.memref_squeeze %dma_wait3A_1342 : memref<64x1x256xf32, #tpu.memory_space<vmem>> -> memref<64x256xf32, #tpu.memory_space<vmem>>
      %dma_wait3A_1344 = arith.constant 0 : i32
      %dma_wait3A_1345 = arith.constant 0 : i32
      %dma_wait3A_1346 = tpu.memref_slice %arg2[%dma_wait3A_1338, %dma_wait3A_1344, %dma_wait3A_1345] : memref<128x64x256xf32, #tpu.memory_space<any>> -> memref<1x64x256xf32, #tpu.memory_space<any>>
      %dma_wait3A_1347 = tpu.memref_squeeze %dma_wait3A_1346 : memref<1x64x256xf32, #tpu.memory_space<any>> -> memref<64x256xf32, #tpu.memory_space<any>>
      tpu.wait_dma2 semaphore(%arg6 : memref<!tpu.dma_semaphore, #tpu.memory_space<semaphore_mem>>) src(%dma_wait3A_1347 : memref<64x256xf32, #tpu.memory_space<any>>) dst(%dma_wait3A_1343 : memref<64x256xf32, #tpu.memory_space<vmem>>)
      %dma_wait3A_1348 = arith.constant 123 : i32
      %dma_wait3A_1349 = arith.constant 4 : i32
      %dma_wait3A_1350 = arith.constant 0 : i32
      %dma_wait3A_1351 = arith.constant 0 : i32
      %dma_wait3A_1352 = tpu.memref_slice %arg5[%dma_wait3A_1350, %dma_wait3A_1349, %dma_wait3A_1351] : memref<64x128x256xf32, #tpu.memory_space<vmem>> -> memref<64x1x256xf32, #tpu.memory_space<vmem>>
      %dma_wait3A_1353 = tpu.memref_squeeze %dma_wait3A_1352 : memref<64x1x256xf32, #tpu.memory_space<vmem>> -> memref<64x256xf32, #tpu.memory_space<vmem>>
      %dma_wait3A_1354 = arith.constant 0 : i32
      %dma_wait3A_1355 = arith.constant 0 : i32
      %dma_wait3A_1356 = tpu.memref_slice %arg2[%dma_wait3A_1348, %dma_wait3A_1354, %dma_wait3A_1355] : memref<128x64x256xf32, #tpu.memory_space<any>> -> memref<1x64x256xf32, #tpu.memory_space<any>>
      %dma_wait3A_1357 = tpu.memref_squeeze %dma_wait3A_1356 : memref<1x64x256xf32, #tpu.memory_space<any>> -> memref<64x256xf32, #tpu.memory_space<any>>
      tpu.wait_dma2 semaphore(%arg6 : memref<!tpu.dma_semaphore, #tpu.memory_space<semaphore_mem>>) src(%dma_wait3A_1357 : memref<64x256xf32, #tpu.memory_space<any>>) dst(%dma_wait3A_1353 : memref<64x256xf32, #tpu.memory_space<vmem>>)
      %dma_wait3A_1358 = arith.constant 122 : i32
      %dma_wait3A_1359 = arith.constant 5 : i32
      %dma_wait3A_1360 = arith.constant 0 : i32
      %dma_wait3A_1361 = arith.constant 0 : i32
      %dma_wait3A_1362 = tpu.memref_slice %arg5[%dma_wait3A_1360, %dma_wait3A_1359, %dma_wait3A_1361] : memref<64x128x256xf32, #tpu.memory_space<vmem>> -> memref<64x1x256xf32, #tpu.memory_space<vmem>>
      %dma_wait3A_1363 = tpu.memref_squeeze %dma_wait3A_1362 : memref<64x1x256xf32, #tpu.memory_space<vmem>> -> memref<64x256xf32, #tpu.memory_space<vmem>>
      %dma_wait3A_1364 = arith.constant 0 : i32
      %dma_wait3A_1365 = arith.constant 0 : i32
      %dma_wait3A_1366 = tpu.memref_slice %arg2[%dma_wait3A_1358, %dma_wait3A_1364, %dma_wait3A_1365] : memref<128x64x256xf32, #tpu.memory_space<any>> -> memref<1x64x256xf32, #tpu.memory_space<any>>
      %dma_wait3A_1367 = tpu.memref_squeeze %dma_wait3A_1366 : memref<1x64x256xf32, #tpu.memory_space<any>> -> memref<64x256xf32, #tpu.memory_space<any>>
      tpu.wait_dma2 semaphore(%arg6 : memref<!tpu.dma_semaphore, #tpu.memory_space<semaphore_mem>>) src(%dma_wait3A_1367 : memref<64x256xf32, #tpu.memory_space<any>>) dst(%dma_wait3A_1363 : memref<64x256xf32, #tpu.memory_space<vmem>>)
      %dma_wait3A_1368 = arith.constant 121 : i32
      %dma_wait3A_1369 = arith.constant 6 : i32
      %dma_wait3A_1370 = arith.constant 0 : i32
      %dma_wait3A_1371 = arith.constant 0 : i32
      %dma_wait3A_1372 = tpu.memref_slice %arg5[%dma_wait3A_1370, %dma_wait3A_1369, %dma_wait3A_1371] : memref<64x128x256xf32, #tpu.memory_space<vmem>> -> memref<64x1x256xf32, #tpu.memory_space<vmem>>
      %dma_wait3A_1373 = tpu.memref_squeeze %dma_wait3A_1372 : memref<64x1x256xf32, #tpu.memory_space<vmem>> -> memref<64x256xf32, #tpu.memory_space<vmem>>
      %dma_wait3A_1374 = arith.constant 0 : i32
      %dma_wait3A_1375 = arith.constant 0 : i32
      %dma_wait3A_1376 = tpu.memref_slice %arg2[%dma_wait3A_1368, %dma_wait3A_1374, %dma_wait3A_1375] : memref<128x64x256xf32, #tpu.memory_space<any>> -> memref<1x64x256xf32, #tpu.memory_space<any>>
      %dma_wait3A_1377 = tpu.memref_squeeze %dma_wait3A_1376 : memref<1x64x256xf32, #tpu.memory_space<any>> -> memref<64x256xf32, #tpu.memory_space<any>>
      tpu.wait_dma2 semaphore(%arg6 : memref<!tpu.dma_semaphore, #tpu.memory_space<semaphore_mem>>) src(%dma_wait3A_1377 : memref<64x256xf32, #tpu.memory_space<any>>) dst(%dma_wait3A_1373 : memref<64x256xf32, #tpu.memory_space<vmem>>)
      %dma_wait3A_1378 = arith.constant 120 : i32
      %dma_wait3A_1379 = arith.constant 7 : i32
      %dma_wait3A_1380 = arith.constant 0 : i32
      %dma_wait3A_1381 = arith.constant 0 : i32
      %dma_wait3A_1382 = tpu.memref_slice %arg5[%dma_wait3A_1380, %dma_wait3A_1379, %dma_wait3A_1381] : memref<64x128x256xf32, #tpu.memory_space<vmem>> -> memref<64x1x256xf32, #tpu.memory_space<vmem>>
      %dma_wait3A_1383 = tpu.memref_squeeze %dma_wait3A_1382 : memref<64x1x256xf32, #tpu.memory_space<vmem>> -> memref<64x256xf32, #tpu.memory_space<vmem>>
      %dma_wait3A_1384 = arith.constant 0 : i32
      %dma_wait3A_1385 = arith.constant 0 : i32
      %dma_wait3A_1386 = tpu.memref_slice %arg2[%dma_wait3A_1378, %dma_wait3A_1384, %dma_wait3A_1385] : memref<128x64x256xf32, #tpu.memory_space<any>> -> memref<1x64x256xf32, #tpu.memory_space<any>>
      %dma_wait3A_1387 = tpu.memref_squeeze %dma_wait3A_1386 : memref<1x64x256xf32, #tpu.memory_space<any>> -> memref<64x256xf32, #tpu.memory_space<any>>
      tpu.wait_dma2 semaphore(%arg6 : memref<!tpu.dma_semaphore, #tpu.memory_space<semaphore_mem>>) src(%dma_wait3A_1387 : memref<64x256xf32, #tpu.memory_space<any>>) dst(%dma_wait3A_1383 : memref<64x256xf32, #tpu.memory_space<vmem>>)
      %dma_wait3A_1388 = arith.constant 119 : i32
      %dma_wait3A_1389 = arith.constant 8 : i32
      %dma_wait3A_1390 = arith.constant 0 : i32
      %dma_wait3A_1391 = arith.constant 0 : i32
      %dma_wait3A_1392 = tpu.memref_slice %arg5[%dma_wait3A_1390, %dma_wait3A_1389, %dma_wait3A_1391] : memref<64x128x256xf32, #tpu.memory_space<vmem>> -> memref<64x1x256xf32, #tpu.memory_space<vmem>>
      %dma_wait3A_1393 = tpu.memref_squeeze %dma_wait3A_1392 : memref<64x1x256xf32, #tpu.memory_space<vmem>> -> memref<64x256xf32, #tpu.memory_space<vmem>>
      %dma_wait3A_1394 = arith.constant 0 : i32
      %dma_wait3A_1395 = arith.constant 0 : i32
      %dma_wait3A_1396 = tpu.memref_slice %arg2[%dma_wait3A_1388, %dma_wait3A_1394, %dma_wait3A_1395] : memref<128x64x256xf32, #tpu.memory_space<any>> -> memref<1x64x256xf32, #tpu.memory_space<any>>
      %dma_wait3A_1397 = tpu.memref_squeeze %dma_wait3A_1396 : memref<1x64x256xf32, #tpu.memory_space<any>> -> memref<64x256xf32, #tpu.memory_space<any>>
      tpu.wait_dma2 semaphore(%arg6 : memref<!tpu.dma_semaphore, #tpu.memory_space<semaphore_mem>>) src(%dma_wait3A_1397 : memref<64x256xf32, #tpu.memory_space<any>>) dst(%dma_wait3A_1393 : memref<64x256xf32, #tpu.memory_space<vmem>>)
      %dma_wait3A_1398 = arith.constant 118 : i32
      %dma_wait3A_1399 = arith.constant 9 : i32
      %dma_wait3A_1400 = arith.constant 0 : i32
      %dma_wait3A_1401 = arith.constant 0 : i32
      %dma_wait3A_1402 = tpu.memref_slice %arg5[%dma_wait3A_1400, %dma_wait3A_1399, %dma_wait3A_1401] : memref<64x128x256xf32, #tpu.memory_space<vmem>> -> memref<64x1x256xf32, #tpu.memory_space<vmem>>
      %dma_wait3A_1403 = tpu.memref_squeeze %dma_wait3A_1402 : memref<64x1x256xf32, #tpu.memory_space<vmem>> -> memref<64x256xf32, #tpu.memory_space<vmem>>
      %dma_wait3A_1404 = arith.constant 0 : i32
      %dma_wait3A_1405 = arith.constant 0 : i32
      %dma_wait3A_1406 = tpu.memref_slice %arg2[%dma_wait3A_1398, %dma_wait3A_1404, %dma_wait3A_1405] : memref<128x64x256xf32, #tpu.memory_space<any>> -> memref<1x64x256xf32, #tpu.memory_space<any>>
      %dma_wait3A_1407 = tpu.memref_squeeze %dma_wait3A_1406 : memref<1x64x256xf32, #tpu.memory_space<any>> -> memref<64x256xf32, #tpu.memory_space<any>>
      tpu.wait_dma2 semaphore(%arg6 : memref<!tpu.dma_semaphore, #tpu.memory_space<semaphore_mem>>) src(%dma_wait3A_1407 : memref<64x256xf32, #tpu.memory_space<any>>) dst(%dma_wait3A_1403 : memref<64x256xf32, #tpu.memory_space<vmem>>)
      %dma_wait3A_1408 = arith.constant 117 : i32
      %dma_wait3A_1409 = arith.constant 10 : i32
      %dma_wait3A_1410 = arith.constant 0 : i32
      %dma_wait3A_1411 = arith.constant 0 : i32
      %dma_wait3A_1412 = tpu.memref_slice %arg5[%dma_wait3A_1410, %dma_wait3A_1409, %dma_wait3A_1411] : memref<64x128x256xf32, #tpu.memory_space<vmem>> -> memref<64x1x256xf32, #tpu.memory_space<vmem>>
      %dma_wait3A_1413 = tpu.memref_squeeze %dma_wait3A_1412 : memref<64x1x256xf32, #tpu.memory_space<vmem>> -> memref<64x256xf32, #tpu.memory_space<vmem>>
      %dma_wait3A_1414 = arith.constant 0 : i32
      %dma_wait3A_1415 = arith.constant 0 : i32
      %dma_wait3A_1416 = tpu.memref_slice %arg2[%dma_wait3A_1408, %dma_wait3A_1414, %dma_wait3A_1415] : memref<128x64x256xf32, #tpu.memory_space<any>> -> memref<1x64x256xf32, #tpu.memory_space<any>>
      %dma_wait3A_1417 = tpu.memref_squeeze %dma_wait3A_1416 : memref<1x64x256xf32, #tpu.memory_space<any>> -> memref<64x256xf32, #tpu.memory_space<any>>
      tpu.wait_dma2 semaphore(%arg6 : memref<!tpu.dma_semaphore, #tpu.memory_space<semaphore_mem>>) src(%dma_wait3A_1417 : memref<64x256xf32, #tpu.memory_space<any>>) dst(%dma_wait3A_1413 : memref<64x256xf32, #tpu.memory_space<vmem>>)
      %dma_wait3A_1418 = arith.constant 116 : i32
      %dma_wait3A_1419 = arith.constant 11 : i32
      %dma_wait3A_1420 = arith.constant 0 : i32
      %dma_wait3A_1421 = arith.constant 0 : i32
      %dma_wait3A_1422 = tpu.memref_slice %arg5[%dma_wait3A_1420, %dma_wait3A_1419, %dma_wait3A_1421] : memref<64x128x256xf32, #tpu.memory_space<vmem>> -> memref<64x1x256xf32, #tpu.memory_space<vmem>>
      %dma_wait3A_1423 = tpu.memref_squeeze %dma_wait3A_1422 : memref<64x1x256xf32, #tpu.memory_space<vmem>> -> memref<64x256xf32, #tpu.memory_space<vmem>>
      %dma_wait3A_1424 = arith.constant 0 : i32
      %dma_wait3A_1425 = arith.constant 0 : i32
      %dma_wait3A_1426 = tpu.memref_slice %arg2[%dma_wait3A_1418, %dma_wait3A_1424, %dma_wait3A_1425] : memref<128x64x256xf32, #tpu.memory_space<any>> -> memref<1x64x256xf32, #tpu.memory_space<any>>
      %dma_wait3A_1427 = tpu.memref_squeeze %dma_wait3A_1426 : memref<1x64x256xf32, #tpu.memory_space<any>> -> memref<64x256xf32, #tpu.memory_space<any>>
      tpu.wait_dma2 semaphore(%arg6 : memref<!tpu.dma_semaphore, #tpu.memory_space<semaphore_mem>>) src(%dma_wait3A_1427 : memref<64x256xf32, #tpu.memory_space<any>>) dst(%dma_wait3A_1423 : memref<64x256xf32, #tpu.memory_space<vmem>>)
      %dma_wait3A_1428 = arith.constant 115 : i32
      %dma_wait3A_1429 = arith.constant 12 : i32
      %dma_wait3A_1430 = arith.constant 0 : i32
      %dma_wait3A_1431 = arith.constant 0 : i32
      %dma_wait3A_1432 = tpu.memref_slice %arg5[%dma_wait3A_1430, %dma_wait3A_1429, %dma_wait3A_1431] : memref<64x128x256xf32, #tpu.memory_space<vmem>> -> memref<64x1x256xf32, #tpu.memory_space<vmem>>
      %dma_wait3A_1433 = tpu.memref_squeeze %dma_wait3A_1432 : memref<64x1x256xf32, #tpu.memory_space<vmem>> -> memref<64x256xf32, #tpu.memory_space<vmem>>
      %dma_wait3A_1434 = arith.constant 0 : i32
      %dma_wait3A_1435 = arith.constant 0 : i32
      %dma_wait3A_1436 = tpu.memref_slice %arg2[%dma_wait3A_1428, %dma_wait3A_1434, %dma_wait3A_1435] : memref<128x64x256xf32, #tpu.memory_space<any>> -> memref<1x64x256xf32, #tpu.memory_space<any>>
      %dma_wait3A_1437 = tpu.memref_squeeze %dma_wait3A_1436 : memref<1x64x256xf32, #tpu.memory_space<any>> -> memref<64x256xf32, #tpu.memory_space<any>>
      tpu.wait_dma2 semaphore(%arg6 : memref<!tpu.dma_semaphore, #tpu.memory_space<semaphore_mem>>) src(%dma_wait3A_1437 : memref<64x256xf32, #tpu.memory_space<any>>) dst(%dma_wait3A_1433 : memref<64x256xf32, #tpu.memory_space<vmem>>)
      %dma_wait3A_1438 = arith.constant 114 : i32
      %dma_wait3A_1439 = arith.constant 13 : i32
      %dma_wait3A_1440 = arith.constant 0 : i32
      %dma_wait3A_1441 = arith.constant 0 : i32
      %dma_wait3A_1442 = tpu.memref_slice %arg5[%dma_wait3A_1440, %dma_wait3A_1439, %dma_wait3A_1441] : memref<64x128x256xf32, #tpu.memory_space<vmem>> -> memref<64x1x256xf32, #tpu.memory_space<vmem>>
      %dma_wait3A_1443 = tpu.memref_squeeze %dma_wait3A_1442 : memref<64x1x256xf32, #tpu.memory_space<vmem>> -> memref<64x256xf32, #tpu.memory_space<vmem>>
      %dma_wait3A_1444 = arith.constant 0 : i32
      %dma_wait3A_1445 = arith.constant 0 : i32
      %dma_wait3A_1446 = tpu.memref_slice %arg2[%dma_wait3A_1438, %dma_wait3A_1444, %dma_wait3A_1445] : memref<128x64x256xf32, #tpu.memory_space<any>> -> memref<1x64x256xf32, #tpu.memory_space<any>>
      %dma_wait3A_1447 = tpu.memref_squeeze %dma_wait3A_1446 : memref<1x64x256xf32, #tpu.memory_space<any>> -> memref<64x256xf32, #tpu.memory_space<any>>
      tpu.wait_dma2 semaphore(%arg6 : memref<!tpu.dma_semaphore, #tpu.memory_space<semaphore_mem>>) src(%dma_wait3A_1447 : memref<64x256xf32, #tpu.memory_space<any>>) dst(%dma_wait3A_1443 : memref<64x256xf32, #tpu.memory_space<vmem>>)
      %dma_wait3A_1448 = arith.constant 113 : i32
      %dma_wait3A_1449 = arith.constant 14 : i32
      %dma_wait3A_1450 = arith.constant 0 : i32
      %dma_wait3A_1451 = arith.constant 0 : i32
      %dma_wait3A_1452 = tpu.memref_slice %arg5[%dma_wait3A_1450, %dma_wait3A_1449, %dma_wait3A_1451] : memref<64x128x256xf32, #tpu.memory_space<vmem>> -> memref<64x1x256xf32, #tpu.memory_space<vmem>>
      %dma_wait3A_1453 = tpu.memref_squeeze %dma_wait3A_1452 : memref<64x1x256xf32, #tpu.memory_space<vmem>> -> memref<64x256xf32, #tpu.memory_space<vmem>>
      %dma_wait3A_1454 = arith.constant 0 : i32
      %dma_wait3A_1455 = arith.constant 0 : i32
      %dma_wait3A_1456 = tpu.memref_slice %arg2[%dma_wait3A_1448, %dma_wait3A_1454, %dma_wait3A_1455] : memref<128x64x256xf32, #tpu.memory_space<any>> -> memref<1x64x256xf32, #tpu.memory_space<any>>
      %dma_wait3A_1457 = tpu.memref_squeeze %dma_wait3A_1456 : memref<1x64x256xf32, #tpu.memory_space<any>> -> memref<64x256xf32, #tpu.memory_space<any>>
      tpu.wait_dma2 semaphore(%arg6 : memref<!tpu.dma_semaphore, #tpu.memory_space<semaphore_mem>>) src(%dma_wait3A_1457 : memref<64x256xf32, #tpu.memory_space<any>>) dst(%dma_wait3A_1453 : memref<64x256xf32, #tpu.memory_space<vmem>>)
      %dma_wait3A_1458 = arith.constant 112 : i32
      %dma_wait3A_1459 = arith.constant 15 : i32
      %dma_wait3A_1460 = arith.constant 0 : i32
      %dma_wait3A_1461 = arith.constant 0 : i32
      %dma_wait3A_1462 = tpu.memref_slice %arg5[%dma_wait3A_1460, %dma_wait3A_1459, %dma_wait3A_1461] : memref<64x128x256xf32, #tpu.memory_space<vmem>> -> memref<64x1x256xf32, #tpu.memory_space<vmem>>
      %dma_wait3A_1463 = tpu.memref_squeeze %dma_wait3A_1462 : memref<64x1x256xf32, #tpu.memory_space<vmem>> -> memref<64x256xf32, #tpu.memory_space<vmem>>
      %dma_wait3A_1464 = arith.constant 0 : i32
      %dma_wait3A_1465 = arith.constant 0 : i32
      %dma_wait3A_1466 = tpu.memref_slice %arg2[%dma_wait3A_1458, %dma_wait3A_1464, %dma_wait3A_1465] : memref<128x64x256xf32, #tpu.memory_space<any>> -> memref<1x64x256xf32, #tpu.memory_space<any>>
      %dma_wait3A_1467 = tpu.memref_squeeze %dma_wait3A_1466 : memref<1x64x256xf32, #tpu.memory_space<any>> -> memref<64x256xf32, #tpu.memory_space<any>>
      tpu.wait_dma2 semaphore(%arg6 : memref<!tpu.dma_semaphore, #tpu.memory_space<semaphore_mem>>) src(%dma_wait3A_1467 : memref<64x256xf32, #tpu.memory_space<any>>) dst(%dma_wait3A_1463 : memref<64x256xf32, #tpu.memory_space<vmem>>)
      %dma_wait3A_1468 = arith.constant 111 : i32
      %dma_wait3A_1469 = arith.constant 16 : i32
      %dma_wait3A_1470 = arith.constant 0 : i32
      %dma_wait3A_1471 = arith.constant 0 : i32
      %dma_wait3A_1472 = tpu.memref_slice %arg5[%dma_wait3A_1470, %dma_wait3A_1469, %dma_wait3A_1471] : memref<64x128x256xf32, #tpu.memory_space<vmem>> -> memref<64x1x256xf32, #tpu.memory_space<vmem>>
      %dma_wait3A_1473 = tpu.memref_squeeze %dma_wait3A_1472 : memref<64x1x256xf32, #tpu.memory_space<vmem>> -> memref<64x256xf32, #tpu.memory_space<vmem>>
      %dma_wait3A_1474 = arith.constant 0 : i32
      %dma_wait3A_1475 = arith.constant 0 : i32
      %dma_wait3A_1476 = tpu.memref_slice %arg2[%dma_wait3A_1468, %dma_wait3A_1474, %dma_wait3A_1475] : memref<128x64x256xf32, #tpu.memory_space<any>> -> memref<1x64x256xf32, #tpu.memory_space<any>>
      %dma_wait3A_1477 = tpu.memref_squeeze %dma_wait3A_1476 : memref<1x64x256xf32, #tpu.memory_space<any>> -> memref<64x256xf32, #tpu.memory_space<any>>
      tpu.wait_dma2 semaphore(%arg6 : memref<!tpu.dma_semaphore, #tpu.memory_space<semaphore_mem>>) src(%dma_wait3A_1477 : memref<64x256xf32, #tpu.memory_space<any>>) dst(%dma_wait3A_1473 : memref<64x256xf32, #tpu.memory_space<vmem>>)
      %dma_wait3A_1478 = arith.constant 110 : i32
      %dma_wait3A_1479 = arith.constant 17 : i32
      %dma_wait3A_1480 = arith.constant 0 : i32
      %dma_wait3A_1481 = arith.constant 0 : i32
      %dma_wait3A_1482 = tpu.memref_slice %arg5[%dma_wait3A_1480, %dma_wait3A_1479, %dma_wait3A_1481] : memref<64x128x256xf32, #tpu.memory_space<vmem>> -> memref<64x1x256xf32, #tpu.memory_space<vmem>>
      %dma_wait3A_1483 = tpu.memref_squeeze %dma_wait3A_1482 : memref<64x1x256xf32, #tpu.memory_space<vmem>> -> memref<64x256xf32, #tpu.memory_space<vmem>>
      %dma_wait3A_1484 = arith.constant 0 : i32
      %dma_wait3A_1485 = arith.constant 0 : i32
      %dma_wait3A_1486 = tpu.memref_slice %arg2[%dma_wait3A_1478, %dma_wait3A_1484, %dma_wait3A_1485] : memref<128x64x256xf32, #tpu.memory_space<any>> -> memref<1x64x256xf32, #tpu.memory_space<any>>
      %dma_wait3A_1487 = tpu.memref_squeeze %dma_wait3A_1486 : memref<1x64x256xf32, #tpu.memory_space<any>> -> memref<64x256xf32, #tpu.memory_space<any>>
      tpu.wait_dma2 semaphore(%arg6 : memref<!tpu.dma_semaphore, #tpu.memory_space<semaphore_mem>>) src(%dma_wait3A_1487 : memref<64x256xf32, #tpu.memory_space<any>>) dst(%dma_wait3A_1483 : memref<64x256xf32, #tpu.memory_space<vmem>>)
      %dma_wait3A_1488 = arith.constant 109 : i32
      %dma_wait3A_1489 = arith.constant 18 : i32
      %dma_wait3A_1490 = arith.constant 0 : i32
      %dma_wait3A_1491 = arith.constant 0 : i32
      %dma_wait3A_1492 = tpu.memref_slice %arg5[%dma_wait3A_1490, %dma_wait3A_1489, %dma_wait3A_1491] : memref<64x128x256xf32, #tpu.memory_space<vmem>> -> memref<64x1x256xf32, #tpu.memory_space<vmem>>
      %dma_wait3A_1493 = tpu.memref_squeeze %dma_wait3A_1492 : memref<64x1x256xf32, #tpu.memory_space<vmem>> -> memref<64x256xf32, #tpu.memory_space<vmem>>
      %dma_wait3A_1494 = arith.constant 0 : i32
      %dma_wait3A_1495 = arith.constant 0 : i32
      %dma_wait3A_1496 = tpu.memref_slice %arg2[%dma_wait3A_1488, %dma_wait3A_1494, %dma_wait3A_1495] : memref<128x64x256xf32, #tpu.memory_space<any>> -> memref<1x64x256xf32, #tpu.memory_space<any>>
      %dma_wait3A_1497 = tpu.memref_squeeze %dma_wait3A_1496 : memref<1x64x256xf32, #tpu.memory_space<any>> -> memref<64x256xf32, #tpu.memory_space<any>>
      tpu.wait_dma2 semaphore(%arg6 : memref<!tpu.dma_semaphore, #tpu.memory_space<semaphore_mem>>) src(%dma_wait3A_1497 : memref<64x256xf32, #tpu.memory_space<any>>) dst(%dma_wait3A_1493 : memref<64x256xf32, #tpu.memory_space<vmem>>)
      %dma_wait3A_1498 = arith.constant 108 : i32
      %dma_wait3A_1499 = arith.constant 19 : i32
      %dma_wait3A_1500 = arith.constant 0 : i32
      %dma_wait3A_1501 = arith.constant 0 : i32
      %dma_wait3A_1502 = tpu.memref_slice %arg5[%dma_wait3A_1500, %dma_wait3A_1499, %dma_wait3A_1501] : memref<64x128x256xf32, #tpu.memory_space<vmem>> -> memref<64x1x256xf32, #tpu.memory_space<vmem>>
      %dma_wait3A_1503 = tpu.memref_squeeze %dma_wait3A_1502 : memref<64x1x256xf32, #tpu.memory_space<vmem>> -> memref<64x256xf32, #tpu.memory_space<vmem>>
      %dma_wait3A_1504 = arith.constant 0 : i32
      %dma_wait3A_1505 = arith.constant 0 : i32
      %dma_wait3A_1506 = tpu.memref_slice %arg2[%dma_wait3A_1498, %dma_wait3A_1504, %dma_wait3A_1505] : memref<128x64x256xf32, #tpu.memory_space<any>> -> memref<1x64x256xf32, #tpu.memory_space<any>>
      %dma_wait3A_1507 = tpu.memref_squeeze %dma_wait3A_1506 : memref<1x64x256xf32, #tpu.memory_space<any>> -> memref<64x256xf32, #tpu.memory_space<any>>
      tpu.wait_dma2 semaphore(%arg6 : memref<!tpu.dma_semaphore, #tpu.memory_space<semaphore_mem>>) src(%dma_wait3A_1507 : memref<64x256xf32, #tpu.memory_space<any>>) dst(%dma_wait3A_1503 : memref<64x256xf32, #tpu.memory_space<vmem>>)
      %dma_wait3A_1508 = arith.constant 107 : i32
      %dma_wait3A_1509 = arith.constant 20 : i32
      %dma_wait3A_1510 = arith.constant 0 : i32
      %dma_wait3A_1511 = arith.constant 0 : i32
      %dma_wait3A_1512 = tpu.memref_slice %arg5[%dma_wait3A_1510, %dma_wait3A_1509, %dma_wait3A_1511] : memref<64x128x256xf32, #tpu.memory_space<vmem>> -> memref<64x1x256xf32, #tpu.memory_space<vmem>>
      %dma_wait3A_1513 = tpu.memref_squeeze %dma_wait3A_1512 : memref<64x1x256xf32, #tpu.memory_space<vmem>> -> memref<64x256xf32, #tpu.memory_space<vmem>>
      %dma_wait3A_1514 = arith.constant 0 : i32
      %dma_wait3A_1515 = arith.constant 0 : i32
      %dma_wait3A_1516 = tpu.memref_slice %arg2[%dma_wait3A_1508, %dma_wait3A_1514, %dma_wait3A_1515] : memref<128x64x256xf32, #tpu.memory_space<any>> -> memref<1x64x256xf32, #tpu.memory_space<any>>
      %dma_wait3A_1517 = tpu.memref_squeeze %dma_wait3A_1516 : memref<1x64x256xf32, #tpu.memory_space<any>> -> memref<64x256xf32, #tpu.memory_space<any>>
      tpu.wait_dma2 semaphore(%arg6 : memref<!tpu.dma_semaphore, #tpu.memory_space<semaphore_mem>>) src(%dma_wait3A_1517 : memref<64x256xf32, #tpu.memory_space<any>>) dst(%dma_wait3A_1513 : memref<64x256xf32, #tpu.memory_space<vmem>>)
      %dma_wait3A_1518 = arith.constant 106 : i32
      %dma_wait3A_1519 = arith.constant 21 : i32
      %dma_wait3A_1520 = arith.constant 0 : i32
      %dma_wait3A_1521 = arith.constant 0 : i32
      %dma_wait3A_1522 = tpu.memref_slice %arg5[%dma_wait3A_1520, %dma_wait3A_1519, %dma_wait3A_1521] : memref<64x128x256xf32, #tpu.memory_space<vmem>> -> memref<64x1x256xf32, #tpu.memory_space<vmem>>
      %dma_wait3A_1523 = tpu.memref_squeeze %dma_wait3A_1522 : memref<64x1x256xf32, #tpu.memory_space<vmem>> -> memref<64x256xf32, #tpu.memory_space<vmem>>
      %dma_wait3A_1524 = arith.constant 0 : i32
      %dma_wait3A_1525 = arith.constant 0 : i32
      %dma_wait3A_1526 = tpu.memref_slice %arg2[%dma_wait3A_1518, %dma_wait3A_1524, %dma_wait3A_1525] : memref<128x64x256xf32, #tpu.memory_space<any>> -> memref<1x64x256xf32, #tpu.memory_space<any>>
      %dma_wait3A_1527 = tpu.memref_squeeze %dma_wait3A_1526 : memref<1x64x256xf32, #tpu.memory_space<any>> -> memref<64x256xf32, #tpu.memory_space<any>>
      tpu.wait_dma2 semaphore(%arg6 : memref<!tpu.dma_semaphore, #tpu.memory_space<semaphore_mem>>) src(%dma_wait3A_1527 : memref<64x256xf32, #tpu.memory_space<any>>) dst(%dma_wait3A_1523 : memref<64x256xf32, #tpu.memory_space<vmem>>)
      %dma_wait3A_1528 = arith.constant 105 : i32
      %dma_wait3A_1529 = arith.constant 22 : i32
      %dma_wait3A_1530 = arith.constant 0 : i32
      %dma_wait3A_1531 = arith.constant 0 : i32
      %dma_wait3A_1532 = tpu.memref_slice %arg5[%dma_wait3A_1530, %dma_wait3A_1529, %dma_wait3A_1531] : memref<64x128x256xf32, #tpu.memory_space<vmem>> -> memref<64x1x256xf32, #tpu.memory_space<vmem>>
      %dma_wait3A_1533 = tpu.memref_squeeze %dma_wait3A_1532 : memref<64x1x256xf32, #tpu.memory_space<vmem>> -> memref<64x256xf32, #tpu.memory_space<vmem>>
      %dma_wait3A_1534 = arith.constant 0 : i32
      %dma_wait3A_1535 = arith.constant 0 : i32
      %dma_wait3A_1536 = tpu.memref_slice %arg2[%dma_wait3A_1528, %dma_wait3A_1534, %dma_wait3A_1535] : memref<128x64x256xf32, #tpu.memory_space<any>> -> memref<1x64x256xf32, #tpu.memory_space<any>>
      %dma_wait3A_1537 = tpu.memref_squeeze %dma_wait3A_1536 : memref<1x64x256xf32, #tpu.memory_space<any>> -> memref<64x256xf32, #tpu.memory_space<any>>
      tpu.wait_dma2 semaphore(%arg6 : memref<!tpu.dma_semaphore, #tpu.memory_space<semaphore_mem>>) src(%dma_wait3A_1537 : memref<64x256xf32, #tpu.memory_space<any>>) dst(%dma_wait3A_1533 : memref<64x256xf32, #tpu.memory_space<vmem>>)
      %dma_wait3A_1538 = arith.constant 104 : i32
      %dma_wait3A_1539 = arith.constant 23 : i32
      %dma_wait3A_1540 = arith.constant 0 : i32
      %dma_wait3A_1541 = arith.constant 0 : i32
      %dma_wait3A_1542 = tpu.memref_slice %arg5[%dma_wait3A_1540, %dma_wait3A_1539, %dma_wait3A_1541] : memref<64x128x256xf32, #tpu.memory_space<vmem>> -> memref<64x1x256xf32, #tpu.memory_space<vmem>>
      %dma_wait3A_1543 = tpu.memref_squeeze %dma_wait3A_1542 : memref<64x1x256xf32, #tpu.memory_space<vmem>> -> memref<64x256xf32, #tpu.memory_space<vmem>>
      %dma_wait3A_1544 = arith.constant 0 : i32
      %dma_wait3A_1545 = arith.constant 0 : i32
      %dma_wait3A_1546 = tpu.memref_slice %arg2[%dma_wait3A_1538, %dma_wait3A_1544, %dma_wait3A_1545] : memref<128x64x256xf32, #tpu.memory_space<any>> -> memref<1x64x256xf32, #tpu.memory_space<any>>
      %dma_wait3A_1547 = tpu.memref_squeeze %dma_wait3A_1546 : memref<1x64x256xf32, #tpu.memory_space<any>> -> memref<64x256xf32, #tpu.memory_space<any>>
      tpu.wait_dma2 semaphore(%arg6 : memref<!tpu.dma_semaphore, #tpu.memory_space<semaphore_mem>>) src(%dma_wait3A_1547 : memref<64x256xf32, #tpu.memory_space<any>>) dst(%dma_wait3A_1543 : memref<64x256xf32, #tpu.memory_space<vmem>>)
      %dma_wait3A_1548 = arith.constant 103 : i32
      %dma_wait3A_1549 = arith.constant 24 : i32
      %dma_wait3A_1550 = arith.constant 0 : i32
      %dma_wait3A_1551 = arith.constant 0 : i32
      %dma_wait3A_1552 = tpu.memref_slice %arg5[%dma_wait3A_1550, %dma_wait3A_1549, %dma_wait3A_1551] : memref<64x128x256xf32, #tpu.memory_space<vmem>> -> memref<64x1x256xf32, #tpu.memory_space<vmem>>
      %dma_wait3A_1553 = tpu.memref_squeeze %dma_wait3A_1552 : memref<64x1x256xf32, #tpu.memory_space<vmem>> -> memref<64x256xf32, #tpu.memory_space<vmem>>
      %dma_wait3A_1554 = arith.constant 0 : i32
      %dma_wait3A_1555 = arith.constant 0 : i32
      %dma_wait3A_1556 = tpu.memref_slice %arg2[%dma_wait3A_1548, %dma_wait3A_1554, %dma_wait3A_1555] : memref<128x64x256xf32, #tpu.memory_space<any>> -> memref<1x64x256xf32, #tpu.memory_space<any>>
      %dma_wait3A_1557 = tpu.memref_squeeze %dma_wait3A_1556 : memref<1x64x256xf32, #tpu.memory_space<any>> -> memref<64x256xf32, #tpu.memory_space<any>>
      tpu.wait_dma2 semaphore(%arg6 : memref<!tpu.dma_semaphore, #tpu.memory_space<semaphore_mem>>) src(%dma_wait3A_1557 : memref<64x256xf32, #tpu.memory_space<any>>) dst(%dma_wait3A_1553 : memref<64x256xf32, #tpu.memory_space<vmem>>)
      %dma_wait3A_1558 = arith.constant 102 : i32
      %dma_wait3A_1559 = arith.constant 25 : i32
      %dma_wait3A_1560 = arith.constant 0 : i32
      %dma_wait3A_1561 = arith.constant 0 : i32
      %dma_wait3A_1562 = tpu.memref_slice %arg5[%dma_wait3A_1560, %dma_wait3A_1559, %dma_wait3A_1561] : memref<64x128x256xf32, #tpu.memory_space<vmem>> -> memref<64x1x256xf32, #tpu.memory_space<vmem>>
      %dma_wait3A_1563 = tpu.memref_squeeze %dma_wait3A_1562 : memref<64x1x256xf32, #tpu.memory_space<vmem>> -> memref<64x256xf32, #tpu.memory_space<vmem>>
      %dma_wait3A_1564 = arith.constant 0 : i32
      %dma_wait3A_1565 = arith.constant 0 : i32
      %dma_wait3A_1566 = tpu.memref_slice %arg2[%dma_wait3A_1558, %dma_wait3A_1564, %dma_wait3A_1565] : memref<128x64x256xf32, #tpu.memory_space<any>> -> memref<1x64x256xf32, #tpu.memory_space<any>>
      %dma_wait3A_1567 = tpu.memref_squeeze %dma_wait3A_1566 : memref<1x64x256xf32, #tpu.memory_space<any>> -> memref<64x256xf32, #tpu.memory_space<any>>
      tpu.wait_dma2 semaphore(%arg6 : memref<!tpu.dma_semaphore, #tpu.memory_space<semaphore_mem>>) src(%dma_wait3A_1567 : memref<64x256xf32, #tpu.memory_space<any>>) dst(%dma_wait3A_1563 : memref<64x256xf32, #tpu.memory_space<vmem>>)
      %dma_wait3A_1568 = arith.constant 101 : i32
      %dma_wait3A_1569 = arith.constant 26 : i32
      %dma_wait3A_1570 = arith.constant 0 : i32
      %dma_wait3A_1571 = arith.constant 0 : i32
      %dma_wait3A_1572 = tpu.memref_slice %arg5[%dma_wait3A_1570, %dma_wait3A_1569, %dma_wait3A_1571] : memref<64x128x256xf32, #tpu.memory_space<vmem>> -> memref<64x1x256xf32, #tpu.memory_space<vmem>>
      %dma_wait3A_1573 = tpu.memref_squeeze %dma_wait3A_1572 : memref<64x1x256xf32, #tpu.memory_space<vmem>> -> memref<64x256xf32, #tpu.memory_space<vmem>>
      %dma_wait3A_1574 = arith.constant 0 : i32
      %dma_wait3A_1575 = arith.constant 0 : i32
      %dma_wait3A_1576 = tpu.memref_slice %arg2[%dma_wait3A_1568, %dma_wait3A_1574, %dma_wait3A_1575] : memref<128x64x256xf32, #tpu.memory_space<any>> -> memref<1x64x256xf32, #tpu.memory_space<any>>
      %dma_wait3A_1577 = tpu.memref_squeeze %dma_wait3A_1576 : memref<1x64x256xf32, #tpu.memory_space<any>> -> memref<64x256xf32, #tpu.memory_space<any>>
      tpu.wait_dma2 semaphore(%arg6 : memref<!tpu.dma_semaphore, #tpu.memory_space<semaphore_mem>>) src(%dma_wait3A_1577 : memref<64x256xf32, #tpu.memory_space<any>>) dst(%dma_wait3A_1573 : memref<64x256xf32, #tpu.memory_space<vmem>>)
      %dma_wait3A_1578 = arith.constant 100 : i32
      %dma_wait3A_1579 = arith.constant 27 : i32
      %dma_wait3A_1580 = arith.constant 0 : i32
      %dma_wait3A_1581 = arith.constant 0 : i32
      %dma_wait3A_1582 = tpu.memref_slice %arg5[%dma_wait3A_1580, %dma_wait3A_1579, %dma_wait3A_1581] : memref<64x128x256xf32, #tpu.memory_space<vmem>> -> memref<64x1x256xf32, #tpu.memory_space<vmem>>
      %dma_wait3A_1583 = tpu.memref_squeeze %dma_wait3A_1582 : memref<64x1x256xf32, #tpu.memory_space<vmem>> -> memref<64x256xf32, #tpu.memory_space<vmem>>
      %dma_wait3A_1584 = arith.constant 0 : i32
      %dma_wait3A_1585 = arith.constant 0 : i32
      %dma_wait3A_1586 = tpu.memref_slice %arg2[%dma_wait3A_1578, %dma_wait3A_1584, %dma_wait3A_1585] : memref<128x64x256xf32, #tpu.memory_space<any>> -> memref<1x64x256xf32, #tpu.memory_space<any>>
      %dma_wait3A_1587 = tpu.memref_squeeze %dma_wait3A_1586 : memref<1x64x256xf32, #tpu.memory_space<any>> -> memref<64x256xf32, #tpu.memory_space<any>>
      tpu.wait_dma2 semaphore(%arg6 : memref<!tpu.dma_semaphore, #tpu.memory_space<semaphore_mem>>) src(%dma_wait3A_1587 : memref<64x256xf32, #tpu.memory_space<any>>) dst(%dma_wait3A_1583 : memref<64x256xf32, #tpu.memory_space<vmem>>)
      %dma_wait3A_1588 = arith.constant 99 : i32
      %dma_wait3A_1589 = arith.constant 28 : i32
      %dma_wait3A_1590 = arith.constant 0 : i32
      %dma_wait3A_1591 = arith.constant 0 : i32
      %dma_wait3A_1592 = tpu.memref_slice %arg5[%dma_wait3A_1590, %dma_wait3A_1589, %dma_wait3A_1591] : memref<64x128x256xf32, #tpu.memory_space<vmem>> -> memref<64x1x256xf32, #tpu.memory_space<vmem>>
      %dma_wait3A_1593 = tpu.memref_squeeze %dma_wait3A_1592 : memref<64x1x256xf32, #tpu.memory_space<vmem>> -> memref<64x256xf32, #tpu.memory_space<vmem>>
      %dma_wait3A_1594 = arith.constant 0 : i32
      %dma_wait3A_1595 = arith.constant 0 : i32
      %dma_wait3A_1596 = tpu.memref_slice %arg2[%dma_wait3A_1588, %dma_wait3A_1594, %dma_wait3A_1595] : memref<128x64x256xf32, #tpu.memory_space<any>> -> memref<1x64x256xf32, #tpu.memory_space<any>>
      %dma_wait3A_1597 = tpu.memref_squeeze %dma_wait3A_1596 : memref<1x64x256xf32, #tpu.memory_space<any>> -> memref<64x256xf32, #tpu.memory_space<any>>
      tpu.wait_dma2 semaphore(%arg6 : memref<!tpu.dma_semaphore, #tpu.memory_space<semaphore_mem>>) src(%dma_wait3A_1597 : memref<64x256xf32, #tpu.memory_space<any>>) dst(%dma_wait3A_1593 : memref<64x256xf32, #tpu.memory_space<vmem>>)
      %dma_wait3A_1598 = arith.constant 98 : i32
      %dma_wait3A_1599 = arith.constant 29 : i32
      %dma_wait3A_1600 = arith.constant 0 : i32
      %dma_wait3A_1601 = arith.constant 0 : i32
      %dma_wait3A_1602 = tpu.memref_slice %arg5[%dma_wait3A_1600, %dma_wait3A_1599, %dma_wait3A_1601] : memref<64x128x256xf32, #tpu.memory_space<vmem>> -> memref<64x1x256xf32, #tpu.memory_space<vmem>>
      %dma_wait3A_1603 = tpu.memref_squeeze %dma_wait3A_1602 : memref<64x1x256xf32, #tpu.memory_space<vmem>> -> memref<64x256xf32, #tpu.memory_space<vmem>>
      %dma_wait3A_1604 = arith.constant 0 : i32
      %dma_wait3A_1605 = arith.constant 0 : i32
      %dma_wait3A_1606 = tpu.memref_slice %arg2[%dma_wait3A_1598, %dma_wait3A_1604, %dma_wait3A_1605] : memref<128x64x256xf32, #tpu.memory_space<any>> -> memref<1x64x256xf32, #tpu.memory_space<any>>
      %dma_wait3A_1607 = tpu.memref_squeeze %dma_wait3A_1606 : memref<1x64x256xf32, #tpu.memory_space<any>> -> memref<64x256xf32, #tpu.memory_space<any>>
      tpu.wait_dma2 semaphore(%arg6 : memref<!tpu.dma_semaphore, #tpu.memory_space<semaphore_mem>>) src(%dma_wait3A_1607 : memref<64x256xf32, #tpu.memory_space<any>>) dst(%dma_wait3A_1603 : memref<64x256xf32, #tpu.memory_space<vmem>>)
      %dma_wait3A_1608 = arith.constant 97 : i32
      %dma_wait3A_1609 = arith.constant 30 : i32
      %dma_wait3A_1610 = arith.constant 0 : i32
      %dma_wait3A_1611 = arith.constant 0 : i32
      %dma_wait3A_1612 = tpu.memref_slice %arg5[%dma_wait3A_1610, %dma_wait3A_1609, %dma_wait3A_1611] : memref<64x128x256xf32, #tpu.memory_space<vmem>> -> memref<64x1x256xf32, #tpu.memory_space<vmem>>
      %dma_wait3A_1613 = tpu.memref_squeeze %dma_wait3A_1612 : memref<64x1x256xf32, #tpu.memory_space<vmem>> -> memref<64x256xf32, #tpu.memory_space<vmem>>
      %dma_wait3A_1614 = arith.constant 0 : i32
      %dma_wait3A_1615 = arith.constant 0 : i32
      %dma_wait3A_1616 = tpu.memref_slice %arg2[%dma_wait3A_1608, %dma_wait3A_1614, %dma_wait3A_1615] : memref<128x64x256xf32, #tpu.memory_space<any>> -> memref<1x64x256xf32, #tpu.memory_space<any>>
      %dma_wait3A_1617 = tpu.memref_squeeze %dma_wait3A_1616 : memref<1x64x256xf32, #tpu.memory_space<any>> -> memref<64x256xf32, #tpu.memory_space<any>>
      tpu.wait_dma2 semaphore(%arg6 : memref<!tpu.dma_semaphore, #tpu.memory_space<semaphore_mem>>) src(%dma_wait3A_1617 : memref<64x256xf32, #tpu.memory_space<any>>) dst(%dma_wait3A_1613 : memref<64x256xf32, #tpu.memory_space<vmem>>)
      %dma_wait3A_1618 = arith.constant 96 : i32
      %dma_wait3A_1619 = arith.constant 31 : i32
      %dma_wait3A_1620 = arith.constant 0 : i32
      %dma_wait3A_1621 = arith.constant 0 : i32
      %dma_wait3A_1622 = tpu.memref_slice %arg5[%dma_wait3A_1620, %dma_wait3A_1619, %dma_wait3A_1621] : memref<64x128x256xf32, #tpu.memory_space<vmem>> -> memref<64x1x256xf32, #tpu.memory_space<vmem>>
      %dma_wait3A_1623 = tpu.memref_squeeze %dma_wait3A_1622 : memref<64x1x256xf32, #tpu.memory_space<vmem>> -> memref<64x256xf32, #tpu.memory_space<vmem>>
      %dma_wait3A_1624 = arith.constant 0 : i32
      %dma_wait3A_1625 = arith.constant 0 : i32
      %dma_wait3A_1626 = tpu.memref_slice %arg2[%dma_wait3A_1618, %dma_wait3A_1624, %dma_wait3A_1625] : memref<128x64x256xf32, #tpu.memory_space<any>> -> memref<1x64x256xf32, #tpu.memory_space<any>>
      %dma_wait3A_1627 = tpu.memref_squeeze %dma_wait3A_1626 : memref<1x64x256xf32, #tpu.memory_space<any>> -> memref<64x256xf32, #tpu.memory_space<any>>
      tpu.wait_dma2 semaphore(%arg6 : memref<!tpu.dma_semaphore, #tpu.memory_space<semaphore_mem>>) src(%dma_wait3A_1627 : memref<64x256xf32, #tpu.memory_space<any>>) dst(%dma_wait3A_1623 : memref<64x256xf32, #tpu.memory_space<vmem>>)
      %dma_wait3A_1628 = arith.constant 95 : i32
      %dma_wait3A_1629 = arith.constant 32 : i32
      %dma_wait3A_1630 = arith.constant 0 : i32
      %dma_wait3A_1631 = arith.constant 0 : i32
      %dma_wait3A_1632 = tpu.memref_slice %arg5[%dma_wait3A_1630, %dma_wait3A_1629, %dma_wait3A_1631] : memref<64x128x256xf32, #tpu.memory_space<vmem>> -> memref<64x1x256xf32, #tpu.memory_space<vmem>>
      %dma_wait3A_1633 = tpu.memref_squeeze %dma_wait3A_1632 : memref<64x1x256xf32, #tpu.memory_space<vmem>> -> memref<64x256xf32, #tpu.memory_space<vmem>>
      %dma_wait3A_1634 = arith.constant 0 : i32
      %dma_wait3A_1635 = arith.constant 0 : i32
      %dma_wait3A_1636 = tpu.memref_slice %arg2[%dma_wait3A_1628, %dma_wait3A_1634, %dma_wait3A_1635] : memref<128x64x256xf32, #tpu.memory_space<any>> -> memref<1x64x256xf32, #tpu.memory_space<any>>
      %dma_wait3A_1637 = tpu.memref_squeeze %dma_wait3A_1636 : memref<1x64x256xf32, #tpu.memory_space<any>> -> memref<64x256xf32, #tpu.memory_space<any>>
      tpu.wait_dma2 semaphore(%arg6 : memref<!tpu.dma_semaphore, #tpu.memory_space<semaphore_mem>>) src(%dma_wait3A_1637 : memref<64x256xf32, #tpu.memory_space<any>>) dst(%dma_wait3A_1633 : memref<64x256xf32, #tpu.memory_space<vmem>>)
      %dma_wait3A_1638 = arith.constant 94 : i32
      %dma_wait3A_1639 = arith.constant 33 : i32
      %dma_wait3A_1640 = arith.constant 0 : i32
      %dma_wait3A_1641 = arith.constant 0 : i32
      %dma_wait3A_1642 = tpu.memref_slice %arg5[%dma_wait3A_1640, %dma_wait3A_1639, %dma_wait3A_1641] : memref<64x128x256xf32, #tpu.memory_space<vmem>> -> memref<64x1x256xf32, #tpu.memory_space<vmem>>
      %dma_wait3A_1643 = tpu.memref_squeeze %dma_wait3A_1642 : memref<64x1x256xf32, #tpu.memory_space<vmem>> -> memref<64x256xf32, #tpu.memory_space<vmem>>
      %dma_wait3A_1644 = arith.constant 0 : i32
      %dma_wait3A_1645 = arith.constant 0 : i32
      %dma_wait3A_1646 = tpu.memref_slice %arg2[%dma_wait3A_1638, %dma_wait3A_1644, %dma_wait3A_1645] : memref<128x64x256xf32, #tpu.memory_space<any>> -> memref<1x64x256xf32, #tpu.memory_space<any>>
      %dma_wait3A_1647 = tpu.memref_squeeze %dma_wait3A_1646 : memref<1x64x256xf32, #tpu.memory_space<any>> -> memref<64x256xf32, #tpu.memory_space<any>>
      tpu.wait_dma2 semaphore(%arg6 : memref<!tpu.dma_semaphore, #tpu.memory_space<semaphore_mem>>) src(%dma_wait3A_1647 : memref<64x256xf32, #tpu.memory_space<any>>) dst(%dma_wait3A_1643 : memref<64x256xf32, #tpu.memory_space<vmem>>)
      %dma_wait3A_1648 = arith.constant 93 : i32
      %dma_wait3A_1649 = arith.constant 34 : i32
      %dma_wait3A_1650 = arith.constant 0 : i32
      %dma_wait3A_1651 = arith.constant 0 : i32
      %dma_wait3A_1652 = tpu.memref_slice %arg5[%dma_wait3A_1650, %dma_wait3A_1649, %dma_wait3A_1651] : memref<64x128x256xf32, #tpu.memory_space<vmem>> -> memref<64x1x256xf32, #tpu.memory_space<vmem>>
      %dma_wait3A_1653 = tpu.memref_squeeze %dma_wait3A_1652 : memref<64x1x256xf32, #tpu.memory_space<vmem>> -> memref<64x256xf32, #tpu.memory_space<vmem>>
      %dma_wait3A_1654 = arith.constant 0 : i32
      %dma_wait3A_1655 = arith.constant 0 : i32
      %dma_wait3A_1656 = tpu.memref_slice %arg2[%dma_wait3A_1648, %dma_wait3A_1654, %dma_wait3A_1655] : memref<128x64x256xf32, #tpu.memory_space<any>> -> memref<1x64x256xf32, #tpu.memory_space<any>>
      %dma_wait3A_1657 = tpu.memref_squeeze %dma_wait3A_1656 : memref<1x64x256xf32, #tpu.memory_space<any>> -> memref<64x256xf32, #tpu.memory_space<any>>
      tpu.wait_dma2 semaphore(%arg6 : memref<!tpu.dma_semaphore, #tpu.memory_space<semaphore_mem>>) src(%dma_wait3A_1657 : memref<64x256xf32, #tpu.memory_space<any>>) dst(%dma_wait3A_1653 : memref<64x256xf32, #tpu.memory_space<vmem>>)
      %dma_wait3A_1658 = arith.constant 92 : i32
      %dma_wait3A_1659 = arith.constant 35 : i32
      %dma_wait3A_1660 = arith.constant 0 : i32
      %dma_wait3A_1661 = arith.constant 0 : i32
      %dma_wait3A_1662 = tpu.memref_slice %arg5[%dma_wait3A_1660, %dma_wait3A_1659, %dma_wait3A_1661] : memref<64x128x256xf32, #tpu.memory_space<vmem>> -> memref<64x1x256xf32, #tpu.memory_space<vmem>>
      %dma_wait3A_1663 = tpu.memref_squeeze %dma_wait3A_1662 : memref<64x1x256xf32, #tpu.memory_space<vmem>> -> memref<64x256xf32, #tpu.memory_space<vmem>>
      %dma_wait3A_1664 = arith.constant 0 : i32
      %dma_wait3A_1665 = arith.constant 0 : i32
      %dma_wait3A_1666 = tpu.memref_slice %arg2[%dma_wait3A_1658, %dma_wait3A_1664, %dma_wait3A_1665] : memref<128x64x256xf32, #tpu.memory_space<any>> -> memref<1x64x256xf32, #tpu.memory_space<any>>
      %dma_wait3A_1667 = tpu.memref_squeeze %dma_wait3A_1666 : memref<1x64x256xf32, #tpu.memory_space<any>> -> memref<64x256xf32, #tpu.memory_space<any>>
      tpu.wait_dma2 semaphore(%arg6 : memref<!tpu.dma_semaphore, #tpu.memory_space<semaphore_mem>>) src(%dma_wait3A_1667 : memref<64x256xf32, #tpu.memory_space<any>>) dst(%dma_wait3A_1663 : memref<64x256xf32, #tpu.memory_space<vmem>>)
      %dma_wait3A_1668 = arith.constant 91 : i32
      %dma_wait3A_1669 = arith.constant 36 : i32
      %dma_wait3A_1670 = arith.constant 0 : i32
      %dma_wait3A_1671 = arith.constant 0 : i32
      %dma_wait3A_1672 = tpu.memref_slice %arg5[%dma_wait3A_1670, %dma_wait3A_1669, %dma_wait3A_1671] : memref<64x128x256xf32, #tpu.memory_space<vmem>> -> memref<64x1x256xf32, #tpu.memory_space<vmem>>
      %dma_wait3A_1673 = tpu.memref_squeeze %dma_wait3A_1672 : memref<64x1x256xf32, #tpu.memory_space<vmem>> -> memref<64x256xf32, #tpu.memory_space<vmem>>
      %dma_wait3A_1674 = arith.constant 0 : i32
      %dma_wait3A_1675 = arith.constant 0 : i32
      %dma_wait3A_1676 = tpu.memref_slice %arg2[%dma_wait3A_1668, %dma_wait3A_1674, %dma_wait3A_1675] : memref<128x64x256xf32, #tpu.memory_space<any>> -> memref<1x64x256xf32, #tpu.memory_space<any>>
      %dma_wait3A_1677 = tpu.memref_squeeze %dma_wait3A_1676 : memref<1x64x256xf32, #tpu.memory_space<any>> -> memref<64x256xf32, #tpu.memory_space<any>>
      tpu.wait_dma2 semaphore(%arg6 : memref<!tpu.dma_semaphore, #tpu.memory_space<semaphore_mem>>) src(%dma_wait3A_1677 : memref<64x256xf32, #tpu.memory_space<any>>) dst(%dma_wait3A_1673 : memref<64x256xf32, #tpu.memory_space<vmem>>)
      %dma_wait3A_1678 = arith.constant 90 : i32
      %dma_wait3A_1679 = arith.constant 37 : i32
      %dma_wait3A_1680 = arith.constant 0 : i32
      %dma_wait3A_1681 = arith.constant 0 : i32
      %dma_wait3A_1682 = tpu.memref_slice %arg5[%dma_wait3A_1680, %dma_wait3A_1679, %dma_wait3A_1681] : memref<64x128x256xf32, #tpu.memory_space<vmem>> -> memref<64x1x256xf32, #tpu.memory_space<vmem>>
      %dma_wait3A_1683 = tpu.memref_squeeze %dma_wait3A_1682 : memref<64x1x256xf32, #tpu.memory_space<vmem>> -> memref<64x256xf32, #tpu.memory_space<vmem>>
      %dma_wait3A_1684 = arith.constant 0 : i32
      %dma_wait3A_1685 = arith.constant 0 : i32
      %dma_wait3A_1686 = tpu.memref_slice %arg2[%dma_wait3A_1678, %dma_wait3A_1684, %dma_wait3A_1685] : memref<128x64x256xf32, #tpu.memory_space<any>> -> memref<1x64x256xf32, #tpu.memory_space<any>>
      %dma_wait3A_1687 = tpu.memref_squeeze %dma_wait3A_1686 : memref<1x64x256xf32, #tpu.memory_space<any>> -> memref<64x256xf32, #tpu.memory_space<any>>
      tpu.wait_dma2 semaphore(%arg6 : memref<!tpu.dma_semaphore, #tpu.memory_space<semaphore_mem>>) src(%dma_wait3A_1687 : memref<64x256xf32, #tpu.memory_space<any>>) dst(%dma_wait3A_1683 : memref<64x256xf32, #tpu.memory_space<vmem>>)
      %dma_wait3A_1688 = arith.constant 89 : i32
      %dma_wait3A_1689 = arith.constant 38 : i32
      %dma_wait3A_1690 = arith.constant 0 : i32
      %dma_wait3A_1691 = arith.constant 0 : i32
      %dma_wait3A_1692 = tpu.memref_slice %arg5[%dma_wait3A_1690, %dma_wait3A_1689, %dma_wait3A_1691] : memref<64x128x256xf32, #tpu.memory_space<vmem>> -> memref<64x1x256xf32, #tpu.memory_space<vmem>>
      %dma_wait3A_1693 = tpu.memref_squeeze %dma_wait3A_1692 : memref<64x1x256xf32, #tpu.memory_space<vmem>> -> memref<64x256xf32, #tpu.memory_space<vmem>>
      %dma_wait3A_1694 = arith.constant 0 : i32
      %dma_wait3A_1695 = arith.constant 0 : i32
      %dma_wait3A_1696 = tpu.memref_slice %arg2[%dma_wait3A_1688, %dma_wait3A_1694, %dma_wait3A_1695] : memref<128x64x256xf32, #tpu.memory_space<any>> -> memref<1x64x256xf32, #tpu.memory_space<any>>
      %dma_wait3A_1697 = tpu.memref_squeeze %dma_wait3A_1696 : memref<1x64x256xf32, #tpu.memory_space<any>> -> memref<64x256xf32, #tpu.memory_space<any>>
      tpu.wait_dma2 semaphore(%arg6 : memref<!tpu.dma_semaphore, #tpu.memory_space<semaphore_mem>>) src(%dma_wait3A_1697 : memref<64x256xf32, #tpu.memory_space<any>>) dst(%dma_wait3A_1693 : memref<64x256xf32, #tpu.memory_space<vmem>>)
      %dma_wait3A_1698 = arith.constant 88 : i32
      %dma_wait3A_1699 = arith.constant 39 : i32
      %dma_wait3A_1700 = arith.constant 0 : i32
      %dma_wait3A_1701 = arith.constant 0 : i32
      %dma_wait3A_1702 = tpu.memref_slice %arg5[%dma_wait3A_1700, %dma_wait3A_1699, %dma_wait3A_1701] : memref<64x128x256xf32, #tpu.memory_space<vmem>> -> memref<64x1x256xf32, #tpu.memory_space<vmem>>
      %dma_wait3A_1703 = tpu.memref_squeeze %dma_wait3A_1702 : memref<64x1x256xf32, #tpu.memory_space<vmem>> -> memref<64x256xf32, #tpu.memory_space<vmem>>
      %dma_wait3A_1704 = arith.constant 0 : i32
      %dma_wait3A_1705 = arith.constant 0 : i32
      %dma_wait3A_1706 = tpu.memref_slice %arg2[%dma_wait3A_1698, %dma_wait3A_1704, %dma_wait3A_1705] : memref<128x64x256xf32, #tpu.memory_space<any>> -> memref<1x64x256xf32, #tpu.memory_space<any>>
      %dma_wait3A_1707 = tpu.memref_squeeze %dma_wait3A_1706 : memref<1x64x256xf32, #tpu.memory_space<any>> -> memref<64x256xf32, #tpu.memory_space<any>>
      tpu.wait_dma2 semaphore(%arg6 : memref<!tpu.dma_semaphore, #tpu.memory_space<semaphore_mem>>) src(%dma_wait3A_1707 : memref<64x256xf32, #tpu.memory_space<any>>) dst(%dma_wait3A_1703 : memref<64x256xf32, #tpu.memory_space<vmem>>)
      %dma_wait3A_1708 = arith.constant 87 : i32
      %dma_wait3A_1709 = arith.constant 40 : i32
      %dma_wait3A_1710 = arith.constant 0 : i32
      %dma_wait3A_1711 = arith.constant 0 : i32
      %dma_wait3A_1712 = tpu.memref_slice %arg5[%dma_wait3A_1710, %dma_wait3A_1709, %dma_wait3A_1711] : memref<64x128x256xf32, #tpu.memory_space<vmem>> -> memref<64x1x256xf32, #tpu.memory_space<vmem>>
      %dma_wait3A_1713 = tpu.memref_squeeze %dma_wait3A_1712 : memref<64x1x256xf32, #tpu.memory_space<vmem>> -> memref<64x256xf32, #tpu.memory_space<vmem>>
      %dma_wait3A_1714 = arith.constant 0 : i32
      %dma_wait3A_1715 = arith.constant 0 : i32
      %dma_wait3A_1716 = tpu.memref_slice %arg2[%dma_wait3A_1708, %dma_wait3A_1714, %dma_wait3A_1715] : memref<128x64x256xf32, #tpu.memory_space<any>> -> memref<1x64x256xf32, #tpu.memory_space<any>>
      %dma_wait3A_1717 = tpu.memref_squeeze %dma_wait3A_1716 : memref<1x64x256xf32, #tpu.memory_space<any>> -> memref<64x256xf32, #tpu.memory_space<any>>
      tpu.wait_dma2 semaphore(%arg6 : memref<!tpu.dma_semaphore, #tpu.memory_space<semaphore_mem>>) src(%dma_wait3A_1717 : memref<64x256xf32, #tpu.memory_space<any>>) dst(%dma_wait3A_1713 : memref<64x256xf32, #tpu.memory_space<vmem>>)
      %dma_wait3A_1718 = arith.constant 86 : i32
      %dma_wait3A_1719 = arith.constant 41 : i32
      %dma_wait3A_1720 = arith.constant 0 : i32
      %dma_wait3A_1721 = arith.constant 0 : i32
      %dma_wait3A_1722 = tpu.memref_slice %arg5[%dma_wait3A_1720, %dma_wait3A_1719, %dma_wait3A_1721] : memref<64x128x256xf32, #tpu.memory_space<vmem>> -> memref<64x1x256xf32, #tpu.memory_space<vmem>>
      %dma_wait3A_1723 = tpu.memref_squeeze %dma_wait3A_1722 : memref<64x1x256xf32, #tpu.memory_space<vmem>> -> memref<64x256xf32, #tpu.memory_space<vmem>>
      %dma_wait3A_1724 = arith.constant 0 : i32
      %dma_wait3A_1725 = arith.constant 0 : i32
      %dma_wait3A_1726 = tpu.memref_slice %arg2[%dma_wait3A_1718, %dma_wait3A_1724, %dma_wait3A_1725] : memref<128x64x256xf32, #tpu.memory_space<any>> -> memref<1x64x256xf32, #tpu.memory_space<any>>
      %dma_wait3A_1727 = tpu.memref_squeeze %dma_wait3A_1726 : memref<1x64x256xf32, #tpu.memory_space<any>> -> memref<64x256xf32, #tpu.memory_space<any>>
      tpu.wait_dma2 semaphore(%arg6 : memref<!tpu.dma_semaphore, #tpu.memory_space<semaphore_mem>>) src(%dma_wait3A_1727 : memref<64x256xf32, #tpu.memory_space<any>>) dst(%dma_wait3A_1723 : memref<64x256xf32, #tpu.memory_space<vmem>>)
      %dma_wait3A_1728 = arith.constant 85 : i32
      %dma_wait3A_1729 = arith.constant 42 : i32
      %dma_wait3A_1730 = arith.constant 0 : i32
      %dma_wait3A_1731 = arith.constant 0 : i32
      %dma_wait3A_1732 = tpu.memref_slice %arg5[%dma_wait3A_1730, %dma_wait3A_1729, %dma_wait3A_1731] : memref<64x128x256xf32, #tpu.memory_space<vmem>> -> memref<64x1x256xf32, #tpu.memory_space<vmem>>
      %dma_wait3A_1733 = tpu.memref_squeeze %dma_wait3A_1732 : memref<64x1x256xf32, #tpu.memory_space<vmem>> -> memref<64x256xf32, #tpu.memory_space<vmem>>
      %dma_wait3A_1734 = arith.constant 0 : i32
      %dma_wait3A_1735 = arith.constant 0 : i32
      %dma_wait3A_1736 = tpu.memref_slice %arg2[%dma_wait3A_1728, %dma_wait3A_1734, %dma_wait3A_1735] : memref<128x64x256xf32, #tpu.memory_space<any>> -> memref<1x64x256xf32, #tpu.memory_space<any>>
      %dma_wait3A_1737 = tpu.memref_squeeze %dma_wait3A_1736 : memref<1x64x256xf32, #tpu.memory_space<any>> -> memref<64x256xf32, #tpu.memory_space<any>>
      tpu.wait_dma2 semaphore(%arg6 : memref<!tpu.dma_semaphore, #tpu.memory_space<semaphore_mem>>) src(%dma_wait3A_1737 : memref<64x256xf32, #tpu.memory_space<any>>) dst(%dma_wait3A_1733 : memref<64x256xf32, #tpu.memory_space<vmem>>)
      %dma_wait3A_1738 = arith.constant 84 : i32
      %dma_wait3A_1739 = arith.constant 43 : i32
      %dma_wait3A_1740 = arith.constant 0 : i32
      %dma_wait3A_1741 = arith.constant 0 : i32
      %dma_wait3A_1742 = tpu.memref_slice %arg5[%dma_wait3A_1740, %dma_wait3A_1739, %dma_wait3A_1741] : memref<64x128x256xf32, #tpu.memory_space<vmem>> -> memref<64x1x256xf32, #tpu.memory_space<vmem>>
      %dma_wait3A_1743 = tpu.memref_squeeze %dma_wait3A_1742 : memref<64x1x256xf32, #tpu.memory_space<vmem>> -> memref<64x256xf32, #tpu.memory_space<vmem>>
      %dma_wait3A_1744 = arith.constant 0 : i32
      %dma_wait3A_1745 = arith.constant 0 : i32
      %dma_wait3A_1746 = tpu.memref_slice %arg2[%dma_wait3A_1738, %dma_wait3A_1744, %dma_wait3A_1745] : memref<128x64x256xf32, #tpu.memory_space<any>> -> memref<1x64x256xf32, #tpu.memory_space<any>>
      %dma_wait3A_1747 = tpu.memref_squeeze %dma_wait3A_1746 : memref<1x64x256xf32, #tpu.memory_space<any>> -> memref<64x256xf32, #tpu.memory_space<any>>
      tpu.wait_dma2 semaphore(%arg6 : memref<!tpu.dma_semaphore, #tpu.memory_space<semaphore_mem>>) src(%dma_wait3A_1747 : memref<64x256xf32, #tpu.memory_space<any>>) dst(%dma_wait3A_1743 : memref<64x256xf32, #tpu.memory_space<vmem>>)
      %dma_wait3A_1748 = arith.constant 83 : i32
      %dma_wait3A_1749 = arith.constant 44 : i32
      %dma_wait3A_1750 = arith.constant 0 : i32
      %dma_wait3A_1751 = arith.constant 0 : i32
      %dma_wait3A_1752 = tpu.memref_slice %arg5[%dma_wait3A_1750, %dma_wait3A_1749, %dma_wait3A_1751] : memref<64x128x256xf32, #tpu.memory_space<vmem>> -> memref<64x1x256xf32, #tpu.memory_space<vmem>>
      %dma_wait3A_1753 = tpu.memref_squeeze %dma_wait3A_1752 : memref<64x1x256xf32, #tpu.memory_space<vmem>> -> memref<64x256xf32, #tpu.memory_space<vmem>>
      %dma_wait3A_1754 = arith.constant 0 : i32
      %dma_wait3A_1755 = arith.constant 0 : i32
      %dma_wait3A_1756 = tpu.memref_slice %arg2[%dma_wait3A_1748, %dma_wait3A_1754, %dma_wait3A_1755] : memref<128x64x256xf32, #tpu.memory_space<any>> -> memref<1x64x256xf32, #tpu.memory_space<any>>
      %dma_wait3A_1757 = tpu.memref_squeeze %dma_wait3A_1756 : memref<1x64x256xf32, #tpu.memory_space<any>> -> memref<64x256xf32, #tpu.memory_space<any>>
      tpu.wait_dma2 semaphore(%arg6 : memref<!tpu.dma_semaphore, #tpu.memory_space<semaphore_mem>>) src(%dma_wait3A_1757 : memref<64x256xf32, #tpu.memory_space<any>>) dst(%dma_wait3A_1753 : memref<64x256xf32, #tpu.memory_space<vmem>>)
      %dma_wait3A_1758 = arith.constant 82 : i32
      %dma_wait3A_1759 = arith.constant 45 : i32
      %dma_wait3A_1760 = arith.constant 0 : i32
      %dma_wait3A_1761 = arith.constant 0 : i32
      %dma_wait3A_1762 = tpu.memref_slice %arg5[%dma_wait3A_1760, %dma_wait3A_1759, %dma_wait3A_1761] : memref<64x128x256xf32, #tpu.memory_space<vmem>> -> memref<64x1x256xf32, #tpu.memory_space<vmem>>
      %dma_wait3A_1763 = tpu.memref_squeeze %dma_wait3A_1762 : memref<64x1x256xf32, #tpu.memory_space<vmem>> -> memref<64x256xf32, #tpu.memory_space<vmem>>
      %dma_wait3A_1764 = arith.constant 0 : i32
      %dma_wait3A_1765 = arith.constant 0 : i32
      %dma_wait3A_1766 = tpu.memref_slice %arg2[%dma_wait3A_1758, %dma_wait3A_1764, %dma_wait3A_1765] : memref<128x64x256xf32, #tpu.memory_space<any>> -> memref<1x64x256xf32, #tpu.memory_space<any>>
      %dma_wait3A_1767 = tpu.memref_squeeze %dma_wait3A_1766 : memref<1x64x256xf32, #tpu.memory_space<any>> -> memref<64x256xf32, #tpu.memory_space<any>>
      tpu.wait_dma2 semaphore(%arg6 : memref<!tpu.dma_semaphore, #tpu.memory_space<semaphore_mem>>) src(%dma_wait3A_1767 : memref<64x256xf32, #tpu.memory_space<any>>) dst(%dma_wait3A_1763 : memref<64x256xf32, #tpu.memory_space<vmem>>)
      %dma_wait3A_1768 = arith.constant 81 : i32
      %dma_wait3A_1769 = arith.constant 46 : i32
      %dma_wait3A_1770 = arith.constant 0 : i32
      %dma_wait3A_1771 = arith.constant 0 : i32
      %dma_wait3A_1772 = tpu.memref_slice %arg5[%dma_wait3A_1770, %dma_wait3A_1769, %dma_wait3A_1771] : memref<64x128x256xf32, #tpu.memory_space<vmem>> -> memref<64x1x256xf32, #tpu.memory_space<vmem>>
      %dma_wait3A_1773 = tpu.memref_squeeze %dma_wait3A_1772 : memref<64x1x256xf32, #tpu.memory_space<vmem>> -> memref<64x256xf32, #tpu.memory_space<vmem>>
      %dma_wait3A_1774 = arith.constant 0 : i32
      %dma_wait3A_1775 = arith.constant 0 : i32
      %dma_wait3A_1776 = tpu.memref_slice %arg2[%dma_wait3A_1768, %dma_wait3A_1774, %dma_wait3A_1775] : memref<128x64x256xf32, #tpu.memory_space<any>> -> memref<1x64x256xf32, #tpu.memory_space<any>>
      %dma_wait3A_1777 = tpu.memref_squeeze %dma_wait3A_1776 : memref<1x64x256xf32, #tpu.memory_space<any>> -> memref<64x256xf32, #tpu.memory_space<any>>
      tpu.wait_dma2 semaphore(%arg6 : memref<!tpu.dma_semaphore, #tpu.memory_space<semaphore_mem>>) src(%dma_wait3A_1777 : memref<64x256xf32, #tpu.memory_space<any>>) dst(%dma_wait3A_1773 : memref<64x256xf32, #tpu.memory_space<vmem>>)
      %dma_wait3A_1778 = arith.constant 80 : i32
      %dma_wait3A_1779 = arith.constant 47 : i32
      %dma_wait3A_1780 = arith.constant 0 : i32
      %dma_wait3A_1781 = arith.constant 0 : i32
      %dma_wait3A_1782 = tpu.memref_slice %arg5[%dma_wait3A_1780, %dma_wait3A_1779, %dma_wait3A_1781] : memref<64x128x256xf32, #tpu.memory_space<vmem>> -> memref<64x1x256xf32, #tpu.memory_space<vmem>>
      %dma_wait3A_1783 = tpu.memref_squeeze %dma_wait3A_1782 : memref<64x1x256xf32, #tpu.memory_space<vmem>> -> memref<64x256xf32, #tpu.memory_space<vmem>>
      %dma_wait3A_1784 = arith.constant 0 : i32
      %dma_wait3A_1785 = arith.constant 0 : i32
      %dma_wait3A_1786 = tpu.memref_slice %arg2[%dma_wait3A_1778, %dma_wait3A_1784, %dma_wait3A_1785] : memref<128x64x256xf32, #tpu.memory_space<any>> -> memref<1x64x256xf32, #tpu.memory_space<any>>
      %dma_wait3A_1787 = tpu.memref_squeeze %dma_wait3A_1786 : memref<1x64x256xf32, #tpu.memory_space<any>> -> memref<64x256xf32, #tpu.memory_space<any>>
      tpu.wait_dma2 semaphore(%arg6 : memref<!tpu.dma_semaphore, #tpu.memory_space<semaphore_mem>>) src(%dma_wait3A_1787 : memref<64x256xf32, #tpu.memory_space<any>>) dst(%dma_wait3A_1783 : memref<64x256xf32, #tpu.memory_space<vmem>>)
      %dma_wait3A_1788 = arith.constant 79 : i32
      %dma_wait3A_1789 = arith.constant 48 : i32
      %dma_wait3A_1790 = arith.constant 0 : i32
      %dma_wait3A_1791 = arith.constant 0 : i32
      %dma_wait3A_1792 = tpu.memref_slice %arg5[%dma_wait3A_1790, %dma_wait3A_1789, %dma_wait3A_1791] : memref<64x128x256xf32, #tpu.memory_space<vmem>> -> memref<64x1x256xf32, #tpu.memory_space<vmem>>
      %dma_wait3A_1793 = tpu.memref_squeeze %dma_wait3A_1792 : memref<64x1x256xf32, #tpu.memory_space<vmem>> -> memref<64x256xf32, #tpu.memory_space<vmem>>
      %dma_wait3A_1794 = arith.constant 0 : i32
      %dma_wait3A_1795 = arith.constant 0 : i32
      %dma_wait3A_1796 = tpu.memref_slice %arg2[%dma_wait3A_1788, %dma_wait3A_1794, %dma_wait3A_1795] : memref<128x64x256xf32, #tpu.memory_space<any>> -> memref<1x64x256xf32, #tpu.memory_space<any>>
      %dma_wait3A_1797 = tpu.memref_squeeze %dma_wait3A_1796 : memref<1x64x256xf32, #tpu.memory_space<any>> -> memref<64x256xf32, #tpu.memory_space<any>>
      tpu.wait_dma2 semaphore(%arg6 : memref<!tpu.dma_semaphore, #tpu.memory_space<semaphore_mem>>) src(%dma_wait3A_1797 : memref<64x256xf32, #tpu.memory_space<any>>) dst(%dma_wait3A_1793 : memref<64x256xf32, #tpu.memory_space<vmem>>)
      %dma_wait3A_1798 = arith.constant 78 : i32
      %dma_wait3A_1799 = arith.constant 49 : i32
      %dma_wait3A_1800 = arith.constant 0 : i32
      %dma_wait3A_1801 = arith.constant 0 : i32
      %dma_wait3A_1802 = tpu.memref_slice %arg5[%dma_wait3A_1800, %dma_wait3A_1799, %dma_wait3A_1801] : memref<64x128x256xf32, #tpu.memory_space<vmem>> -> memref<64x1x256xf32, #tpu.memory_space<vmem>>
      %dma_wait3A_1803 = tpu.memref_squeeze %dma_wait3A_1802 : memref<64x1x256xf32, #tpu.memory_space<vmem>> -> memref<64x256xf32, #tpu.memory_space<vmem>>
      %dma_wait3A_1804 = arith.constant 0 : i32
      %dma_wait3A_1805 = arith.constant 0 : i32
      %dma_wait3A_1806 = tpu.memref_slice %arg2[%dma_wait3A_1798, %dma_wait3A_1804, %dma_wait3A_1805] : memref<128x64x256xf32, #tpu.memory_space<any>> -> memref<1x64x256xf32, #tpu.memory_space<any>>
      %dma_wait3A_1807 = tpu.memref_squeeze %dma_wait3A_1806 : memref<1x64x256xf32, #tpu.memory_space<any>> -> memref<64x256xf32, #tpu.memory_space<any>>
      tpu.wait_dma2 semaphore(%arg6 : memref<!tpu.dma_semaphore, #tpu.memory_space<semaphore_mem>>) src(%dma_wait3A_1807 : memref<64x256xf32, #tpu.memory_space<any>>) dst(%dma_wait3A_1803 : memref<64x256xf32, #tpu.memory_space<vmem>>)
      %dma_wait3A_1808 = arith.constant 77 : i32
      %dma_wait3A_1809 = arith.constant 50 : i32
      %dma_wait3A_1810 = arith.constant 0 : i32
      %dma_wait3A_1811 = arith.constant 0 : i32
      %dma_wait3A_1812 = tpu.memref_slice %arg5[%dma_wait3A_1810, %dma_wait3A_1809, %dma_wait3A_1811] : memref<64x128x256xf32, #tpu.memory_space<vmem>> -> memref<64x1x256xf32, #tpu.memory_space<vmem>>
      %dma_wait3A_1813 = tpu.memref_squeeze %dma_wait3A_1812 : memref<64x1x256xf32, #tpu.memory_space<vmem>> -> memref<64x256xf32, #tpu.memory_space<vmem>>
      %dma_wait3A_1814 = arith.constant 0 : i32
      %dma_wait3A_1815 = arith.constant 0 : i32
      %dma_wait3A_1816 = tpu.memref_slice %arg2[%dma_wait3A_1808, %dma_wait3A_1814, %dma_wait3A_1815] : memref<128x64x256xf32, #tpu.memory_space<any>> -> memref<1x64x256xf32, #tpu.memory_space<any>>
      %dma_wait3A_1817 = tpu.memref_squeeze %dma_wait3A_1816 : memref<1x64x256xf32, #tpu.memory_space<any>> -> memref<64x256xf32, #tpu.memory_space<any>>
      tpu.wait_dma2 semaphore(%arg6 : memref<!tpu.dma_semaphore, #tpu.memory_space<semaphore_mem>>) src(%dma_wait3A_1817 : memref<64x256xf32, #tpu.memory_space<any>>) dst(%dma_wait3A_1813 : memref<64x256xf32, #tpu.memory_space<vmem>>)
      %dma_wait3A_1818 = arith.constant 76 : i32
      %dma_wait3A_1819 = arith.constant 51 : i32
      %dma_wait3A_1820 = arith.constant 0 : i32
      %dma_wait3A_1821 = arith.constant 0 : i32
      %dma_wait3A_1822 = tpu.memref_slice %arg5[%dma_wait3A_1820, %dma_wait3A_1819, %dma_wait3A_1821] : memref<64x128x256xf32, #tpu.memory_space<vmem>> -> memref<64x1x256xf32, #tpu.memory_space<vmem>>
      %dma_wait3A_1823 = tpu.memref_squeeze %dma_wait3A_1822 : memref<64x1x256xf32, #tpu.memory_space<vmem>> -> memref<64x256xf32, #tpu.memory_space<vmem>>
      %dma_wait3A_1824 = arith.constant 0 : i32
      %dma_wait3A_1825 = arith.constant 0 : i32
      %dma_wait3A_1826 = tpu.memref_slice %arg2[%dma_wait3A_1818, %dma_wait3A_1824, %dma_wait3A_1825] : memref<128x64x256xf32, #tpu.memory_space<any>> -> memref<1x64x256xf32, #tpu.memory_space<any>>
      %dma_wait3A_1827 = tpu.memref_squeeze %dma_wait3A_1826 : memref<1x64x256xf32, #tpu.memory_space<any>> -> memref<64x256xf32, #tpu.memory_space<any>>
      tpu.wait_dma2 semaphore(%arg6 : memref<!tpu.dma_semaphore, #tpu.memory_space<semaphore_mem>>) src(%dma_wait3A_1827 : memref<64x256xf32, #tpu.memory_space<any>>) dst(%dma_wait3A_1823 : memref<64x256xf32, #tpu.memory_space<vmem>>)
      %dma_wait3A_1828 = arith.constant 75 : i32
      %dma_wait3A_1829 = arith.constant 52 : i32
      %dma_wait3A_1830 = arith.constant 0 : i32
      %dma_wait3A_1831 = arith.constant 0 : i32
      %dma_wait3A_1832 = tpu.memref_slice %arg5[%dma_wait3A_1830, %dma_wait3A_1829, %dma_wait3A_1831] : memref<64x128x256xf32, #tpu.memory_space<vmem>> -> memref<64x1x256xf32, #tpu.memory_space<vmem>>
      %dma_wait3A_1833 = tpu.memref_squeeze %dma_wait3A_1832 : memref<64x1x256xf32, #tpu.memory_space<vmem>> -> memref<64x256xf32, #tpu.memory_space<vmem>>
      %dma_wait3A_1834 = arith.constant 0 : i32
      %dma_wait3A_1835 = arith.constant 0 : i32
      %dma_wait3A_1836 = tpu.memref_slice %arg2[%dma_wait3A_1828, %dma_wait3A_1834, %dma_wait3A_1835] : memref<128x64x256xf32, #tpu.memory_space<any>> -> memref<1x64x256xf32, #tpu.memory_space<any>>
      %dma_wait3A_1837 = tpu.memref_squeeze %dma_wait3A_1836 : memref<1x64x256xf32, #tpu.memory_space<any>> -> memref<64x256xf32, #tpu.memory_space<any>>
      tpu.wait_dma2 semaphore(%arg6 : memref<!tpu.dma_semaphore, #tpu.memory_space<semaphore_mem>>) src(%dma_wait3A_1837 : memref<64x256xf32, #tpu.memory_space<any>>) dst(%dma_wait3A_1833 : memref<64x256xf32, #tpu.memory_space<vmem>>)
      %dma_wait3A_1838 = arith.constant 74 : i32
      %dma_wait3A_1839 = arith.constant 53 : i32
      %dma_wait3A_1840 = arith.constant 0 : i32
      %dma_wait3A_1841 = arith.constant 0 : i32
      %dma_wait3A_1842 = tpu.memref_slice %arg5[%dma_wait3A_1840, %dma_wait3A_1839, %dma_wait3A_1841] : memref<64x128x256xf32, #tpu.memory_space<vmem>> -> memref<64x1x256xf32, #tpu.memory_space<vmem>>
      %dma_wait3A_1843 = tpu.memref_squeeze %dma_wait3A_1842 : memref<64x1x256xf32, #tpu.memory_space<vmem>> -> memref<64x256xf32, #tpu.memory_space<vmem>>
      %dma_wait3A_1844 = arith.constant 0 : i32
      %dma_wait3A_1845 = arith.constant 0 : i32
      %dma_wait3A_1846 = tpu.memref_slice %arg2[%dma_wait3A_1838, %dma_wait3A_1844, %dma_wait3A_1845] : memref<128x64x256xf32, #tpu.memory_space<any>> -> memref<1x64x256xf32, #tpu.memory_space<any>>
      %dma_wait3A_1847 = tpu.memref_squeeze %dma_wait3A_1846 : memref<1x64x256xf32, #tpu.memory_space<any>> -> memref<64x256xf32, #tpu.memory_space<any>>
      tpu.wait_dma2 semaphore(%arg6 : memref<!tpu.dma_semaphore, #tpu.memory_space<semaphore_mem>>) src(%dma_wait3A_1847 : memref<64x256xf32, #tpu.memory_space<any>>) dst(%dma_wait3A_1843 : memref<64x256xf32, #tpu.memory_space<vmem>>)
      %dma_wait3A_1848 = arith.constant 73 : i32
      %dma_wait3A_1849 = arith.constant 54 : i32
      %dma_wait3A_1850 = arith.constant 0 : i32
      %dma_wait3A_1851 = arith.constant 0 : i32
      %dma_wait3A_1852 = tpu.memref_slice %arg5[%dma_wait3A_1850, %dma_wait3A_1849, %dma_wait3A_1851] : memref<64x128x256xf32, #tpu.memory_space<vmem>> -> memref<64x1x256xf32, #tpu.memory_space<vmem>>
      %dma_wait3A_1853 = tpu.memref_squeeze %dma_wait3A_1852 : memref<64x1x256xf32, #tpu.memory_space<vmem>> -> memref<64x256xf32, #tpu.memory_space<vmem>>
      %dma_wait3A_1854 = arith.constant 0 : i32
      %dma_wait3A_1855 = arith.constant 0 : i32
      %dma_wait3A_1856 = tpu.memref_slice %arg2[%dma_wait3A_1848, %dma_wait3A_1854, %dma_wait3A_1855] : memref<128x64x256xf32, #tpu.memory_space<any>> -> memref<1x64x256xf32, #tpu.memory_space<any>>
      %dma_wait3A_1857 = tpu.memref_squeeze %dma_wait3A_1856 : memref<1x64x256xf32, #tpu.memory_space<any>> -> memref<64x256xf32, #tpu.memory_space<any>>
      tpu.wait_dma2 semaphore(%arg6 : memref<!tpu.dma_semaphore, #tpu.memory_space<semaphore_mem>>) src(%dma_wait3A_1857 : memref<64x256xf32, #tpu.memory_space<any>>) dst(%dma_wait3A_1853 : memref<64x256xf32, #tpu.memory_space<vmem>>)
      %dma_wait3A_1858 = arith.constant 72 : i32
      %dma_wait3A_1859 = arith.constant 55 : i32
      %dma_wait3A_1860 = arith.constant 0 : i32
      %dma_wait3A_1861 = arith.constant 0 : i32
      %dma_wait3A_1862 = tpu.memref_slice %arg5[%dma_wait3A_1860, %dma_wait3A_1859, %dma_wait3A_1861] : memref<64x128x256xf32, #tpu.memory_space<vmem>> -> memref<64x1x256xf32, #tpu.memory_space<vmem>>
      %dma_wait3A_1863 = tpu.memref_squeeze %dma_wait3A_1862 : memref<64x1x256xf32, #tpu.memory_space<vmem>> -> memref<64x256xf32, #tpu.memory_space<vmem>>
      %dma_wait3A_1864 = arith.constant 0 : i32
      %dma_wait3A_1865 = arith.constant 0 : i32
      %dma_wait3A_1866 = tpu.memref_slice %arg2[%dma_wait3A_1858, %dma_wait3A_1864, %dma_wait3A_1865] : memref<128x64x256xf32, #tpu.memory_space<any>> -> memref<1x64x256xf32, #tpu.memory_space<any>>
      %dma_wait3A_1867 = tpu.memref_squeeze %dma_wait3A_1866 : memref<1x64x256xf32, #tpu.memory_space<any>> -> memref<64x256xf32, #tpu.memory_space<any>>
      tpu.wait_dma2 semaphore(%arg6 : memref<!tpu.dma_semaphore, #tpu.memory_space<semaphore_mem>>) src(%dma_wait3A_1867 : memref<64x256xf32, #tpu.memory_space<any>>) dst(%dma_wait3A_1863 : memref<64x256xf32, #tpu.memory_space<vmem>>)
      %dma_wait3A_1868 = arith.constant 71 : i32
      %dma_wait3A_1869 = arith.constant 56 : i32
      %dma_wait3A_1870 = arith.constant 0 : i32
      %dma_wait3A_1871 = arith.constant 0 : i32
      %dma_wait3A_1872 = tpu.memref_slice %arg5[%dma_wait3A_1870, %dma_wait3A_1869, %dma_wait3A_1871] : memref<64x128x256xf32, #tpu.memory_space<vmem>> -> memref<64x1x256xf32, #tpu.memory_space<vmem>>
      %dma_wait3A_1873 = tpu.memref_squeeze %dma_wait3A_1872 : memref<64x1x256xf32, #tpu.memory_space<vmem>> -> memref<64x256xf32, #tpu.memory_space<vmem>>
      %dma_wait3A_1874 = arith.constant 0 : i32
      %dma_wait3A_1875 = arith.constant 0 : i32
      %dma_wait3A_1876 = tpu.memref_slice %arg2[%dma_wait3A_1868, %dma_wait3A_1874, %dma_wait3A_1875] : memref<128x64x256xf32, #tpu.memory_space<any>> -> memref<1x64x256xf32, #tpu.memory_space<any>>
      %dma_wait3A_1877 = tpu.memref_squeeze %dma_wait3A_1876 : memref<1x64x256xf32, #tpu.memory_space<any>> -> memref<64x256xf32, #tpu.memory_space<any>>
      tpu.wait_dma2 semaphore(%arg6 : memref<!tpu.dma_semaphore, #tpu.memory_space<semaphore_mem>>) src(%dma_wait3A_1877 : memref<64x256xf32, #tpu.memory_space<any>>) dst(%dma_wait3A_1873 : memref<64x256xf32, #tpu.memory_space<vmem>>)
      %dma_wait3A_1878 = arith.constant 70 : i32
      %dma_wait3A_1879 = arith.constant 57 : i32
      %dma_wait3A_1880 = arith.constant 0 : i32
      %dma_wait3A_1881 = arith.constant 0 : i32
      %dma_wait3A_1882 = tpu.memref_slice %arg5[%dma_wait3A_1880, %dma_wait3A_1879, %dma_wait3A_1881] : memref<64x128x256xf32, #tpu.memory_space<vmem>> -> memref<64x1x256xf32, #tpu.memory_space<vmem>>
      %dma_wait3A_1883 = tpu.memref_squeeze %dma_wait3A_1882 : memref<64x1x256xf32, #tpu.memory_space<vmem>> -> memref<64x256xf32, #tpu.memory_space<vmem>>
      %dma_wait3A_1884 = arith.constant 0 : i32
      %dma_wait3A_1885 = arith.constant 0 : i32
      %dma_wait3A_1886 = tpu.memref_slice %arg2[%dma_wait3A_1878, %dma_wait3A_1884, %dma_wait3A_1885] : memref<128x64x256xf32, #tpu.memory_space<any>> -> memref<1x64x256xf32, #tpu.memory_space<any>>
      %dma_wait3A_1887 = tpu.memref_squeeze %dma_wait3A_1886 : memref<1x64x256xf32, #tpu.memory_space<any>> -> memref<64x256xf32, #tpu.memory_space<any>>
      tpu.wait_dma2 semaphore(%arg6 : memref<!tpu.dma_semaphore, #tpu.memory_space<semaphore_mem>>) src(%dma_wait3A_1887 : memref<64x256xf32, #tpu.memory_space<any>>) dst(%dma_wait3A_1883 : memref<64x256xf32, #tpu.memory_space<vmem>>)
      %dma_wait3A_1888 = arith.constant 69 : i32
      %dma_wait3A_1889 = arith.constant 58 : i32
      %dma_wait3A_1890 = arith.constant 0 : i32
      %dma_wait3A_1891 = arith.constant 0 : i32
      %dma_wait3A_1892 = tpu.memref_slice %arg5[%dma_wait3A_1890, %dma_wait3A_1889, %dma_wait3A_1891] : memref<64x128x256xf32, #tpu.memory_space<vmem>> -> memref<64x1x256xf32, #tpu.memory_space<vmem>>
      %dma_wait3A_1893 = tpu.memref_squeeze %dma_wait3A_1892 : memref<64x1x256xf32, #tpu.memory_space<vmem>> -> memref<64x256xf32, #tpu.memory_space<vmem>>
      %dma_wait3A_1894 = arith.constant 0 : i32
      %dma_wait3A_1895 = arith.constant 0 : i32
      %dma_wait3A_1896 = tpu.memref_slice %arg2[%dma_wait3A_1888, %dma_wait3A_1894, %dma_wait3A_1895] : memref<128x64x256xf32, #tpu.memory_space<any>> -> memref<1x64x256xf32, #tpu.memory_space<any>>
      %dma_wait3A_1897 = tpu.memref_squeeze %dma_wait3A_1896 : memref<1x64x256xf32, #tpu.memory_space<any>> -> memref<64x256xf32, #tpu.memory_space<any>>
      tpu.wait_dma2 semaphore(%arg6 : memref<!tpu.dma_semaphore, #tpu.memory_space<semaphore_mem>>) src(%dma_wait3A_1897 : memref<64x256xf32, #tpu.memory_space<any>>) dst(%dma_wait3A_1893 : memref<64x256xf32, #tpu.memory_space<vmem>>)
      %dma_wait3A_1898 = arith.constant 68 : i32
      %dma_wait3A_1899 = arith.constant 59 : i32
      %dma_wait3A_1900 = arith.constant 0 : i32
      %dma_wait3A_1901 = arith.constant 0 : i32
      %dma_wait3A_1902 = tpu.memref_slice %arg5[%dma_wait3A_1900, %dma_wait3A_1899, %dma_wait3A_1901] : memref<64x128x256xf32, #tpu.memory_space<vmem>> -> memref<64x1x256xf32, #tpu.memory_space<vmem>>
      %dma_wait3A_1903 = tpu.memref_squeeze %dma_wait3A_1902 : memref<64x1x256xf32, #tpu.memory_space<vmem>> -> memref<64x256xf32, #tpu.memory_space<vmem>>
      %dma_wait3A_1904 = arith.constant 0 : i32
      %dma_wait3A_1905 = arith.constant 0 : i32
      %dma_wait3A_1906 = tpu.memref_slice %arg2[%dma_wait3A_1898, %dma_wait3A_1904, %dma_wait3A_1905] : memref<128x64x256xf32, #tpu.memory_space<any>> -> memref<1x64x256xf32, #tpu.memory_space<any>>
      %dma_wait3A_1907 = tpu.memref_squeeze %dma_wait3A_1906 : memref<1x64x256xf32, #tpu.memory_space<any>> -> memref<64x256xf32, #tpu.memory_space<any>>
      tpu.wait_dma2 semaphore(%arg6 : memref<!tpu.dma_semaphore, #tpu.memory_space<semaphore_mem>>) src(%dma_wait3A_1907 : memref<64x256xf32, #tpu.memory_space<any>>) dst(%dma_wait3A_1903 : memref<64x256xf32, #tpu.memory_space<vmem>>)
      %dma_wait3A_1908 = arith.constant 67 : i32
      %dma_wait3A_1909 = arith.constant 60 : i32
      %dma_wait3A_1910 = arith.constant 0 : i32
      %dma_wait3A_1911 = arith.constant 0 : i32
      %dma_wait3A_1912 = tpu.memref_slice %arg5[%dma_wait3A_1910, %dma_wait3A_1909, %dma_wait3A_1911] : memref<64x128x256xf32, #tpu.memory_space<vmem>> -> memref<64x1x256xf32, #tpu.memory_space<vmem>>
      %dma_wait3A_1913 = tpu.memref_squeeze %dma_wait3A_1912 : memref<64x1x256xf32, #tpu.memory_space<vmem>> -> memref<64x256xf32, #tpu.memory_space<vmem>>
      %dma_wait3A_1914 = arith.constant 0 : i32
      %dma_wait3A_1915 = arith.constant 0 : i32
      %dma_wait3A_1916 = tpu.memref_slice %arg2[%dma_wait3A_1908, %dma_wait3A_1914, %dma_wait3A_1915] : memref<128x64x256xf32, #tpu.memory_space<any>> -> memref<1x64x256xf32, #tpu.memory_space<any>>
      %dma_wait3A_1917 = tpu.memref_squeeze %dma_wait3A_1916 : memref<1x64x256xf32, #tpu.memory_space<any>> -> memref<64x256xf32, #tpu.memory_space<any>>
      tpu.wait_dma2 semaphore(%arg6 : memref<!tpu.dma_semaphore, #tpu.memory_space<semaphore_mem>>) src(%dma_wait3A_1917 : memref<64x256xf32, #tpu.memory_space<any>>) dst(%dma_wait3A_1913 : memref<64x256xf32, #tpu.memory_space<vmem>>)
      %dma_wait3A_1918 = arith.constant 66 : i32
      %dma_wait3A_1919 = arith.constant 61 : i32
      %dma_wait3A_1920 = arith.constant 0 : i32
      %dma_wait3A_1921 = arith.constant 0 : i32
      %dma_wait3A_1922 = tpu.memref_slice %arg5[%dma_wait3A_1920, %dma_wait3A_1919, %dma_wait3A_1921] : memref<64x128x256xf32, #tpu.memory_space<vmem>> -> memref<64x1x256xf32, #tpu.memory_space<vmem>>
      %dma_wait3A_1923 = tpu.memref_squeeze %dma_wait3A_1922 : memref<64x1x256xf32, #tpu.memory_space<vmem>> -> memref<64x256xf32, #tpu.memory_space<vmem>>
      %dma_wait3A_1924 = arith.constant 0 : i32
      %dma_wait3A_1925 = arith.constant 0 : i32
      %dma_wait3A_1926 = tpu.memref_slice %arg2[%dma_wait3A_1918, %dma_wait3A_1924, %dma_wait3A_1925] : memref<128x64x256xf32, #tpu.memory_space<any>> -> memref<1x64x256xf32, #tpu.memory_space<any>>
      %dma_wait3A_1927 = tpu.memref_squeeze %dma_wait3A_1926 : memref<1x64x256xf32, #tpu.memory_space<any>> -> memref<64x256xf32, #tpu.memory_space<any>>
      tpu.wait_dma2 semaphore(%arg6 : memref<!tpu.dma_semaphore, #tpu.memory_space<semaphore_mem>>) src(%dma_wait3A_1927 : memref<64x256xf32, #tpu.memory_space<any>>) dst(%dma_wait3A_1923 : memref<64x256xf32, #tpu.memory_space<vmem>>)
      %dma_wait3A_1928 = arith.constant 65 : i32
      %dma_wait3A_1929 = arith.constant 62 : i32
      %dma_wait3A_1930 = arith.constant 0 : i32
      %dma_wait3A_1931 = arith.constant 0 : i32
      %dma_wait3A_1932 = tpu.memref_slice %arg5[%dma_wait3A_1930, %dma_wait3A_1929, %dma_wait3A_1931] : memref<64x128x256xf32, #tpu.memory_space<vmem>> -> memref<64x1x256xf32, #tpu.memory_space<vmem>>
      %dma_wait3A_1933 = tpu.memref_squeeze %dma_wait3A_1932 : memref<64x1x256xf32, #tpu.memory_space<vmem>> -> memref<64x256xf32, #tpu.memory_space<vmem>>
      %dma_wait3A_1934 = arith.constant 0 : i32
      %dma_wait3A_1935 = arith.constant 0 : i32
      %dma_wait3A_1936 = tpu.memref_slice %arg2[%dma_wait3A_1928, %dma_wait3A_1934, %dma_wait3A_1935] : memref<128x64x256xf32, #tpu.memory_space<any>> -> memref<1x64x256xf32, #tpu.memory_space<any>>
      %dma_wait3A_1937 = tpu.memref_squeeze %dma_wait3A_1936 : memref<1x64x256xf32, #tpu.memory_space<any>> -> memref<64x256xf32, #tpu.memory_space<any>>
      tpu.wait_dma2 semaphore(%arg6 : memref<!tpu.dma_semaphore, #tpu.memory_space<semaphore_mem>>) src(%dma_wait3A_1937 : memref<64x256xf32, #tpu.memory_space<any>>) dst(%dma_wait3A_1933 : memref<64x256xf32, #tpu.memory_space<vmem>>)
      %dma_wait3A_1938 = arith.constant 64 : i32
      %dma_wait3A_1939 = arith.constant 63 : i32
      %dma_wait3A_1940 = arith.constant 0 : i32
      %dma_wait3A_1941 = arith.constant 0 : i32
      %dma_wait3A_1942 = tpu.memref_slice %arg5[%dma_wait3A_1940, %dma_wait3A_1939, %dma_wait3A_1941] : memref<64x128x256xf32, #tpu.memory_space<vmem>> -> memref<64x1x256xf32, #tpu.memory_space<vmem>>
      %dma_wait3A_1943 = tpu.memref_squeeze %dma_wait3A_1942 : memref<64x1x256xf32, #tpu.memory_space<vmem>> -> memref<64x256xf32, #tpu.memory_space<vmem>>
      %dma_wait3A_1944 = arith.constant 0 : i32
      %dma_wait3A_1945 = arith.constant 0 : i32
      %dma_wait3A_1946 = tpu.memref_slice %arg2[%dma_wait3A_1938, %dma_wait3A_1944, %dma_wait3A_1945] : memref<128x64x256xf32, #tpu.memory_space<any>> -> memref<1x64x256xf32, #tpu.memory_space<any>>
      %dma_wait3A_1947 = tpu.memref_squeeze %dma_wait3A_1946 : memref<1x64x256xf32, #tpu.memory_space<any>> -> memref<64x256xf32, #tpu.memory_space<any>>
      tpu.wait_dma2 semaphore(%arg6 : memref<!tpu.dma_semaphore, #tpu.memory_space<semaphore_mem>>) src(%dma_wait3A_1947 : memref<64x256xf32, #tpu.memory_space<any>>) dst(%dma_wait3A_1943 : memref<64x256xf32, #tpu.memory_space<vmem>>)
      %dma_wait3A_1948 = arith.constant 63 : i32
      %dma_wait3A_1949 = arith.constant 64 : i32
      %dma_wait3A_1950 = arith.constant 0 : i32
      %dma_wait3A_1951 = arith.constant 0 : i32
      %dma_wait3A_1952 = tpu.memref_slice %arg5[%dma_wait3A_1950, %dma_wait3A_1949, %dma_wait3A_1951] : memref<64x128x256xf32, #tpu.memory_space<vmem>> -> memref<64x1x256xf32, #tpu.memory_space<vmem>>
      %dma_wait3A_1953 = tpu.memref_squeeze %dma_wait3A_1952 : memref<64x1x256xf32, #tpu.memory_space<vmem>> -> memref<64x256xf32, #tpu.memory_space<vmem>>
      %dma_wait3A_1954 = arith.constant 0 : i32
      %dma_wait3A_1955 = arith.constant 0 : i32
      %dma_wait3A_1956 = tpu.memref_slice %arg2[%dma_wait3A_1948, %dma_wait3A_1954, %dma_wait3A_1955] : memref<128x64x256xf32, #tpu.memory_space<any>> -> memref<1x64x256xf32, #tpu.memory_space<any>>
      %dma_wait3A_1957 = tpu.memref_squeeze %dma_wait3A_1956 : memref<1x64x256xf32, #tpu.memory_space<any>> -> memref<64x256xf32, #tpu.memory_space<any>>
      tpu.wait_dma2 semaphore(%arg6 : memref<!tpu.dma_semaphore, #tpu.memory_space<semaphore_mem>>) src(%dma_wait3A_1957 : memref<64x256xf32, #tpu.memory_space<any>>) dst(%dma_wait3A_1953 : memref<64x256xf32, #tpu.memory_space<vmem>>)
      %dma_wait3A_1958 = arith.constant 62 : i32
      %dma_wait3A_1959 = arith.constant 65 : i32
      %dma_wait3A_1960 = arith.constant 0 : i32
      %dma_wait3A_1961 = arith.constant 0 : i32
      %dma_wait3A_1962 = tpu.memref_slice %arg5[%dma_wait3A_1960, %dma_wait3A_1959, %dma_wait3A_1961] : memref<64x128x256xf32, #tpu.memory_space<vmem>> -> memref<64x1x256xf32, #tpu.memory_space<vmem>>
      %dma_wait3A_1963 = tpu.memref_squeeze %dma_wait3A_1962 : memref<64x1x256xf32, #tpu.memory_space<vmem>> -> memref<64x256xf32, #tpu.memory_space<vmem>>
      %dma_wait3A_1964 = arith.constant 0 : i32
      %dma_wait3A_1965 = arith.constant 0 : i32
      %dma_wait3A_1966 = tpu.memref_slice %arg2[%dma_wait3A_1958, %dma_wait3A_1964, %dma_wait3A_1965] : memref<128x64x256xf32, #tpu.memory_space<any>> -> memref<1x64x256xf32, #tpu.memory_space<any>>
      %dma_wait3A_1967 = tpu.memref_squeeze %dma_wait3A_1966 : memref<1x64x256xf32, #tpu.memory_space<any>> -> memref<64x256xf32, #tpu.memory_space<any>>
      tpu.wait_dma2 semaphore(%arg6 : memref<!tpu.dma_semaphore, #tpu.memory_space<semaphore_mem>>) src(%dma_wait3A_1967 : memref<64x256xf32, #tpu.memory_space<any>>) dst(%dma_wait3A_1963 : memref<64x256xf32, #tpu.memory_space<vmem>>)
      %dma_wait3A_1968 = arith.constant 61 : i32
      %dma_wait3A_1969 = arith.constant 66 : i32
      %dma_wait3A_1970 = arith.constant 0 : i32
      %dma_wait3A_1971 = arith.constant 0 : i32
      %dma_wait3A_1972 = tpu.memref_slice %arg5[%dma_wait3A_1970, %dma_wait3A_1969, %dma_wait3A_1971] : memref<64x128x256xf32, #tpu.memory_space<vmem>> -> memref<64x1x256xf32, #tpu.memory_space<vmem>>
      %dma_wait3A_1973 = tpu.memref_squeeze %dma_wait3A_1972 : memref<64x1x256xf32, #tpu.memory_space<vmem>> -> memref<64x256xf32, #tpu.memory_space<vmem>>
      %dma_wait3A_1974 = arith.constant 0 : i32
      %dma_wait3A_1975 = arith.constant 0 : i32
      %dma_wait3A_1976 = tpu.memref_slice %arg2[%dma_wait3A_1968, %dma_wait3A_1974, %dma_wait3A_1975] : memref<128x64x256xf32, #tpu.memory_space<any>> -> memref<1x64x256xf32, #tpu.memory_space<any>>
      %dma_wait3A_1977 = tpu.memref_squeeze %dma_wait3A_1976 : memref<1x64x256xf32, #tpu.memory_space<any>> -> memref<64x256xf32, #tpu.memory_space<any>>
      tpu.wait_dma2 semaphore(%arg6 : memref<!tpu.dma_semaphore, #tpu.memory_space<semaphore_mem>>) src(%dma_wait3A_1977 : memref<64x256xf32, #tpu.memory_space<any>>) dst(%dma_wait3A_1973 : memref<64x256xf32, #tpu.memory_space<vmem>>)
      %dma_wait3A_1978 = arith.constant 60 : i32
      %dma_wait3A_1979 = arith.constant 67 : i32
      %dma_wait3A_1980 = arith.constant 0 : i32
      %dma_wait3A_1981 = arith.constant 0 : i32
      %dma_wait3A_1982 = tpu.memref_slice %arg5[%dma_wait3A_1980, %dma_wait3A_1979, %dma_wait3A_1981] : memref<64x128x256xf32, #tpu.memory_space<vmem>> -> memref<64x1x256xf32, #tpu.memory_space<vmem>>
      %dma_wait3A_1983 = tpu.memref_squeeze %dma_wait3A_1982 : memref<64x1x256xf32, #tpu.memory_space<vmem>> -> memref<64x256xf32, #tpu.memory_space<vmem>>
      %dma_wait3A_1984 = arith.constant 0 : i32
      %dma_wait3A_1985 = arith.constant 0 : i32
      %dma_wait3A_1986 = tpu.memref_slice %arg2[%dma_wait3A_1978, %dma_wait3A_1984, %dma_wait3A_1985] : memref<128x64x256xf32, #tpu.memory_space<any>> -> memref<1x64x256xf32, #tpu.memory_space<any>>
      %dma_wait3A_1987 = tpu.memref_squeeze %dma_wait3A_1986 : memref<1x64x256xf32, #tpu.memory_space<any>> -> memref<64x256xf32, #tpu.memory_space<any>>
      tpu.wait_dma2 semaphore(%arg6 : memref<!tpu.dma_semaphore, #tpu.memory_space<semaphore_mem>>) src(%dma_wait3A_1987 : memref<64x256xf32, #tpu.memory_space<any>>) dst(%dma_wait3A_1983 : memref<64x256xf32, #tpu.memory_space<vmem>>)
      %dma_wait3A_1988 = arith.constant 59 : i32
      %dma_wait3A_1989 = arith.constant 68 : i32
      %dma_wait3A_1990 = arith.constant 0 : i32
      %dma_wait3A_1991 = arith.constant 0 : i32
      %dma_wait3A_1992 = tpu.memref_slice %arg5[%dma_wait3A_1990, %dma_wait3A_1989, %dma_wait3A_1991] : memref<64x128x256xf32, #tpu.memory_space<vmem>> -> memref<64x1x256xf32, #tpu.memory_space<vmem>>
      %dma_wait3A_1993 = tpu.memref_squeeze %dma_wait3A_1992 : memref<64x1x256xf32, #tpu.memory_space<vmem>> -> memref<64x256xf32, #tpu.memory_space<vmem>>
      %dma_wait3A_1994 = arith.constant 0 : i32
      %dma_wait3A_1995 = arith.constant 0 : i32
      %dma_wait3A_1996 = tpu.memref_slice %arg2[%dma_wait3A_1988, %dma_wait3A_1994, %dma_wait3A_1995] : memref<128x64x256xf32, #tpu.memory_space<any>> -> memref<1x64x256xf32, #tpu.memory_space<any>>
      %dma_wait3A_1997 = tpu.memref_squeeze %dma_wait3A_1996 : memref<1x64x256xf32, #tpu.memory_space<any>> -> memref<64x256xf32, #tpu.memory_space<any>>
      tpu.wait_dma2 semaphore(%arg6 : memref<!tpu.dma_semaphore, #tpu.memory_space<semaphore_mem>>) src(%dma_wait3A_1997 : memref<64x256xf32, #tpu.memory_space<any>>) dst(%dma_wait3A_1993 : memref<64x256xf32, #tpu.memory_space<vmem>>)
      %dma_wait3A_1998 = arith.constant 58 : i32
      %dma_wait3A_1999 = arith.constant 69 : i32
      %dma_wait3A_2000 = arith.constant 0 : i32
      %dma_wait3A_2001 = arith.constant 0 : i32
      %dma_wait3A_2002 = tpu.memref_slice %arg5[%dma_wait3A_2000, %dma_wait3A_1999, %dma_wait3A_2001] : memref<64x128x256xf32, #tpu.memory_space<vmem>> -> memref<64x1x256xf32, #tpu.memory_space<vmem>>
      %dma_wait3A_2003 = tpu.memref_squeeze %dma_wait3A_2002 : memref<64x1x256xf32, #tpu.memory_space<vmem>> -> memref<64x256xf32, #tpu.memory_space<vmem>>
      %dma_wait3A_2004 = arith.constant 0 : i32
      %dma_wait3A_2005 = arith.constant 0 : i32
      %dma_wait3A_2006 = tpu.memref_slice %arg2[%dma_wait3A_1998, %dma_wait3A_2004, %dma_wait3A_2005] : memref<128x64x256xf32, #tpu.memory_space<any>> -> memref<1x64x256xf32, #tpu.memory_space<any>>
      %dma_wait3A_2007 = tpu.memref_squeeze %dma_wait3A_2006 : memref<1x64x256xf32, #tpu.memory_space<any>> -> memref<64x256xf32, #tpu.memory_space<any>>
      tpu.wait_dma2 semaphore(%arg6 : memref<!tpu.dma_semaphore, #tpu.memory_space<semaphore_mem>>) src(%dma_wait3A_2007 : memref<64x256xf32, #tpu.memory_space<any>>) dst(%dma_wait3A_2003 : memref<64x256xf32, #tpu.memory_space<vmem>>)
      %dma_wait3A_2008 = arith.constant 57 : i32
      %dma_wait3A_2009 = arith.constant 70 : i32
      %dma_wait3A_2010 = arith.constant 0 : i32
      %dma_wait3A_2011 = arith.constant 0 : i32
      %dma_wait3A_2012 = tpu.memref_slice %arg5[%dma_wait3A_2010, %dma_wait3A_2009, %dma_wait3A_2011] : memref<64x128x256xf32, #tpu.memory_space<vmem>> -> memref<64x1x256xf32, #tpu.memory_space<vmem>>
      %dma_wait3A_2013 = tpu.memref_squeeze %dma_wait3A_2012 : memref<64x1x256xf32, #tpu.memory_space<vmem>> -> memref<64x256xf32, #tpu.memory_space<vmem>>
      %dma_wait3A_2014 = arith.constant 0 : i32
      %dma_wait3A_2015 = arith.constant 0 : i32
      %dma_wait3A_2016 = tpu.memref_slice %arg2[%dma_wait3A_2008, %dma_wait3A_2014, %dma_wait3A_2015] : memref<128x64x256xf32, #tpu.memory_space<any>> -> memref<1x64x256xf32, #tpu.memory_space<any>>
      %dma_wait3A_2017 = tpu.memref_squeeze %dma_wait3A_2016 : memref<1x64x256xf32, #tpu.memory_space<any>> -> memref<64x256xf32, #tpu.memory_space<any>>
      tpu.wait_dma2 semaphore(%arg6 : memref<!tpu.dma_semaphore, #tpu.memory_space<semaphore_mem>>) src(%dma_wait3A_2017 : memref<64x256xf32, #tpu.memory_space<any>>) dst(%dma_wait3A_2013 : memref<64x256xf32, #tpu.memory_space<vmem>>)
      %dma_wait3A_2018 = arith.constant 56 : i32
      %dma_wait3A_2019 = arith.constant 71 : i32
      %dma_wait3A_2020 = arith.constant 0 : i32
      %dma_wait3A_2021 = arith.constant 0 : i32
      %dma_wait3A_2022 = tpu.memref_slice %arg5[%dma_wait3A_2020, %dma_wait3A_2019, %dma_wait3A_2021] : memref<64x128x256xf32, #tpu.memory_space<vmem>> -> memref<64x1x256xf32, #tpu.memory_space<vmem>>
      %dma_wait3A_2023 = tpu.memref_squeeze %dma_wait3A_2022 : memref<64x1x256xf32, #tpu.memory_space<vmem>> -> memref<64x256xf32, #tpu.memory_space<vmem>>
      %dma_wait3A_2024 = arith.constant 0 : i32
      %dma_wait3A_2025 = arith.constant 0 : i32
      %dma_wait3A_2026 = tpu.memref_slice %arg2[%dma_wait3A_2018, %dma_wait3A_2024, %dma_wait3A_2025] : memref<128x64x256xf32, #tpu.memory_space<any>> -> memref<1x64x256xf32, #tpu.memory_space<any>>
      %dma_wait3A_2027 = tpu.memref_squeeze %dma_wait3A_2026 : memref<1x64x256xf32, #tpu.memory_space<any>> -> memref<64x256xf32, #tpu.memory_space<any>>
      tpu.wait_dma2 semaphore(%arg6 : memref<!tpu.dma_semaphore, #tpu.memory_space<semaphore_mem>>) src(%dma_wait3A_2027 : memref<64x256xf32, #tpu.memory_space<any>>) dst(%dma_wait3A_2023 : memref<64x256xf32, #tpu.memory_space<vmem>>)
      %dma_wait3A_2028 = arith.constant 55 : i32
      %dma_wait3A_2029 = arith.constant 72 : i32
      %dma_wait3A_2030 = arith.constant 0 : i32
      %dma_wait3A_2031 = arith.constant 0 : i32
      %dma_wait3A_2032 = tpu.memref_slice %arg5[%dma_wait3A_2030, %dma_wait3A_2029, %dma_wait3A_2031] : memref<64x128x256xf32, #tpu.memory_space<vmem>> -> memref<64x1x256xf32, #tpu.memory_space<vmem>>
      %dma_wait3A_2033 = tpu.memref_squeeze %dma_wait3A_2032 : memref<64x1x256xf32, #tpu.memory_space<vmem>> -> memref<64x256xf32, #tpu.memory_space<vmem>>
      %dma_wait3A_2034 = arith.constant 0 : i32
      %dma_wait3A_2035 = arith.constant 0 : i32
      %dma_wait3A_2036 = tpu.memref_slice %arg2[%dma_wait3A_2028, %dma_wait3A_2034, %dma_wait3A_2035] : memref<128x64x256xf32, #tpu.memory_space<any>> -> memref<1x64x256xf32, #tpu.memory_space<any>>
      %dma_wait3A_2037 = tpu.memref_squeeze %dma_wait3A_2036 : memref<1x64x256xf32, #tpu.memory_space<any>> -> memref<64x256xf32, #tpu.memory_space<any>>
      tpu.wait_dma2 semaphore(%arg6 : memref<!tpu.dma_semaphore, #tpu.memory_space<semaphore_mem>>) src(%dma_wait3A_2037 : memref<64x256xf32, #tpu.memory_space<any>>) dst(%dma_wait3A_2033 : memref<64x256xf32, #tpu.memory_space<vmem>>)
      %dma_wait3A_2038 = arith.constant 54 : i32
      %dma_wait3A_2039 = arith.constant 73 : i32
      %dma_wait3A_2040 = arith.constant 0 : i32
      %dma_wait3A_2041 = arith.constant 0 : i32
      %dma_wait3A_2042 = tpu.memref_slice %arg5[%dma_wait3A_2040, %dma_wait3A_2039, %dma_wait3A_2041] : memref<64x128x256xf32, #tpu.memory_space<vmem>> -> memref<64x1x256xf32, #tpu.memory_space<vmem>>
      %dma_wait3A_2043 = tpu.memref_squeeze %dma_wait3A_2042 : memref<64x1x256xf32, #tpu.memory_space<vmem>> -> memref<64x256xf32, #tpu.memory_space<vmem>>
      %dma_wait3A_2044 = arith.constant 0 : i32
      %dma_wait3A_2045 = arith.constant 0 : i32
      %dma_wait3A_2046 = tpu.memref_slice %arg2[%dma_wait3A_2038, %dma_wait3A_2044, %dma_wait3A_2045] : memref<128x64x256xf32, #tpu.memory_space<any>> -> memref<1x64x256xf32, #tpu.memory_space<any>>
      %dma_wait3A_2047 = tpu.memref_squeeze %dma_wait3A_2046 : memref<1x64x256xf32, #tpu.memory_space<any>> -> memref<64x256xf32, #tpu.memory_space<any>>
      tpu.wait_dma2 semaphore(%arg6 : memref<!tpu.dma_semaphore, #tpu.memory_space<semaphore_mem>>) src(%dma_wait3A_2047 : memref<64x256xf32, #tpu.memory_space<any>>) dst(%dma_wait3A_2043 : memref<64x256xf32, #tpu.memory_space<vmem>>)
      %dma_wait3A_2048 = arith.constant 53 : i32
      %dma_wait3A_2049 = arith.constant 74 : i32
      %dma_wait3A_2050 = arith.constant 0 : i32
      %dma_wait3A_2051 = arith.constant 0 : i32
      %dma_wait3A_2052 = tpu.memref_slice %arg5[%dma_wait3A_2050, %dma_wait3A_2049, %dma_wait3A_2051] : memref<64x128x256xf32, #tpu.memory_space<vmem>> -> memref<64x1x256xf32, #tpu.memory_space<vmem>>
      %dma_wait3A_2053 = tpu.memref_squeeze %dma_wait3A_2052 : memref<64x1x256xf32, #tpu.memory_space<vmem>> -> memref<64x256xf32, #tpu.memory_space<vmem>>
      %dma_wait3A_2054 = arith.constant 0 : i32
      %dma_wait3A_2055 = arith.constant 0 : i32
      %dma_wait3A_2056 = tpu.memref_slice %arg2[%dma_wait3A_2048, %dma_wait3A_2054, %dma_wait3A_2055] : memref<128x64x256xf32, #tpu.memory_space<any>> -> memref<1x64x256xf32, #tpu.memory_space<any>>
      %dma_wait3A_2057 = tpu.memref_squeeze %dma_wait3A_2056 : memref<1x64x256xf32, #tpu.memory_space<any>> -> memref<64x256xf32, #tpu.memory_space<any>>
      tpu.wait_dma2 semaphore(%arg6 : memref<!tpu.dma_semaphore, #tpu.memory_space<semaphore_mem>>) src(%dma_wait3A_2057 : memref<64x256xf32, #tpu.memory_space<any>>) dst(%dma_wait3A_2053 : memref<64x256xf32, #tpu.memory_space<vmem>>)
      %dma_wait3A_2058 = arith.constant 52 : i32
      %dma_wait3A_2059 = arith.constant 75 : i32
      %dma_wait3A_2060 = arith.constant 0 : i32
      %dma_wait3A_2061 = arith.constant 0 : i32
      %dma_wait3A_2062 = tpu.memref_slice %arg5[%dma_wait3A_2060, %dma_wait3A_2059, %dma_wait3A_2061] : memref<64x128x256xf32, #tpu.memory_space<vmem>> -> memref<64x1x256xf32, #tpu.memory_space<vmem>>
      %dma_wait3A_2063 = tpu.memref_squeeze %dma_wait3A_2062 : memref<64x1x256xf32, #tpu.memory_space<vmem>> -> memref<64x256xf32, #tpu.memory_space<vmem>>
      %dma_wait3A_2064 = arith.constant 0 : i32
      %dma_wait3A_2065 = arith.constant 0 : i32
      %dma_wait3A_2066 = tpu.memref_slice %arg2[%dma_wait3A_2058, %dma_wait3A_2064, %dma_wait3A_2065] : memref<128x64x256xf32, #tpu.memory_space<any>> -> memref<1x64x256xf32, #tpu.memory_space<any>>
      %dma_wait3A_2067 = tpu.memref_squeeze %dma_wait3A_2066 : memref<1x64x256xf32, #tpu.memory_space<any>> -> memref<64x256xf32, #tpu.memory_space<any>>
      tpu.wait_dma2 semaphore(%arg6 : memref<!tpu.dma_semaphore, #tpu.memory_space<semaphore_mem>>) src(%dma_wait3A_2067 : memref<64x256xf32, #tpu.memory_space<any>>) dst(%dma_wait3A_2063 : memref<64x256xf32, #tpu.memory_space<vmem>>)
      %dma_wait3A_2068 = arith.constant 51 : i32
      %dma_wait3A_2069 = arith.constant 76 : i32
      %dma_wait3A_2070 = arith.constant 0 : i32
      %dma_wait3A_2071 = arith.constant 0 : i32
      %dma_wait3A_2072 = tpu.memref_slice %arg5[%dma_wait3A_2070, %dma_wait3A_2069, %dma_wait3A_2071] : memref<64x128x256xf32, #tpu.memory_space<vmem>> -> memref<64x1x256xf32, #tpu.memory_space<vmem>>
      %dma_wait3A_2073 = tpu.memref_squeeze %dma_wait3A_2072 : memref<64x1x256xf32, #tpu.memory_space<vmem>> -> memref<64x256xf32, #tpu.memory_space<vmem>>
      %dma_wait3A_2074 = arith.constant 0 : i32
      %dma_wait3A_2075 = arith.constant 0 : i32
      %dma_wait3A_2076 = tpu.memref_slice %arg2[%dma_wait3A_2068, %dma_wait3A_2074, %dma_wait3A_2075] : memref<128x64x256xf32, #tpu.memory_space<any>> -> memref<1x64x256xf32, #tpu.memory_space<any>>
      %dma_wait3A_2077 = tpu.memref_squeeze %dma_wait3A_2076 : memref<1x64x256xf32, #tpu.memory_space<any>> -> memref<64x256xf32, #tpu.memory_space<any>>
      tpu.wait_dma2 semaphore(%arg6 : memref<!tpu.dma_semaphore, #tpu.memory_space<semaphore_mem>>) src(%dma_wait3A_2077 : memref<64x256xf32, #tpu.memory_space<any>>) dst(%dma_wait3A_2073 : memref<64x256xf32, #tpu.memory_space<vmem>>)
      %dma_wait3A_2078 = arith.constant 50 : i32
      %dma_wait3A_2079 = arith.constant 77 : i32
      %dma_wait3A_2080 = arith.constant 0 : i32
      %dma_wait3A_2081 = arith.constant 0 : i32
      %dma_wait3A_2082 = tpu.memref_slice %arg5[%dma_wait3A_2080, %dma_wait3A_2079, %dma_wait3A_2081] : memref<64x128x256xf32, #tpu.memory_space<vmem>> -> memref<64x1x256xf32, #tpu.memory_space<vmem>>
      %dma_wait3A_2083 = tpu.memref_squeeze %dma_wait3A_2082 : memref<64x1x256xf32, #tpu.memory_space<vmem>> -> memref<64x256xf32, #tpu.memory_space<vmem>>
      %dma_wait3A_2084 = arith.constant 0 : i32
      %dma_wait3A_2085 = arith.constant 0 : i32
      %dma_wait3A_2086 = tpu.memref_slice %arg2[%dma_wait3A_2078, %dma_wait3A_2084, %dma_wait3A_2085] : memref<128x64x256xf32, #tpu.memory_space<any>> -> memref<1x64x256xf32, #tpu.memory_space<any>>
      %dma_wait3A_2087 = tpu.memref_squeeze %dma_wait3A_2086 : memref<1x64x256xf32, #tpu.memory_space<any>> -> memref<64x256xf32, #tpu.memory_space<any>>
      tpu.wait_dma2 semaphore(%arg6 : memref<!tpu.dma_semaphore, #tpu.memory_space<semaphore_mem>>) src(%dma_wait3A_2087 : memref<64x256xf32, #tpu.memory_space<any>>) dst(%dma_wait3A_2083 : memref<64x256xf32, #tpu.memory_space<vmem>>)
      %dma_wait3A_2088 = arith.constant 49 : i32
      %dma_wait3A_2089 = arith.constant 78 : i32
      %dma_wait3A_2090 = arith.constant 0 : i32
      %dma_wait3A_2091 = arith.constant 0 : i32
      %dma_wait3A_2092 = tpu.memref_slice %arg5[%dma_wait3A_2090, %dma_wait3A_2089, %dma_wait3A_2091] : memref<64x128x256xf32, #tpu.memory_space<vmem>> -> memref<64x1x256xf32, #tpu.memory_space<vmem>>
      %dma_wait3A_2093 = tpu.memref_squeeze %dma_wait3A_2092 : memref<64x1x256xf32, #tpu.memory_space<vmem>> -> memref<64x256xf32, #tpu.memory_space<vmem>>
      %dma_wait3A_2094 = arith.constant 0 : i32
      %dma_wait3A_2095 = arith.constant 0 : i32
      %dma_wait3A_2096 = tpu.memref_slice %arg2[%dma_wait3A_2088, %dma_wait3A_2094, %dma_wait3A_2095] : memref<128x64x256xf32, #tpu.memory_space<any>> -> memref<1x64x256xf32, #tpu.memory_space<any>>
      %dma_wait3A_2097 = tpu.memref_squeeze %dma_wait3A_2096 : memref<1x64x256xf32, #tpu.memory_space<any>> -> memref<64x256xf32, #tpu.memory_space<any>>
      tpu.wait_dma2 semaphore(%arg6 : memref<!tpu.dma_semaphore, #tpu.memory_space<semaphore_mem>>) src(%dma_wait3A_2097 : memref<64x256xf32, #tpu.memory_space<any>>) dst(%dma_wait3A_2093 : memref<64x256xf32, #tpu.memory_space<vmem>>)
      %dma_wait3A_2098 = arith.constant 48 : i32
      %dma_wait3A_2099 = arith.constant 79 : i32
      %dma_wait3A_2100 = arith.constant 0 : i32
      %dma_wait3A_2101 = arith.constant 0 : i32
      %dma_wait3A_2102 = tpu.memref_slice %arg5[%dma_wait3A_2100, %dma_wait3A_2099, %dma_wait3A_2101] : memref<64x128x256xf32, #tpu.memory_space<vmem>> -> memref<64x1x256xf32, #tpu.memory_space<vmem>>
      %dma_wait3A_2103 = tpu.memref_squeeze %dma_wait3A_2102 : memref<64x1x256xf32, #tpu.memory_space<vmem>> -> memref<64x256xf32, #tpu.memory_space<vmem>>
      %dma_wait3A_2104 = arith.constant 0 : i32
      %dma_wait3A_2105 = arith.constant 0 : i32
      %dma_wait3A_2106 = tpu.memref_slice %arg2[%dma_wait3A_2098, %dma_wait3A_2104, %dma_wait3A_2105] : memref<128x64x256xf32, #tpu.memory_space<any>> -> memref<1x64x256xf32, #tpu.memory_space<any>>
      %dma_wait3A_2107 = tpu.memref_squeeze %dma_wait3A_2106 : memref<1x64x256xf32, #tpu.memory_space<any>> -> memref<64x256xf32, #tpu.memory_space<any>>
      tpu.wait_dma2 semaphore(%arg6 : memref<!tpu.dma_semaphore, #tpu.memory_space<semaphore_mem>>) src(%dma_wait3A_2107 : memref<64x256xf32, #tpu.memory_space<any>>) dst(%dma_wait3A_2103 : memref<64x256xf32, #tpu.memory_space<vmem>>)
      %dma_wait3A_2108 = arith.constant 47 : i32
      %dma_wait3A_2109 = arith.constant 80 : i32
      %dma_wait3A_2110 = arith.constant 0 : i32
      %dma_wait3A_2111 = arith.constant 0 : i32
      %dma_wait3A_2112 = tpu.memref_slice %arg5[%dma_wait3A_2110, %dma_wait3A_2109, %dma_wait3A_2111] : memref<64x128x256xf32, #tpu.memory_space<vmem>> -> memref<64x1x256xf32, #tpu.memory_space<vmem>>
      %dma_wait3A_2113 = tpu.memref_squeeze %dma_wait3A_2112 : memref<64x1x256xf32, #tpu.memory_space<vmem>> -> memref<64x256xf32, #tpu.memory_space<vmem>>
      %dma_wait3A_2114 = arith.constant 0 : i32
      %dma_wait3A_2115 = arith.constant 0 : i32
      %dma_wait3A_2116 = tpu.memref_slice %arg2[%dma_wait3A_2108, %dma_wait3A_2114, %dma_wait3A_2115] : memref<128x64x256xf32, #tpu.memory_space<any>> -> memref<1x64x256xf32, #tpu.memory_space<any>>
      %dma_wait3A_2117 = tpu.memref_squeeze %dma_wait3A_2116 : memref<1x64x256xf32, #tpu.memory_space<any>> -> memref<64x256xf32, #tpu.memory_space<any>>
      tpu.wait_dma2 semaphore(%arg6 : memref<!tpu.dma_semaphore, #tpu.memory_space<semaphore_mem>>) src(%dma_wait3A_2117 : memref<64x256xf32, #tpu.memory_space<any>>) dst(%dma_wait3A_2113 : memref<64x256xf32, #tpu.memory_space<vmem>>)
      %dma_wait3A_2118 = arith.constant 46 : i32
      %dma_wait3A_2119 = arith.constant 81 : i32
      %dma_wait3A_2120 = arith.constant 0 : i32
      %dma_wait3A_2121 = arith.constant 0 : i32
      %dma_wait3A_2122 = tpu.memref_slice %arg5[%dma_wait3A_2120, %dma_wait3A_2119, %dma_wait3A_2121] : memref<64x128x256xf32, #tpu.memory_space<vmem>> -> memref<64x1x256xf32, #tpu.memory_space<vmem>>
      %dma_wait3A_2123 = tpu.memref_squeeze %dma_wait3A_2122 : memref<64x1x256xf32, #tpu.memory_space<vmem>> -> memref<64x256xf32, #tpu.memory_space<vmem>>
      %dma_wait3A_2124 = arith.constant 0 : i32
      %dma_wait3A_2125 = arith.constant 0 : i32
      %dma_wait3A_2126 = tpu.memref_slice %arg2[%dma_wait3A_2118, %dma_wait3A_2124, %dma_wait3A_2125] : memref<128x64x256xf32, #tpu.memory_space<any>> -> memref<1x64x256xf32, #tpu.memory_space<any>>
      %dma_wait3A_2127 = tpu.memref_squeeze %dma_wait3A_2126 : memref<1x64x256xf32, #tpu.memory_space<any>> -> memref<64x256xf32, #tpu.memory_space<any>>
      tpu.wait_dma2 semaphore(%arg6 : memref<!tpu.dma_semaphore, #tpu.memory_space<semaphore_mem>>) src(%dma_wait3A_2127 : memref<64x256xf32, #tpu.memory_space<any>>) dst(%dma_wait3A_2123 : memref<64x256xf32, #tpu.memory_space<vmem>>)
      %dma_wait3A_2128 = arith.constant 45 : i32
      %dma_wait3A_2129 = arith.constant 82 : i32
      %dma_wait3A_2130 = arith.constant 0 : i32
      %dma_wait3A_2131 = arith.constant 0 : i32
      %dma_wait3A_2132 = tpu.memref_slice %arg5[%dma_wait3A_2130, %dma_wait3A_2129, %dma_wait3A_2131] : memref<64x128x256xf32, #tpu.memory_space<vmem>> -> memref<64x1x256xf32, #tpu.memory_space<vmem>>
      %dma_wait3A_2133 = tpu.memref_squeeze %dma_wait3A_2132 : memref<64x1x256xf32, #tpu.memory_space<vmem>> -> memref<64x256xf32, #tpu.memory_space<vmem>>
      %dma_wait3A_2134 = arith.constant 0 : i32
      %dma_wait3A_2135 = arith.constant 0 : i32
      %dma_wait3A_2136 = tpu.memref_slice %arg2[%dma_wait3A_2128, %dma_wait3A_2134, %dma_wait3A_2135] : memref<128x64x256xf32, #tpu.memory_space<any>> -> memref<1x64x256xf32, #tpu.memory_space<any>>
      %dma_wait3A_2137 = tpu.memref_squeeze %dma_wait3A_2136 : memref<1x64x256xf32, #tpu.memory_space<any>> -> memref<64x256xf32, #tpu.memory_space<any>>
      tpu.wait_dma2 semaphore(%arg6 : memref<!tpu.dma_semaphore, #tpu.memory_space<semaphore_mem>>) src(%dma_wait3A_2137 : memref<64x256xf32, #tpu.memory_space<any>>) dst(%dma_wait3A_2133 : memref<64x256xf32, #tpu.memory_space<vmem>>)
      %dma_wait3A_2138 = arith.constant 44 : i32
      %dma_wait3A_2139 = arith.constant 83 : i32
      %dma_wait3A_2140 = arith.constant 0 : i32
      %dma_wait3A_2141 = arith.constant 0 : i32
      %dma_wait3A_2142 = tpu.memref_slice %arg5[%dma_wait3A_2140, %dma_wait3A_2139, %dma_wait3A_2141] : memref<64x128x256xf32, #tpu.memory_space<vmem>> -> memref<64x1x256xf32, #tpu.memory_space<vmem>>
      %dma_wait3A_2143 = tpu.memref_squeeze %dma_wait3A_2142 : memref<64x1x256xf32, #tpu.memory_space<vmem>> -> memref<64x256xf32, #tpu.memory_space<vmem>>
      %dma_wait3A_2144 = arith.constant 0 : i32
      %dma_wait3A_2145 = arith.constant 0 : i32
      %dma_wait3A_2146 = tpu.memref_slice %arg2[%dma_wait3A_2138, %dma_wait3A_2144, %dma_wait3A_2145] : memref<128x64x256xf32, #tpu.memory_space<any>> -> memref<1x64x256xf32, #tpu.memory_space<any>>
      %dma_wait3A_2147 = tpu.memref_squeeze %dma_wait3A_2146 : memref<1x64x256xf32, #tpu.memory_space<any>> -> memref<64x256xf32, #tpu.memory_space<any>>
      tpu.wait_dma2 semaphore(%arg6 : memref<!tpu.dma_semaphore, #tpu.memory_space<semaphore_mem>>) src(%dma_wait3A_2147 : memref<64x256xf32, #tpu.memory_space<any>>) dst(%dma_wait3A_2143 : memref<64x256xf32, #tpu.memory_space<vmem>>)
      %dma_wait3A_2148 = arith.constant 43 : i32
      %dma_wait3A_2149 = arith.constant 84 : i32
      %dma_wait3A_2150 = arith.constant 0 : i32
      %dma_wait3A_2151 = arith.constant 0 : i32
      %dma_wait3A_2152 = tpu.memref_slice %arg5[%dma_wait3A_2150, %dma_wait3A_2149, %dma_wait3A_2151] : memref<64x128x256xf32, #tpu.memory_space<vmem>> -> memref<64x1x256xf32, #tpu.memory_space<vmem>>
      %dma_wait3A_2153 = tpu.memref_squeeze %dma_wait3A_2152 : memref<64x1x256xf32, #tpu.memory_space<vmem>> -> memref<64x256xf32, #tpu.memory_space<vmem>>
      %dma_wait3A_2154 = arith.constant 0 : i32
      %dma_wait3A_2155 = arith.constant 0 : i32
      %dma_wait3A_2156 = tpu.memref_slice %arg2[%dma_wait3A_2148, %dma_wait3A_2154, %dma_wait3A_2155] : memref<128x64x256xf32, #tpu.memory_space<any>> -> memref<1x64x256xf32, #tpu.memory_space<any>>
      %dma_wait3A_2157 = tpu.memref_squeeze %dma_wait3A_2156 : memref<1x64x256xf32, #tpu.memory_space<any>> -> memref<64x256xf32, #tpu.memory_space<any>>
      tpu.wait_dma2 semaphore(%arg6 : memref<!tpu.dma_semaphore, #tpu.memory_space<semaphore_mem>>) src(%dma_wait3A_2157 : memref<64x256xf32, #tpu.memory_space<any>>) dst(%dma_wait3A_2153 : memref<64x256xf32, #tpu.memory_space<vmem>>)
      %dma_wait3A_2158 = arith.constant 42 : i32
      %dma_wait3A_2159 = arith.constant 85 : i32
      %dma_wait3A_2160 = arith.constant 0 : i32
      %dma_wait3A_2161 = arith.constant 0 : i32
      %dma_wait3A_2162 = tpu.memref_slice %arg5[%dma_wait3A_2160, %dma_wait3A_2159, %dma_wait3A_2161] : memref<64x128x256xf32, #tpu.memory_space<vmem>> -> memref<64x1x256xf32, #tpu.memory_space<vmem>>
      %dma_wait3A_2163 = tpu.memref_squeeze %dma_wait3A_2162 : memref<64x1x256xf32, #tpu.memory_space<vmem>> -> memref<64x256xf32, #tpu.memory_space<vmem>>
      %dma_wait3A_2164 = arith.constant 0 : i32
      %dma_wait3A_2165 = arith.constant 0 : i32
      %dma_wait3A_2166 = tpu.memref_slice %arg2[%dma_wait3A_2158, %dma_wait3A_2164, %dma_wait3A_2165] : memref<128x64x256xf32, #tpu.memory_space<any>> -> memref<1x64x256xf32, #tpu.memory_space<any>>
      %dma_wait3A_2167 = tpu.memref_squeeze %dma_wait3A_2166 : memref<1x64x256xf32, #tpu.memory_space<any>> -> memref<64x256xf32, #tpu.memory_space<any>>
      tpu.wait_dma2 semaphore(%arg6 : memref<!tpu.dma_semaphore, #tpu.memory_space<semaphore_mem>>) src(%dma_wait3A_2167 : memref<64x256xf32, #tpu.memory_space<any>>) dst(%dma_wait3A_2163 : memref<64x256xf32, #tpu.memory_space<vmem>>)
      %dma_wait3A_2168 = arith.constant 41 : i32
      %dma_wait3A_2169 = arith.constant 86 : i32
      %dma_wait3A_2170 = arith.constant 0 : i32
      %dma_wait3A_2171 = arith.constant 0 : i32
      %dma_wait3A_2172 = tpu.memref_slice %arg5[%dma_wait3A_2170, %dma_wait3A_2169, %dma_wait3A_2171] : memref<64x128x256xf32, #tpu.memory_space<vmem>> -> memref<64x1x256xf32, #tpu.memory_space<vmem>>
      %dma_wait3A_2173 = tpu.memref_squeeze %dma_wait3A_2172 : memref<64x1x256xf32, #tpu.memory_space<vmem>> -> memref<64x256xf32, #tpu.memory_space<vmem>>
      %dma_wait3A_2174 = arith.constant 0 : i32
      %dma_wait3A_2175 = arith.constant 0 : i32
      %dma_wait3A_2176 = tpu.memref_slice %arg2[%dma_wait3A_2168, %dma_wait3A_2174, %dma_wait3A_2175] : memref<128x64x256xf32, #tpu.memory_space<any>> -> memref<1x64x256xf32, #tpu.memory_space<any>>
      %dma_wait3A_2177 = tpu.memref_squeeze %dma_wait3A_2176 : memref<1x64x256xf32, #tpu.memory_space<any>> -> memref<64x256xf32, #tpu.memory_space<any>>
      tpu.wait_dma2 semaphore(%arg6 : memref<!tpu.dma_semaphore, #tpu.memory_space<semaphore_mem>>) src(%dma_wait3A_2177 : memref<64x256xf32, #tpu.memory_space<any>>) dst(%dma_wait3A_2173 : memref<64x256xf32, #tpu.memory_space<vmem>>)
      %dma_wait3A_2178 = arith.constant 40 : i32
      %dma_wait3A_2179 = arith.constant 87 : i32
      %dma_wait3A_2180 = arith.constant 0 : i32
      %dma_wait3A_2181 = arith.constant 0 : i32
      %dma_wait3A_2182 = tpu.memref_slice %arg5[%dma_wait3A_2180, %dma_wait3A_2179, %dma_wait3A_2181] : memref<64x128x256xf32, #tpu.memory_space<vmem>> -> memref<64x1x256xf32, #tpu.memory_space<vmem>>
      %dma_wait3A_2183 = tpu.memref_squeeze %dma_wait3A_2182 : memref<64x1x256xf32, #tpu.memory_space<vmem>> -> memref<64x256xf32, #tpu.memory_space<vmem>>
      %dma_wait3A_2184 = arith.constant 0 : i32
      %dma_wait3A_2185 = arith.constant 0 : i32
      %dma_wait3A_2186 = tpu.memref_slice %arg2[%dma_wait3A_2178, %dma_wait3A_2184, %dma_wait3A_2185] : memref<128x64x256xf32, #tpu.memory_space<any>> -> memref<1x64x256xf32, #tpu.memory_space<any>>
      %dma_wait3A_2187 = tpu.memref_squeeze %dma_wait3A_2186 : memref<1x64x256xf32, #tpu.memory_space<any>> -> memref<64x256xf32, #tpu.memory_space<any>>
      tpu.wait_dma2 semaphore(%arg6 : memref<!tpu.dma_semaphore, #tpu.memory_space<semaphore_mem>>) src(%dma_wait3A_2187 : memref<64x256xf32, #tpu.memory_space<any>>) dst(%dma_wait3A_2183 : memref<64x256xf32, #tpu.memory_space<vmem>>)
      %dma_wait3A_2188 = arith.constant 39 : i32
      %dma_wait3A_2189 = arith.constant 88 : i32
      %dma_wait3A_2190 = arith.constant 0 : i32
      %dma_wait3A_2191 = arith.constant 0 : i32
      %dma_wait3A_2192 = tpu.memref_slice %arg5[%dma_wait3A_2190, %dma_wait3A_2189, %dma_wait3A_2191] : memref<64x128x256xf32, #tpu.memory_space<vmem>> -> memref<64x1x256xf32, #tpu.memory_space<vmem>>
      %dma_wait3A_2193 = tpu.memref_squeeze %dma_wait3A_2192 : memref<64x1x256xf32, #tpu.memory_space<vmem>> -> memref<64x256xf32, #tpu.memory_space<vmem>>
      %dma_wait3A_2194 = arith.constant 0 : i32
      %dma_wait3A_2195 = arith.constant 0 : i32
      %dma_wait3A_2196 = tpu.memref_slice %arg2[%dma_wait3A_2188, %dma_wait3A_2194, %dma_wait3A_2195] : memref<128x64x256xf32, #tpu.memory_space<any>> -> memref<1x64x256xf32, #tpu.memory_space<any>>
      %dma_wait3A_2197 = tpu.memref_squeeze %dma_wait3A_2196 : memref<1x64x256xf32, #tpu.memory_space<any>> -> memref<64x256xf32, #tpu.memory_space<any>>
      tpu.wait_dma2 semaphore(%arg6 : memref<!tpu.dma_semaphore, #tpu.memory_space<semaphore_mem>>) src(%dma_wait3A_2197 : memref<64x256xf32, #tpu.memory_space<any>>) dst(%dma_wait3A_2193 : memref<64x256xf32, #tpu.memory_space<vmem>>)
      %dma_wait3A_2198 = arith.constant 38 : i32
      %dma_wait3A_2199 = arith.constant 89 : i32
      %dma_wait3A_2200 = arith.constant 0 : i32
      %dma_wait3A_2201 = arith.constant 0 : i32
      %dma_wait3A_2202 = tpu.memref_slice %arg5[%dma_wait3A_2200, %dma_wait3A_2199, %dma_wait3A_2201] : memref<64x128x256xf32, #tpu.memory_space<vmem>> -> memref<64x1x256xf32, #tpu.memory_space<vmem>>
      %dma_wait3A_2203 = tpu.memref_squeeze %dma_wait3A_2202 : memref<64x1x256xf32, #tpu.memory_space<vmem>> -> memref<64x256xf32, #tpu.memory_space<vmem>>
      %dma_wait3A_2204 = arith.constant 0 : i32
      %dma_wait3A_2205 = arith.constant 0 : i32
      %dma_wait3A_2206 = tpu.memref_slice %arg2[%dma_wait3A_2198, %dma_wait3A_2204, %dma_wait3A_2205] : memref<128x64x256xf32, #tpu.memory_space<any>> -> memref<1x64x256xf32, #tpu.memory_space<any>>
      %dma_wait3A_2207 = tpu.memref_squeeze %dma_wait3A_2206 : memref<1x64x256xf32, #tpu.memory_space<any>> -> memref<64x256xf32, #tpu.memory_space<any>>
      tpu.wait_dma2 semaphore(%arg6 : memref<!tpu.dma_semaphore, #tpu.memory_space<semaphore_mem>>) src(%dma_wait3A_2207 : memref<64x256xf32, #tpu.memory_space<any>>) dst(%dma_wait3A_2203 : memref<64x256xf32, #tpu.memory_space<vmem>>)
      %dma_wait3A_2208 = arith.constant 37 : i32
      %dma_wait3A_2209 = arith.constant 90 : i32
      %dma_wait3A_2210 = arith.constant 0 : i32
      %dma_wait3A_2211 = arith.constant 0 : i32
      %dma_wait3A_2212 = tpu.memref_slice %arg5[%dma_wait3A_2210, %dma_wait3A_2209, %dma_wait3A_2211] : memref<64x128x256xf32, #tpu.memory_space<vmem>> -> memref<64x1x256xf32, #tpu.memory_space<vmem>>
      %dma_wait3A_2213 = tpu.memref_squeeze %dma_wait3A_2212 : memref<64x1x256xf32, #tpu.memory_space<vmem>> -> memref<64x256xf32, #tpu.memory_space<vmem>>
      %dma_wait3A_2214 = arith.constant 0 : i32
      %dma_wait3A_2215 = arith.constant 0 : i32
      %dma_wait3A_2216 = tpu.memref_slice %arg2[%dma_wait3A_2208, %dma_wait3A_2214, %dma_wait3A_2215] : memref<128x64x256xf32, #tpu.memory_space<any>> -> memref<1x64x256xf32, #tpu.memory_space<any>>
      %dma_wait3A_2217 = tpu.memref_squeeze %dma_wait3A_2216 : memref<1x64x256xf32, #tpu.memory_space<any>> -> memref<64x256xf32, #tpu.memory_space<any>>
      tpu.wait_dma2 semaphore(%arg6 : memref<!tpu.dma_semaphore, #tpu.memory_space<semaphore_mem>>) src(%dma_wait3A_2217 : memref<64x256xf32, #tpu.memory_space<any>>) dst(%dma_wait3A_2213 : memref<64x256xf32, #tpu.memory_space<vmem>>)
      %dma_wait3A_2218 = arith.constant 36 : i32
      %dma_wait3A_2219 = arith.constant 91 : i32
      %dma_wait3A_2220 = arith.constant 0 : i32
      %dma_wait3A_2221 = arith.constant 0 : i32
      %dma_wait3A_2222 = tpu.memref_slice %arg5[%dma_wait3A_2220, %dma_wait3A_2219, %dma_wait3A_2221] : memref<64x128x256xf32, #tpu.memory_space<vmem>> -> memref<64x1x256xf32, #tpu.memory_space<vmem>>
      %dma_wait3A_2223 = tpu.memref_squeeze %dma_wait3A_2222 : memref<64x1x256xf32, #tpu.memory_space<vmem>> -> memref<64x256xf32, #tpu.memory_space<vmem>>
      %dma_wait3A_2224 = arith.constant 0 : i32
      %dma_wait3A_2225 = arith.constant 0 : i32
      %dma_wait3A_2226 = tpu.memref_slice %arg2[%dma_wait3A_2218, %dma_wait3A_2224, %dma_wait3A_2225] : memref<128x64x256xf32, #tpu.memory_space<any>> -> memref<1x64x256xf32, #tpu.memory_space<any>>
      %dma_wait3A_2227 = tpu.memref_squeeze %dma_wait3A_2226 : memref<1x64x256xf32, #tpu.memory_space<any>> -> memref<64x256xf32, #tpu.memory_space<any>>
      tpu.wait_dma2 semaphore(%arg6 : memref<!tpu.dma_semaphore, #tpu.memory_space<semaphore_mem>>) src(%dma_wait3A_2227 : memref<64x256xf32, #tpu.memory_space<any>>) dst(%dma_wait3A_2223 : memref<64x256xf32, #tpu.memory_space<vmem>>)
      %dma_wait3A_2228 = arith.constant 35 : i32
      %dma_wait3A_2229 = arith.constant 92 : i32
      %dma_wait3A_2230 = arith.constant 0 : i32
      %dma_wait3A_2231 = arith.constant 0 : i32
      %dma_wait3A_2232 = tpu.memref_slice %arg5[%dma_wait3A_2230, %dma_wait3A_2229, %dma_wait3A_2231] : memref<64x128x256xf32, #tpu.memory_space<vmem>> -> memref<64x1x256xf32, #tpu.memory_space<vmem>>
      %dma_wait3A_2233 = tpu.memref_squeeze %dma_wait3A_2232 : memref<64x1x256xf32, #tpu.memory_space<vmem>> -> memref<64x256xf32, #tpu.memory_space<vmem>>
      %dma_wait3A_2234 = arith.constant 0 : i32
      %dma_wait3A_2235 = arith.constant 0 : i32
      %dma_wait3A_2236 = tpu.memref_slice %arg2[%dma_wait3A_2228, %dma_wait3A_2234, %dma_wait3A_2235] : memref<128x64x256xf32, #tpu.memory_space<any>> -> memref<1x64x256xf32, #tpu.memory_space<any>>
      %dma_wait3A_2237 = tpu.memref_squeeze %dma_wait3A_2236 : memref<1x64x256xf32, #tpu.memory_space<any>> -> memref<64x256xf32, #tpu.memory_space<any>>
      tpu.wait_dma2 semaphore(%arg6 : memref<!tpu.dma_semaphore, #tpu.memory_space<semaphore_mem>>) src(%dma_wait3A_2237 : memref<64x256xf32, #tpu.memory_space<any>>) dst(%dma_wait3A_2233 : memref<64x256xf32, #tpu.memory_space<vmem>>)
      %dma_wait3A_2238 = arith.constant 34 : i32
      %dma_wait3A_2239 = arith.constant 93 : i32
      %dma_wait3A_2240 = arith.constant 0 : i32
      %dma_wait3A_2241 = arith.constant 0 : i32
      %dma_wait3A_2242 = tpu.memref_slice %arg5[%dma_wait3A_2240, %dma_wait3A_2239, %dma_wait3A_2241] : memref<64x128x256xf32, #tpu.memory_space<vmem>> -> memref<64x1x256xf32, #tpu.memory_space<vmem>>
      %dma_wait3A_2243 = tpu.memref_squeeze %dma_wait3A_2242 : memref<64x1x256xf32, #tpu.memory_space<vmem>> -> memref<64x256xf32, #tpu.memory_space<vmem>>
      %dma_wait3A_2244 = arith.constant 0 : i32
      %dma_wait3A_2245 = arith.constant 0 : i32
      %dma_wait3A_2246 = tpu.memref_slice %arg2[%dma_wait3A_2238, %dma_wait3A_2244, %dma_wait3A_2245] : memref<128x64x256xf32, #tpu.memory_space<any>> -> memref<1x64x256xf32, #tpu.memory_space<any>>
      %dma_wait3A_2247 = tpu.memref_squeeze %dma_wait3A_2246 : memref<1x64x256xf32, #tpu.memory_space<any>> -> memref<64x256xf32, #tpu.memory_space<any>>
      tpu.wait_dma2 semaphore(%arg6 : memref<!tpu.dma_semaphore, #tpu.memory_space<semaphore_mem>>) src(%dma_wait3A_2247 : memref<64x256xf32, #tpu.memory_space<any>>) dst(%dma_wait3A_2243 : memref<64x256xf32, #tpu.memory_space<vmem>>)
      %dma_wait3A_2248 = arith.constant 33 : i32
      %dma_wait3A_2249 = arith.constant 94 : i32
      %dma_wait3A_2250 = arith.constant 0 : i32
      %dma_wait3A_2251 = arith.constant 0 : i32
      %dma_wait3A_2252 = tpu.memref_slice %arg5[%dma_wait3A_2250, %dma_wait3A_2249, %dma_wait3A_2251] : memref<64x128x256xf32, #tpu.memory_space<vmem>> -> memref<64x1x256xf32, #tpu.memory_space<vmem>>
      %dma_wait3A_2253 = tpu.memref_squeeze %dma_wait3A_2252 : memref<64x1x256xf32, #tpu.memory_space<vmem>> -> memref<64x256xf32, #tpu.memory_space<vmem>>
      %dma_wait3A_2254 = arith.constant 0 : i32
      %dma_wait3A_2255 = arith.constant 0 : i32
      %dma_wait3A_2256 = tpu.memref_slice %arg2[%dma_wait3A_2248, %dma_wait3A_2254, %dma_wait3A_2255] : memref<128x64x256xf32, #tpu.memory_space<any>> -> memref<1x64x256xf32, #tpu.memory_space<any>>
      %dma_wait3A_2257 = tpu.memref_squeeze %dma_wait3A_2256 : memref<1x64x256xf32, #tpu.memory_space<any>> -> memref<64x256xf32, #tpu.memory_space<any>>
      tpu.wait_dma2 semaphore(%arg6 : memref<!tpu.dma_semaphore, #tpu.memory_space<semaphore_mem>>) src(%dma_wait3A_2257 : memref<64x256xf32, #tpu.memory_space<any>>) dst(%dma_wait3A_2253 : memref<64x256xf32, #tpu.memory_space<vmem>>)
      %dma_wait3A_2258 = arith.constant 32 : i32
      %dma_wait3A_2259 = arith.constant 95 : i32
      %dma_wait3A_2260 = arith.constant 0 : i32
      %dma_wait3A_2261 = arith.constant 0 : i32
      %dma_wait3A_2262 = tpu.memref_slice %arg5[%dma_wait3A_2260, %dma_wait3A_2259, %dma_wait3A_2261] : memref<64x128x256xf32, #tpu.memory_space<vmem>> -> memref<64x1x256xf32, #tpu.memory_space<vmem>>
      %dma_wait3A_2263 = tpu.memref_squeeze %dma_wait3A_2262 : memref<64x1x256xf32, #tpu.memory_space<vmem>> -> memref<64x256xf32, #tpu.memory_space<vmem>>
      %dma_wait3A_2264 = arith.constant 0 : i32
      %dma_wait3A_2265 = arith.constant 0 : i32
      %dma_wait3A_2266 = tpu.memref_slice %arg2[%dma_wait3A_2258, %dma_wait3A_2264, %dma_wait3A_2265] : memref<128x64x256xf32, #tpu.memory_space<any>> -> memref<1x64x256xf32, #tpu.memory_space<any>>
      %dma_wait3A_2267 = tpu.memref_squeeze %dma_wait3A_2266 : memref<1x64x256xf32, #tpu.memory_space<any>> -> memref<64x256xf32, #tpu.memory_space<any>>
      tpu.wait_dma2 semaphore(%arg6 : memref<!tpu.dma_semaphore, #tpu.memory_space<semaphore_mem>>) src(%dma_wait3A_2267 : memref<64x256xf32, #tpu.memory_space<any>>) dst(%dma_wait3A_2263 : memref<64x256xf32, #tpu.memory_space<vmem>>)
      %dma_wait3A_2268 = arith.constant 31 : i32
      %dma_wait3A_2269 = arith.constant 96 : i32
      %dma_wait3A_2270 = arith.constant 0 : i32
      %dma_wait3A_2271 = arith.constant 0 : i32
      %dma_wait3A_2272 = tpu.memref_slice %arg5[%dma_wait3A_2270, %dma_wait3A_2269, %dma_wait3A_2271] : memref<64x128x256xf32, #tpu.memory_space<vmem>> -> memref<64x1x256xf32, #tpu.memory_space<vmem>>
      %dma_wait3A_2273 = tpu.memref_squeeze %dma_wait3A_2272 : memref<64x1x256xf32, #tpu.memory_space<vmem>> -> memref<64x256xf32, #tpu.memory_space<vmem>>
      %dma_wait3A_2274 = arith.constant 0 : i32
      %dma_wait3A_2275 = arith.constant 0 : i32
      %dma_wait3A_2276 = tpu.memref_slice %arg2[%dma_wait3A_2268, %dma_wait3A_2274, %dma_wait3A_2275] : memref<128x64x256xf32, #tpu.memory_space<any>> -> memref<1x64x256xf32, #tpu.memory_space<any>>
      %dma_wait3A_2277 = tpu.memref_squeeze %dma_wait3A_2276 : memref<1x64x256xf32, #tpu.memory_space<any>> -> memref<64x256xf32, #tpu.memory_space<any>>
      tpu.wait_dma2 semaphore(%arg6 : memref<!tpu.dma_semaphore, #tpu.memory_space<semaphore_mem>>) src(%dma_wait3A_2277 : memref<64x256xf32, #tpu.memory_space<any>>) dst(%dma_wait3A_2273 : memref<64x256xf32, #tpu.memory_space<vmem>>)
      %dma_wait3A_2278 = arith.constant 30 : i32
      %dma_wait3A_2279 = arith.constant 97 : i32
      %dma_wait3A_2280 = arith.constant 0 : i32
      %dma_wait3A_2281 = arith.constant 0 : i32
      %dma_wait3A_2282 = tpu.memref_slice %arg5[%dma_wait3A_2280, %dma_wait3A_2279, %dma_wait3A_2281] : memref<64x128x256xf32, #tpu.memory_space<vmem>> -> memref<64x1x256xf32, #tpu.memory_space<vmem>>
      %dma_wait3A_2283 = tpu.memref_squeeze %dma_wait3A_2282 : memref<64x1x256xf32, #tpu.memory_space<vmem>> -> memref<64x256xf32, #tpu.memory_space<vmem>>
      %dma_wait3A_2284 = arith.constant 0 : i32
      %dma_wait3A_2285 = arith.constant 0 : i32
      %dma_wait3A_2286 = tpu.memref_slice %arg2[%dma_wait3A_2278, %dma_wait3A_2284, %dma_wait3A_2285] : memref<128x64x256xf32, #tpu.memory_space<any>> -> memref<1x64x256xf32, #tpu.memory_space<any>>
      %dma_wait3A_2287 = tpu.memref_squeeze %dma_wait3A_2286 : memref<1x64x256xf32, #tpu.memory_space<any>> -> memref<64x256xf32, #tpu.memory_space<any>>
      tpu.wait_dma2 semaphore(%arg6 : memref<!tpu.dma_semaphore, #tpu.memory_space<semaphore_mem>>) src(%dma_wait3A_2287 : memref<64x256xf32, #tpu.memory_space<any>>) dst(%dma_wait3A_2283 : memref<64x256xf32, #tpu.memory_space<vmem>>)
      %dma_wait3A_2288 = arith.constant 29 : i32
      %dma_wait3A_2289 = arith.constant 98 : i32
      %dma_wait3A_2290 = arith.constant 0 : i32
      %dma_wait3A_2291 = arith.constant 0 : i32
      %dma_wait3A_2292 = tpu.memref_slice %arg5[%dma_wait3A_2290, %dma_wait3A_2289, %dma_wait3A_2291] : memref<64x128x256xf32, #tpu.memory_space<vmem>> -> memref<64x1x256xf32, #tpu.memory_space<vmem>>
      %dma_wait3A_2293 = tpu.memref_squeeze %dma_wait3A_2292 : memref<64x1x256xf32, #tpu.memory_space<vmem>> -> memref<64x256xf32, #tpu.memory_space<vmem>>
      %dma_wait3A_2294 = arith.constant 0 : i32
      %dma_wait3A_2295 = arith.constant 0 : i32
      %dma_wait3A_2296 = tpu.memref_slice %arg2[%dma_wait3A_2288, %dma_wait3A_2294, %dma_wait3A_2295] : memref<128x64x256xf32, #tpu.memory_space<any>> -> memref<1x64x256xf32, #tpu.memory_space<any>>
      %dma_wait3A_2297 = tpu.memref_squeeze %dma_wait3A_2296 : memref<1x64x256xf32, #tpu.memory_space<any>> -> memref<64x256xf32, #tpu.memory_space<any>>
      tpu.wait_dma2 semaphore(%arg6 : memref<!tpu.dma_semaphore, #tpu.memory_space<semaphore_mem>>) src(%dma_wait3A_2297 : memref<64x256xf32, #tpu.memory_space<any>>) dst(%dma_wait3A_2293 : memref<64x256xf32, #tpu.memory_space<vmem>>)
      %dma_wait3A_2298 = arith.constant 28 : i32
      %dma_wait3A_2299 = arith.constant 99 : i32
      %dma_wait3A_2300 = arith.constant 0 : i32
      %dma_wait3A_2301 = arith.constant 0 : i32
      %dma_wait3A_2302 = tpu.memref_slice %arg5[%dma_wait3A_2300, %dma_wait3A_2299, %dma_wait3A_2301] : memref<64x128x256xf32, #tpu.memory_space<vmem>> -> memref<64x1x256xf32, #tpu.memory_space<vmem>>
      %dma_wait3A_2303 = tpu.memref_squeeze %dma_wait3A_2302 : memref<64x1x256xf32, #tpu.memory_space<vmem>> -> memref<64x256xf32, #tpu.memory_space<vmem>>
      %dma_wait3A_2304 = arith.constant 0 : i32
      %dma_wait3A_2305 = arith.constant 0 : i32
      %dma_wait3A_2306 = tpu.memref_slice %arg2[%dma_wait3A_2298, %dma_wait3A_2304, %dma_wait3A_2305] : memref<128x64x256xf32, #tpu.memory_space<any>> -> memref<1x64x256xf32, #tpu.memory_space<any>>
      %dma_wait3A_2307 = tpu.memref_squeeze %dma_wait3A_2306 : memref<1x64x256xf32, #tpu.memory_space<any>> -> memref<64x256xf32, #tpu.memory_space<any>>
      tpu.wait_dma2 semaphore(%arg6 : memref<!tpu.dma_semaphore, #tpu.memory_space<semaphore_mem>>) src(%dma_wait3A_2307 : memref<64x256xf32, #tpu.memory_space<any>>) dst(%dma_wait3A_2303 : memref<64x256xf32, #tpu.memory_space<vmem>>)
      %dma_wait3A_2308 = arith.constant 27 : i32
      %dma_wait3A_2309 = arith.constant 100 : i32
      %dma_wait3A_2310 = arith.constant 0 : i32
      %dma_wait3A_2311 = arith.constant 0 : i32
      %dma_wait3A_2312 = tpu.memref_slice %arg5[%dma_wait3A_2310, %dma_wait3A_2309, %dma_wait3A_2311] : memref<64x128x256xf32, #tpu.memory_space<vmem>> -> memref<64x1x256xf32, #tpu.memory_space<vmem>>
      %dma_wait3A_2313 = tpu.memref_squeeze %dma_wait3A_2312 : memref<64x1x256xf32, #tpu.memory_space<vmem>> -> memref<64x256xf32, #tpu.memory_space<vmem>>
      %dma_wait3A_2314 = arith.constant 0 : i32
      %dma_wait3A_2315 = arith.constant 0 : i32
      %dma_wait3A_2316 = tpu.memref_slice %arg2[%dma_wait3A_2308, %dma_wait3A_2314, %dma_wait3A_2315] : memref<128x64x256xf32, #tpu.memory_space<any>> -> memref<1x64x256xf32, #tpu.memory_space<any>>
      %dma_wait3A_2317 = tpu.memref_squeeze %dma_wait3A_2316 : memref<1x64x256xf32, #tpu.memory_space<any>> -> memref<64x256xf32, #tpu.memory_space<any>>
      tpu.wait_dma2 semaphore(%arg6 : memref<!tpu.dma_semaphore, #tpu.memory_space<semaphore_mem>>) src(%dma_wait3A_2317 : memref<64x256xf32, #tpu.memory_space<any>>) dst(%dma_wait3A_2313 : memref<64x256xf32, #tpu.memory_space<vmem>>)
      %dma_wait3A_2318 = arith.constant 26 : i32
      %dma_wait3A_2319 = arith.constant 101 : i32
      %dma_wait3A_2320 = arith.constant 0 : i32
      %dma_wait3A_2321 = arith.constant 0 : i32
      %dma_wait3A_2322 = tpu.memref_slice %arg5[%dma_wait3A_2320, %dma_wait3A_2319, %dma_wait3A_2321] : memref<64x128x256xf32, #tpu.memory_space<vmem>> -> memref<64x1x256xf32, #tpu.memory_space<vmem>>
      %dma_wait3A_2323 = tpu.memref_squeeze %dma_wait3A_2322 : memref<64x1x256xf32, #tpu.memory_space<vmem>> -> memref<64x256xf32, #tpu.memory_space<vmem>>
      %dma_wait3A_2324 = arith.constant 0 : i32
      %dma_wait3A_2325 = arith.constant 0 : i32
      %dma_wait3A_2326 = tpu.memref_slice %arg2[%dma_wait3A_2318, %dma_wait3A_2324, %dma_wait3A_2325] : memref<128x64x256xf32, #tpu.memory_space<any>> -> memref<1x64x256xf32, #tpu.memory_space<any>>
      %dma_wait3A_2327 = tpu.memref_squeeze %dma_wait3A_2326 : memref<1x64x256xf32, #tpu.memory_space<any>> -> memref<64x256xf32, #tpu.memory_space<any>>
      tpu.wait_dma2 semaphore(%arg6 : memref<!tpu.dma_semaphore, #tpu.memory_space<semaphore_mem>>) src(%dma_wait3A_2327 : memref<64x256xf32, #tpu.memory_space<any>>) dst(%dma_wait3A_2323 : memref<64x256xf32, #tpu.memory_space<vmem>>)
      %dma_wait3A_2328 = arith.constant 25 : i32
      %dma_wait3A_2329 = arith.constant 102 : i32
      %dma_wait3A_2330 = arith.constant 0 : i32
      %dma_wait3A_2331 = arith.constant 0 : i32
      %dma_wait3A_2332 = tpu.memref_slice %arg5[%dma_wait3A_2330, %dma_wait3A_2329, %dma_wait3A_2331] : memref<64x128x256xf32, #tpu.memory_space<vmem>> -> memref<64x1x256xf32, #tpu.memory_space<vmem>>
      %dma_wait3A_2333 = tpu.memref_squeeze %dma_wait3A_2332 : memref<64x1x256xf32, #tpu.memory_space<vmem>> -> memref<64x256xf32, #tpu.memory_space<vmem>>
      %dma_wait3A_2334 = arith.constant 0 : i32
      %dma_wait3A_2335 = arith.constant 0 : i32
      %dma_wait3A_2336 = tpu.memref_slice %arg2[%dma_wait3A_2328, %dma_wait3A_2334, %dma_wait3A_2335] : memref<128x64x256xf32, #tpu.memory_space<any>> -> memref<1x64x256xf32, #tpu.memory_space<any>>
      %dma_wait3A_2337 = tpu.memref_squeeze %dma_wait3A_2336 : memref<1x64x256xf32, #tpu.memory_space<any>> -> memref<64x256xf32, #tpu.memory_space<any>>
      tpu.wait_dma2 semaphore(%arg6 : memref<!tpu.dma_semaphore, #tpu.memory_space<semaphore_mem>>) src(%dma_wait3A_2337 : memref<64x256xf32, #tpu.memory_space<any>>) dst(%dma_wait3A_2333 : memref<64x256xf32, #tpu.memory_space<vmem>>)
      %dma_wait3A_2338 = arith.constant 24 : i32
      %dma_wait3A_2339 = arith.constant 103 : i32
      %dma_wait3A_2340 = arith.constant 0 : i32
      %dma_wait3A_2341 = arith.constant 0 : i32
      %dma_wait3A_2342 = tpu.memref_slice %arg5[%dma_wait3A_2340, %dma_wait3A_2339, %dma_wait3A_2341] : memref<64x128x256xf32, #tpu.memory_space<vmem>> -> memref<64x1x256xf32, #tpu.memory_space<vmem>>
      %dma_wait3A_2343 = tpu.memref_squeeze %dma_wait3A_2342 : memref<64x1x256xf32, #tpu.memory_space<vmem>> -> memref<64x256xf32, #tpu.memory_space<vmem>>
      %dma_wait3A_2344 = arith.constant 0 : i32
      %dma_wait3A_2345 = arith.constant 0 : i32
      %dma_wait3A_2346 = tpu.memref_slice %arg2[%dma_wait3A_2338, %dma_wait3A_2344, %dma_wait3A_2345] : memref<128x64x256xf32, #tpu.memory_space<any>> -> memref<1x64x256xf32, #tpu.memory_space<any>>
      %dma_wait3A_2347 = tpu.memref_squeeze %dma_wait3A_2346 : memref<1x64x256xf32, #tpu.memory_space<any>> -> memref<64x256xf32, #tpu.memory_space<any>>
      tpu.wait_dma2 semaphore(%arg6 : memref<!tpu.dma_semaphore, #tpu.memory_space<semaphore_mem>>) src(%dma_wait3A_2347 : memref<64x256xf32, #tpu.memory_space<any>>) dst(%dma_wait3A_2343 : memref<64x256xf32, #tpu.memory_space<vmem>>)
      %dma_wait3A_2348 = arith.constant 23 : i32
      %dma_wait3A_2349 = arith.constant 104 : i32
      %dma_wait3A_2350 = arith.constant 0 : i32
      %dma_wait3A_2351 = arith.constant 0 : i32
      %dma_wait3A_2352 = tpu.memref_slice %arg5[%dma_wait3A_2350, %dma_wait3A_2349, %dma_wait3A_2351] : memref<64x128x256xf32, #tpu.memory_space<vmem>> -> memref<64x1x256xf32, #tpu.memory_space<vmem>>
      %dma_wait3A_2353 = tpu.memref_squeeze %dma_wait3A_2352 : memref<64x1x256xf32, #tpu.memory_space<vmem>> -> memref<64x256xf32, #tpu.memory_space<vmem>>
      %dma_wait3A_2354 = arith.constant 0 : i32
      %dma_wait3A_2355 = arith.constant 0 : i32
      %dma_wait3A_2356 = tpu.memref_slice %arg2[%dma_wait3A_2348, %dma_wait3A_2354, %dma_wait3A_2355] : memref<128x64x256xf32, #tpu.memory_space<any>> -> memref<1x64x256xf32, #tpu.memory_space<any>>
      %dma_wait3A_2357 = tpu.memref_squeeze %dma_wait3A_2356 : memref<1x64x256xf32, #tpu.memory_space<any>> -> memref<64x256xf32, #tpu.memory_space<any>>
      tpu.wait_dma2 semaphore(%arg6 : memref<!tpu.dma_semaphore, #tpu.memory_space<semaphore_mem>>) src(%dma_wait3A_2357 : memref<64x256xf32, #tpu.memory_space<any>>) dst(%dma_wait3A_2353 : memref<64x256xf32, #tpu.memory_space<vmem>>)
      %dma_wait3A_2358 = arith.constant 22 : i32
      %dma_wait3A_2359 = arith.constant 105 : i32
      %dma_wait3A_2360 = arith.constant 0 : i32
      %dma_wait3A_2361 = arith.constant 0 : i32
      %dma_wait3A_2362 = tpu.memref_slice %arg5[%dma_wait3A_2360, %dma_wait3A_2359, %dma_wait3A_2361] : memref<64x128x256xf32, #tpu.memory_space<vmem>> -> memref<64x1x256xf32, #tpu.memory_space<vmem>>
      %dma_wait3A_2363 = tpu.memref_squeeze %dma_wait3A_2362 : memref<64x1x256xf32, #tpu.memory_space<vmem>> -> memref<64x256xf32, #tpu.memory_space<vmem>>
      %dma_wait3A_2364 = arith.constant 0 : i32
      %dma_wait3A_2365 = arith.constant 0 : i32
      %dma_wait3A_2366 = tpu.memref_slice %arg2[%dma_wait3A_2358, %dma_wait3A_2364, %dma_wait3A_2365] : memref<128x64x256xf32, #tpu.memory_space<any>> -> memref<1x64x256xf32, #tpu.memory_space<any>>
      %dma_wait3A_2367 = tpu.memref_squeeze %dma_wait3A_2366 : memref<1x64x256xf32, #tpu.memory_space<any>> -> memref<64x256xf32, #tpu.memory_space<any>>
      tpu.wait_dma2 semaphore(%arg6 : memref<!tpu.dma_semaphore, #tpu.memory_space<semaphore_mem>>) src(%dma_wait3A_2367 : memref<64x256xf32, #tpu.memory_space<any>>) dst(%dma_wait3A_2363 : memref<64x256xf32, #tpu.memory_space<vmem>>)
      %dma_wait3A_2368 = arith.constant 21 : i32
      %dma_wait3A_2369 = arith.constant 106 : i32
      %dma_wait3A_2370 = arith.constant 0 : i32
      %dma_wait3A_2371 = arith.constant 0 : i32
      %dma_wait3A_2372 = tpu.memref_slice %arg5[%dma_wait3A_2370, %dma_wait3A_2369, %dma_wait3A_2371] : memref<64x128x256xf32, #tpu.memory_space<vmem>> -> memref<64x1x256xf32, #tpu.memory_space<vmem>>
      %dma_wait3A_2373 = tpu.memref_squeeze %dma_wait3A_2372 : memref<64x1x256xf32, #tpu.memory_space<vmem>> -> memref<64x256xf32, #tpu.memory_space<vmem>>
      %dma_wait3A_2374 = arith.constant 0 : i32
      %dma_wait3A_2375 = arith.constant 0 : i32
      %dma_wait3A_2376 = tpu.memref_slice %arg2[%dma_wait3A_2368, %dma_wait3A_2374, %dma_wait3A_2375] : memref<128x64x256xf32, #tpu.memory_space<any>> -> memref<1x64x256xf32, #tpu.memory_space<any>>
      %dma_wait3A_2377 = tpu.memref_squeeze %dma_wait3A_2376 : memref<1x64x256xf32, #tpu.memory_space<any>> -> memref<64x256xf32, #tpu.memory_space<any>>
      tpu.wait_dma2 semaphore(%arg6 : memref<!tpu.dma_semaphore, #tpu.memory_space<semaphore_mem>>) src(%dma_wait3A_2377 : memref<64x256xf32, #tpu.memory_space<any>>) dst(%dma_wait3A_2373 : memref<64x256xf32, #tpu.memory_space<vmem>>)
      %dma_wait3A_2378 = arith.constant 20 : i32
      %dma_wait3A_2379 = arith.constant 107 : i32
      %dma_wait3A_2380 = arith.constant 0 : i32
      %dma_wait3A_2381 = arith.constant 0 : i32
      %dma_wait3A_2382 = tpu.memref_slice %arg5[%dma_wait3A_2380, %dma_wait3A_2379, %dma_wait3A_2381] : memref<64x128x256xf32, #tpu.memory_space<vmem>> -> memref<64x1x256xf32, #tpu.memory_space<vmem>>
      %dma_wait3A_2383 = tpu.memref_squeeze %dma_wait3A_2382 : memref<64x1x256xf32, #tpu.memory_space<vmem>> -> memref<64x256xf32, #tpu.memory_space<vmem>>
      %dma_wait3A_2384 = arith.constant 0 : i32
      %dma_wait3A_2385 = arith.constant 0 : i32
      %dma_wait3A_2386 = tpu.memref_slice %arg2[%dma_wait3A_2378, %dma_wait3A_2384, %dma_wait3A_2385] : memref<128x64x256xf32, #tpu.memory_space<any>> -> memref<1x64x256xf32, #tpu.memory_space<any>>
      %dma_wait3A_2387 = tpu.memref_squeeze %dma_wait3A_2386 : memref<1x64x256xf32, #tpu.memory_space<any>> -> memref<64x256xf32, #tpu.memory_space<any>>
      tpu.wait_dma2 semaphore(%arg6 : memref<!tpu.dma_semaphore, #tpu.memory_space<semaphore_mem>>) src(%dma_wait3A_2387 : memref<64x256xf32, #tpu.memory_space<any>>) dst(%dma_wait3A_2383 : memref<64x256xf32, #tpu.memory_space<vmem>>)
      %dma_wait3A_2388 = arith.constant 19 : i32
      %dma_wait3A_2389 = arith.constant 108 : i32
      %dma_wait3A_2390 = arith.constant 0 : i32
      %dma_wait3A_2391 = arith.constant 0 : i32
      %dma_wait3A_2392 = tpu.memref_slice %arg5[%dma_wait3A_2390, %dma_wait3A_2389, %dma_wait3A_2391] : memref<64x128x256xf32, #tpu.memory_space<vmem>> -> memref<64x1x256xf32, #tpu.memory_space<vmem>>
      %dma_wait3A_2393 = tpu.memref_squeeze %dma_wait3A_2392 : memref<64x1x256xf32, #tpu.memory_space<vmem>> -> memref<64x256xf32, #tpu.memory_space<vmem>>
      %dma_wait3A_2394 = arith.constant 0 : i32
      %dma_wait3A_2395 = arith.constant 0 : i32
      %dma_wait3A_2396 = tpu.memref_slice %arg2[%dma_wait3A_2388, %dma_wait3A_2394, %dma_wait3A_2395] : memref<128x64x256xf32, #tpu.memory_space<any>> -> memref<1x64x256xf32, #tpu.memory_space<any>>
      %dma_wait3A_2397 = tpu.memref_squeeze %dma_wait3A_2396 : memref<1x64x256xf32, #tpu.memory_space<any>> -> memref<64x256xf32, #tpu.memory_space<any>>
      tpu.wait_dma2 semaphore(%arg6 : memref<!tpu.dma_semaphore, #tpu.memory_space<semaphore_mem>>) src(%dma_wait3A_2397 : memref<64x256xf32, #tpu.memory_space<any>>) dst(%dma_wait3A_2393 : memref<64x256xf32, #tpu.memory_space<vmem>>)
      %dma_wait3A_2398 = arith.constant 18 : i32
      %dma_wait3A_2399 = arith.constant 109 : i32
      %dma_wait3A_2400 = arith.constant 0 : i32
      %dma_wait3A_2401 = arith.constant 0 : i32
      %dma_wait3A_2402 = tpu.memref_slice %arg5[%dma_wait3A_2400, %dma_wait3A_2399, %dma_wait3A_2401] : memref<64x128x256xf32, #tpu.memory_space<vmem>> -> memref<64x1x256xf32, #tpu.memory_space<vmem>>
      %dma_wait3A_2403 = tpu.memref_squeeze %dma_wait3A_2402 : memref<64x1x256xf32, #tpu.memory_space<vmem>> -> memref<64x256xf32, #tpu.memory_space<vmem>>
      %dma_wait3A_2404 = arith.constant 0 : i32
      %dma_wait3A_2405 = arith.constant 0 : i32
      %dma_wait3A_2406 = tpu.memref_slice %arg2[%dma_wait3A_2398, %dma_wait3A_2404, %dma_wait3A_2405] : memref<128x64x256xf32, #tpu.memory_space<any>> -> memref<1x64x256xf32, #tpu.memory_space<any>>
      %dma_wait3A_2407 = tpu.memref_squeeze %dma_wait3A_2406 : memref<1x64x256xf32, #tpu.memory_space<any>> -> memref<64x256xf32, #tpu.memory_space<any>>
      tpu.wait_dma2 semaphore(%arg6 : memref<!tpu.dma_semaphore, #tpu.memory_space<semaphore_mem>>) src(%dma_wait3A_2407 : memref<64x256xf32, #tpu.memory_space<any>>) dst(%dma_wait3A_2403 : memref<64x256xf32, #tpu.memory_space<vmem>>)
      %dma_wait3A_2408 = arith.constant 17 : i32
      %dma_wait3A_2409 = arith.constant 110 : i32
      %dma_wait3A_2410 = arith.constant 0 : i32
      %dma_wait3A_2411 = arith.constant 0 : i32
      %dma_wait3A_2412 = tpu.memref_slice %arg5[%dma_wait3A_2410, %dma_wait3A_2409, %dma_wait3A_2411] : memref<64x128x256xf32, #tpu.memory_space<vmem>> -> memref<64x1x256xf32, #tpu.memory_space<vmem>>
      %dma_wait3A_2413 = tpu.memref_squeeze %dma_wait3A_2412 : memref<64x1x256xf32, #tpu.memory_space<vmem>> -> memref<64x256xf32, #tpu.memory_space<vmem>>
      %dma_wait3A_2414 = arith.constant 0 : i32
      %dma_wait3A_2415 = arith.constant 0 : i32
      %dma_wait3A_2416 = tpu.memref_slice %arg2[%dma_wait3A_2408, %dma_wait3A_2414, %dma_wait3A_2415] : memref<128x64x256xf32, #tpu.memory_space<any>> -> memref<1x64x256xf32, #tpu.memory_space<any>>
      %dma_wait3A_2417 = tpu.memref_squeeze %dma_wait3A_2416 : memref<1x64x256xf32, #tpu.memory_space<any>> -> memref<64x256xf32, #tpu.memory_space<any>>
      tpu.wait_dma2 semaphore(%arg6 : memref<!tpu.dma_semaphore, #tpu.memory_space<semaphore_mem>>) src(%dma_wait3A_2417 : memref<64x256xf32, #tpu.memory_space<any>>) dst(%dma_wait3A_2413 : memref<64x256xf32, #tpu.memory_space<vmem>>)
      %dma_wait3A_2418 = arith.constant 16 : i32
      %dma_wait3A_2419 = arith.constant 111 : i32
      %dma_wait3A_2420 = arith.constant 0 : i32
      %dma_wait3A_2421 = arith.constant 0 : i32
      %dma_wait3A_2422 = tpu.memref_slice %arg5[%dma_wait3A_2420, %dma_wait3A_2419, %dma_wait3A_2421] : memref<64x128x256xf32, #tpu.memory_space<vmem>> -> memref<64x1x256xf32, #tpu.memory_space<vmem>>
      %dma_wait3A_2423 = tpu.memref_squeeze %dma_wait3A_2422 : memref<64x1x256xf32, #tpu.memory_space<vmem>> -> memref<64x256xf32, #tpu.memory_space<vmem>>
      %dma_wait3A_2424 = arith.constant 0 : i32
      %dma_wait3A_2425 = arith.constant 0 : i32
      %dma_wait3A_2426 = tpu.memref_slice %arg2[%dma_wait3A_2418, %dma_wait3A_2424, %dma_wait3A_2425] : memref<128x64x256xf32, #tpu.memory_space<any>> -> memref<1x64x256xf32, #tpu.memory_space<any>>
      %dma_wait3A_2427 = tpu.memref_squeeze %dma_wait3A_2426 : memref<1x64x256xf32, #tpu.memory_space<any>> -> memref<64x256xf32, #tpu.memory_space<any>>
      tpu.wait_dma2 semaphore(%arg6 : memref<!tpu.dma_semaphore, #tpu.memory_space<semaphore_mem>>) src(%dma_wait3A_2427 : memref<64x256xf32, #tpu.memory_space<any>>) dst(%dma_wait3A_2423 : memref<64x256xf32, #tpu.memory_space<vmem>>)
      %dma_wait3A_2428 = arith.constant 15 : i32
      %dma_wait3A_2429 = arith.constant 112 : i32
      %dma_wait3A_2430 = arith.constant 0 : i32
      %dma_wait3A_2431 = arith.constant 0 : i32
      %dma_wait3A_2432 = tpu.memref_slice %arg5[%dma_wait3A_2430, %dma_wait3A_2429, %dma_wait3A_2431] : memref<64x128x256xf32, #tpu.memory_space<vmem>> -> memref<64x1x256xf32, #tpu.memory_space<vmem>>
      %dma_wait3A_2433 = tpu.memref_squeeze %dma_wait3A_2432 : memref<64x1x256xf32, #tpu.memory_space<vmem>> -> memref<64x256xf32, #tpu.memory_space<vmem>>
      %dma_wait3A_2434 = arith.constant 0 : i32
      %dma_wait3A_2435 = arith.constant 0 : i32
      %dma_wait3A_2436 = tpu.memref_slice %arg2[%dma_wait3A_2428, %dma_wait3A_2434, %dma_wait3A_2435] : memref<128x64x256xf32, #tpu.memory_space<any>> -> memref<1x64x256xf32, #tpu.memory_space<any>>
      %dma_wait3A_2437 = tpu.memref_squeeze %dma_wait3A_2436 : memref<1x64x256xf32, #tpu.memory_space<any>> -> memref<64x256xf32, #tpu.memory_space<any>>
      tpu.wait_dma2 semaphore(%arg6 : memref<!tpu.dma_semaphore, #tpu.memory_space<semaphore_mem>>) src(%dma_wait3A_2437 : memref<64x256xf32, #tpu.memory_space<any>>) dst(%dma_wait3A_2433 : memref<64x256xf32, #tpu.memory_space<vmem>>)
      %dma_wait3A_2438 = arith.constant 14 : i32
      %dma_wait3A_2439 = arith.constant 113 : i32
      %dma_wait3A_2440 = arith.constant 0 : i32
      %dma_wait3A_2441 = arith.constant 0 : i32
      %dma_wait3A_2442 = tpu.memref_slice %arg5[%dma_wait3A_2440, %dma_wait3A_2439, %dma_wait3A_2441] : memref<64x128x256xf32, #tpu.memory_space<vmem>> -> memref<64x1x256xf32, #tpu.memory_space<vmem>>
      %dma_wait3A_2443 = tpu.memref_squeeze %dma_wait3A_2442 : memref<64x1x256xf32, #tpu.memory_space<vmem>> -> memref<64x256xf32, #tpu.memory_space<vmem>>
      %dma_wait3A_2444 = arith.constant 0 : i32
      %dma_wait3A_2445 = arith.constant 0 : i32
      %dma_wait3A_2446 = tpu.memref_slice %arg2[%dma_wait3A_2438, %dma_wait3A_2444, %dma_wait3A_2445] : memref<128x64x256xf32, #tpu.memory_space<any>> -> memref<1x64x256xf32, #tpu.memory_space<any>>
      %dma_wait3A_2447 = tpu.memref_squeeze %dma_wait3A_2446 : memref<1x64x256xf32, #tpu.memory_space<any>> -> memref<64x256xf32, #tpu.memory_space<any>>
      tpu.wait_dma2 semaphore(%arg6 : memref<!tpu.dma_semaphore, #tpu.memory_space<semaphore_mem>>) src(%dma_wait3A_2447 : memref<64x256xf32, #tpu.memory_space<any>>) dst(%dma_wait3A_2443 : memref<64x256xf32, #tpu.memory_space<vmem>>)
      %dma_wait3A_2448 = arith.constant 13 : i32
      %dma_wait3A_2449 = arith.constant 114 : i32
      %dma_wait3A_2450 = arith.constant 0 : i32
      %dma_wait3A_2451 = arith.constant 0 : i32
      %dma_wait3A_2452 = tpu.memref_slice %arg5[%dma_wait3A_2450, %dma_wait3A_2449, %dma_wait3A_2451] : memref<64x128x256xf32, #tpu.memory_space<vmem>> -> memref<64x1x256xf32, #tpu.memory_space<vmem>>
      %dma_wait3A_2453 = tpu.memref_squeeze %dma_wait3A_2452 : memref<64x1x256xf32, #tpu.memory_space<vmem>> -> memref<64x256xf32, #tpu.memory_space<vmem>>
      %dma_wait3A_2454 = arith.constant 0 : i32
      %dma_wait3A_2455 = arith.constant 0 : i32
      %dma_wait3A_2456 = tpu.memref_slice %arg2[%dma_wait3A_2448, %dma_wait3A_2454, %dma_wait3A_2455] : memref<128x64x256xf32, #tpu.memory_space<any>> -> memref<1x64x256xf32, #tpu.memory_space<any>>
      %dma_wait3A_2457 = tpu.memref_squeeze %dma_wait3A_2456 : memref<1x64x256xf32, #tpu.memory_space<any>> -> memref<64x256xf32, #tpu.memory_space<any>>
      tpu.wait_dma2 semaphore(%arg6 : memref<!tpu.dma_semaphore, #tpu.memory_space<semaphore_mem>>) src(%dma_wait3A_2457 : memref<64x256xf32, #tpu.memory_space<any>>) dst(%dma_wait3A_2453 : memref<64x256xf32, #tpu.memory_space<vmem>>)
      %dma_wait3A_2458 = arith.constant 12 : i32
      %dma_wait3A_2459 = arith.constant 115 : i32
      %dma_wait3A_2460 = arith.constant 0 : i32
      %dma_wait3A_2461 = arith.constant 0 : i32
      %dma_wait3A_2462 = tpu.memref_slice %arg5[%dma_wait3A_2460, %dma_wait3A_2459, %dma_wait3A_2461] : memref<64x128x256xf32, #tpu.memory_space<vmem>> -> memref<64x1x256xf32, #tpu.memory_space<vmem>>
      %dma_wait3A_2463 = tpu.memref_squeeze %dma_wait3A_2462 : memref<64x1x256xf32, #tpu.memory_space<vmem>> -> memref<64x256xf32, #tpu.memory_space<vmem>>
      %dma_wait3A_2464 = arith.constant 0 : i32
      %dma_wait3A_2465 = arith.constant 0 : i32
      %dma_wait3A_2466 = tpu.memref_slice %arg2[%dma_wait3A_2458, %dma_wait3A_2464, %dma_wait3A_2465] : memref<128x64x256xf32, #tpu.memory_space<any>> -> memref<1x64x256xf32, #tpu.memory_space<any>>
      %dma_wait3A_2467 = tpu.memref_squeeze %dma_wait3A_2466 : memref<1x64x256xf32, #tpu.memory_space<any>> -> memref<64x256xf32, #tpu.memory_space<any>>
      tpu.wait_dma2 semaphore(%arg6 : memref<!tpu.dma_semaphore, #tpu.memory_space<semaphore_mem>>) src(%dma_wait3A_2467 : memref<64x256xf32, #tpu.memory_space<any>>) dst(%dma_wait3A_2463 : memref<64x256xf32, #tpu.memory_space<vmem>>)
      %dma_wait3A_2468 = arith.constant 11 : i32
      %dma_wait3A_2469 = arith.constant 116 : i32
      %dma_wait3A_2470 = arith.constant 0 : i32
      %dma_wait3A_2471 = arith.constant 0 : i32
      %dma_wait3A_2472 = tpu.memref_slice %arg5[%dma_wait3A_2470, %dma_wait3A_2469, %dma_wait3A_2471] : memref<64x128x256xf32, #tpu.memory_space<vmem>> -> memref<64x1x256xf32, #tpu.memory_space<vmem>>
      %dma_wait3A_2473 = tpu.memref_squeeze %dma_wait3A_2472 : memref<64x1x256xf32, #tpu.memory_space<vmem>> -> memref<64x256xf32, #tpu.memory_space<vmem>>
      %dma_wait3A_2474 = arith.constant 0 : i32
      %dma_wait3A_2475 = arith.constant 0 : i32
      %dma_wait3A_2476 = tpu.memref_slice %arg2[%dma_wait3A_2468, %dma_wait3A_2474, %dma_wait3A_2475] : memref<128x64x256xf32, #tpu.memory_space<any>> -> memref<1x64x256xf32, #tpu.memory_space<any>>
      %dma_wait3A_2477 = tpu.memref_squeeze %dma_wait3A_2476 : memref<1x64x256xf32, #tpu.memory_space<any>> -> memref<64x256xf32, #tpu.memory_space<any>>
      tpu.wait_dma2 semaphore(%arg6 : memref<!tpu.dma_semaphore, #tpu.memory_space<semaphore_mem>>) src(%dma_wait3A_2477 : memref<64x256xf32, #tpu.memory_space<any>>) dst(%dma_wait3A_2473 : memref<64x256xf32, #tpu.memory_space<vmem>>)
      %dma_wait3A_2478 = arith.constant 10 : i32
      %dma_wait3A_2479 = arith.constant 117 : i32
      %dma_wait3A_2480 = arith.constant 0 : i32
      %dma_wait3A_2481 = arith.constant 0 : i32
      %dma_wait3A_2482 = tpu.memref_slice %arg5[%dma_wait3A_2480, %dma_wait3A_2479, %dma_wait3A_2481] : memref<64x128x256xf32, #tpu.memory_space<vmem>> -> memref<64x1x256xf32, #tpu.memory_space<vmem>>
      %dma_wait3A_2483 = tpu.memref_squeeze %dma_wait3A_2482 : memref<64x1x256xf32, #tpu.memory_space<vmem>> -> memref<64x256xf32, #tpu.memory_space<vmem>>
      %dma_wait3A_2484 = arith.constant 0 : i32
      %dma_wait3A_2485 = arith.constant 0 : i32
      %dma_wait3A_2486 = tpu.memref_slice %arg2[%dma_wait3A_2478, %dma_wait3A_2484, %dma_wait3A_2485] : memref<128x64x256xf32, #tpu.memory_space<any>> -> memref<1x64x256xf32, #tpu.memory_space<any>>
      %dma_wait3A_2487 = tpu.memref_squeeze %dma_wait3A_2486 : memref<1x64x256xf32, #tpu.memory_space<any>> -> memref<64x256xf32, #tpu.memory_space<any>>
      tpu.wait_dma2 semaphore(%arg6 : memref<!tpu.dma_semaphore, #tpu.memory_space<semaphore_mem>>) src(%dma_wait3A_2487 : memref<64x256xf32, #tpu.memory_space<any>>) dst(%dma_wait3A_2483 : memref<64x256xf32, #tpu.memory_space<vmem>>)
      %dma_wait3A_2488 = arith.constant 9 : i32
      %dma_wait3A_2489 = arith.constant 118 : i32
      %dma_wait3A_2490 = arith.constant 0 : i32
      %dma_wait3A_2491 = arith.constant 0 : i32
      %dma_wait3A_2492 = tpu.memref_slice %arg5[%dma_wait3A_2490, %dma_wait3A_2489, %dma_wait3A_2491] : memref<64x128x256xf32, #tpu.memory_space<vmem>> -> memref<64x1x256xf32, #tpu.memory_space<vmem>>
      %dma_wait3A_2493 = tpu.memref_squeeze %dma_wait3A_2492 : memref<64x1x256xf32, #tpu.memory_space<vmem>> -> memref<64x256xf32, #tpu.memory_space<vmem>>
      %dma_wait3A_2494 = arith.constant 0 : i32
      %dma_wait3A_2495 = arith.constant 0 : i32
      %dma_wait3A_2496 = tpu.memref_slice %arg2[%dma_wait3A_2488, %dma_wait3A_2494, %dma_wait3A_2495] : memref<128x64x256xf32, #tpu.memory_space<any>> -> memref<1x64x256xf32, #tpu.memory_space<any>>
      %dma_wait3A_2497 = tpu.memref_squeeze %dma_wait3A_2496 : memref<1x64x256xf32, #tpu.memory_space<any>> -> memref<64x256xf32, #tpu.memory_space<any>>
      tpu.wait_dma2 semaphore(%arg6 : memref<!tpu.dma_semaphore, #tpu.memory_space<semaphore_mem>>) src(%dma_wait3A_2497 : memref<64x256xf32, #tpu.memory_space<any>>) dst(%dma_wait3A_2493 : memref<64x256xf32, #tpu.memory_space<vmem>>)
      %dma_wait3A_2498 = arith.constant 8 : i32
      %dma_wait3A_2499 = arith.constant 119 : i32
      %dma_wait3A_2500 = arith.constant 0 : i32
      %dma_wait3A_2501 = arith.constant 0 : i32
      %dma_wait3A_2502 = tpu.memref_slice %arg5[%dma_wait3A_2500, %dma_wait3A_2499, %dma_wait3A_2501] : memref<64x128x256xf32, #tpu.memory_space<vmem>> -> memref<64x1x256xf32, #tpu.memory_space<vmem>>
      %dma_wait3A_2503 = tpu.memref_squeeze %dma_wait3A_2502 : memref<64x1x256xf32, #tpu.memory_space<vmem>> -> memref<64x256xf32, #tpu.memory_space<vmem>>
      %dma_wait3A_2504 = arith.constant 0 : i32
      %dma_wait3A_2505 = arith.constant 0 : i32
      %dma_wait3A_2506 = tpu.memref_slice %arg2[%dma_wait3A_2498, %dma_wait3A_2504, %dma_wait3A_2505] : memref<128x64x256xf32, #tpu.memory_space<any>> -> memref<1x64x256xf32, #tpu.memory_space<any>>
      %dma_wait3A_2507 = tpu.memref_squeeze %dma_wait3A_2506 : memref<1x64x256xf32, #tpu.memory_space<any>> -> memref<64x256xf32, #tpu.memory_space<any>>
      tpu.wait_dma2 semaphore(%arg6 : memref<!tpu.dma_semaphore, #tpu.memory_space<semaphore_mem>>) src(%dma_wait3A_2507 : memref<64x256xf32, #tpu.memory_space<any>>) dst(%dma_wait3A_2503 : memref<64x256xf32, #tpu.memory_space<vmem>>)
      %dma_wait3A_2508 = arith.constant 7 : i32
      %dma_wait3A_2509 = arith.constant 120 : i32
      %dma_wait3A_2510 = arith.constant 0 : i32
      %dma_wait3A_2511 = arith.constant 0 : i32
      %dma_wait3A_2512 = tpu.memref_slice %arg5[%dma_wait3A_2510, %dma_wait3A_2509, %dma_wait3A_2511] : memref<64x128x256xf32, #tpu.memory_space<vmem>> -> memref<64x1x256xf32, #tpu.memory_space<vmem>>
      %dma_wait3A_2513 = tpu.memref_squeeze %dma_wait3A_2512 : memref<64x1x256xf32, #tpu.memory_space<vmem>> -> memref<64x256xf32, #tpu.memory_space<vmem>>
      %dma_wait3A_2514 = arith.constant 0 : i32
      %dma_wait3A_2515 = arith.constant 0 : i32
      %dma_wait3A_2516 = tpu.memref_slice %arg2[%dma_wait3A_2508, %dma_wait3A_2514, %dma_wait3A_2515] : memref<128x64x256xf32, #tpu.memory_space<any>> -> memref<1x64x256xf32, #tpu.memory_space<any>>
      %dma_wait3A_2517 = tpu.memref_squeeze %dma_wait3A_2516 : memref<1x64x256xf32, #tpu.memory_space<any>> -> memref<64x256xf32, #tpu.memory_space<any>>
      tpu.wait_dma2 semaphore(%arg6 : memref<!tpu.dma_semaphore, #tpu.memory_space<semaphore_mem>>) src(%dma_wait3A_2517 : memref<64x256xf32, #tpu.memory_space<any>>) dst(%dma_wait3A_2513 : memref<64x256xf32, #tpu.memory_space<vmem>>)
      %dma_wait3A_2518 = arith.constant 6 : i32
      %dma_wait3A_2519 = arith.constant 121 : i32
      %dma_wait3A_2520 = arith.constant 0 : i32
      %dma_wait3A_2521 = arith.constant 0 : i32
      %dma_wait3A_2522 = tpu.memref_slice %arg5[%dma_wait3A_2520, %dma_wait3A_2519, %dma_wait3A_2521] : memref<64x128x256xf32, #tpu.memory_space<vmem>> -> memref<64x1x256xf32, #tpu.memory_space<vmem>>
      %dma_wait3A_2523 = tpu.memref_squeeze %dma_wait3A_2522 : memref<64x1x256xf32, #tpu.memory_space<vmem>> -> memref<64x256xf32, #tpu.memory_space<vmem>>
      %dma_wait3A_2524 = arith.constant 0 : i32
      %dma_wait3A_2525 = arith.constant 0 : i32
      %dma_wait3A_2526 = tpu.memref_slice %arg2[%dma_wait3A_2518, %dma_wait3A_2524, %dma_wait3A_2525] : memref<128x64x256xf32, #tpu.memory_space<any>> -> memref<1x64x256xf32, #tpu.memory_space<any>>
      %dma_wait3A_2527 = tpu.memref_squeeze %dma_wait3A_2526 : memref<1x64x256xf32, #tpu.memory_space<any>> -> memref<64x256xf32, #tpu.memory_space<any>>
      tpu.wait_dma2 semaphore(%arg6 : memref<!tpu.dma_semaphore, #tpu.memory_space<semaphore_mem>>) src(%dma_wait3A_2527 : memref<64x256xf32, #tpu.memory_space<any>>) dst(%dma_wait3A_2523 : memref<64x256xf32, #tpu.memory_space<vmem>>)
      %dma_wait3A_2528 = arith.constant 5 : i32
      %dma_wait3A_2529 = arith.constant 122 : i32
      %dma_wait3A_2530 = arith.constant 0 : i32
      %dma_wait3A_2531 = arith.constant 0 : i32
      %dma_wait3A_2532 = tpu.memref_slice %arg5[%dma_wait3A_2530, %dma_wait3A_2529, %dma_wait3A_2531] : memref<64x128x256xf32, #tpu.memory_space<vmem>> -> memref<64x1x256xf32, #tpu.memory_space<vmem>>
      %dma_wait3A_2533 = tpu.memref_squeeze %dma_wait3A_2532 : memref<64x1x256xf32, #tpu.memory_space<vmem>> -> memref<64x256xf32, #tpu.memory_space<vmem>>
      %dma_wait3A_2534 = arith.constant 0 : i32
      %dma_wait3A_2535 = arith.constant 0 : i32
      %dma_wait3A_2536 = tpu.memref_slice %arg2[%dma_wait3A_2528, %dma_wait3A_2534, %dma_wait3A_2535] : memref<128x64x256xf32, #tpu.memory_space<any>> -> memref<1x64x256xf32, #tpu.memory_space<any>>
      %dma_wait3A_2537 = tpu.memref_squeeze %dma_wait3A_2536 : memref<1x64x256xf32, #tpu.memory_space<any>> -> memref<64x256xf32, #tpu.memory_space<any>>
      tpu.wait_dma2 semaphore(%arg6 : memref<!tpu.dma_semaphore, #tpu.memory_space<semaphore_mem>>) src(%dma_wait3A_2537 : memref<64x256xf32, #tpu.memory_space<any>>) dst(%dma_wait3A_2533 : memref<64x256xf32, #tpu.memory_space<vmem>>)
      %dma_wait3A_2538 = arith.constant 4 : i32
      %dma_wait3A_2539 = arith.constant 123 : i32
      %dma_wait3A_2540 = arith.constant 0 : i32
      %dma_wait3A_2541 = arith.constant 0 : i32
      %dma_wait3A_2542 = tpu.memref_slice %arg5[%dma_wait3A_2540, %dma_wait3A_2539, %dma_wait3A_2541] : memref<64x128x256xf32, #tpu.memory_space<vmem>> -> memref<64x1x256xf32, #tpu.memory_space<vmem>>
      %dma_wait3A_2543 = tpu.memref_squeeze %dma_wait3A_2542 : memref<64x1x256xf32, #tpu.memory_space<vmem>> -> memref<64x256xf32, #tpu.memory_space<vmem>>
      %dma_wait3A_2544 = arith.constant 0 : i32
      %dma_wait3A_2545 = arith.constant 0 : i32
      %dma_wait3A_2546 = tpu.memref_slice %arg2[%dma_wait3A_2538, %dma_wait3A_2544, %dma_wait3A_2545] : memref<128x64x256xf32, #tpu.memory_space<any>> -> memref<1x64x256xf32, #tpu.memory_space<any>>
      %dma_wait3A_2547 = tpu.memref_squeeze %dma_wait3A_2546 : memref<1x64x256xf32, #tpu.memory_space<any>> -> memref<64x256xf32, #tpu.memory_space<any>>
      tpu.wait_dma2 semaphore(%arg6 : memref<!tpu.dma_semaphore, #tpu.memory_space<semaphore_mem>>) src(%dma_wait3A_2547 : memref<64x256xf32, #tpu.memory_space<any>>) dst(%dma_wait3A_2543 : memref<64x256xf32, #tpu.memory_space<vmem>>)
      %dma_wait3A_2548 = arith.constant 3 : i32
      %dma_wait3A_2549 = arith.constant 124 : i32
      %dma_wait3A_2550 = arith.constant 0 : i32
      %dma_wait3A_2551 = arith.constant 0 : i32
      %dma_wait3A_2552 = tpu.memref_slice %arg5[%dma_wait3A_2550, %dma_wait3A_2549, %dma_wait3A_2551] : memref<64x128x256xf32, #tpu.memory_space<vmem>> -> memref<64x1x256xf32, #tpu.memory_space<vmem>>
      %dma_wait3A_2553 = tpu.memref_squeeze %dma_wait3A_2552 : memref<64x1x256xf32, #tpu.memory_space<vmem>> -> memref<64x256xf32, #tpu.memory_space<vmem>>
      %dma_wait3A_2554 = arith.constant 0 : i32
      %dma_wait3A_2555 = arith.constant 0 : i32
      %dma_wait3A_2556 = tpu.memref_slice %arg2[%dma_wait3A_2548, %dma_wait3A_2554, %dma_wait3A_2555] : memref<128x64x256xf32, #tpu.memory_space<any>> -> memref<1x64x256xf32, #tpu.memory_space<any>>
      %dma_wait3A_2557 = tpu.memref_squeeze %dma_wait3A_2556 : memref<1x64x256xf32, #tpu.memory_space<any>> -> memref<64x256xf32, #tpu.memory_space<any>>
      tpu.wait_dma2 semaphore(%arg6 : memref<!tpu.dma_semaphore, #tpu.memory_space<semaphore_mem>>) src(%dma_wait3A_2557 : memref<64x256xf32, #tpu.memory_space<any>>) dst(%dma_wait3A_2553 : memref<64x256xf32, #tpu.memory_space<vmem>>)
      %dma_wait3A_2558 = arith.constant 2 : i32
      %dma_wait3A_2559 = arith.constant 125 : i32
      %dma_wait3A_2560 = arith.constant 0 : i32
      %dma_wait3A_2561 = arith.constant 0 : i32
      %dma_wait3A_2562 = tpu.memref_slice %arg5[%dma_wait3A_2560, %dma_wait3A_2559, %dma_wait3A_2561] : memref<64x128x256xf32, #tpu.memory_space<vmem>> -> memref<64x1x256xf32, #tpu.memory_space<vmem>>
      %dma_wait3A_2563 = tpu.memref_squeeze %dma_wait3A_2562 : memref<64x1x256xf32, #tpu.memory_space<vmem>> -> memref<64x256xf32, #tpu.memory_space<vmem>>
      %dma_wait3A_2564 = arith.constant 0 : i32
      %dma_wait3A_2565 = arith.constant 0 : i32
      %dma_wait3A_2566 = tpu.memref_slice %arg2[%dma_wait3A_2558, %dma_wait3A_2564, %dma_wait3A_2565] : memref<128x64x256xf32, #tpu.memory_space<any>> -> memref<1x64x256xf32, #tpu.memory_space<any>>
      %dma_wait3A_2567 = tpu.memref_squeeze %dma_wait3A_2566 : memref<1x64x256xf32, #tpu.memory_space<any>> -> memref<64x256xf32, #tpu.memory_space<any>>
      tpu.wait_dma2 semaphore(%arg6 : memref<!tpu.dma_semaphore, #tpu.memory_space<semaphore_mem>>) src(%dma_wait3A_2567 : memref<64x256xf32, #tpu.memory_space<any>>) dst(%dma_wait3A_2563 : memref<64x256xf32, #tpu.memory_space<vmem>>)
      %dma_wait3A_2568 = arith.constant 1 : i32
      %dma_wait3A_2569 = arith.constant 126 : i32
      %dma_wait3A_2570 = arith.constant 0 : i32
      %dma_wait3A_2571 = arith.constant 0 : i32
      %dma_wait3A_2572 = tpu.memref_slice %arg5[%dma_wait3A_2570, %dma_wait3A_2569, %dma_wait3A_2571] : memref<64x128x256xf32, #tpu.memory_space<vmem>> -> memref<64x1x256xf32, #tpu.memory_space<vmem>>
      %dma_wait3A_2573 = tpu.memref_squeeze %dma_wait3A_2572 : memref<64x1x256xf32, #tpu.memory_space<vmem>> -> memref<64x256xf32, #tpu.memory_space<vmem>>
      %dma_wait3A_2574 = arith.constant 0 : i32
      %dma_wait3A_2575 = arith.constant 0 : i32
      %dma_wait3A_2576 = tpu.memref_slice %arg2[%dma_wait3A_2568, %dma_wait3A_2574, %dma_wait3A_2575] : memref<128x64x256xf32, #tpu.memory_space<any>> -> memref<1x64x256xf32, #tpu.memory_space<any>>
      %dma_wait3A_2577 = tpu.memref_squeeze %dma_wait3A_2576 : memref<1x64x256xf32, #tpu.memory_space<any>> -> memref<64x256xf32, #tpu.memory_space<any>>
      tpu.wait_dma2 semaphore(%arg6 : memref<!tpu.dma_semaphore, #tpu.memory_space<semaphore_mem>>) src(%dma_wait3A_2577 : memref<64x256xf32, #tpu.memory_space<any>>) dst(%dma_wait3A_2573 : memref<64x256xf32, #tpu.memory_space<vmem>>)
      %dma_wait3A_2578 = arith.constant 0 : i32
      %dma_wait3A_2579 = arith.constant 127 : i32
      %dma_wait3A_2580 = arith.constant 0 : i32
      %dma_wait3A_2581 = arith.constant 0 : i32
      %dma_wait3A_2582 = tpu.memref_slice %arg5[%dma_wait3A_2580, %dma_wait3A_2579, %dma_wait3A_2581] : memref<64x128x256xf32, #tpu.memory_space<vmem>> -> memref<64x1x256xf32, #tpu.memory_space<vmem>>
      %dma_wait3A_2583 = tpu.memref_squeeze %dma_wait3A_2582 : memref<64x1x256xf32, #tpu.memory_space<vmem>> -> memref<64x256xf32, #tpu.memory_space<vmem>>
      %dma_wait3A_2584 = arith.constant 0 : i32
      %dma_wait3A_2585 = arith.constant 0 : i32
      %dma_wait3A_2586 = tpu.memref_slice %arg2[%dma_wait3A_2578, %dma_wait3A_2584, %dma_wait3A_2585] : memref<128x64x256xf32, #tpu.memory_space<any>> -> memref<1x64x256xf32, #tpu.memory_space<any>>
      %dma_wait3A_2587 = tpu.memref_squeeze %dma_wait3A_2586 : memref<1x64x256xf32, #tpu.memory_space<any>> -> memref<64x256xf32, #tpu.memory_space<any>>
      tpu.wait_dma2 semaphore(%arg6 : memref<!tpu.dma_semaphore, #tpu.memory_space<semaphore_mem>>) src(%dma_wait3A_2587 : memref<64x256xf32, #tpu.memory_space<any>>) dst(%dma_wait3A_2583 : memref<64x256xf32, #tpu.memory_space<vmem>>)
    } else {
    }
    %get3A = arith.constant 0 : index
    %get3A_2 = arith.constant 0 : index
    %get3A_3 = vector.load %arg1[%get3A, %get3A_2] : memref<256x256xf32, #tpu.memory_space<vmem>>, vector<256x256xf32>
    %mul3A = arith.mulf %get3A_3, %get3A_3 : vector<256x256xf32>
    %reduce_sum3A = arith.constant dense<0.000000e+00> : vector<256xf32>
    %reduce_sum3A_4 = vector.multi_reduction <add>, %mul3A, %reduce_sum3A [1] : vector<256x256xf32> to vector<256xf32>
    %broadcast_in_dim3A = vector.shape_cast %reduce_sum3A_4 : vector<256xf32> to vector<256x1xf32>
    %add3A = arith.addf %get3A_3, %get3A_3 : vector<256x256xf32>
    %get3A_5 = arith.constant 0 : index
    %get3A_6 = arith.constant 0 : index
    %get3A_7 = arith.constant 0 : index
    %get3A_8 = vector.load %arg5[%get3A_5, %get3A_6, %get3A_7] : memref<64x128x256xf32, #tpu.memory_space<vmem>>, vector<64x128x256xf32>
    %reshape3A = vector.shape_cast %get3A_8 : vector<64x128x256xf32> to vector<8192x256xf32>
    %dot_general3A = arith.constant dense<0.000000e+00> : vector<256x8192xf32>
    %dot_general3A_9 = tpu.matmul %add3A, %reshape3A, %dot_general3A {dimension_numbers = #tpu.dot_dimension_numbers<[1], [1], [0], [0], [0, 0, 1, 0], [], []>, transpose_lhs_hint = false} : vector<256x256xf32>, vector<8192x256xf32>, vector<256x8192xf32> -> vector<256x8192xf32>
    %get3A_10 = arith.constant 0 : index
    %get3A_11 = arith.constant 0 : index
    %get3A_12 = vector.load %arg3[%get3A_10, %get3A_11] : memref<1x8192xf32, #tpu.memory_space<vmem>>, vector<1x8192xf32>
    %add3A_13 = vector.broadcast %broadcast_in_dim3A : vector<256x1xf32> to vector<256x8192xf32>
    %add3A_14 = vector.broadcast %get3A_12 : vector<1x8192xf32> to vector<256x8192xf32>
    %add3A_15 = arith.addf %add3A_13, %add3A_14 : vector<256x8192xf32>
    %sub3A = arith.subf %add3A_15, %dot_general3A_9 : vector<256x8192xf32>
    %argmin3A = tpu.reduce_index %sub3A {axis = 1 : i32, kind = #tpu.reduction_kind<arg_min>} : vector<256x8192xf32> -> vector<256xi32>
    %broadcast_in_dim3A_16 = vector.shape_cast %argmin3A : vector<256xi32> to vector<256x1xi32>
    %and3A = arith.constant 127 : i32
    %and3A_17 = vector.broadcast %and3A : i32 to vector<256x1xi32>
    %and3A_18 = arith.andi %broadcast_in_dim3A_16, %and3A_17 : vector<256x1xi32>
    %sub3A_19 = arith.constant 127 : i32
    %sub3A_20 = vector.broadcast %sub3A_19 : i32 to vector<256x1xi32>
    %sub3A_21 = arith.subi %sub3A_20, %and3A_18 : vector<256x1xi32>
    %mul3A_22 = arith.constant 64 : i32
    %mul3A_23 = vector.broadcast %mul3A_22 : i32 to vector<256x1xi32>
    %mul3A_24 = arith.muli %sub3A_21, %mul3A_23 : vector<256x1xi32>
    %shift_right_arithmetic3A = arith.constant 7 : i32
    %shift_right_arithmetic3A_25 = vector.broadcast %shift_right_arithmetic3A : i32 to vector<256x1xi32>
    %shift_right_arithmetic3A_26 = arith.shrsi %broadcast_in_dim3A_16, %shift_right_arithmetic3A_25 : vector<256x1xi32>
    %add3A_27 = arith.addi %mul3A_24, %shift_right_arithmetic3A_26 : vector<256x1xi32>
    %swap3A = arith.constant 0 : index
    %swap3A_28 = arith.constant 0 : index
    %swap3A_29 = vector.load %arg4[%swap3A, %swap3A_28] : memref<256x1xi32, #tpu.memory_space<vmem>>, vector<256x1xi32>
    tpu.vector_store %arg4[%swap3A, %swap3A_28], %add3A_27 {strides = array<i32>} : memref<256x1xi32, #tpu.memory_space<vmem>>, vector<256x1xi32>,
    return
  }
  func.func @transform_0(%arg0: i32) -> (i32, i32) {
    %c0_i32 = arith.constant 0 : i32
    %c0_i32_0 = arith.constant 0 : i32
    return %arg0, %c0_i32 : i32, i32
  }
  func.func @transform_2(%arg0: i32) -> (i32, i32) {
    %c0_i32 = arith.constant 0 : i32
    %c0_i32_0 = arith.constant 0 : i32
    %c0_i32_1 = arith.constant 0 : i32
    return %c0_i32, %c0_i32_0 : i32, i32
  }
  func.func @transform_3(%arg0: i32) -> (i32, i32) {
    %c0_i32 = arith.constant 0 : i32
    %c0_i32_0 = arith.constant 0 : i32
    return %arg0, %c0_i32 : i32, i32
  }
}

</mosaic_0001>

<sc_bundles>
// kernel: kernel.5.cloned.1.call-start
scs
__scs_entry_jumppad:
0x0: {  	(pc) =	sbr.rel $0x88, $3  }
0x1: {  	(tag) =	ssettag $0x0;
	lr =	simm.s32 $0x1  }
0x2: {  	[smem:$0x3F9F] =	sst lr;
	_ =	strace $0xD0000000  }
0x3: {  	_ = 	snop  }
0x4: {  	_ = 	snop  }
0x5: {  	_ = 	snop  }
0x6: {  	_ = 	snop  }
0x7: {  	_ = 	snop  }
__scs_overlays_trampoline_lowered:
0x8: {  	[smem:$0x3FAE] =	sst s0  }
0x9: {  	[smem:$0x3FAF] =	sst s1  }
0xa: {  	[smem:$0x3FB0] =	sst s2  }
0xb: {  	[smem:$0x3FB1] =	sst s3  }
0xc: {  	[smem:$0x3FB2] =	sst s4  }
0xd: {  	[smem:$0x3FB3] =	sst s5  }
0xe: {  	[smem:$0x3FB4] =	sst s6  }
0xf: {  	[smem:$0x3FB5] =	sst s7  }
0x10: {  	[smem:$0x3FB6] =	sst s8  }
0x11: {  	[smem:$0x3FB7] =	sst s9;
	s0 =	simm.s32 @!p0 $0x0  }
0x12: {  	s1 =	sld [smem:$0x3F9D];
	s0 =	simm.s32 @p0 $0x1  }
0x13: {  	[smem:$0x3FB8] =	sst s0;
	s0 =	simm.s32 @!p1 $0x0  }
0x14: {  	s2 =	sld [smem:$0x3F9C];
	s0 =	simm.s32 @p1 $0x1  }
0x15: {  	[smem:$0x3FB9] =	sst s0;
	s0 =	simm.s32 @!p2 $0x0  }
0x16: {  	s3 =	sld [smem:$0x3FDB];
	s0 =	simm.s32 @p2 $0x1  }
0x17: {  	s4 =	simm.s32 $0x1BF5;
	[smem:$0x3FBB] =	sst s0  }
0x18: {  	s0 =	sld [smem:$0x3F9E];
	_ =	swait.ge [sflag:s4], $0x0  }
0x19: {  	s7 =	sld [smem:$0x3F9F]  }
0x1a: {  	s8 =	sadd.s32 $0xFFFFE003, lr  }
0x1b: {  	s9 =	sadd.s32 $0xFFFFFEF7, lr;
	s5 =	simm.s32 $0xFFFFFFFF;
	p2 =	slt.u32 s8, $0xFFFFF086  }
0x1c: {  	p1 =	slt.u32 s9, $0xF7A;
	s5 =	simm.s32 @!p2 $0x0  }
0x1d: {  	s5 =	simm.s32 @p1 $0x1;
	p0 =	seq.s32 s7, s2  }
0x1e: {  	s7 =	smul.u32 @!p0 $0xF7A, s2;
	p2 =	seq.s32 @!p0 s5, $0x0  }
0x1f: {  	s9 =	smul.u32 $0xF7A, s1;
	s8 =	simm.s32 @!p0 $0x1BF5;
	p2 =	por !p2, p0  }
0x20: {  	[sflag:s8] =	ssyncset.s32 @!p0 $0xFFFFF086;
	s6 =	sadd.s32 @!p0 s3, s7;
	s7 =	simm.s32 @!p0 $0x108  }
0x21: {  	s3 =	sadd.s32 s3, s9;
	s6 =	sadd.s32 @!p0 $0x88, s6;
	s7 =	simm.s32 @p2 $0x1082  }
0x22: {  	[simem:s7], [sflag:s8] =	dma.local @!p0 [hbm:s6], $0xF7A  }
0x23: {  	s9 =	sor.u32 $0xD0000000, s2;
	s6 =	simm.s32 $0x108;
	_ =	swait.ge @!p0 [sflag:s8], $0x0  }
0x24: {  	s3 =	sadd.s32 $0x88, s3;
	s6 =	simm.s32 @!p1 $0x1082;
	[sflag:s4] =	ssyncset.s32 $0xFFFFF086  }
0x25: {  	[simem:s6], [sflag:s4] =	dma.local [hbm:s3], $0xF7A  }
0x26: {  	[smem:$0x3F9F] =	sst s1;
	(tag) =	ssettag s2;
	_ =	strace s9  }
0x27: {  	s1 =	sld [smem:$0x3FAF]  }
0x28: {  	s2 =	sld [smem:$0x3FB0]  }
0x29: {  	s4 =	sld [smem:$0x3FB2]  }
0x2a: {  	p0 =	seq.s32 s5, $0x0;
	s5 =	sld [smem:$0x3FB3]  }
0x2b: {  	s6 =	sld [smem:$0x3FB4]  }
0x2c: {  	s7 =	sld [smem:$0x3FB5]  }
0x2d: {  	s3 =	simm.s32 $0x108;
	s8 =	sld [smem:$0x3FB6]  }
0x2e: {  	s3 =	simm.s32 @!p0 $0x1082;
	s9 =	sld [smem:$0x3FB7]  }
0x2f: {  	lr =	sadd.s32 s0, s3;
	s0 =	sld [smem:$0x3FAE]  }
0x30: {  	s3 =	sld [smem:$0x3FB1]  }
0x31: {  	[smem:$0x3FBA] =	sst s10  }
0x32: {  	s10 =	sld [smem:$0x3FB8];
	_ =	sdelay $0x3  }
0x33: {  	p0 =	seq.s32 s10, $0x1;
	s10 =	sld [smem:$0x3FBA];
	_ =	sdelay $0x3  }
0x34: {  	[smem:$0x3FBA] =	sst s10  }
0x35: {  	s10 =	sld [smem:$0x3FB9];
	_ =	sdelay $0x3  }
0x36: {  	p1 =	seq.s32 s10, $0x1;
	s10 =	sld [smem:$0x3FBA];
	_ =	sdelay $0x3  }
0x37: {  	[smem:$0x3FBA] =	sst s10  }
0x38: {  	s10 =	sld [smem:$0x3FBB]  }
0x39: {  	_ = 	snop;
	(pc) =	sbr.ind lr, $3  }
0x3a: {  	_ = 	snop  }
0x3b: {  	_ = 	snop  }
0x3c: {  	p2 =	seq.s32 s10, $0x1;
	s10 =	sld [smem:$0x3FBA]  }
0x3d: {  	_ =	shalt  }
0x3e: {  	_ =	shalt  }
0x3f: {  	_ =	shalt  }
0x40: {  	_ =	shalt  }
0x41: {  	_ =	shalt  }
0x42: {  	_ =	shalt  }
0x43: {  	_ =	shalt  }
0x44: {  	_ =	shalt  }
0x45: {  	_ =	shalt  }
0x46: {  	_ =	shalt  }
0x47: {  	_ =	shalt  }
0x48: {  	_ =	shalt  }
0x49: {  	_ =	shalt  }
0x4a: {  	_ =	shalt  }
0x4b: {  	_ =	shalt  }
0x4c: {  	_ =	shalt  }
0x4d: {  	_ =	shalt  }
0x4e: {  	_ =	shalt  }
0x4f: {  	_ =	shalt  }
0x50: {  	_ =	shalt  }
0x51: {  	_ =	shalt  }
0x52: {  	_ =	shalt  }
0x53: {  	_ =	shalt  }
0x54: {  	_ =	shalt  }
0x55: {  	_ =	shalt  }
0x56: {  	_ =	shalt  }
0x57: {  	_ =	shalt  }
0x58: {  	_ =	shalt  }
0x59: {  	_ =	shalt  }
0x5a: {  	_ =	shalt  }
0x5b: {  	_ =	shalt  }
0x5c: {  	_ =	shalt  }
0x5d: {  	_ =	shalt  }
0x5e: {  	_ =	shalt  }
0x5f: {  	_ =	shalt  }
0x60: {  	_ =	shalt  }
0x61: {  	_ =	shalt  }
0x62: {  	_ =	shalt  }
0x63: {  	_ =	shalt  }
0x64: {  	_ =	shalt  }
0x65: {  	_ =	shalt  }
0x66: {  	_ =	shalt  }
0x67: {  	_ =	shalt  }
0x68: {  	_ =	shalt  }
0x69: {  	_ =	shalt  }
0x6a: {  	_ =	shalt  }
0x6b: {  	_ =	shalt  }
0x6c: {  	_ =	shalt  }
0x6d: {  	_ =	shalt  }
0x6e: {  	_ =	shalt  }
0x6f: {  	_ =	shalt  }
0x70: {  	_ =	shalt  }
0x71: {  	_ =	shalt  }
0x72: {  	_ =	shalt  }
0x73: {  	_ =	shalt  }
0x74: {  	_ =	shalt  }
0x75: {  	_ =	shalt  }
0x76: {  	_ =	shalt  }
0x77: {  	_ =	shalt  }
0x78: {  	_ =	shalt  }
0x79: {  	_ =	shalt  }
0x7a: {  	_ =	shalt  }
0x7b: {  	_ =	shalt  }
0x7c: {  	_ =	shalt  }
0x7d: {  	_ =	shalt  }
0x7e: {  	_ =	shalt  }
0x7f: {  	_ =	shalt  }
0x80: {  	_ =	shalt  }
0x81: {  	_ =	shalt  }
0x82: {  	_ =	shalt  }
0x83: {  	_ =	shalt  }
0x84: {  	_ =	shalt  }
0x85: {  	_ =	shalt  }
0x86: {  	_ =	shalt  }
0x87: {  	_ =	shalt  }
.Lfunc_end0:
.L_simem_size_0:
called_computation_lowered:
.L_overlay_start_0:
0x88: {  	s2 =	sld [smem:$0x3FD9]  }
0x89: {  	s3 =	sld [smem:$0x3FFE];
	_ =	sdelay $0x1  }
0x8a: {  	s1 =	srdreg.scid  }
0x8b: {  	s0 =	sand.u32 $0x1, s1  }
0x8c: {  	s15 =	sshll.u32 s0, $0xA;
	s2 =	sadd.s32 s3, s2  }
0x8d: {  	s2 =	sadd.s32 s2, s15  }
0x8e: {  	[smem:$0x3FC6] =	sst s2  }
0x8f: {  	_ = 	snop  }
0x90: {  	s2 =	sld [smem:$0x3FD0];
	_ =	sdelay $0x2  }
0x91: {  	s4 =	simm.s32 $0xA;
	s5 =	simm.s32 $0x10;
	s16 =	sld [smem:$0x3FC8]  }
0x92: {  	[smem:s5], [sflag:s4] =	dma.local [hbm:s2], $0x1  }
0x93: {  	_ =	swait.eq [sflag:s4], $0x1  }
0x94: {  	[sflag:s4] =	ssyncset.done $0x0  }
0x95: {  	s17 =	sld [smem:$0x10];
	[sflag:s4] =	ssyncadd.s32 $0xFFFFFFFF  }
0x96: {  	s18 =	sld [smem:$0x11];
	(tm) =	ssettm $0x1  }
0x97: {  	s19 =	sld [smem:$0x3FFB];
	_ =	sdelay $0x3  }
0x98: {  	_ =	strace s19  }
0x99: {  	s5 =	sld [smem:$0x3FFC];
	_ =	sdelay $0x3  }
0x9a: {  	_ =	strace s5  }
0x9b: {  	s5 =	sld [smem:$0x3FFD];
	_ =	sdelay $0x3  }
0x9c: {  	_ =	strace s5  }
0x9d: {  	_ =	strace $0x8FFFFFFF  }
0x9e: {  	s20 =	sld [smem:$0x3FDB];
	_ =	sdelay $0x1  }
0x9f: {  	s6 =	simm.s32 $_scs_section_size  }
0xa0: {  	s7 =	simm.s32 $_size__tile_overlayer_lowered;
	s8 =	simm.s32 $_tile_overlayer_lowered  }
0xa1: {  	s23 =	simm.s32 $0x1BFF;
	s22 =	sshll.u32 s8, $0x1;
	s5 =	sadd.s32 s6, s20  }
0xa2: {  	s9 =	simm.s32 $0x0;
	s21 =	sshll.u32 s7, $0x1;
	s7 =	sadd.s32 s22, s5  }
0xa3: {  	[timem:s9], [sflag:s23] =	dma.local [hbm:s7], s21  }
0xa4: {  	_ =	swait.ge [sflag:s23], s21  }
0xa5: {  	s6 =	ssub.s32 $0x0, s21;
	[sflag:s23] =	ssyncset.done $0x0  }
0xa6: {  	[sflag:s23] =	ssyncadd.s32 s6;
	_ =	sdelay $0x1  }
0xa7: {  	s24 =	simm.s32 $0x1B8B  }
0xa8: {  	_ =	swait.ge [sflag:s24], $0x1  }
0xa9: {  	[sflag:s24] =	ssyncset.done $0x0  }
0xaa: {  	s25 =	simm.s32 $0x1B8E;
	[sflag:s24] =	ssyncadd.s32 $0xFFFFFFFF  }
0xab: {  	s26 =	simm.s32 $execute0_lowered;
	[smem:$0x3FD2] =	sst s25  }
0xac: {  	s6 =	sshll.u32 s26, $0x1;
	_ =	strace $0x80000046;
	[dreg:$0x1] =	wrdreg $0xFFFFFFFF  }
0xad: {  	s28 =	simm.s32 $_size_execute0_lowered;
	s5 =	sadd.s32 s5, s6;
	[dreg:$0x0] =	wrdreg $0x0  }
0xae: {  	s6 =	sshll.u32 s28, $0x1;
	[dreg:$0x2] =	wrdreg s5  }
0xaf: {  	[dreg:$0x3] =	wrdreg s6  }
0xb0: {  	[dreg:$0x4] =	wrdreg $0xC0  }
0xb1: {  	_ =	task [dreg:s9], $0x5FFFF  }
0xb2: {  	[dreg:$0x1] =	wrdreg $0xFFFFFFFF  }
0xb3: {  	[dreg:$0x0] =	wrdreg $0x60  }
0xb4: {  	[dreg:$0x2] =	wrdreg s16  }
0xb5: {  	[dreg:$0x3] =	wrdreg s18  }
0xb6: {  	[dreg:$0x4] =	wrdreg s17  }
0xb7: {  	[dreg:$0x5] =	wrdreg $0x9  }
0xb8: {  	_ =	task.clear_ibuf [dreg:s9], $0x6FFFF;
	_ =	strace $0x90000046  }
0xb9: {  	s29 =	simm.s32 $0x9;
	_ =	strace $0x8000004F  }
0xba: {  	_ =	swait.ge [sflag:s29], $0x1  }
0xbb: {  	[sflag:s29] =	ssyncadd.s32 $0xFFFFFFFF  }
0xbc: {  	_ =	strace $0x9000004F  }
0xbd: {  	_ =	sfence  }
0xbe: {  	s30 =	sld [smem:$0x0];
	_ =	sdelay $0x2  }
0xbf: {  	s31 =	sshll.u32 s1, $0xD;
	s1 =	sshrl.u32 s1, $0x2  }
0xc0: {  	s3 =	sand.u32 $0x4000, s31;
	s1 =	sadd.s32 s1, s30  }
0xc1: {  	s0 =	sor.u32 s3, s0;
	s1 =	sshll.u32 s1, $0x11  }
0xc2: {  	s0 =	sor.u32 s1, s0  }
0xc3: {  	s0 =	sadd.s32 $0x8F2B, s0  }
0xc4: {  	[sflag:s0] =	ssyncadd.remote.s32 $0x1  }
0xc5: {  	_ =	sfence.sel $0xFFFF  }
0xc6: {  	[dreg:$0x0] =	wrdreg $0xFFFFFFFF;
	(pc) =	sbr.abs _section_cstart, $3  }
0xc7: {  	[dreg:$0x1] =	wrdreg $0xFFFFFFFF  }
0xc8: {  	_ =	task.clear_ibuf [dreg:s9], $0x2FFFF;
	_ =	strace $0x9FFFFFFF  }
0xc9: {  	(tm) =	ssettm $0x7FFFFFFF  }
tec
execute0_lowered:
.L_overlay_start_1:
0x0: {  	(tag) =	ssettag $0x1  }
0x1: {  	s0 =	rddreg [dreg:$0x0]  }
0x2: {  	s1 =	rddreg [dreg:$0x1];
	s2 =	srdreg.scid  }
0x3: {  	s3 =	rddreg [dreg:$0x2];
	s10 =	simm.s32 $0x5;
	s6 =	sand.u32 $0x1, s2  }
0x4: {  	[dreg:$0x4] =	wrdreg s3;
	s3 =	stileid.u32;
	s4 =	sshll.u32 s6, $0x4  }
0x5: {  	s11 =	simm.s32 $0x0;
	s2 =	rddreg [dreg:$0x3];
	s5 =	sor.u32 s3, s4  }
0x6: {  	s30 =	ssub.s32 $0x2, s6;
	s7 =	smul.u32 $0x3, s5;
	s8 =	sshll.u32 s5, $0x1  }
0x7: {  	s6 =	simm.s32 $0x3;
	p0 =	slt.u32 s5, $0x8;
	s5 =	sadd.s32 $0x8, s8  }
0x8: {  	s4 =	simm.s32 $0x0;
	s9 =	sshrl.u32 s30, $0x1;
	s5 =	smov.u32 @p0 s7  }
0x9: {  	v2 =	vlaneseq.u32;
	[smem:$0x7FF] =	sst s4;
	s9 =	ssub.s32 s30, s9;
	s31 =	sshll.u32 s5, $0x4  }
0xa: {  	vm0 =	vmmov $0xffff;
	v1 =	vshrl.u32 v2, $0x3;
	_ =	strace $0x80000047;
	s6 =	simm.s32 @!p0 $0x2;
	s8 =	sand.u32 $0x1FFFFFF0, s31  }
0xb: {  	v0 =	vand.u32 $0x7, v2;
	v2 =	vor.u32 $0x8, v2;
	v1 =	vmul.u32 $0x8, v1;
	s9 =	smax.u32 s9, $0x1;
	s7 =	sadd.s32 s1, s8;
	s8 =	sadd.s32 $0xFFFFFFFF, s6  }
.LBB2_1:
0xc: {  	_ =	strace $0x80000048;
	s13 =	simm.s32 $0x0  }
0xd: {  	s12 =	simm.s32 $0x0;
	s14 =	simm.s32 $0x0;
	s15 =	simm.s32 $0x0  }
0xe: {  	[tilespmem:s4], [sflag:$0x1] =	stream.linear.gather [hbm4b:s7+s4], $0x80, $0x200038;
	[tilespmem:$0x10100] =	vst v63  }
0xf: {  	s16 =	simm.s32 $0x1;
	s17 =	simm.s32 $0x0;
	_ =	strace $0x90000048  }
.LBB2_2:
0x10: {  	s18 =	smov.u32 s13;
	s13 =	sadd.s32 $0x1, s13  }
0x11: {  	p0 =	seq.s32 s13, s6  }
0x12: {  	s13 =	simm.s32 @p0 $0x0  }
0x13: {  	p6 =	slt.u32 s17, s8;
	p1 =	sne.s32 s18, s13  }
0x14: {  	p0 =	por !p6, !p1  }
0x15: {  	p0 =	por !p0, !p0  }
0x16: {  	s19 =	sadd.s32 @p0 s5, s13  }
0x17: {  	s20 =	sand.u32 @p0 $0x1, s16;
	s19 =	sshll.u32 @p0 s19, $0x4  }
0x18: {  	_ =	strace @p0 $0x80000049;
	s22 =	simm.s32 @p0 $0x0;
	s19 =	sand.u32 @p0 $0x1FFFFFF0, s19  }
0x19: {  	s21 =	sshll.u32 @p0 s20, $0x7;
	s20 =	sadd.s32 @p0 $0x1, s20;
	s19 =	sadd.s32 @p0 s1, s19  }
0x1a: {  	[tilespmem:s21], [sflag:s20] =	stream.linear.gather @p0 [hbm4b:s19+s22], $0x80, $0x200038;
	[tilespmem:$0x10100] =	vst v63  }
0x1b: {  	s23 =	sand.u32 $0x1, s15;
	_ =	strace @p0 $0x90000049  }
0x1c: {  	s19 =	sadd.s32 $0x1, s23;
	_ =	strace $0x8000004A  }
0x1d: {  	_ =	swait.ge [sflag:s19], $0x80  }
0x1e: {  	[sflag:s19] =	ssyncset.done $0x0  }
0x1f: {  	[sflag:s19] =	ssyncadd.s32 $0xFFFFFF80  }
0x20: {  	s24 =	sshll.u32 s15, $0x7;
	_ =	strace $0x9000004A  }
0x21: {  	s22 =	sand.u32 $0x80, s24;
	_ =	strace $0x8000004B  }
0x22: {  	v3 =	vld [tilespmem:s22+$0x0];
	_ =	sdelay $0x4  }
0x23: {  	v4 =	vshll.u32 v3, $0x1  }
0x24: {  	v3 =	vand.u32 $0x7, v3;
	v4 =	vand.u32 $0xFFFFFFF0, v4  }
0x25: {  	v3 =	vor.u32 v3, v4  }
0x26: {  	v4 =	vperm.xlane v3, v0;
	_ =	sdelay $0x1  }
0x27: {  	v3 =	vperm.xlane v3, v2;
	v4 =	vadd.s32 v1, v4;
	_ =	sdelay $0x1  }
0x28: {  	s19 =	sand.u32 $0x1, s14;
	v3 =	vadd.s32 v1, v3  }
0x29: {  	s21 =	sshll.u32 s19, $0xF  }
0x2a: {  	s20 =	sor.u32 $0x100, s21  }
0x2b: {  	[tilespmem:s20], [sflag:$0x5] =	stream.indirect_vreg.gather [hbm4b:s0+s4], $0x80, v4, vm0, $0x2000b8;
	[tilespmem:$0x10100] =	vst v63  }
0x2c: {  	s23 =	sor.u32 $0x900, s21  }
0x2d: {  	[tilespmem:s23], [sflag:$0x5] =	stream.indirect_vreg.gather [hbm4b:s0+s4], $0x80, v3, vm0, $0x2000b8;
	[tilespmem:$0x10100] =	vst v63  }
0x2e: {  	v3 =	vld [tilespmem:s22+$0x10];
	_ =	sdelay $0x4  }
0x2f: {  	v57 =	vshll.u32 v3, $0x1  }
0x30: {  	v3 =	vand.u32 $0x7, v3;
	v4 =	vand.u32 $0xFFFFFFF0, v57  }
0x31: {  	v3 =	vor.u32 v3, v4  }
0x32: {  	v4 =	vperm.xlane v3, v0;
	_ =	sdelay $0x1  }
0x33: {  	v3 =	vperm.xlane v3, v2;
	v4 =	vadd.s32 v1, v4;
	_ =	sdelay $0x1  }
0x34: {  	v3 =	vadd.s32 v1, v3;
	_ =	sdelay $0x1  }
0x35: {  	s25 =	sor.u32 $0x1100, s21  }
0x36: {  	[tilespmem:s25], [sflag:$0x5] =	stream.indirect_vreg.gather [hbm4b:s0+s4], $0x80, v4, vm0, $0x2000b8;
	[tilespmem:$0x10100] =	vst v63  }
0x37: {  	s26 =	sor.u32 $0x1900, s21  }
0x38: {  	[tilespmem:s26], [sflag:$0x5] =	stream.indirect_vreg.gather [hbm4b:s0+s4], $0x80, v3, vm0, $0x2000b8;
	[tilespmem:$0x10100] =	vst v63  }
0x39: {  	v3 =	vld [tilespmem:s22+$0x20];
	_ =	sdelay $0x4  }
0x3a: {  	v58 =	vshll.u32 v3, $0x1  }
0x3b: {  	v3 =	vand.u32 $0x7, v3;
	v4 =	vand.u32 $0xFFFFFFF0, v58  }
0x3c: {  	v3 =	vor.u32 v3, v4  }
0x3d: {  	v4 =	vperm.xlane v3, v0;
	_ =	sdelay $0x1  }
0x3e: {  	v3 =	vperm.xlane v3, v2;
	v4 =	vadd.s32 v1, v4;
	_ =	sdelay $0x1  }
0x3f: {  	v3 =	vadd.s32 v1, v3;
	_ =	sdelay $0x1  }
0x40: {  	s28 =	sor.u32 $0x2100, s21  }
0x41: {  	[tilespmem:s28], [sflag:$0x5] =	stream.indirect_vreg.gather [hbm4b:s0+s4], $0x80, v4, vm0, $0x2000b8;
	[tilespmem:$0x10100] =	vst v63  }
0x42: {  	s29 =	sor.u32 $0x2900, s21  }
0x43: {  	[tilespmem:s29], [sflag:$0x5] =	stream.indirect_vreg.gather [hbm4b:s0+s4], $0x80, v3, vm0, $0x2000b8;
	[tilespmem:$0x10100] =	vst v63  }
0x44: {  	v3 =	vld [tilespmem:s22+$0x30];
	_ =	sdelay $0x4  }
0x45: {  	v59 =	vshll.u32 v3, $0x1  }
0x46: {  	v3 =	vand.u32 $0x7, v3;
	v4 =	vand.u32 $0xFFFFFFF0, v59  }
0x47: {  	v3 =	vor.u32 v3, v4  }
0x48: {  	v4 =	vperm.xlane v3, v0;
	_ =	sdelay $0x1  }
0x49: {  	v3 =	vperm.xlane v3, v2;
	v4 =	vadd.s32 v1, v4;
	_ =	sdelay $0x1  }
0x4a: {  	v3 =	vadd.s32 v1, v3;
	_ =	sdelay $0x1  }
0x4b: {  	s30 =	sor.u32 $0x3100, s21  }
0x4c: {  	[tilespmem:s30], [sflag:$0x5] =	stream.indirect_vreg.gather [hbm4b:s0+s4], $0x80, v4, vm0, $0x2000b8;
	[tilespmem:$0x10100] =	vst v63  }
0x4d: {  	s31 =	sor.u32 $0x3900, s21  }
0x4e: {  	[tilespmem:s31], [sflag:$0x5] =	stream.indirect_vreg.gather [hbm4b:s0+s4], $0x80, v3, vm0, $0x2000b8;
	[tilespmem:$0x10100] =	vst v63  }
0x4f: {  	v3 =	vld [tilespmem:s22+$0x40];
	_ =	sdelay $0x4  }
0x50: {  	v60 =	vshll.u32 v3, $0x1  }
0x51: {  	v3 =	vand.u32 $0x7, v3;
	v4 =	vand.u32 $0xFFFFFFF0, v60  }
0x52: {  	v3 =	vor.u32 v3, v4  }
0x53: {  	v4 =	vperm.xlane v3, v0;
	_ =	sdelay $0x1  }
0x54: {  	v3 =	vperm.xlane v3, v2;
	v4 =	vadd.s32 v1, v4;
	_ =	sdelay $0x1  }
0x55: {  	v3 =	vadd.s32 v1, v3;
	_ =	sdelay $0x1  }
0x56: {  	s24 =	sor.u32 $0x4100, s21  }
0x57: {  	[tilespmem:s24], [sflag:$0x5] =	stream.indirect_vreg.gather [hbm4b:s0+s4], $0x80, v4, vm0, $0x2000b8;
	[tilespmem:$0x10100] =	vst v63  }
0x58: {  	s25 =	sor.u32 $0x4900, s21  }
0x59: {  	[tilespmem:s25], [sflag:$0x5] =	stream.indirect_vreg.gather [hbm4b:s0+s4], $0x80, v3, vm0, $0x2000b8;
	[tilespmem:$0x10100] =	vst v63  }
0x5a: {  	v3 =	vld [tilespmem:s22+$0x50];
	_ =	sdelay $0x4  }
0x5b: {  	v61 =	vshll.u32 v3, $0x1  }
0x5c: {  	v3 =	vand.u32 $0x7, v3;
	v4 =	vand.u32 $0xFFFFFFF0, v61  }
0x5d: {  	v3 =	vor.u32 v3, v4  }
0x5e: {  	v4 =	vperm.xlane v3, v0;
	_ =	sdelay $0x1  }
0x5f: {  	v3 =	vperm.xlane v3, v2;
	v4 =	vadd.s32 v1, v4;
	_ =	sdelay $0x1  }
0x60: {  	v3 =	vadd.s32 v1, v3;
	_ =	sdelay $0x1  }
0x61: {  	s26 =	sor.u32 $0x5100, s21  }
0x62: {  	[tilespmem:s26], [sflag:$0x5] =	stream.indirect_vreg.gather [hbm4b:s0+s4], $0x80, v4, vm0, $0x2000b8;
	[tilespmem:$0x10100] =	vst v63  }
0x63: {  	s28 =	sor.u32 $0x5900, s21  }
0x64: {  	[tilespmem:s28], [sflag:$0x5] =	stream.indirect_vreg.gather [hbm4b:s0+s4], $0x80, v3, vm0, $0x2000b8;
	[tilespmem:$0x10100] =	vst v63  }
0x65: {  	v3 =	vld [tilespmem:s22+$0x60];
	_ =	sdelay $0x4  }
0x66: {  	v62 =	vshll.u32 v3, $0x1  }
0x67: {  	v3 =	vand.u32 $0x7, v3;
	v4 =	vand.u32 $0xFFFFFFF0, v62  }
0x68: {  	v3 =	vor.u32 v3, v4  }
0x69: {  	v4 =	vperm.xlane v3, v0;
	_ =	sdelay $0x1  }
0x6a: {  	v3 =	vperm.xlane v3, v2;
	v4 =	vadd.s32 v1, v4;
	_ =	sdelay $0x1  }
0x6b: {  	v3 =	vadd.s32 v1, v3;
	_ =	sdelay $0x1  }
0x6c: {  	s29 =	sor.u32 $0x6100, s21  }
0x6d: {  	[tilespmem:s29], [sflag:$0x5] =	stream.indirect_vreg.gather [hbm4b:s0+s4], $0x80, v4, vm0, $0x2000b8;
	[tilespmem:$0x10100] =	vst v63  }
0x6e: {  	s30 =	sor.u32 $0x6900, s21  }
0x6f: {  	[tilespmem:s30], [sflag:$0x5] =	stream.indirect_vreg.gather [hbm4b:s0+s4], $0x80, v3, vm0, $0x2000b8;
	[tilespmem:$0x10100] =	vst v63  }
0x70: {  	v3 =	vld [tilespmem:s22+$0x70];
	_ =	sdelay $0x4  }
0x71: {  	v63 =	vshll.u32 v3, $0x1  }
0x72: {  	v3 =	vand.u32 $0x7, v3;
	v4 =	vand.u32 $0xFFFFFFF0, v63  }
0x73: {  	v3 =	vor.u32 v3, v4  }
0x74: {  	v4 =	vperm.xlane v3, v0;
	_ =	sdelay $0x1  }
0x75: {  	v3 =	vperm.xlane v3, v2;
	v4 =	vadd.s32 v1, v4;
	_ =	sdelay $0x1  }
0x76: {  	v3 =	vadd.s32 v1, v3;
	_ =	sdelay $0x1  }
0x77: {  	s31 =	sor.u32 $0x7100, s21  }
0x78: {  	[tilespmem:s31], [sflag:$0x5] =	stream.indirect_vreg.gather [hbm4b:s0+s4], $0x80, v4, vm0, $0x2000b8;
	[tilespmem:$0x10100] =	vst v63  }
0x79: {  	s21 =	sor.u32 $0x7900, s21  }
0x7a: {  	[tilespmem:s21], [sflag:$0x5] =	stream.indirect_vreg.gather [hbm4b:s0+s4], $0x80, v3, vm0, $0x2000b8;
	[tilespmem:$0x10100] =	vst v63  }
0x7b: {  	_ =	swait.ge [sflag:s10], $0x8000  }
0x7c: {  	p2 =	seq.s32 s8, s17;
	[sflag:s10] =	ssyncset.done $0x0  }
0x7d: {  	s18 =	sadd.s32 s5, s18;
	p1 =	por p2, p1;
	[sflag:s10] =	ssyncadd.s32 $0xFFFF8000  }
0x7e: {  	s18 =	sshll.u32 @p1 s18, $0xC;
	_ =	strace $0x9000004B  }
0x7f: {  	s18 =	sand.u32 @p1 $0x1FFFF000, s18;
	s22 =	simm.s32 $0x1;
	_ =	strace @p1 $0x8000004C  }
0x80: {  	s19 =	sadd.s32 @p1 $0x3, s19;
	s22 =	simm.s32 @!p0 $0x0;
	s21 =	rddreg [dreg:$0x4]  }
0x81: {  	p0 =	seq.s32 s17, $0x0;
	s18 =	sadd.s32 @p1 s21, s18;
	s21 =	simm.s32 @p1 $0x0  }
0x82: {  	[hbm4b:s18+s21] =	stream.linear.scatter @p1 [tilespmem:s20], [sflag:s19], $0x8000, $0x200038;
	[tilespmem:$0x10100] =	vst v63  }
0x83: {  	s18 =	simm.s32 $0x1;
	s20 =	simm.s32 $0x1;
	_ =	strace @p1 $0x9000004C  }
0x84: {  	s18 =	simm.s32 @!p1 $0x0;
	p1 =	sne.s32 s17, $0x0;
	s17 =	sadd.s32 $0x1, s17  }
0x85: {  	s19 =	sand.u32 @!p0 $0x1, s12;
	s20 =	simm.s32 @!p1 $0x0;
	p1 =	sne.s32 s6, s17  }
.Ltmp0:
0x86: {  	s19 =	sadd.s32 @!p0 $0x3, s19;
	_ =	strace @!p0 $0x8000004D;
	(pc) =	sbr.rel @p1 .LBB2_2-.Ltmp0, $4  }
0x87: {  	_ =	swait.ge @!p0 [sflag:s19], $0x8000  }
0x88: {  	[sflag:s19] =	ssyncset.done @!p0 $0x0  }
0x89: {  	s16 =	sadd.s32 s22, s16;
	s14 =	sadd.s32 s18, s14;
	[sflag:s19] =	ssyncadd.s32 @!p0 $0xFFFF8000  }
0x8a: {  	s15 =	sadd.s32 s18, s15;
	s12 =	sadd.s32 s20, s12;
	_ =	strace @!p0 $0x9000004D  }
0x8b: {  	s11 =	sadd.s32 $0x1, s11  }
0x8c: {  	s12 =	sand.u32 $0x1, s12;
	p0 =	sne.s32 s11, s9  }
.Ltmp1:
0x8d: {  	_ =	strace $0x8000004E;
	s12 =	sadd.s32 $0x3, s12;
	(pc) =	sbr.rel @p0 .LBB2_1-.Ltmp1, $4  }
0x8e: {  	_ =	swait.ge [sflag:s12], $0x8000  }
0x8f: {  	[sflag:s12] =	ssyncset.done $0x0  }
0x90: {  	[sflag:s12] =	ssyncadd.s32 $0xFFFF8000  }
0x91: {  	_ =	strace $0x9000004E  }
0x92: {  	_ =	sfence.sel $0x180000  }
0x93: {  	[bflag:$0x0] =	sbarrier.arrive $0xFFFF  }
0x94: {  	p0 =	sne.s32 s3, $0x0;
	_ =	strace $0x90000047  }
0x95: {  	s0 =	sadd.s32 @!p0 $0x100000, s2;
	[bflag:$0x2] =	sbarrier.arrive $0xFFFF  }
0x96: {  	[sflag:s0] =	ssyncadd.tile.s32 @!p0 $0x1;
	_ =	shalt  }
.Lfunc_end2:
_tile_overlayer_lowered:
.L_overlay_start_2:
0x97: {  	(tag) =	ssettag $0x2  }
0x98: {  	s0 =	rddreg [dreg:$0x0];
	s2 =	stileid.u32  }
0x99: {  	s1 =	rddreg [dreg:$0x1];
	p0 =	sne.s32 s2, $0x0  }
0x9a: {  	s3 =	rddreg [dreg:$0x2];
	[bflag:$0x3] =	sbarrier.arrive $0xFFFF;
	s2 =	simm.s32 @!p0 $0x1C01  }
0x9b: {  	[timem:s3], [sflag:s2] =	dma.local @!p0 [hbm:s0], s1  }
0x9c: {  	s0 =	simm.s32 @!p0 $0x1  }
0x9d: {  	_ =	swait.ge @!p0 [sflag:s0], s1  }
0x9e: {  	s1 =	ssub.s32 @!p0 $0x0, s1;
	[sflag:s0] =	ssyncset.done @!p0 $0x0  }
0x9f: {  	[sflag:s0] =	ssyncadd.s32 @!p0 s1  }
0xa0: {  	[bflag:$0x3] =	sbarrier.arrive $0xFFFF  }
0xa1: {  	_ =	shalt  }

</sc_bundles>
